<compile_context>
chip_gen: v7x
topology: tpu7x:2x2x1
jax: 0.10.2.dev20260603
libtpu: 0.0.44.dev20260713+nightly
codegen_flags: <defaults>
</compile_context>

<pallas_src>
import functools

import jax
import jax.numpy as jnp
from jax import lax
from jax.experimental import pallas as pl
from jax.experimental.pallas import tpu as pltpu
from jax.experimental.pallas import tpu_sc as plsc

N = 10000
E = 320000
D = 128
H = 128
A_DIM = 16
G = 64
EPS = 1e-5

NC = 2
NS = 16
NW = NC * NS
EPW = E // NW
NPAD = 10240
RPT = NPAD // NS

_mesh = plsc.VectorSubcoreMesh(core_axis_name="c", subcore_axis_name="s")


DCH = 80
DNCH = EPW // DCH
DNITER = 25

DLANES = 5

_DEG_SCRATCH = (
    [
        pltpu.VMEM((DNCH, DCH), jnp.int32),
        pltpu.VMEM((DCH,), jnp.float32),
        pltpu.VMEM((RPT,), jnp.float32),
        pltpu.SemaphoreType.DMA((DLANES,)),
    ]
    + [pltpu.VMEM((DCH,), jnp.int32)] * DLANES
    + [pltpu.VMEM_SHARED((NPAD,), jnp.float32)] * DLANES
)


@functools.partial(
    pl.kernel,
    out_type=jax.ShapeDtypeStruct((NC * DLANES, NPAD), jnp.float32),
    mesh=_mesh,
    scratch_types=_DEG_SCRATCH,
)
def _deg_kernel(dst_hbm, out_hbm, dst_v, ones_v, zb, sem_s, *lanes):
    didx = lanes[:DLANES]
    accs = lanes[DLANES:]
    cid = lax.axis_index("c")
    sid = lax.axis_index("s")
    wid = sid * NC + cid

    def fill_ones(i, _):
        ones_v[pl.ds(i * 16, 16)] = jnp.ones((16,), jnp.float32)
        return 0

    lax.fori_loop(0, DCH // 16, fill_ones, 0)

    def fill_z(i, _):
        zb[pl.ds(i * 16, 16)] = jnp.zeros((16,), jnp.float32)
        return 0

    lax.fori_loop(0, RPT // 16, fill_z, 0)

    for a in range(DLANES):
        pltpu.sync_copy(zb, accs[a].at[pl.ds(sid * RPT, RPT)])
    plsc.subcore_barrier()

    pltpu.sync_copy(dst_hbm.at[wid], dst_v)

    def start_scatter(b):
        pltpu.async_copy(ones_v, accs[b].at[didx[b]], sem_s.at[b], add=True)

    def wait_scatter(b):
        pltpu.make_async_copy(ones_v, accs[b].at[didx[b]], sem_s.at[b]).wait()

    def outer(jj, _):
        for b in range(DLANES):
            j = jj * DLANES + b

            def ws():
                wait_scatter(b)
            pl.when(jj >= 1)(ws)

            def cp(i, _):
                didx[b][pl.ds(i * 16, 16)] = dst_v[j, pl.ds(i * 16, 16)]
                return 0

            lax.fori_loop(0, DCH // 16, cp, 0)
            start_scatter(b)
        return 0

    lax.fori_loop(0, DNITER, outer, 0)
    for b in range(DLANES):
        wait_scatter(b)
    plsc.subcore_barrier()

    for a in range(DLANES):
        pltpu.sync_copy(accs[a].at[pl.ds(sid * RPT, RPT)],
                        out_hbm.at[cid * DLANES + a, pl.ds(sid * RPT, RPT)])


MCHUNK = 40
MNCHUNK = EPW // MCHUNK
NBUF = 5
NIDX = 10
INNER = 10
NITER = MNCHUNK // INNER

_MSG_SCRATCH = (
    [
        pltpu.VMEM((NIDX, MCHUNK), jnp.int32),
        pltpu.VMEM((NBUF, MCHUNK, H), jnp.float32),
        pltpu.VMEM((16, H), jnp.float32),
        pltpu.VMEM_SHARED((NPAD, H), jnp.float32),
        pltpu.SemaphoreType.DMA((NIDX,)),
        pltpu.SemaphoreType.DMA((NIDX,)),
        pltpu.SemaphoreType.DMA((NBUF,)),
        pltpu.SemaphoreType.DMA((NBUF,)),
    ]
    + [pltpu.VMEM((MCHUNK,), jnp.int32)] * NIDX
)


@functools.partial(
    pl.kernel,
    out_type=jax.ShapeDtypeStruct((NC, NPAD, H), jnp.float32),
    mesh=_mesh,
    scratch_types=_MSG_SCRATCH,
)
def _msg_kernel(src_hbm, dst_hbm, hs_hbm, out_hbm,
                sidx, rows_v, zrows_v, acc, sem_si, sem_di, sem_g, sem_s,
                *didx):
    cid = lax.axis_index("c")
    sid = lax.axis_index("s")
    wid = sid * NC + cid

    def zfill(r, _):
        def zcol(c, _):
            zrows_v[r, pl.ds(c * 16, 16)] = jnp.zeros((16,), jnp.float32)
            return 0
        return lax.fori_loop(0, H // 16, zcol, 0)

    lax.fori_loop(0, 16, zfill, 0)

    def zacc(k, _):
        pltpu.sync_copy(zrows_v, acc.at[pl.ds(sid * RPT + k * 16, 16)])
        return 0

    lax.fori_loop(0, RPT // 16, zacc, 0)
    plsc.subcore_barrier()

    def fetch_idx(j, s):
        pltpu.async_copy(src_hbm.at[wid, j], sidx.at[s], sem_si.at[s])
        pltpu.async_copy(dst_hbm.at[wid, j], didx[s], sem_di.at[s])

    def wait_idx(j, s):
        pltpu.make_async_copy(src_hbm.at[wid, j], sidx.at[s],
                              sem_si.at[s]).wait()
        pltpu.make_async_copy(dst_hbm.at[wid, j], didx[s], sem_di.at[s]).wait()

    def start_gather(s, rb):
        pltpu.async_copy(hs_hbm.at[sidx.at[s]], rows_v.at[rb], sem_g.at[rb])

    def wait_gather(s, rb):
        pltpu.make_async_copy(hs_hbm.at[sidx.at[s]], rows_v.at[rb],
                              sem_g.at[rb]).wait()

    def start_scatter(s, rb):
        pltpu.async_copy(rows_v.at[rb], acc.at[didx[s]], sem_s.at[rb], add=True)

    def wait_scatter(s, rb):
        pltpu.make_async_copy(rows_v.at[rb], acc.at[didx[s]],
                              sem_s.at[rb]).wait()

    for s in range(7):
        fetch_idx(s, s)
    for jb in range(4):
        wait_idx(jb, jb)
        start_gather(jb, jb)

    def outer(jj, _):
        for b in range(INNER):
            j = jj * INNER + b
            rb = b % NBUF
            s4 = (b + 4) % NIDX
            rb4 = (b + 4) % NBUF
            s7 = (b + 7) % NIDX
            s9 = (b + 9) % NIDX

            wait_gather(b, rb)
            start_scatter(b, rb)

            def ahead():
                def ws():
                    wait_scatter(s9, rb4)
                if b >= 1:
                    ws()
                else:
                    pl.when(jj >= 1)(ws)

                def fi():
                    fetch_idx(j + 7, s7)
                if b <= 2:
                    fi()
                else:
                    pl.when(jj < NITER - 1)(fi)

                wait_idx(j + 4, s4)
                start_gather(s4, rb4)

            if b <= INNER - 5:
                ahead()
            else:
                pl.when(jj < NITER - 1)(ahead)
        return 0

    lax.fori_loop(0, NITER, outer, 0)

    for s in range(NIDX - NBUF, NIDX):
        wait_scatter(s, s % NBUF)
    plsc.subcore_barrier()

    pltpu.sync_copy(acc.at[pl.ds(sid * RPT, RPT)],
                    out_hbm.at[cid, pl.ds(sid * RPT, RPT)])


def _hs_body(state_ref, wg_ref, degp_ref, hs_ref):
    deg = jnp.sum(degp_ref[...], axis=0)[:N] + 1.0
    dinv = lax.rsqrt(deg)
    h = jnp.dot(state_ref[...], wg_ref[...], preferred_element_type=jnp.float32)
    hs_ref[...] = h * dinv[:, None]


def _head_body(msgp_ref, hs_ref, degp_ref, batch_ref,
               bg_ref, gamma_ref, beta_ref, w1_ref, b1_ref, w2_ref, b2_ref,
               wv_ref, bv_ref, wa_ref, ba_ref, q_ref):
    deg = jnp.sum(degp_ref[...], axis=0)[:N] + 1.0
    dinv = lax.rsqrt(deg)
    agg = msgp_ref[0, :N, :] + msgp_ref[1, :N, :] + hs_ref[...]
    x = jnp.maximum(agg * dinv[:, None] + bg_ref[...][None, :], 0.0)

    mu = jnp.mean(x, axis=0)
    var = jnp.mean((x - mu[None, :]) ** 2, axis=0)
    xn = (x - mu[None, :]) * lax.rsqrt(var + EPS) * gamma_ref[...][None, :] \
        + beta_ref[...][None, :]

    x1 = jnp.maximum(
        lax.dot_general(xn, w1_ref[...], (((1,), (1,)), ((), ())),
                        preferred_element_type=jnp.float32) + b1_ref[...][None, :],
        0.0)
    x2 = jnp.maximum(
        lax.dot_general(x1, w2_ref[...], (((1,), (1,)), ((), ())),
                        preferred_element_type=jnp.float32) + b2_ref[...][None, :],
        0.0)
    a = lax.dot_general(x2, wa_ref[...], (((1,), (1,)), ((), ())),
                        preferred_element_type=jnp.float32) + ba_ref[...][None, :]

    gids = lax.broadcasted_iota(jnp.int32, (N, G), 1)
    onehot = jnp.where(batch_ref[...][:, None] == gids, 1.0, 0.0)
    cnt = jnp.sum(onehot, axis=0)
    inv_cnt = 1.0 / jnp.maximum(cnt, 1.0)

    a_sum = lax.dot_general(onehot, a, (((0,), (0,)), ((), ())),
                            preferred_element_type=jnp.float32)
    x_sum = lax.dot_general(onehot, x2, (((0,), (0,)), ((), ())),
                            preferred_element_type=jnp.float32)
    a_batch = a_sum * inv_cnt[:, None]
    xp = x_sum * inv_cnt[:, None]

    wvb = jnp.broadcast_to(wv_ref[...], (A_DIM, H))
    v_b = lax.dot_general(xp, wvb, (((1,), (1,)), ((), ())),
                          preferred_element_type=jnp.float32)
    ones_a = jnp.full((A_DIM, A_DIM), 1.0 / A_DIM, jnp.float32)
    mean_b = lax.dot_general(a_batch, ones_a, (((1,), (0,)), ((), ())),
                             preferred_element_type=jnp.float32)
    q_ref[...] = v_b + a_batch - mean_b + bv_ref[...][None, :]


def kernel(state, edge_index, batch_size, Wg, bg, gamma, beta,
           W1, b1, W2, b2, WV, bV, WA, bA):
    src = edge_index[0].reshape(NW, MNCHUNK, MCHUNK)
    dst = edge_index[1].reshape(NW, MNCHUNK, MCHUNK)

    degp = _deg_kernel(edge_index[1].reshape(NW, DNCH, DCH))

    hs = pl.pallas_call(
        _hs_body,
        out_shape=jax.ShapeDtypeStruct((N, H), jnp.float32),
    )(state, Wg, degp)

    msgp = _msg_kernel(src, dst, hs)

    q = pl.pallas_call(
        _head_body,
        out_shape=jax.ShapeDtypeStruct((G, A_DIM), jnp.float32),
    )(msgp, hs, degp, batch_size, bg, gamma, beta,
      W1, b1, W2, b2, WV, jnp.broadcast_to(bV, (A_DIM,)), WA, bA)
    return q

# --- scband reference (transcript-rebuilt; emitter-appended) ---
"""Pipeline reference for scband-dueling-deep-qnet-50276887167258 (READ-ONLY COPY).

The authoritative reference and input builder live on the scoring server;
editing this copy changes nothing except your own understanding.
"""

import jax, jax.numpy as jnp
import numpy as np

N = 10000
E = 320000
D = 128
H = 128
A_DIM = 16
G = 64
EPS = 1e-5


def _gcn(x, edge_index, W, b):
    src = edge_index[0]
    dst = edge_index[1]
    loop = jnp.arange(N, dtype=src.dtype)
    src = jnp.concatenate([src, loop])
    dst = jnp.concatenate([dst, loop])
    deg = jax.ops.segment_sum(jnp.ones_like(dst, dtype=jnp.float32), dst, num_segments=N)
    dinv = jnp.where(deg > 0, 1.0 / jnp.sqrt(deg), 0.0)
    h = x @ W
    norm = dinv[src] * dinv[dst]
    msg = h[src] * norm[:, None]
    out = jax.ops.segment_sum(msg, dst, num_segments=N)
    return out + b


def _global_mean_pool(x, batch):
    s = jax.ops.segment_sum(x, batch, num_segments=G)
    cnt = jax.ops.segment_sum(jnp.ones((x.shape[0],), dtype=jnp.float32), batch, num_segments=G)
    return s / jnp.maximum(cnt, 1.0)[:, None]


def _batchnorm(x, gamma, beta):
    mu = jnp.mean(x, axis=0)
    var = jnp.var(x, axis=0)
    return (x - mu) / jnp.sqrt(var + EPS) * gamma + beta


def setup_inputs(seed: int = 0):
    key = jax.random.key(seed)
    ks = jax.random.split(key, 16)
    state = jax.random.normal(ks[0], (N, D), dtype=jnp.float32)
    edge_index = jax.random.randint(ks[1], (2, E), 0, N, dtype=jnp.int32)
    batch_size = jnp.sort(jax.random.randint(ks[2], (N,), 0, G, dtype=jnp.int32))
    Wg = jax.random.normal(ks[3], (D, H), dtype=jnp.float32) * 0.05
    bg = jnp.zeros((H,), dtype=jnp.float32)
    gamma = jnp.ones((H,), dtype=jnp.float32)
    beta = jnp.zeros((H,), dtype=jnp.float32)
    W1 = jax.random.uniform(ks[4], (H, H), dtype=jnp.float32)
    b1 = jnp.zeros((H,), dtype=jnp.float32)
    W2 = jax.random.uniform(ks[5], (H, H), dtype=jnp.float32)
    b2 = jnp.zeros((H,), dtype=jnp.float32)
    WV = jax.random.normal(ks[6], (1, H), dtype=jnp.float32) * 0.05
    bV = jnp.zeros((1,), dtype=jnp.float32)
    WA = jax.random.normal(ks[7], (A_DIM, H), dtype=jnp.float32) * 0.05
    bA = jnp.zeros((A_DIM,), dtype=jnp.float32)
    return {"state": state, "edge_index": edge_index, "batch_size": batch_size,
            "Wg": Wg, "bg": bg, "gamma": gamma, "beta": beta,
            "W1": W1, "b1": b1, "W2": W2, "b2": b2,
            "WV": WV, "bV": bV, "WA": WA, "bA": bA}


def reference(state, edge_index, batch_size, Wg, bg, gamma, beta, W1, b1, W2, b2, WV, bV, WA, bA):
    x = jax.nn.relu(_gcn(state, edge_index, Wg, bg))
    x_norm = _batchnorm(x, gamma, beta)
    x = jax.nn.relu(x_norm @ W1.T + b1)
    x = jax.nn.relu(x @ W2.T + b2)
    A = x @ WA.T + bA
    A_batch = _global_mean_pool(A, batch_size)
    xp = _global_mean_pool(x, batch_size)
    V = xp @ WV.T + bV
    Q = V + (A_batch - jnp.mean(A_batch, axis=1, keepdims=True))
    return Q

if __name__ == "__main__":
    import jax
    _d = setup_inputs()
    print(jax.jit(kernel)(*tuple(_d.values())))

</pallas_src>

<mosaic_0001>
#map = affine_map<(d0, d1) -> (0, 0, 0)>
#map1 = affine_map<(d0, d1) -> (0, 0)>
module attributes {stable_mosaic.version = 14 : i64} {
  func.func @_msg_kernel(%arg0: i32, %arg1: i32, %arg2: memref<32x250x40xi32, #tpu.memory_space<hbm>>, %arg3: memref<32x250x40xi32, #tpu.memory_space<hbm>>, %arg4: memref<10000x128xf32, #tpu.memory_space<hbm>>, %arg5: memref<2x10240x128xf32, #tpu.memory_space<hbm>>, %arg6: memref<10x40xi32, #tpu.memory_space<vmem>>, %arg7: memref<5x40x128xf32, #tpu.memory_space<vmem>>, %arg8: memref<16x128xf32, #tpu.memory_space<vmem>>, %arg9: memref<10240x128xf32, #tpu.memory_space<vmem_shared>>, %arg10: memref<10x!tpu.dma_semaphore, #tpu.memory_space<semaphore_mem>>, %arg11: memref<10x!tpu.dma_semaphore, #tpu.memory_space<semaphore_mem>>, %arg12: memref<5x!tpu.dma_semaphore, #tpu.memory_space<semaphore_mem>>, %arg13: memref<5x!tpu.dma_semaphore, #tpu.memory_space<semaphore_mem>>, %arg14: memref<40xi32, #tpu.memory_space<vmem>>, %arg15: memref<40xi32, #tpu.memory_space<vmem>>, %arg16: memref<40xi32, #tpu.memory_space<vmem>>, %arg17: memref<40xi32, #tpu.memory_space<vmem>>, %arg18: memref<40xi32, #tpu.memory_space<vmem>>, %arg19: memref<40xi32, #tpu.memory_space<vmem>>, %arg20: memref<40xi32, #tpu.memory_space<vmem>>, %arg21: memref<40xi32, #tpu.memory_space<vmem>>, %arg22: memref<40xi32, #tpu.memory_space<vmem>>, %arg23: memref<40xi32, #tpu.memory_space<vmem>>) attributes {dimension_semantics = [#tpu.dimension_semantics<core_parallel>, #tpu.dimension_semantics<subcore_parallel>], iteration_bounds = array<i64: 2, 16>, scalar_prefetch = 0 : i64, scratch_operands = 18 : i64, tpu.core_type = #tpu.core_type<sc_vector_subcore>, window_params = [{transform_indices = #map}, {transform_indices = #map}, {transform_indices = #map1}, {transform_indices = #map}]} {
    %mul3A = arith.constant 2 : i32
    %mul3A_0 = arith.muli %arg1, %mul3A : i32
    %add3A = arith.addi %mul3A_0, %arg0 : i32
    %scan3A = arith.constant 0 : i32
    %scan3A_1 = arith.constant 0 : i32
    %scan3A_2 = arith.constant 16 : i32
    %scan3A_3 = arith.addi %scan3A_1, %scan3A_2 : i32
    %scan3A_4 = arith.constant 1 : i32
    %scan3A_5 = scf.for %scan3A_436 = %scan3A_1 to %scan3A_3 step %scan3A_4 iter_args(%scan3A_437 = %scan3A) -> (i32)  : i32 {
      %scan3A_438 = arith.constant 0 : i32
      %scan3A_439 = arith.constant 0 : i32
      %scan3A_440 = arith.constant 8 : i32
      %scan3A_441 = arith.addi %scan3A_439, %scan3A_440 : i32
      %scan3A_442 = arith.constant 1 : i32
      %scan3A_443 = scf.for %scan3A_445 = %scan3A_439 to %scan3A_441 step %scan3A_442 iter_args(%scan3A_446 = %scan3A_438) -> (i32)  : i32 {
        %broadcast_in_dim3A = arith.constant 0.000000e+00 : f32
        %broadcast_in_dim3A_447 = vector.broadcast %broadcast_in_dim3A : f32 to vector<16xf32>
        %mul3A_448 = arith.constant 16 : i32
        %mul3A_449 = arith.muli %scan3A_445, %mul3A_448 : i32
        %swap3A = arith.index_cast %scan3A_436 : i32 to index
        %swap3A_450 = arith.index_cast %mul3A_449 : i32 to index
        %swap3A_451 = tpu.vector_load %arg8[%swap3A, %swap3A_450] {strides = array<i32>} : memref<16x128xf32, #tpu.memory_space<vmem>>, vector<1x16xf32>,
        %swap3A_452 = vector.shape_cast %swap3A_451 : vector<1x16xf32> to vector<16xf32>
        %swap3A_453 = vector.shape_cast %broadcast_in_dim3A_447 : vector<16xf32> to vector<1x16xf32>
        tpu.vector_store %arg8[%swap3A, %swap3A_450], %swap3A_453 {strides = array<i32>} : memref<16x128xf32, #tpu.memory_space<vmem>>, vector<1x16xf32>,
        %scan3A_454 = arith.constant 0 : i32
        scf.yield %scan3A_454 : i32
      }
      %scan3A_444 = arith.constant 8 : i32
      scf.yield %scan3A_443 : i32
    }
    %scan3A_6 = arith.constant 16 : i32
    %scan3A_7 = arith.constant 0 : i32
    %scan3A_8 = arith.constant 0 : i32
    %scan3A_9 = arith.constant 40 : i32
    %scan3A_10 = arith.addi %scan3A_8, %scan3A_9 : i32
    %scan3A_11 = arith.constant 1 : i32
    %scan3A_12 = scf.for %scan3A_436 = %scan3A_8 to %scan3A_10 step %scan3A_11 iter_args(%scan3A_437 = %scan3A_7) -> (i32)  : i32 {
      %mul3A_438 = arith.constant 640 : i32
      %mul3A_439 = arith.muli %arg1, %mul3A_438 : i32
      %mul3A_440 = arith.constant 16 : i32
      %mul3A_441 = arith.muli %scan3A_436, %mul3A_440 : i32
      %add3A_442 = arith.addi %mul3A_439, %mul3A_441 : i32
      "tpu.region"() ({
        %run_scoped3A = tpu.sem_alloc : memref<!tpu.dma_semaphore, #tpu.memory_space<semaphore_mem>>
        %dma_start3A_444 = arith.constant 0 : i32
        %dma_start3A_445 = tpu.memref_slice %arg9[%add3A_442, %dma_start3A_444] : memref<10240x128xf32, #tpu.memory_space<vmem_shared>> -> memref<16x128xf32, #tpu.memory_space<vmem_shared>>
        %dma_start3A_446 = arith.constant 0 : i32
        %dma_start3A_447 = tpu.memref_slice %arg9[%add3A_442, %dma_start3A_446] : memref<10240x128xf32, #tpu.memory_space<vmem_shared>> -> memref<16x128xf32, #tpu.memory_space<vmem_shared>>
        tpu.enqueue_dma source(%arg8 : memref<16x128xf32, #tpu.memory_space<vmem>>) target(%dma_start3A_447 : memref<16x128xf32, #tpu.memory_space<vmem_shared>>) target_semaphore(%run_scoped3A : memref<!tpu.dma_semaphore, #tpu.memory_space<semaphore_mem>>)
        %dma_wait3A_448 = arith.constant 0 : i32
        %dma_wait3A_449 = tpu.memref_slice %arg9[%add3A_442, %dma_wait3A_448] : memref<10240x128xf32, #tpu.memory_space<vmem_shared>> -> memref<16x128xf32, #tpu.memory_space<vmem_shared>>
        %dma_wait3A_450 = arith.constant 0 : i32
        %dma_wait3A_451 = tpu.memref_slice %arg9[%add3A_442, %dma_wait3A_450] : memref<10240x128xf32, #tpu.memory_space<vmem_shared>> -> memref<16x128xf32, #tpu.memory_space<vmem_shared>>
        tpu.wait_dma2 semaphore(%run_scoped3A : memref<!tpu.dma_semaphore, #tpu.memory_space<semaphore_mem>>) src(%arg8 : memref<16x128xf32, #tpu.memory_space<vmem>>) dst(%dma_wait3A_451 : memref<16x128xf32, #tpu.memory_space<vmem_shared>>)
        tpu.yield
      }) : () -> ()
      %scan3A_443 = arith.constant 0 : i32
      scf.yield %scan3A_443 : i32
    }
    %scan3A_13 = arith.constant 40 : i32
    %barrier3A = arith.constant 0 : index
    tpu.barrier barrier_id(%barrier3A)
    %dma_start3A = arith.constant 0 : i32
    %dma_start3A_14 = arith.constant 0 : i32
    %dma_start3A_15 = arith.constant 0 : i32
    %dma_start3A_16 = arith.constant 0 : i32
    %dma_start3A_17 = tpu.memref_slice %arg6[%dma_start3A_14, %dma_start3A_16] : memref<10x40xi32, #tpu.memory_space<vmem>> -> memref<1x40xi32, #tpu.memory_space<vmem>>
    %dma_start3A_18 = tpu.memref_squeeze %dma_start3A_17 : memref<1x40xi32, #tpu.memory_space<vmem>> -> memref<40xi32, #tpu.memory_space<vmem>>
    %dma_start3A_19 = arith.constant 0 : i32
    %dma_start3A_20 = tpu.memref_slice %arg2[%add3A, %dma_start3A, %dma_start3A_19] : memref<32x250x40xi32, #tpu.memory_space<hbm>> -> memref<1x1x40xi32, #tpu.memory_space<hbm>>
    %dma_start3A_21 = tpu.memref_squeeze %dma_start3A_20 : memref<1x1x40xi32, #tpu.memory_space<hbm>> -> memref<40xi32, #tpu.memory_space<hbm>>
    %dma_start3A_22 = tpu.memref_slice %arg10[%dma_start3A_15] : memref<10x!tpu.dma_semaphore, #tpu.memory_space<semaphore_mem>> -> memref<1x!tpu.dma_semaphore, #tpu.memory_space<semaphore_mem>>
    %dma_start3A_23 = tpu.memref_squeeze %dma_start3A_22 : memref<1x!tpu.dma_semaphore, #tpu.memory_space<semaphore_mem>> -> memref<!tpu.dma_semaphore, #tpu.memory_space<semaphore_mem>>
    %dma_start3A_24 = arith.constant 0 : i32
    %dma_start3A_25 = tpu.memref_slice %arg6[%dma_start3A_14, %dma_start3A_24] : memref<10x40xi32, #tpu.memory_space<vmem>> -> memref<1x40xi32, #tpu.memory_space<vmem>>
    %dma_start3A_26 = tpu.memref_squeeze %dma_start3A_25 : memref<1x40xi32, #tpu.memory_space<vmem>> -> memref<40xi32, #tpu.memory_space<vmem>>
    %dma_start3A_27 = arith.constant 0 : i32
    %dma_start3A_28 = tpu.memref_slice %arg2[%add3A, %dma_start3A, %dma_start3A_27] : memref<32x250x40xi32, #tpu.memory_space<hbm>> -> memref<1x1x40xi32, #tpu.memory_space<hbm>>
    %dma_start3A_29 = tpu.memref_squeeze %dma_start3A_28 : memref<1x1x40xi32, #tpu.memory_space<hbm>> -> memref<40xi32, #tpu.memory_space<hbm>>
    tpu.enqueue_dma source(%dma_start3A_29 : memref<40xi32, #tpu.memory_space<hbm>>) target(%dma_start3A_26 : memref<40xi32, #tpu.memory_space<vmem>>) target_semaphore(%dma_start3A_23 : memref<!tpu.dma_semaphore, #tpu.memory_space<semaphore_mem>>)
    %dma_start3A_30 = arith.constant 0 : i32
    %dma_start3A_31 = arith.constant 0 : i32
    %dma_start3A_32 = arith.constant 0 : i32
    %dma_start3A_33 = tpu.memref_slice %arg3[%add3A, %dma_start3A_30, %dma_start3A_32] : memref<32x250x40xi32, #tpu.memory_space<hbm>> -> memref<1x1x40xi32, #tpu.memory_space<hbm>>
    %dma_start3A_34 = tpu.memref_squeeze %dma_start3A_33 : memref<1x1x40xi32, #tpu.memory_space<hbm>> -> memref<40xi32, #tpu.memory_space<hbm>>
    %dma_start3A_35 = tpu.memref_slice %arg11[%dma_start3A_31] : memref<10x!tpu.dma_semaphore, #tpu.memory_space<semaphore_mem>> -> memref<1x!tpu.dma_semaphore, #tpu.memory_space<semaphore_mem>>
    %dma_start3A_36 = tpu.memref_squeeze %dma_start3A_35 : memref<1x!tpu.dma_semaphore, #tpu.memory_space<semaphore_mem>> -> memref<!tpu.dma_semaphore, #tpu.memory_space<semaphore_mem>>
    %dma_start3A_37 = arith.constant 0 : i32
    %dma_start3A_38 = tpu.memref_slice %arg3[%add3A, %dma_start3A_30, %dma_start3A_37] : memref<32x250x40xi32, #tpu.memory_space<hbm>> -> memref<1x1x40xi32, #tpu.memory_space<hbm>>
    %dma_start3A_39 = tpu.memref_squeeze %dma_start3A_38 : memref<1x1x40xi32, #tpu.memory_space<hbm>> -> memref<40xi32, #tpu.memory_space<hbm>>
    tpu.enqueue_dma source(%dma_start3A_39 : memref<40xi32, #tpu.memory_space<hbm>>) target(%arg14 : memref<40xi32, #tpu.memory_space<vmem>>) target_semaphore(%dma_start3A_36 : memref<!tpu.dma_semaphore, #tpu.memory_space<semaphore_mem>>)
    %dma_start3A_40 = arith.constant 1 : i32
    %dma_start3A_41 = arith.constant 1 : i32
    %dma_start3A_42 = arith.constant 1 : i32
    %dma_start3A_43 = arith.constant 0 : i32
    %dma_start3A_44 = tpu.memref_slice %arg6[%dma_start3A_41, %dma_start3A_43] : memref<10x40xi32, #tpu.memory_space<vmem>> -> memref<1x40xi32, #tpu.memory_space<vmem>>
    %dma_start3A_45 = tpu.memref_squeeze %dma_start3A_44 : memref<1x40xi32, #tpu.memory_space<vmem>> -> memref<40xi32, #tpu.memory_space<vmem>>
    %dma_start3A_46 = arith.constant 0 : i32
    %dma_start3A_47 = tpu.memref_slice %arg2[%add3A, %dma_start3A_40, %dma_start3A_46] : memref<32x250x40xi32, #tpu.memory_space<hbm>> -> memref<1x1x40xi32, #tpu.memory_space<hbm>>
    %dma_start3A_48 = tpu.memref_squeeze %dma_start3A_47 : memref<1x1x40xi32, #tpu.memory_space<hbm>> -> memref<40xi32, #tpu.memory_space<hbm>>
    %dma_start3A_49 = tpu.memref_slice %arg10[%dma_start3A_42] : memref<10x!tpu.dma_semaphore, #tpu.memory_space<semaphore_mem>> -> memref<1x!tpu.dma_semaphore, #tpu.memory_space<semaphore_mem>>
    %dma_start3A_50 = tpu.memref_squeeze %dma_start3A_49 : memref<1x!tpu.dma_semaphore, #tpu.memory_space<semaphore_mem>> -> memref<!tpu.dma_semaphore, #tpu.memory_space<semaphore_mem>>
    %dma_start3A_51 = arith.constant 0 : i32
    %dma_start3A_52 = tpu.memref_slice %arg6[%dma_start3A_41, %dma_start3A_51] : memref<10x40xi32, #tpu.memory_space<vmem>> -> memref<1x40xi32, #tpu.memory_space<vmem>>
    %dma_start3A_53 = tpu.memref_squeeze %dma_start3A_52 : memref<1x40xi32, #tpu.memory_space<vmem>> -> memref<40xi32, #tpu.memory_space<vmem>>
    %dma_start3A_54 = arith.constant 0 : i32
    %dma_start3A_55 = tpu.memref_slice %arg2[%add3A, %dma_start3A_40, %dma_start3A_54] : memref<32x250x40xi32, #tpu.memory_space<hbm>> -> memref<1x1x40xi32, #tpu.memory_space<hbm>>
    %dma_start3A_56 = tpu.memref_squeeze %dma_start3A_55 : memref<1x1x40xi32, #tpu.memory_space<hbm>> -> memref<40xi32, #tpu.memory_space<hbm>>
    tpu.enqueue_dma source(%dma_start3A_56 : memref<40xi32, #tpu.memory_space<hbm>>) target(%dma_start3A_53 : memref<40xi32, #tpu.memory_space<vmem>>) target_semaphore(%dma_start3A_50 : memref<!tpu.dma_semaphore, #tpu.memory_space<semaphore_mem>>)
    %dma_start3A_57 = arith.constant 1 : i32
    %dma_start3A_58 = arith.constant 1 : i32
    %dma_start3A_59 = arith.constant 0 : i32
    %dma_start3A_60 = tpu.memref_slice %arg3[%add3A, %dma_start3A_57, %dma_start3A_59] : memref<32x250x40xi32, #tpu.memory_space<hbm>> -> memref<1x1x40xi32, #tpu.memory_space<hbm>>
    %dma_start3A_61 = tpu.memref_squeeze %dma_start3A_60 : memref<1x1x40xi32, #tpu.memory_space<hbm>> -> memref<40xi32, #tpu.memory_space<hbm>>
    %dma_start3A_62 = tpu.memref_slice %arg11[%dma_start3A_58] : memref<10x!tpu.dma_semaphore, #tpu.memory_space<semaphore_mem>> -> memref<1x!tpu.dma_semaphore, #tpu.memory_space<semaphore_mem>>
    %dma_start3A_63 = tpu.memref_squeeze %dma_start3A_62 : memref<1x!tpu.dma_semaphore, #tpu.memory_space<semaphore_mem>> -> memref<!tpu.dma_semaphore, #tpu.memory_space<semaphore_mem>>
    %dma_start3A_64 = arith.constant 0 : i32
    %dma_start3A_65 = tpu.memref_slice %arg3[%add3A, %dma_start3A_57, %dma_start3A_64] : memref<32x250x40xi32, #tpu.memory_space<hbm>> -> memref<1x1x40xi32, #tpu.memory_space<hbm>>
    %dma_start3A_66 = tpu.memref_squeeze %dma_start3A_65 : memref<1x1x40xi32, #tpu.memory_space<hbm>> -> memref<40xi32, #tpu.memory_space<hbm>>
    tpu.enqueue_dma source(%dma_start3A_66 : memref<40xi32, #tpu.memory_space<hbm>>) target(%arg15 : memref<40xi32, #tpu.memory_space<vmem>>) target_semaphore(%dma_start3A_63 : memref<!tpu.dma_semaphore, #tpu.memory_space<semaphore_mem>>)
    %dma_start3A_67 = arith.constant 2 : i32
    %dma_start3A_68 = arith.constant 2 : i32
    %dma_start3A_69 = arith.constant 2 : i32
    %dma_start3A_70 = arith.constant 0 : i32
    %dma_start3A_71 = tpu.memref_slice %arg6[%dma_start3A_68, %dma_start3A_70] : memref<10x40xi32, #tpu.memory_space<vmem>> -> memref<1x40xi32, #tpu.memory_space<vmem>>
    %dma_start3A_72 = tpu.memref_squeeze %dma_start3A_71 : memref<1x40xi32, #tpu.memory_space<vmem>> -> memref<40xi32, #tpu.memory_space<vmem>>
    %dma_start3A_73 = arith.constant 0 : i32
    %dma_start3A_74 = tpu.memref_slice %arg2[%add3A, %dma_start3A_67, %dma_start3A_73] : memref<32x250x40xi32, #tpu.memory_space<hbm>> -> memref<1x1x40xi32, #tpu.memory_space<hbm>>
    %dma_start3A_75 = tpu.memref_squeeze %dma_start3A_74 : memref<1x1x40xi32, #tpu.memory_space<hbm>> -> memref<40xi32, #tpu.memory_space<hbm>>
    %dma_start3A_76 = tpu.memref_slice %arg10[%dma_start3A_69] : memref<10x!tpu.dma_semaphore, #tpu.memory_space<semaphore_mem>> -> memref<1x!tpu.dma_semaphore, #tpu.memory_space<semaphore_mem>>
    %dma_start3A_77 = tpu.memref_squeeze %dma_start3A_76 : memref<1x!tpu.dma_semaphore, #tpu.memory_space<semaphore_mem>> -> memref<!tpu.dma_semaphore, #tpu.memory_space<semaphore_mem>>
    %dma_start3A_78 = arith.constant 0 : i32
    %dma_start3A_79 = tpu.memref_slice %arg6[%dma_start3A_68, %dma_start3A_78] : memref<10x40xi32, #tpu.memory_space<vmem>> -> memref<1x40xi32, #tpu.memory_space<vmem>>
    %dma_start3A_80 = tpu.memref_squeeze %dma_start3A_79 : memref<1x40xi32, #tpu.memory_space<vmem>> -> memref<40xi32, #tpu.memory_space<vmem>>
    %dma_start3A_81 = arith.constant 0 : i32
    %dma_start3A_82 = tpu.memref_slice %arg2[%add3A, %dma_start3A_67, %dma_start3A_81] : memref<32x250x40xi32, #tpu.memory_space<hbm>> -> memref<1x1x40xi32, #tpu.memory_space<hbm>>
    %dma_start3A_83 = tpu.memref_squeeze %dma_start3A_82 : memref<1x1x40xi32, #tpu.memory_space<hbm>> -> memref<40xi32, #tpu.memory_space<hbm>>
    tpu.enqueue_dma source(%dma_start3A_83 : memref<40xi32, #tpu.memory_space<hbm>>) target(%dma_start3A_80 : memref<40xi32, #tpu.memory_space<vmem>>) target_semaphore(%dma_start3A_77 : memref<!tpu.dma_semaphore, #tpu.memory_space<semaphore_mem>>)
    %dma_start3A_84 = arith.constant 2 : i32
    %dma_start3A_85 = arith.constant 2 : i32
    %dma_start3A_86 = arith.constant 0 : i32
    %dma_start3A_87 = tpu.memref_slice %arg3[%add3A, %dma_start3A_84, %dma_start3A_86] : memref<32x250x40xi32, #tpu.memory_space<hbm>> -> memref<1x1x40xi32, #tpu.memory_space<hbm>>
    %dma_start3A_88 = tpu.memref_squeeze %dma_start3A_87 : memref<1x1x40xi32, #tpu.memory_space<hbm>> -> memref<40xi32, #tpu.memory_space<hbm>>
    %dma_start3A_89 = tpu.memref_slice %arg11[%dma_start3A_85] : memref<10x!tpu.dma_semaphore, #tpu.memory_space<semaphore_mem>> -> memref<1x!tpu.dma_semaphore, #tpu.memory_space<semaphore_mem>>
    %dma_start3A_90 = tpu.memref_squeeze %dma_start3A_89 : memref<1x!tpu.dma_semaphore, #tpu.memory_space<semaphore_mem>> -> memref<!tpu.dma_semaphore, #tpu.memory_space<semaphore_mem>>
    %dma_start3A_91 = arith.constant 0 : i32
    %dma_start3A_92 = tpu.memref_slice %arg3[%add3A, %dma_start3A_84, %dma_start3A_91] : memref<32x250x40xi32, #tpu.memory_space<hbm>> -> memref<1x1x40xi32, #tpu.memory_space<hbm>>
    %dma_start3A_93 = tpu.memref_squeeze %dma_start3A_92 : memref<1x1x40xi32, #tpu.memory_space<hbm>> -> memref<40xi32, #tpu.memory_space<hbm>>
    tpu.enqueue_dma source(%dma_start3A_93 : memref<40xi32, #tpu.memory_space<hbm>>) target(%arg16 : memref<40xi32, #tpu.memory_space<vmem>>) target_semaphore(%dma_start3A_90 : memref<!tpu.dma_semaphore, #tpu.memory_space<semaphore_mem>>)
    %dma_start3A_94 = arith.constant 3 : i32
    %dma_start3A_95 = arith.constant 3 : i32
    %dma_start3A_96 = arith.constant 3 : i32
    %dma_start3A_97 = arith.constant 0 : i32
    %dma_start3A_98 = tpu.memref_slice %arg6[%dma_start3A_95, %dma_start3A_97] : memref<10x40xi32, #tpu.memory_space<vmem>> -> memref<1x40xi32, #tpu.memory_space<vmem>>
    %dma_start3A_99 = tpu.memref_squeeze %dma_start3A_98 : memref<1x40xi32, #tpu.memory_space<vmem>> -> memref<40xi32, #tpu.memory_space<vmem>>
    %dma_start3A_100 = arith.constant 0 : i32
    %dma_start3A_101 = tpu.memref_slice %arg2[%add3A, %dma_start3A_94, %dma_start3A_100] : memref<32x250x40xi32, #tpu.memory_space<hbm>> -> memref<1x1x40xi32, #tpu.memory_space<hbm>>
    %dma_start3A_102 = tpu.memref_squeeze %dma_start3A_101 : memref<1x1x40xi32, #tpu.memory_space<hbm>> -> memref<40xi32, #tpu.memory_space<hbm>>
    %dma_start3A_103 = tpu.memref_slice %arg10[%dma_start3A_96] : memref<10x!tpu.dma_semaphore, #tpu.memory_space<semaphore_mem>> -> memref<1x!tpu.dma_semaphore, #tpu.memory_space<semaphore_mem>>
    %dma_start3A_104 = tpu.memref_squeeze %dma_start3A_103 : memref<1x!tpu.dma_semaphore, #tpu.memory_space<semaphore_mem>> -> memref<!tpu.dma_semaphore, #tpu.memory_space<semaphore_mem>>
    %dma_start3A_105 = arith.constant 0 : i32
    %dma_start3A_106 = tpu.memref_slice %arg6[%dma_start3A_95, %dma_start3A_105] : memref<10x40xi32, #tpu.memory_space<vmem>> -> memref<1x40xi32, #tpu.memory_space<vmem>>
    %dma_start3A_107 = tpu.memref_squeeze %dma_start3A_106 : memref<1x40xi32, #tpu.memory_space<vmem>> -> memref<40xi32, #tpu.memory_space<vmem>>
    %dma_start3A_108 = arith.constant 0 : i32
    %dma_start3A_109 = tpu.memref_slice %arg2[%add3A, %dma_start3A_94, %dma_start3A_108] : memref<32x250x40xi32, #tpu.memory_space<hbm>> -> memref<1x1x40xi32, #tpu.memory_space<hbm>>
    %dma_start3A_110 = tpu.memref_squeeze %dma_start3A_109 : memref<1x1x40xi32, #tpu.memory_space<hbm>> -> memref<40xi32, #tpu.memory_space<hbm>>
    tpu.enqueue_dma source(%dma_start3A_110 : memref<40xi32, #tpu.memory_space<hbm>>) target(%dma_start3A_107 : memref<40xi32, #tpu.memory_space<vmem>>) target_semaphore(%dma_start3A_104 : memref<!tpu.dma_semaphore, #tpu.memory_space<semaphore_mem>>)
    %dma_start3A_111 = arith.constant 3 : i32
    %dma_start3A_112 = arith.constant 3 : i32
    %dma_start3A_113 = arith.constant 0 : i32
    %dma_start3A_114 = tpu.memref_slice %arg3[%add3A, %dma_start3A_111, %dma_start3A_113] : memref<32x250x40xi32, #tpu.memory_space<hbm>> -> memref<1x1x40xi32, #tpu.memory_space<hbm>>
    %dma_start3A_115 = tpu.memref_squeeze %dma_start3A_114 : memref<1x1x40xi32, #tpu.memory_space<hbm>> -> memref<40xi32, #tpu.memory_space<hbm>>
    %dma_start3A_116 = tpu.memref_slice %arg11[%dma_start3A_112] : memref<10x!tpu.dma_semaphore, #tpu.memory_space<semaphore_mem>> -> memref<1x!tpu.dma_semaphore, #tpu.memory_space<semaphore_mem>>
    %dma_start3A_117 = tpu.memref_squeeze %dma_start3A_116 : memref<1x!tpu.dma_semaphore, #tpu.memory_space<semaphore_mem>> -> memref<!tpu.dma_semaphore, #tpu.memory_space<semaphore_mem>>
    %dma_start3A_118 = arith.constant 0 : i32
    %dma_start3A_119 = tpu.memref_slice %arg3[%add3A, %dma_start3A_111, %dma_start3A_118] : memref<32x250x40xi32, #tpu.memory_space<hbm>> -> memref<1x1x40xi32, #tpu.memory_space<hbm>>
    %dma_start3A_120 = tpu.memref_squeeze %dma_start3A_119 : memref<1x1x40xi32, #tpu.memory_space<hbm>> -> memref<40xi32, #tpu.memory_space<hbm>>
    tpu.enqueue_dma source(%dma_start3A_120 : memref<40xi32, #tpu.memory_space<hbm>>) target(%arg17 : memref<40xi32, #tpu.memory_space<vmem>>) target_semaphore(%dma_start3A_117 : memref<!tpu.dma_semaphore, #tpu.memory_space<semaphore_mem>>)
    %dma_start3A_121 = arith.constant 4 : i32
    %dma_start3A_122 = arith.constant 4 : i32
    %dma_start3A_123 = arith.constant 4 : i32
    %dma_start3A_124 = arith.constant 0 : i32
    %dma_start3A_125 = tpu.memref_slice %arg6[%dma_start3A_122, %dma_start3A_124] : memref<10x40xi32, #tpu.memory_space<vmem>> -> memref<1x40xi32, #tpu.memory_space<vmem>>
    %dma_start3A_126 = tpu.memref_squeeze %dma_start3A_125 : memref<1x40xi32, #tpu.memory_space<vmem>> -> memref<40xi32, #tpu.memory_space<vmem>>
    %dma_start3A_127 = arith.constant 0 : i32
    %dma_start3A_128 = tpu.memref_slice %arg2[%add3A, %dma_start3A_121, %dma_start3A_127] : memref<32x250x40xi32, #tpu.memory_space<hbm>> -> memref<1x1x40xi32, #tpu.memory_space<hbm>>
    %dma_start3A_129 = tpu.memref_squeeze %dma_start3A_128 : memref<1x1x40xi32, #tpu.memory_space<hbm>> -> memref<40xi32, #tpu.memory_space<hbm>>
    %dma_start3A_130 = tpu.memref_slice %arg10[%dma_start3A_123] : memref<10x!tpu.dma_semaphore, #tpu.memory_space<semaphore_mem>> -> memref<1x!tpu.dma_semaphore, #tpu.memory_space<semaphore_mem>>
    %dma_start3A_131 = tpu.memref_squeeze %dma_start3A_130 : memref<1x!tpu.dma_semaphore, #tpu.memory_space<semaphore_mem>> -> memref<!tpu.dma_semaphore, #tpu.memory_space<semaphore_mem>>
    %dma_start3A_132 = arith.constant 0 : i32
    %dma_start3A_133 = tpu.memref_slice %arg6[%dma_start3A_122, %dma_start3A_132] : memref<10x40xi32, #tpu.memory_space<vmem>> -> memref<1x40xi32, #tpu.memory_space<vmem>>
    %dma_start3A_134 = tpu.memref_squeeze %dma_start3A_133 : memref<1x40xi32, #tpu.memory_space<vmem>> -> memref<40xi32, #tpu.memory_space<vmem>>
    %dma_start3A_135 = arith.constant 0 : i32
    %dma_start3A_136 = tpu.memref_slice %arg2[%add3A, %dma_start3A_121, %dma_start3A_135] : memref<32x250x40xi32, #tpu.memory_space<hbm>> -> memref<1x1x40xi32, #tpu.memory_space<hbm>>
    %dma_start3A_137 = tpu.memref_squeeze %dma_start3A_136 : memref<1x1x40xi32, #tpu.memory_space<hbm>> -> memref<40xi32, #tpu.memory_space<hbm>>
    tpu.enqueue_dma source(%dma_start3A_137 : memref<40xi32, #tpu.memory_space<hbm>>) target(%dma_start3A_134 : memref<40xi32, #tpu.memory_space<vmem>>) target_semaphore(%dma_start3A_131 : memref<!tpu.dma_semaphore, #tpu.memory_space<semaphore_mem>>)
    %dma_start3A_138 = arith.constant 4 : i32
    %dma_start3A_139 = arith.constant 4 : i32
    %dma_start3A_140 = arith.constant 0 : i32
    %dma_start3A_141 = tpu.memref_slice %arg3[%add3A, %dma_start3A_138, %dma_start3A_140] : memref<32x250x40xi32, #tpu.memory_space<hbm>> -> memref<1x1x40xi32, #tpu.memory_space<hbm>>
    %dma_start3A_142 = tpu.memref_squeeze %dma_start3A_141 : memref<1x1x40xi32, #tpu.memory_space<hbm>> -> memref<40xi32, #tpu.memory_space<hbm>>
    %dma_start3A_143 = tpu.memref_slice %arg11[%dma_start3A_139] : memref<10x!tpu.dma_semaphore, #tpu.memory_space<semaphore_mem>> -> memref<1x!tpu.dma_semaphore, #tpu.memory_space<semaphore_mem>>
    %dma_start3A_144 = tpu.memref_squeeze %dma_start3A_143 : memref<1x!tpu.dma_semaphore, #tpu.memory_space<semaphore_mem>> -> memref<!tpu.dma_semaphore, #tpu.memory_space<semaphore_mem>>
    %dma_start3A_145 = arith.constant 0 : i32
    %dma_start3A_146 = tpu.memref_slice %arg3[%add3A, %dma_start3A_138, %dma_start3A_145] : memref<32x250x40xi32, #tpu.memory_space<hbm>> -> memref<1x1x40xi32, #tpu.memory_space<hbm>>
    %dma_start3A_147 = tpu.memref_squeeze %dma_start3A_146 : memref<1x1x40xi32, #tpu.memory_space<hbm>> -> memref<40xi32, #tpu.memory_space<hbm>>
    tpu.enqueue_dma source(%dma_start3A_147 : memref<40xi32, #tpu.memory_space<hbm>>) target(%arg18 : memref<40xi32, #tpu.memory_space<vmem>>) target_semaphore(%dma_start3A_144 : memref<!tpu.dma_semaphore, #tpu.memory_space<semaphore_mem>>)
    %dma_start3A_148 = arith.constant 5 : i32
    %dma_start3A_149 = arith.constant 5 : i32
    %dma_start3A_150 = arith.constant 5 : i32
    %dma_start3A_151 = arith.constant 0 : i32
    %dma_start3A_152 = tpu.memref_slice %arg6[%dma_start3A_149, %dma_start3A_151] : memref<10x40xi32, #tpu.memory_space<vmem>> -> memref<1x40xi32, #tpu.memory_space<vmem>>
    %dma_start3A_153 = tpu.memref_squeeze %dma_start3A_152 : memref<1x40xi32, #tpu.memory_space<vmem>> -> memref<40xi32, #tpu.memory_space<vmem>>
    %dma_start3A_154 = arith.constant 0 : i32
    %dma_start3A_155 = tpu.memref_slice %arg2[%add3A, %dma_start3A_148, %dma_start3A_154] : memref<32x250x40xi32, #tpu.memory_space<hbm>> -> memref<1x1x40xi32, #tpu.memory_space<hbm>>
    %dma_start3A_156 = tpu.memref_squeeze %dma_start3A_155 : memref<1x1x40xi32, #tpu.memory_space<hbm>> -> memref<40xi32, #tpu.memory_space<hbm>>
    %dma_start3A_157 = tpu.memref_slice %arg10[%dma_start3A_150] : memref<10x!tpu.dma_semaphore, #tpu.memory_space<semaphore_mem>> -> memref<1x!tpu.dma_semaphore, #tpu.memory_space<semaphore_mem>>
    %dma_start3A_158 = tpu.memref_squeeze %dma_start3A_157 : memref<1x!tpu.dma_semaphore, #tpu.memory_space<semaphore_mem>> -> memref<!tpu.dma_semaphore, #tpu.memory_space<semaphore_mem>>
    %dma_start3A_159 = arith.constant 0 : i32
    %dma_start3A_160 = tpu.memref_slice %arg6[%dma_start3A_149, %dma_start3A_159] : memref<10x40xi32, #tpu.memory_space<vmem>> -> memref<1x40xi32, #tpu.memory_space<vmem>>
    %dma_start3A_161 = tpu.memref_squeeze %dma_start3A_160 : memref<1x40xi32, #tpu.memory_space<vmem>> -> memref<40xi32, #tpu.memory_space<vmem>>
    %dma_start3A_162 = arith.constant 0 : i32
    %dma_start3A_163 = tpu.memref_slice %arg2[%add3A, %dma_start3A_148, %dma_start3A_162] : memref<32x250x40xi32, #tpu.memory_space<hbm>> -> memref<1x1x40xi32, #tpu.memory_space<hbm>>
    %dma_start3A_164 = tpu.memref_squeeze %dma_start3A_163 : memref<1x1x40xi32, #tpu.memory_space<hbm>> -> memref<40xi32, #tpu.memory_space<hbm>>
    tpu.enqueue_dma source(%dma_start3A_164 : memref<40xi32, #tpu.memory_space<hbm>>) target(%dma_start3A_161 : memref<40xi32, #tpu.memory_space<vmem>>) target_semaphore(%dma_start3A_158 : memref<!tpu.dma_semaphore, #tpu.memory_space<semaphore_mem>>)
    %dma_start3A_165 = arith.constant 5 : i32
    %dma_start3A_166 = arith.constant 5 : i32
    %dma_start3A_167 = arith.constant 0 : i32
    %dma_start3A_168 = tpu.memref_slice %arg3[%add3A, %dma_start3A_165, %dma_start3A_167] : memref<32x250x40xi32, #tpu.memory_space<hbm>> -> memref<1x1x40xi32, #tpu.memory_space<hbm>>
    %dma_start3A_169 = tpu.memref_squeeze %dma_start3A_168 : memref<1x1x40xi32, #tpu.memory_space<hbm>> -> memref<40xi32, #tpu.memory_space<hbm>>
    %dma_start3A_170 = tpu.memref_slice %arg11[%dma_start3A_166] : memref<10x!tpu.dma_semaphore, #tpu.memory_space<semaphore_mem>> -> memref<1x!tpu.dma_semaphore, #tpu.memory_space<semaphore_mem>>
    %dma_start3A_171 = tpu.memref_squeeze %dma_start3A_170 : memref<1x!tpu.dma_semaphore, #tpu.memory_space<semaphore_mem>> -> memref<!tpu.dma_semaphore, #tpu.memory_space<semaphore_mem>>
    %dma_start3A_172 = arith.constant 0 : i32
    %dma_start3A_173 = tpu.memref_slice %arg3[%add3A, %dma_start3A_165, %dma_start3A_172] : memref<32x250x40xi32, #tpu.memory_space<hbm>> -> memref<1x1x40xi32, #tpu.memory_space<hbm>>
    %dma_start3A_174 = tpu.memref_squeeze %dma_start3A_173 : memref<1x1x40xi32, #tpu.memory_space<hbm>> -> memref<40xi32, #tpu.memory_space<hbm>>
    tpu.enqueue_dma source(%dma_start3A_174 : memref<40xi32, #tpu.memory_space<hbm>>) target(%arg19 : memref<40xi32, #tpu.memory_space<vmem>>) target_semaphore(%dma_start3A_171 : memref<!tpu.dma_semaphore, #tpu.memory_space<semaphore_mem>>)
    %dma_start3A_175 = arith.constant 6 : i32
    %dma_start3A_176 = arith.constant 6 : i32
    %dma_start3A_177 = arith.constant 6 : i32
    %dma_start3A_178 = arith.constant 0 : i32
    %dma_start3A_179 = tpu.memref_slice %arg6[%dma_start3A_176, %dma_start3A_178] : memref<10x40xi32, #tpu.memory_space<vmem>> -> memref<1x40xi32, #tpu.memory_space<vmem>>
    %dma_start3A_180 = tpu.memref_squeeze %dma_start3A_179 : memref<1x40xi32, #tpu.memory_space<vmem>> -> memref<40xi32, #tpu.memory_space<vmem>>
    %dma_start3A_181 = arith.constant 0 : i32
    %dma_start3A_182 = tpu.memref_slice %arg2[%add3A, %dma_start3A_175, %dma_start3A_181] : memref<32x250x40xi32, #tpu.memory_space<hbm>> -> memref<1x1x40xi32, #tpu.memory_space<hbm>>
    %dma_start3A_183 = tpu.memref_squeeze %dma_start3A_182 : memref<1x1x40xi32, #tpu.memory_space<hbm>> -> memref<40xi32, #tpu.memory_space<hbm>>
    %dma_start3A_184 = tpu.memref_slice %arg10[%dma_start3A_177] : memref<10x!tpu.dma_semaphore, #tpu.memory_space<semaphore_mem>> -> memref<1x!tpu.dma_semaphore, #tpu.memory_space<semaphore_mem>>
    %dma_start3A_185 = tpu.memref_squeeze %dma_start3A_184 : memref<1x!tpu.dma_semaphore, #tpu.memory_space<semaphore_mem>> -> memref<!tpu.dma_semaphore, #tpu.memory_space<semaphore_mem>>
    %dma_start3A_186 = arith.constant 0 : i32
    %dma_start3A_187 = tpu.memref_slice %arg6[%dma_start3A_176, %dma_start3A_186] : memref<10x40xi32, #tpu.memory_space<vmem>> -> memref<1x40xi32, #tpu.memory_space<vmem>>
    %dma_start3A_188 = tpu.memref_squeeze %dma_start3A_187 : memref<1x40xi32, #tpu.memory_space<vmem>> -> memref<40xi32, #tpu.memory_space<vmem>>
    %dma_start3A_189 = arith.constant 0 : i32
    %dma_start3A_190 = tpu.memref_slice %arg2[%add3A, %dma_start3A_175, %dma_start3A_189] : memref<32x250x40xi32, #tpu.memory_space<hbm>> -> memref<1x1x40xi32, #tpu.memory_space<hbm>>
    %dma_start3A_191 = tpu.memref_squeeze %dma_start3A_190 : memref<1x1x40xi32, #tpu.memory_space<hbm>> -> memref<40xi32, #tpu.memory_space<hbm>>
    tpu.enqueue_dma source(%dma_start3A_191 : memref<40xi32, #tpu.memory_space<hbm>>) target(%dma_start3A_188 : memref<40xi32, #tpu.memory_space<vmem>>) target_semaphore(%dma_start3A_185 : memref<!tpu.dma_semaphore, #tpu.memory_space<semaphore_mem>>)
    %dma_start3A_192 = arith.constant 6 : i32
    %dma_start3A_193 = arith.constant 6 : i32
    %dma_start3A_194 = arith.constant 0 : i32
    %dma_start3A_195 = tpu.memref_slice %arg3[%add3A, %dma_start3A_192, %dma_start3A_194] : memref<32x250x40xi32, #tpu.memory_space<hbm>> -> memref<1x1x40xi32, #tpu.memory_space<hbm>>
    %dma_start3A_196 = tpu.memref_squeeze %dma_start3A_195 : memref<1x1x40xi32, #tpu.memory_space<hbm>> -> memref<40xi32, #tpu.memory_space<hbm>>
    %dma_start3A_197 = tpu.memref_slice %arg11[%dma_start3A_193] : memref<10x!tpu.dma_semaphore, #tpu.memory_space<semaphore_mem>> -> memref<1x!tpu.dma_semaphore, #tpu.memory_space<semaphore_mem>>
    %dma_start3A_198 = tpu.memref_squeeze %dma_start3A_197 : memref<1x!tpu.dma_semaphore, #tpu.memory_space<semaphore_mem>> -> memref<!tpu.dma_semaphore, #tpu.memory_space<semaphore_mem>>
    %dma_start3A_199 = arith.constant 0 : i32
    %dma_start3A_200 = tpu.memref_slice %arg3[%add3A, %dma_start3A_192, %dma_start3A_199] : memref<32x250x40xi32, #tpu.memory_space<hbm>> -> memref<1x1x40xi32, #tpu.memory_space<hbm>>
    %dma_start3A_201 = tpu.memref_squeeze %dma_start3A_200 : memref<1x1x40xi32, #tpu.memory_space<hbm>> -> memref<40xi32, #tpu.memory_space<hbm>>
    tpu.enqueue_dma source(%dma_start3A_201 : memref<40xi32, #tpu.memory_space<hbm>>) target(%arg20 : memref<40xi32, #tpu.memory_space<vmem>>) target_semaphore(%dma_start3A_198 : memref<!tpu.dma_semaphore, #tpu.memory_space<semaphore_mem>>)
    %dma_wait3A = arith.constant 0 : i32
    %dma_wait3A_202 = arith.constant 0 : i32
    %dma_wait3A_203 = arith.constant 0 : i32
    %dma_wait3A_204 = arith.constant 0 : i32
    %dma_wait3A_205 = tpu.memref_slice %arg6[%dma_wait3A_202, %dma_wait3A_204] : memref<10x40xi32, #tpu.memory_space<vmem>> -> memref<1x40xi32, #tpu.memory_space<vmem>>
    %dma_wait3A_206 = tpu.memref_squeeze %dma_wait3A_205 : memref<1x40xi32, #tpu.memory_space<vmem>> -> memref<40xi32, #tpu.memory_space<vmem>>
    %dma_wait3A_207 = arith.constant 0 : i32
    %dma_wait3A_208 = tpu.memref_slice %arg2[%add3A, %dma_wait3A, %dma_wait3A_207] : memref<32x250x40xi32, #tpu.memory_space<hbm>> -> memref<1x1x40xi32, #tpu.memory_space<hbm>>
    %dma_wait3A_209 = tpu.memref_squeeze %dma_wait3A_208 : memref<1x1x40xi32, #tpu.memory_space<hbm>> -> memref<40xi32, #tpu.memory_space<hbm>>
    %dma_wait3A_210 = tpu.memref_slice %arg10[%dma_wait3A_203] : memref<10x!tpu.dma_semaphore, #tpu.memory_space<semaphore_mem>> -> memref<1x!tpu.dma_semaphore, #tpu.memory_space<semaphore_mem>>
    %dma_wait3A_211 = tpu.memref_squeeze %dma_wait3A_210 : memref<1x!tpu.dma_semaphore, #tpu.memory_space<semaphore_mem>> -> memref<!tpu.dma_semaphore, #tpu.memory_space<semaphore_mem>>
    %dma_wait3A_212 = arith.constant 0 : i32
    %dma_wait3A_213 = tpu.memref_slice %arg6[%dma_wait3A_202, %dma_wait3A_212] : memref<10x40xi32, #tpu.memory_space<vmem>> -> memref<1x40xi32, #tpu.memory_space<vmem>>
    %dma_wait3A_214 = tpu.memref_squeeze %dma_wait3A_213 : memref<1x40xi32, #tpu.memory_space<vmem>> -> memref<40xi32, #tpu.memory_space<vmem>>
    %dma_wait3A_215 = arith.constant 0 : i32
    %dma_wait3A_216 = tpu.memref_slice %arg2[%add3A, %dma_wait3A, %dma_wait3A_215] : memref<32x250x40xi32, #tpu.memory_space<hbm>> -> memref<1x1x40xi32, #tpu.memory_space<hbm>>
    %dma_wait3A_217 = tpu.memref_squeeze %dma_wait3A_216 : memref<1x1x40xi32, #tpu.memory_space<hbm>> -> memref<40xi32, #tpu.memory_space<hbm>>
    tpu.wait_dma2 semaphore(%dma_wait3A_211 : memref<!tpu.dma_semaphore, #tpu.memory_space<semaphore_mem>>) src(%dma_wait3A_217 : memref<40xi32, #tpu.memory_space<hbm>>) dst(%dma_wait3A_214 : memref<40xi32, #tpu.memory_space<vmem>>)
    %dma_wait3A_218 = arith.constant 0 : i32
    %dma_wait3A_219 = arith.constant 0 : i32
    %dma_wait3A_220 = arith.constant 0 : i32
    %dma_wait3A_221 = tpu.memref_slice %arg3[%add3A, %dma_wait3A_218, %dma_wait3A_220] : memref<32x250x40xi32, #tpu.memory_space<hbm>> -> memref<1x1x40xi32, #tpu.memory_space<hbm>>
    %dma_wait3A_222 = tpu.memref_squeeze %dma_wait3A_221 : memref<1x1x40xi32, #tpu.memory_space<hbm>> -> memref<40xi32, #tpu.memory_space<hbm>>
    %dma_wait3A_223 = tpu.memref_slice %arg11[%dma_wait3A_219] : memref<10x!tpu.dma_semaphore, #tpu.memory_space<semaphore_mem>> -> memref<1x!tpu.dma_semaphore, #tpu.memory_space<semaphore_mem>>
    %dma_wait3A_224 = tpu.memref_squeeze %dma_wait3A_223 : memref<1x!tpu.dma_semaphore, #tpu.memory_space<semaphore_mem>> -> memref<!tpu.dma_semaphore, #tpu.memory_space<semaphore_mem>>
    %dma_wait3A_225 = arith.constant 0 : i32
    %dma_wait3A_226 = tpu.memref_slice %arg3[%add3A, %dma_wait3A_218, %dma_wait3A_225] : memref<32x250x40xi32, #tpu.memory_space<hbm>> -> memref<1x1x40xi32, #tpu.memory_space<hbm>>
    %dma_wait3A_227 = tpu.memref_squeeze %dma_wait3A_226 : memref<1x1x40xi32, #tpu.memory_space<hbm>> -> memref<40xi32, #tpu.memory_space<hbm>>
    tpu.wait_dma2 semaphore(%dma_wait3A_224 : memref<!tpu.dma_semaphore, #tpu.memory_space<semaphore_mem>>) src(%dma_wait3A_227 : memref<40xi32, #tpu.memory_space<hbm>>) dst(%arg14 : memref<40xi32, #tpu.memory_space<vmem>>)
    %dma_start3A_228 = arith.constant 0 : i32
    %dma_start3A_229 = arith.constant 0 : i32
    %dma_start3A_230 = arith.constant 0 : i32
    %dma_start3A_231 = arith.constant 0 : i32
    %dma_start3A_232 = arith.constant 0 : i32
    %dma_start3A_233 = tpu.memref_slice %arg7[%dma_start3A_229, %dma_start3A_231, %dma_start3A_232] : memref<5x40x128xf32, #tpu.memory_space<vmem>> -> memref<1x40x128xf32, #tpu.memory_space<vmem>>
    %dma_start3A_234 = tpu.memref_squeeze %dma_start3A_233 : memref<1x40x128xf32, #tpu.memory_space<vmem>> -> memref<40x128xf32, #tpu.memory_space<vmem>>
    %dma_start3A_235 = arith.constant 0 : i32
    %dma_start3A_236 = tpu.memref_slice %arg6[%dma_start3A_228, %dma_start3A_235] : memref<10x40xi32, #tpu.memory_space<vmem>> -> memref<1x40xi32, #tpu.memory_space<vmem>>
    %dma_start3A_237 = tpu.memref_squeeze %dma_start3A_236 : memref<1x40xi32, #tpu.memory_space<vmem>> -> memref<40xi32, #tpu.memory_space<vmem>>
    %dma_start3A_238 = arith.constant 0 : i32
    %dma_start3A_239 = arith.constant 0 : i32
    %dma_start3A_240 = tpu.memref_slice %arg4[%dma_start3A_238, %dma_start3A_239] : memref<10000x128xf32, #tpu.memory_space<hbm>> -> memref<10000x128xf32, #tpu.memory_space<hbm>>
    %dma_start3A_241 = tpu.memref_slice %arg12[%dma_start3A_230] : memref<5x!tpu.dma_semaphore, #tpu.memory_space<semaphore_mem>> -> memref<1x!tpu.dma_semaphore, #tpu.memory_space<semaphore_mem>>
    %dma_start3A_242 = tpu.memref_squeeze %dma_start3A_241 : memref<1x!tpu.dma_semaphore, #tpu.memory_space<semaphore_mem>> -> memref<!tpu.dma_semaphore, #tpu.memory_space<semaphore_mem>>
    tpu.enqueue_indirect_dma source(%dma_start3A_240 : memref<10000x128xf32, #tpu.memory_space<hbm>>) target(%dma_start3A_234 : memref<40x128xf32, #tpu.memory_space<vmem>>) offsets(%dma_start3A_237 : memref<40xi32, #tpu.memory_space<vmem>>) semaphore(%dma_start3A_242 : memref<!tpu.dma_semaphore, #tpu.memory_space<semaphore_mem>>)
    %dma_wait3A_243 = arith.constant 1 : i32
    %dma_wait3A_244 = arith.constant 1 : i32
    %dma_wait3A_245 = arith.constant 1 : i32
    %dma_wait3A_246 = arith.constant 0 : i32
    %dma_wait3A_247 = tpu.memref_slice %arg6[%dma_wait3A_244, %dma_wait3A_246] : memref<10x40xi32, #tpu.memory_space<vmem>> -> memref<1x40xi32, #tpu.memory_space<vmem>>
    %dma_wait3A_248 = tpu.memref_squeeze %dma_wait3A_247 : memref<1x40xi32, #tpu.memory_space<vmem>> -> memref<40xi32, #tpu.memory_space<vmem>>
    %dma_wait3A_249 = arith.constant 0 : i32
    %dma_wait3A_250 = tpu.memref_slice %arg2[%add3A, %dma_wait3A_243, %dma_wait3A_249] : memref<32x250x40xi32, #tpu.memory_space<hbm>> -> memref<1x1x40xi32, #tpu.memory_space<hbm>>
    %dma_wait3A_251 = tpu.memref_squeeze %dma_wait3A_250 : memref<1x1x40xi32, #tpu.memory_space<hbm>> -> memref<40xi32, #tpu.memory_space<hbm>>
    %dma_wait3A_252 = tpu.memref_slice %arg10[%dma_wait3A_245] : memref<10x!tpu.dma_semaphore, #tpu.memory_space<semaphore_mem>> -> memref<1x!tpu.dma_semaphore, #tpu.memory_space<semaphore_mem>>
    %dma_wait3A_253 = tpu.memref_squeeze %dma_wait3A_252 : memref<1x!tpu.dma_semaphore, #tpu.memory_space<semaphore_mem>> -> memref<!tpu.dma_semaphore, #tpu.memory_space<semaphore_mem>>
    %dma_wait3A_254 = arith.constant 0 : i32
    %dma_wait3A_255 = tpu.memref_slice %arg6[%dma_wait3A_244, %dma_wait3A_254] : memref<10x40xi32, #tpu.memory_space<vmem>> -> memref<1x40xi32, #tpu.memory_space<vmem>>
    %dma_wait3A_256 = tpu.memref_squeeze %dma_wait3A_255 : memref<1x40xi32, #tpu.memory_space<vmem>> -> memref<40xi32, #tpu.memory_space<vmem>>
    %dma_wait3A_257 = arith.constant 0 : i32
    %dma_wait3A_258 = tpu.memref_slice %arg2[%add3A, %dma_wait3A_243, %dma_wait3A_257] : memref<32x250x40xi32, #tpu.memory_space<hbm>> -> memref<1x1x40xi32, #tpu.memory_space<hbm>>
    %dma_wait3A_259 = tpu.memref_squeeze %dma_wait3A_258 : memref<1x1x40xi32, #tpu.memory_space<hbm>> -> memref<40xi32, #tpu.memory_space<hbm>>
    tpu.wait_dma2 semaphore(%dma_wait3A_253 : memref<!tpu.dma_semaphore, #tpu.memory_space<semaphore_mem>>) src(%dma_wait3A_259 : memref<40xi32, #tpu.memory_space<hbm>>) dst(%dma_wait3A_256 : memref<40xi32, #tpu.memory_space<vmem>>)
    %dma_wait3A_260 = arith.constant 1 : i32
    %dma_wait3A_261 = arith.constant 1 : i32
    %dma_wait3A_262 = arith.constant 0 : i32
    %dma_wait3A_263 = tpu.memref_slice %arg3[%add3A, %dma_wait3A_260, %dma_wait3A_262] : memref<32x250x40xi32, #tpu.memory_space<hbm>> -> memref<1x1x40xi32, #tpu.memory_space<hbm>>
    %dma_wait3A_264 = tpu.memref_squeeze %dma_wait3A_263 : memref<1x1x40xi32, #tpu.memory_space<hbm>> -> memref<40xi32, #tpu.memory_space<hbm>>
    %dma_wait3A_265 = tpu.memref_slice %arg11[%dma_wait3A_261] : memref<10x!tpu.dma_semaphore, #tpu.memory_space<semaphore_mem>> -> memref<1x!tpu.dma_semaphore, #tpu.memory_space<semaphore_mem>>
    %dma_wait3A_266 = tpu.memref_squeeze %dma_wait3A_265 : memref<1x!tpu.dma_semaphore, #tpu.memory_space<semaphore_mem>> -> memref<!tpu.dma_semaphore, #tpu.memory_space<semaphore_mem>>
    %dma_wait3A_267 = arith.constant 0 : i32
    %dma_wait3A_268 = tpu.memref_slice %arg3[%add3A, %dma_wait3A_260, %dma_wait3A_267] : memref<32x250x40xi32, #tpu.memory_space<hbm>> -> memref<1x1x40xi32, #tpu.memory_space<hbm>>
    %dma_wait3A_269 = tpu.memref_squeeze %dma_wait3A_268 : memref<1x1x40xi32, #tpu.memory_space<hbm>> -> memref<40xi32, #tpu.memory_space<hbm>>
    tpu.wait_dma2 semaphore(%dma_wait3A_266 : memref<!tpu.dma_semaphore, #tpu.memory_space<semaphore_mem>>) src(%dma_wait3A_269 : memref<40xi32, #tpu.memory_space<hbm>>) dst(%arg15 : memref<40xi32, #tpu.memory_space<vmem>>)
    %dma_start3A_270 = arith.constant 1 : i32
    %dma_start3A_271 = arith.constant 1 : i32
    %dma_start3A_272 = arith.constant 1 : i32
    %dma_start3A_273 = arith.constant 0 : i32
    %dma_start3A_274 = arith.constant 0 : i32
    %dma_start3A_275 = tpu.memref_slice %arg7[%dma_start3A_271, %dma_start3A_273, %dma_start3A_274] : memref<5x40x128xf32, #tpu.memory_space<vmem>> -> memref<1x40x128xf32, #tpu.memory_space<vmem>>
    %dma_start3A_276 = tpu.memref_squeeze %dma_start3A_275 : memref<1x40x128xf32, #tpu.memory_space<vmem>> -> memref<40x128xf32, #tpu.memory_space<vmem>>
    %dma_start3A_277 = arith.constant 0 : i32
    %dma_start3A_278 = tpu.memref_slice %arg6[%dma_start3A_270, %dma_start3A_277] : memref<10x40xi32, #tpu.memory_space<vmem>> -> memref<1x40xi32, #tpu.memory_space<vmem>>
    %dma_start3A_279 = tpu.memref_squeeze %dma_start3A_278 : memref<1x40xi32, #tpu.memory_space<vmem>> -> memref<40xi32, #tpu.memory_space<vmem>>
    %dma_start3A_280 = arith.constant 0 : i32
    %dma_start3A_281 = arith.constant 0 : i32
    %dma_start3A_282 = tpu.memref_slice %arg4[%dma_start3A_280, %dma_start3A_281] : memref<10000x128xf32, #tpu.memory_space<hbm>> -> memref<10000x128xf32, #tpu.memory_space<hbm>>
    %dma_start3A_283 = tpu.memref_slice %arg12[%dma_start3A_272] : memref<5x!tpu.dma_semaphore, #tpu.memory_space<semaphore_mem>> -> memref<1x!tpu.dma_semaphore, #tpu.memory_space<semaphore_mem>>
    %dma_start3A_284 = tpu.memref_squeeze %dma_start3A_283 : memref<1x!tpu.dma_semaphore, #tpu.memory_space<semaphore_mem>> -> memref<!tpu.dma_semaphore, #tpu.memory_space<semaphore_mem>>
    tpu.enqueue_indirect_dma source(%dma_start3A_282 : memref<10000x128xf32, #tpu.memory_space<hbm>>) target(%dma_start3A_276 : memref<40x128xf32, #tpu.memory_space<vmem>>) offsets(%dma_start3A_279 : memref<40xi32, #tpu.memory_space<vmem>>) semaphore(%dma_start3A_284 : memref<!tpu.dma_semaphore, #tpu.memory_space<semaphore_mem>>)
    %dma_wait3A_285 = arith.constant 2 : i32
    %dma_wait3A_286 = arith.constant 2 : i32
    %dma_wait3A_287 = arith.constant 2 : i32
    %dma_wait3A_288 = arith.constant 0 : i32
    %dma_wait3A_289 = tpu.memref_slice %arg6[%dma_wait3A_286, %dma_wait3A_288] : memref<10x40xi32, #tpu.memory_space<vmem>> -> memref<1x40xi32, #tpu.memory_space<vmem>>
    %dma_wait3A_290 = tpu.memref_squeeze %dma_wait3A_289 : memref<1x40xi32, #tpu.memory_space<vmem>> -> memref<40xi32, #tpu.memory_space<vmem>>
    %dma_wait3A_291 = arith.constant 0 : i32
    %dma_wait3A_292 = tpu.memref_slice %arg2[%add3A, %dma_wait3A_285, %dma_wait3A_291] : memref<32x250x40xi32, #tpu.memory_space<hbm>> -> memref<1x1x40xi32, #tpu.memory_space<hbm>>
    %dma_wait3A_293 = tpu.memref_squeeze %dma_wait3A_292 : memref<1x1x40xi32, #tpu.memory_space<hbm>> -> memref<40xi32, #tpu.memory_space<hbm>>
    %dma_wait3A_294 = tpu.memref_slice %arg10[%dma_wait3A_287] : memref<10x!tpu.dma_semaphore, #tpu.memory_space<semaphore_mem>> -> memref<1x!tpu.dma_semaphore, #tpu.memory_space<semaphore_mem>>
    %dma_wait3A_295 = tpu.memref_squeeze %dma_wait3A_294 : memref<1x!tpu.dma_semaphore, #tpu.memory_space<semaphore_mem>> -> memref<!tpu.dma_semaphore, #tpu.memory_space<semaphore_mem>>
    %dma_wait3A_296 = arith.constant 0 : i32
    %dma_wait3A_297 = tpu.memref_slice %arg6[%dma_wait3A_286, %dma_wait3A_296] : memref<10x40xi32, #tpu.memory_space<vmem>> -> memref<1x40xi32, #tpu.memory_space<vmem>>
    %dma_wait3A_298 = tpu.memref_squeeze %dma_wait3A_297 : memref<1x40xi32, #tpu.memory_space<vmem>> -> memref<40xi32, #tpu.memory_space<vmem>>
    %dma_wait3A_299 = arith.constant 0 : i32
    %dma_wait3A_300 = tpu.memref_slice %arg2[%add3A, %dma_wait3A_285, %dma_wait3A_299] : memref<32x250x40xi32, #tpu.memory_space<hbm>> -> memref<1x1x40xi32, #tpu.memory_space<hbm>>
    %dma_wait3A_301 = tpu.memref_squeeze %dma_wait3A_300 : memref<1x1x40xi32, #tpu.memory_space<hbm>> -> memref<40xi32, #tpu.memory_space<hbm>>
    tpu.wait_dma2 semaphore(%dma_wait3A_295 : memref<!tpu.dma_semaphore, #tpu.memory_space<semaphore_mem>>) src(%dma_wait3A_301 : memref<40xi32, #tpu.memory_space<hbm>>) dst(%dma_wait3A_298 : memref<40xi32, #tpu.memory_space<vmem>>)
    %dma_wait3A_302 = arith.constant 2 : i32
    %dma_wait3A_303 = arith.constant 2 : i32
    %dma_wait3A_304 = arith.constant 0 : i32
    %dma_wait3A_305 = tpu.memref_slice %arg3[%add3A, %dma_wait3A_302, %dma_wait3A_304] : memref<32x250x40xi32, #tpu.memory_space<hbm>> -> memref<1x1x40xi32, #tpu.memory_space<hbm>>
    %dma_wait3A_306 = tpu.memref_squeeze %dma_wait3A_305 : memref<1x1x40xi32, #tpu.memory_space<hbm>> -> memref<40xi32, #tpu.memory_space<hbm>>
    %dma_wait3A_307 = tpu.memref_slice %arg11[%dma_wait3A_303] : memref<10x!tpu.dma_semaphore, #tpu.memory_space<semaphore_mem>> -> memref<1x!tpu.dma_semaphore, #tpu.memory_space<semaphore_mem>>
    %dma_wait3A_308 = tpu.memref_squeeze %dma_wait3A_307 : memref<1x!tpu.dma_semaphore, #tpu.memory_space<semaphore_mem>> -> memref<!tpu.dma_semaphore, #tpu.memory_space<semaphore_mem>>
    %dma_wait3A_309 = arith.constant 0 : i32
    %dma_wait3A_310 = tpu.memref_slice %arg3[%add3A, %dma_wait3A_302, %dma_wait3A_309] : memref<32x250x40xi32, #tpu.memory_space<hbm>> -> memref<1x1x40xi32, #tpu.memory_space<hbm>>
    %dma_wait3A_311 = tpu.memref_squeeze %dma_wait3A_310 : memref<1x1x40xi32, #tpu.memory_space<hbm>> -> memref<40xi32, #tpu.memory_space<hbm>>
    tpu.wait_dma2 semaphore(%dma_wait3A_308 : memref<!tpu.dma_semaphore, #tpu.memory_space<semaphore_mem>>) src(%dma_wait3A_311 : memref<40xi32, #tpu.memory_space<hbm>>) dst(%arg16 : memref<40xi32, #tpu.memory_space<vmem>>)
    %dma_start3A_312 = arith.constant 2 : i32
    %dma_start3A_313 = arith.constant 2 : i32
    %dma_start3A_314 = arith.constant 2 : i32
    %dma_start3A_315 = arith.constant 0 : i32
    %dma_start3A_316 = arith.constant 0 : i32
    %dma_start3A_317 = tpu.memref_slice %arg7[%dma_start3A_313, %dma_start3A_315, %dma_start3A_316] : memref<5x40x128xf32, #tpu.memory_space<vmem>> -> memref<1x40x128xf32, #tpu.memory_space<vmem>>
    %dma_start3A_318 = tpu.memref_squeeze %dma_start3A_317 : memref<1x40x128xf32, #tpu.memory_space<vmem>> -> memref<40x128xf32, #tpu.memory_space<vmem>>
    %dma_start3A_319 = arith.constant 0 : i32
    %dma_start3A_320 = tpu.memref_slice %arg6[%dma_start3A_312, %dma_start3A_319] : memref<10x40xi32, #tpu.memory_space<vmem>> -> memref<1x40xi32, #tpu.memory_space<vmem>>
    %dma_start3A_321 = tpu.memref_squeeze %dma_start3A_320 : memref<1x40xi32, #tpu.memory_space<vmem>> -> memref<40xi32, #tpu.memory_space<vmem>>
    %dma_start3A_322 = arith.constant 0 : i32
    %dma_start3A_323 = arith.constant 0 : i32
    %dma_start3A_324 = tpu.memref_slice %arg4[%dma_start3A_322, %dma_start3A_323] : memref<10000x128xf32, #tpu.memory_space<hbm>> -> memref<10000x128xf32, #tpu.memory_space<hbm>>
    %dma_start3A_325 = tpu.memref_slice %arg12[%dma_start3A_314] : memref<5x!tpu.dma_semaphore, #tpu.memory_space<semaphore_mem>> -> memref<1x!tpu.dma_semaphore, #tpu.memory_space<semaphore_mem>>
    %dma_start3A_326 = tpu.memref_squeeze %dma_start3A_325 : memref<1x!tpu.dma_semaphore, #tpu.memory_space<semaphore_mem>> -> memref<!tpu.dma_semaphore, #tpu.memory_space<semaphore_mem>>
    tpu.enqueue_indirect_dma source(%dma_start3A_324 : memref<10000x128xf32, #tpu.memory_space<hbm>>) target(%dma_start3A_318 : memref<40x128xf32, #tpu.memory_space<vmem>>) offsets(%dma_start3A_321 : memref<40xi32, #tpu.memory_space<vmem>>) semaphore(%dma_start3A_326 : memref<!tpu.dma_semaphore, #tpu.memory_space<semaphore_mem>>)
    %dma_wait3A_327 = arith.constant 3 : i32
    %dma_wait3A_328 = arith.constant 3 : i32
    %dma_wait3A_329 = arith.constant 3 : i32
    %dma_wait3A_330 = arith.constant 0 : i32
    %dma_wait3A_331 = tpu.memref_slice %arg6[%dma_wait3A_328, %dma_wait3A_330] : memref<10x40xi32, #tpu.memory_space<vmem>> -> memref<1x40xi32, #tpu.memory_space<vmem>>
    %dma_wait3A_332 = tpu.memref_squeeze %dma_wait3A_331 : memref<1x40xi32, #tpu.memory_space<vmem>> -> memref<40xi32, #tpu.memory_space<vmem>>
    %dma_wait3A_333 = arith.constant 0 : i32
    %dma_wait3A_334 = tpu.memref_slice %arg2[%add3A, %dma_wait3A_327, %dma_wait3A_333] : memref<32x250x40xi32, #tpu.memory_space<hbm>> -> memref<1x1x40xi32, #tpu.memory_space<hbm>>
    %dma_wait3A_335 = tpu.memref_squeeze %dma_wait3A_334 : memref<1x1x40xi32, #tpu.memory_space<hbm>> -> memref<40xi32, #tpu.memory_space<hbm>>
    %dma_wait3A_336 = tpu.memref_slice %arg10[%dma_wait3A_329] : memref<10x!tpu.dma_semaphore, #tpu.memory_space<semaphore_mem>> -> memref<1x!tpu.dma_semaphore, #tpu.memory_space<semaphore_mem>>
    %dma_wait3A_337 = tpu.memref_squeeze %dma_wait3A_336 : memref<1x!tpu.dma_semaphore, #tpu.memory_space<semaphore_mem>> -> memref<!tpu.dma_semaphore, #tpu.memory_space<semaphore_mem>>
    %dma_wait3A_338 = arith.constant 0 : i32
    %dma_wait3A_339 = tpu.memref_slice %arg6[%dma_wait3A_328, %dma_wait3A_338] : memref<10x40xi32, #tpu.memory_space<vmem>> -> memref<1x40xi32, #tpu.memory_space<vmem>>
    %dma_wait3A_340 = tpu.memref_squeeze %dma_wait3A_339 : memref<1x40xi32, #tpu.memory_space<vmem>> -> memref<40xi32, #tpu.memory_space<vmem>>
    %dma_wait3A_341 = arith.constant 0 : i32
    %dma_wait3A_342 = tpu.memref_slice %arg2[%add3A, %dma_wait3A_327, %dma_wait3A_341] : memref<32x250x40xi32, #tpu.memory_space<hbm>> -> memref<1x1x40xi32, #tpu.memory_space<hbm>>
    %dma_wait3A_343 = tpu.memref_squeeze %dma_wait3A_342 : memref<1x1x40xi32, #tpu.memory_space<hbm>> -> memref<40xi32, #tpu.memory_space<hbm>>
    tpu.wait_dma2 semaphore(%dma_wait3A_337 : memref<!tpu.dma_semaphore, #tpu.memory_space<semaphore_mem>>) src(%dma_wait3A_343 : memref<40xi32, #tpu.memory_space<hbm>>) dst(%dma_wait3A_340 : memref<40xi32, #tpu.memory_space<vmem>>)
    %dma_wait3A_344 = arith.constant 3 : i32
    %dma_wait3A_345 = arith.constant 3 : i32
    %dma_wait3A_346 = arith.constant 0 : i32
    %dma_wait3A_347 = tpu.memref_slice %arg3[%add3A, %dma_wait3A_344, %dma_wait3A_346] : memref<32x250x40xi32, #tpu.memory_space<hbm>> -> memref<1x1x40xi32, #tpu.memory_space<hbm>>
    %dma_wait3A_348 = tpu.memref_squeeze %dma_wait3A_347 : memref<1x1x40xi32, #tpu.memory_space<hbm>> -> memref<40xi32, #tpu.memory_space<hbm>>
    %dma_wait3A_349 = tpu.memref_slice %arg11[%dma_wait3A_345] : memref<10x!tpu.dma_semaphore, #tpu.memory_space<semaphore_mem>> -> memref<1x!tpu.dma_semaphore, #tpu.memory_space<semaphore_mem>>
    %dma_wait3A_350 = tpu.memref_squeeze %dma_wait3A_349 : memref<1x!tpu.dma_semaphore, #tpu.memory_space<semaphore_mem>> -> memref<!tpu.dma_semaphore, #tpu.memory_space<semaphore_mem>>
    %dma_wait3A_351 = arith.constant 0 : i32
    %dma_wait3A_352 = tpu.memref_slice %arg3[%add3A, %dma_wait3A_344, %dma_wait3A_351] : memref<32x250x40xi32, #tpu.memory_space<hbm>> -> memref<1x1x40xi32, #tpu.memory_space<hbm>>
    %dma_wait3A_353 = tpu.memref_squeeze %dma_wait3A_352 : memref<1x1x40xi32, #tpu.memory_space<hbm>> -> memref<40xi32, #tpu.memory_space<hbm>>
    tpu.wait_dma2 semaphore(%dma_wait3A_350 : memref<!tpu.dma_semaphore, #tpu.memory_space<semaphore_mem>>) src(%dma_wait3A_353 : memref<40xi32, #tpu.memory_space<hbm>>) dst(%arg17 : memref<40xi32, #tpu.memory_space<vmem>>)
    %dma_start3A_354 = arith.constant 3 : i32
    %dma_start3A_355 = arith.constant 3 : i32
    %dma_start3A_356 = arith.constant 3 : i32
    %dma_start3A_357 = arith.constant 0 : i32
    %dma_start3A_358 = arith.constant 0 : i32
    %dma_start3A_359 = tpu.memref_slice %arg7[%dma_start3A_355, %dma_start3A_357, %dma_start3A_358] : memref<5x40x128xf32, #tpu.memory_space<vmem>> -> memref<1x40x128xf32, #tpu.memory_space<vmem>>
    %dma_start3A_360 = tpu.memref_squeeze %dma_start3A_359 : memref<1x40x128xf32, #tpu.memory_space<vmem>> -> memref<40x128xf32, #tpu.memory_space<vmem>>
    %dma_start3A_361 = arith.constant 0 : i32
    %dma_start3A_362 = tpu.memref_slice %arg6[%dma_start3A_354, %dma_start3A_361] : memref<10x40xi32, #tpu.memory_space<vmem>> -> memref<1x40xi32, #tpu.memory_space<vmem>>
    %dma_start3A_363 = tpu.memref_squeeze %dma_start3A_362 : memref<1x40xi32, #tpu.memory_space<vmem>> -> memref<40xi32, #tpu.memory_space<vmem>>
    %dma_start3A_364 = arith.constant 0 : i32
    %dma_start3A_365 = arith.constant 0 : i32
    %dma_start3A_366 = tpu.memref_slice %arg4[%dma_start3A_364, %dma_start3A_365] : memref<10000x128xf32, #tpu.memory_space<hbm>> -> memref<10000x128xf32, #tpu.memory_space<hbm>>
    %dma_start3A_367 = tpu.memref_slice %arg12[%dma_start3A_356] : memref<5x!tpu.dma_semaphore, #tpu.memory_space<semaphore_mem>> -> memref<1x!tpu.dma_semaphore, #tpu.memory_space<semaphore_mem>>
    %dma_start3A_368 = tpu.memref_squeeze %dma_start3A_367 : memref<1x!tpu.dma_semaphore, #tpu.memory_space<semaphore_mem>> -> memref<!tpu.dma_semaphore, #tpu.memory_space<semaphore_mem>>
    tpu.enqueue_indirect_dma source(%dma_start3A_366 : memref<10000x128xf32, #tpu.memory_space<hbm>>) target(%dma_start3A_360 : memref<40x128xf32, #tpu.memory_space<vmem>>) offsets(%dma_start3A_363 : memref<40xi32, #tpu.memory_space<vmem>>) semaphore(%dma_start3A_368 : memref<!tpu.dma_semaphore, #tpu.memory_space<semaphore_mem>>)
    %scan3A_369 = arith.constant 0 : i32
    %scan3A_370 = arith.constant 0 : i32
    %scan3A_371 = arith.constant 25 : i32
    %scan3A_372 = arith.addi %scan3A_370, %scan3A_371 : i32
    %scan3A_373 = arith.constant 1 : i32
    %scan3A_374 = scf.for %scan3A_436 = %scan3A_370 to %scan3A_372 step %scan3A_373 iter_args(%scan3A_437 = %scan3A_369) -> (i32)  : i32 {
      %mul3A_438 = arith.constant 10 : i32
      %mul3A_439 = arith.muli %scan3A_436, %mul3A_438 : i32
      %add3A_440 = arith.constant 0 : i32
      %add3A_441 = arith.addi %mul3A_439, %add3A_440 : i32
      %dma_wait3A_442 = arith.constant 0 : i32
      %dma_wait3A_443 = arith.constant 0 : i32
      %dma_wait3A_444 = arith.constant 0 : i32
      %dma_wait3A_445 = arith.constant 0 : i32
      %dma_wait3A_446 = arith.constant 0 : i32
      %dma_wait3A_447 = tpu.memref_slice %arg7[%dma_wait3A_443, %dma_wait3A_445, %dma_wait3A_446] : memref<5x40x128xf32, #tpu.memory_space<vmem>> -> memref<1x40x128xf32, #tpu.memory_space<vmem>>
      %dma_wait3A_448 = tpu.memref_squeeze %dma_wait3A_447 : memref<1x40x128xf32, #tpu.memory_space<vmem>> -> memref<40x128xf32, #tpu.memory_space<vmem>>
      %dma_wait3A_449 = arith.constant 0 : i32
      %dma_wait3A_450 = tpu.memref_slice %arg6[%dma_wait3A_442, %dma_wait3A_449] : memref<10x40xi32, #tpu.memory_space<vmem>> -> memref<1x40xi32, #tpu.memory_space<vmem>>
      %dma_wait3A_451 = tpu.memref_squeeze %dma_wait3A_450 : memref<1x40xi32, #tpu.memory_space<vmem>> -> memref<40xi32, #tpu.memory_space<vmem>>
      %dma_wait3A_452 = arith.constant 0 : i32
      %dma_wait3A_453 = arith.constant 0 : i32
      %dma_wait3A_454 = tpu.memref_slice %arg4[%dma_wait3A_452, %dma_wait3A_453] : memref<10000x128xf32, #tpu.memory_space<hbm>> -> memref<10000x128xf32, #tpu.memory_space<hbm>>
      %dma_wait3A_455 = tpu.memref_slice %arg12[%dma_wait3A_444] : memref<5x!tpu.dma_semaphore, #tpu.memory_space<semaphore_mem>> -> memref<1x!tpu.dma_semaphore, #tpu.memory_space<semaphore_mem>>
      %dma_wait3A_456 = tpu.memref_squeeze %dma_wait3A_455 : memref<1x!tpu.dma_semaphore, #tpu.memory_space<semaphore_mem>> -> memref<!tpu.dma_semaphore, #tpu.memory_space<semaphore_mem>>
      tpu.wait_indirect_dma semaphore(%dma_wait3A_456 : memref<!tpu.dma_semaphore, #tpu.memory_space<semaphore_mem>>) src(%dma_wait3A_454 : memref<10000x128xf32, #tpu.memory_space<hbm>>) dst(%dma_wait3A_448 : memref<40x128xf32, #tpu.memory_space<vmem>>)
      %dma_start3A_457 = arith.constant 0 : i32
      %dma_start3A_458 = arith.constant 0 : i32
      %dma_start3A_459 = arith.constant 0 : i32
      %dma_start3A_460 = arith.constant 0 : i32
      %dma_start3A_461 = tpu.memref_slice %arg7[%dma_start3A_457, %dma_start3A_459, %dma_start3A_460] : memref<5x40x128xf32, #tpu.memory_space<vmem>> -> memref<1x40x128xf32, #tpu.memory_space<vmem>>
      %dma_start3A_462 = tpu.memref_squeeze %dma_start3A_461 : memref<1x40x128xf32, #tpu.memory_space<vmem>> -> memref<40x128xf32, #tpu.memory_space<vmem>>
      %dma_start3A_463 = arith.constant 0 : i32
      %dma_start3A_464 = arith.constant 0 : i32
      %dma_start3A_465 = tpu.memref_slice %arg9[%dma_start3A_463, %dma_start3A_464] : memref<10240x128xf32, #tpu.memory_space<vmem_shared>> -> memref<10240x128xf32, #tpu.memory_space<vmem_shared>>
      %dma_start3A_466 = tpu.memref_slice %arg13[%dma_start3A_458] : memref<5x!tpu.dma_semaphore, #tpu.memory_space<semaphore_mem>> -> memref<1x!tpu.dma_semaphore, #tpu.memory_space<semaphore_mem>>
      %dma_start3A_467 = tpu.memref_squeeze %dma_start3A_466 : memref<1x!tpu.dma_semaphore, #tpu.memory_space<semaphore_mem>> -> memref<!tpu.dma_semaphore, #tpu.memory_space<semaphore_mem>>
      tpu.enqueue_indirect_dma source(%dma_start3A_462 : memref<40x128xf32, #tpu.memory_space<vmem>>) target(%dma_start3A_465 : memref<10240x128xf32, #tpu.memory_space<vmem_shared>>) offsets(%arg14 : memref<40xi32, #tpu.memory_space<vmem>>) semaphore(%dma_start3A_467 : memref<!tpu.dma_semaphore, #tpu.memory_space<semaphore_mem>>) {add = true}
      %ge3A = arith.constant 1 : i32
      %ge3A_468 = arith.cmpi sge, %scan3A_436, %ge3A : i32
      %convert_element_type3A = arith.extui %ge3A_468 : i1 to i32
      %cond3A = arith.constant 0 : i32
      %cond3A_469 = arith.cmpi ne, %convert_element_type3A, %cond3A : i32
      scf.if %cond3A_469 {
        %dma_wait3A_1163 = arith.constant 4 : i32
        %dma_wait3A_1164 = arith.constant 4 : i32
        %dma_wait3A_1165 = arith.constant 0 : i32
        %dma_wait3A_1166 = arith.constant 0 : i32
        %dma_wait3A_1167 = tpu.memref_slice %arg7[%dma_wait3A_1163, %dma_wait3A_1165, %dma_wait3A_1166] : memref<5x40x128xf32, #tpu.memory_space<vmem>> -> memref<1x40x128xf32, #tpu.memory_space<vmem>>
        %dma_wait3A_1168 = tpu.memref_squeeze %dma_wait3A_1167 : memref<1x40x128xf32, #tpu.memory_space<vmem>> -> memref<40x128xf32, #tpu.memory_space<vmem>>
        %dma_wait3A_1169 = arith.constant 0 : i32
        %dma_wait3A_1170 = arith.constant 0 : i32
        %dma_wait3A_1171 = tpu.memref_slice %arg9[%dma_wait3A_1169, %dma_wait3A_1170] : memref<10240x128xf32, #tpu.memory_space<vmem_shared>> -> memref<10240x128xf32, #tpu.memory_space<vmem_shared>>
        %dma_wait3A_1172 = tpu.memref_slice %arg13[%dma_wait3A_1164] : memref<5x!tpu.dma_semaphore, #tpu.memory_space<semaphore_mem>> -> memref<1x!tpu.dma_semaphore, #tpu.memory_space<semaphore_mem>>
        %dma_wait3A_1173 = tpu.memref_squeeze %dma_wait3A_1172 : memref<1x!tpu.dma_semaphore, #tpu.memory_space<semaphore_mem>> -> memref<!tpu.dma_semaphore, #tpu.memory_space<semaphore_mem>>
        tpu.wait_indirect_dma semaphore(%dma_wait3A_1173 : memref<!tpu.dma_semaphore, #tpu.memory_space<semaphore_mem>>) src(%dma_wait3A_1168 : memref<40x128xf32, #tpu.memory_space<vmem>>) dst(%dma_wait3A_1171 : memref<10240x128xf32, #tpu.memory_space<vmem_shared>>)
      } else {
      }
      %add3A_470 = arith.constant 7 : i32
      %add3A_471 = arith.addi %add3A_441, %add3A_470 : i32
      %dma_start3A_472 = arith.constant 7 : i32
      %dma_start3A_473 = arith.constant 7 : i32
      %dma_start3A_474 = arith.constant 0 : i32
      %dma_start3A_475 = tpu.memref_slice %arg6[%dma_start3A_472, %dma_start3A_474] : memref<10x40xi32, #tpu.memory_space<vmem>> -> memref<1x40xi32, #tpu.memory_space<vmem>>
      %dma_start3A_476 = tpu.memref_squeeze %dma_start3A_475 : memref<1x40xi32, #tpu.memory_space<vmem>> -> memref<40xi32, #tpu.memory_space<vmem>>
      %dma_start3A_477 = arith.constant 0 : i32
      %dma_start3A_478 = tpu.memref_slice %arg2[%add3A, %add3A_471, %dma_start3A_477] : memref<32x250x40xi32, #tpu.memory_space<hbm>> -> memref<1x1x40xi32, #tpu.memory_space<hbm>>
      %dma_start3A_479 = tpu.memref_squeeze %dma_start3A_478 : memref<1x1x40xi32, #tpu.memory_space<hbm>> -> memref<40xi32, #tpu.memory_space<hbm>>
      %dma_start3A_480 = tpu.memref_slice %arg10[%dma_start3A_473] : memref<10x!tpu.dma_semaphore, #tpu.memory_space<semaphore_mem>> -> memref<1x!tpu.dma_semaphore, #tpu.memory_space<semaphore_mem>>
      %dma_start3A_481 = tpu.memref_squeeze %dma_start3A_480 : memref<1x!tpu.dma_semaphore, #tpu.memory_space<semaphore_mem>> -> memref<!tpu.dma_semaphore, #tpu.memory_space<semaphore_mem>>
      %dma_start3A_482 = arith.constant 0 : i32
      %dma_start3A_483 = tpu.memref_slice %arg6[%dma_start3A_472, %dma_start3A_482] : memref<10x40xi32, #tpu.memory_space<vmem>> -> memref<1x40xi32, #tpu.memory_space<vmem>>
      %dma_start3A_484 = tpu.memref_squeeze %dma_start3A_483 : memref<1x40xi32, #tpu.memory_space<vmem>> -> memref<40xi32, #tpu.memory_space<vmem>>
      %dma_start3A_485 = arith.constant 0 : i32
      %dma_start3A_486 = tpu.memref_slice %arg2[%add3A, %add3A_471, %dma_start3A_485] : memref<32x250x40xi32, #tpu.memory_space<hbm>> -> memref<1x1x40xi32, #tpu.memory_space<hbm>>
      %dma_start3A_487 = tpu.memref_squeeze %dma_start3A_486 : memref<1x1x40xi32, #tpu.memory_space<hbm>> -> memref<40xi32, #tpu.memory_space<hbm>>
      tpu.enqueue_dma source(%dma_start3A_487 : memref<40xi32, #tpu.memory_space<hbm>>) target(%dma_start3A_484 : memref<40xi32, #tpu.memory_space<vmem>>) target_semaphore(%dma_start3A_481 : memref<!tpu.dma_semaphore, #tpu.memory_space<semaphore_mem>>)
      %dma_start3A_488 = arith.constant 7 : i32
      %dma_start3A_489 = arith.constant 0 : i32
      %dma_start3A_490 = tpu.memref_slice %arg3[%add3A, %add3A_471, %dma_start3A_489] : memref<32x250x40xi32, #tpu.memory_space<hbm>> -> memref<1x1x40xi32, #tpu.memory_space<hbm>>
      %dma_start3A_491 = tpu.memref_squeeze %dma_start3A_490 : memref<1x1x40xi32, #tpu.memory_space<hbm>> -> memref<40xi32, #tpu.memory_space<hbm>>
      %dma_start3A_492 = tpu.memref_slice %arg11[%dma_start3A_488] : memref<10x!tpu.dma_semaphore, #tpu.memory_space<semaphore_mem>> -> memref<1x!tpu.dma_semaphore, #tpu.memory_space<semaphore_mem>>
      %dma_start3A_493 = tpu.memref_squeeze %dma_start3A_492 : memref<1x!tpu.dma_semaphore, #tpu.memory_space<semaphore_mem>> -> memref<!tpu.dma_semaphore, #tpu.memory_space<semaphore_mem>>
      %dma_start3A_494 = arith.constant 0 : i32
      %dma_start3A_495 = tpu.memref_slice %arg3[%add3A, %add3A_471, %dma_start3A_494] : memref<32x250x40xi32, #tpu.memory_space<hbm>> -> memref<1x1x40xi32, #tpu.memory_space<hbm>>
      %dma_start3A_496 = tpu.memref_squeeze %dma_start3A_495 : memref<1x1x40xi32, #tpu.memory_space<hbm>> -> memref<40xi32, #tpu.memory_space<hbm>>
      tpu.enqueue_dma source(%dma_start3A_496 : memref<40xi32, #tpu.memory_space<hbm>>) target(%arg21 : memref<40xi32, #tpu.memory_space<vmem>>) target_semaphore(%dma_start3A_493 : memref<!tpu.dma_semaphore, #tpu.memory_space<semaphore_mem>>)
      %add3A_497 = arith.constant 4 : i32
      %add3A_498 = arith.addi %add3A_441, %add3A_497 : i32
      %dma_wait3A_499 = arith.constant 4 : i32
      %dma_wait3A_500 = arith.constant 4 : i32
      %dma_wait3A_501 = arith.constant 0 : i32
      %dma_wait3A_502 = tpu.memref_slice %arg6[%dma_wait3A_499, %dma_wait3A_501] : memref<10x40xi32, #tpu.memory_space<vmem>> -> memref<1x40xi32, #tpu.memory_space<vmem>>
      %dma_wait3A_503 = tpu.memref_squeeze %dma_wait3A_502 : memref<1x40xi32, #tpu.memory_space<vmem>> -> memref<40xi32, #tpu.memory_space<vmem>>
      %dma_wait3A_504 = arith.constant 0 : i32
      %dma_wait3A_505 = tpu.memref_slice %arg2[%add3A, %add3A_498, %dma_wait3A_504] : memref<32x250x40xi32, #tpu.memory_space<hbm>> -> memref<1x1x40xi32, #tpu.memory_space<hbm>>
      %dma_wait3A_506 = tpu.memref_squeeze %dma_wait3A_505 : memref<1x1x40xi32, #tpu.memory_space<hbm>> -> memref<40xi32, #tpu.memory_space<hbm>>
      %dma_wait3A_507 = tpu.memref_slice %arg10[%dma_wait3A_500] : memref<10x!tpu.dma_semaphore, #tpu.memory_space<semaphore_mem>> -> memref<1x!tpu.dma_semaphore, #tpu.memory_space<semaphore_mem>>
      %dma_wait3A_508 = tpu.memref_squeeze %dma_wait3A_507 : memref<1x!tpu.dma_semaphore, #tpu.memory_space<semaphore_mem>> -> memref<!tpu.dma_semaphore, #tpu.memory_space<semaphore_mem>>
      %dma_wait3A_509 = arith.constant 0 : i32
      %dma_wait3A_510 = tpu.memref_slice %arg6[%dma_wait3A_499, %dma_wait3A_509] : memref<10x40xi32, #tpu.memory_space<vmem>> -> memref<1x40xi32, #tpu.memory_space<vmem>>
      %dma_wait3A_511 = tpu.memref_squeeze %dma_wait3A_510 : memref<1x40xi32, #tpu.memory_space<vmem>> -> memref<40xi32, #tpu.memory_space<vmem>>
      %dma_wait3A_512 = arith.constant 0 : i32
      %dma_wait3A_513 = tpu.memref_slice %arg2[%add3A, %add3A_498, %dma_wait3A_512] : memref<32x250x40xi32, #tpu.memory_space<hbm>> -> memref<1x1x40xi32, #tpu.memory_space<hbm>>
      %dma_wait3A_514 = tpu.memref_squeeze %dma_wait3A_513 : memref<1x1x40xi32, #tpu.memory_space<hbm>> -> memref<40xi32, #tpu.memory_space<hbm>>
      tpu.wait_dma2 semaphore(%dma_wait3A_508 : memref<!tpu.dma_semaphore, #tpu.memory_space<semaphore_mem>>) src(%dma_wait3A_514 : memref<40xi32, #tpu.memory_space<hbm>>) dst(%dma_wait3A_511 : memref<40xi32, #tpu.memory_space<vmem>>)
      %dma_wait3A_515 = arith.constant 4 : i32
      %dma_wait3A_516 = arith.constant 0 : i32
      %dma_wait3A_517 = tpu.memref_slice %arg3[%add3A, %add3A_498, %dma_wait3A_516] : memref<32x250x40xi32, #tpu.memory_space<hbm>> -> memref<1x1x40xi32, #tpu.memory_space<hbm>>
      %dma_wait3A_518 = tpu.memref_squeeze %dma_wait3A_517 : memref<1x1x40xi32, #tpu.memory_space<hbm>> -> memref<40xi32, #tpu.memory_space<hbm>>
      %dma_wait3A_519 = tpu.memref_slice %arg11[%dma_wait3A_515] : memref<10x!tpu.dma_semaphore, #tpu.memory_space<semaphore_mem>> -> memref<1x!tpu.dma_semaphore, #tpu.memory_space<semaphore_mem>>
      %dma_wait3A_520 = tpu.memref_squeeze %dma_wait3A_519 : memref<1x!tpu.dma_semaphore, #tpu.memory_space<semaphore_mem>> -> memref<!tpu.dma_semaphore, #tpu.memory_space<semaphore_mem>>
      %dma_wait3A_521 = arith.constant 0 : i32
      %dma_wait3A_522 = tpu.memref_slice %arg3[%add3A, %add3A_498, %dma_wait3A_521] : memref<32x250x40xi32, #tpu.memory_space<hbm>> -> memref<1x1x40xi32, #tpu.memory_space<hbm>>
      %dma_wait3A_523 = tpu.memref_squeeze %dma_wait3A_522 : memref<1x1x40xi32, #tpu.memory_space<hbm>> -> memref<40xi32, #tpu.memory_space<hbm>>
      tpu.wait_dma2 semaphore(%dma_wait3A_520 : memref<!tpu.dma_semaphore, #tpu.memory_space<semaphore_mem>>) src(%dma_wait3A_523 : memref<40xi32, #tpu.memory_space<hbm>>) dst(%arg18 : memref<40xi32, #tpu.memory_space<vmem>>)
      %dma_start3A_524 = arith.constant 4 : i32
      %dma_start3A_525 = arith.constant 4 : i32
      %dma_start3A_526 = arith.constant 4 : i32
      %dma_start3A_527 = arith.constant 0 : i32
      %dma_start3A_528 = arith.constant 0 : i32
      %dma_start3A_529 = tpu.memref_slice %arg7[%dma_start3A_525, %dma_start3A_527, %dma_start3A_528] : memref<5x40x128xf32, #tpu.memory_space<vmem>> -> memref<1x40x128xf32, #tpu.memory_space<vmem>>
      %dma_start3A_530 = tpu.memref_squeeze %dma_start3A_529 : memref<1x40x128xf32, #tpu.memory_space<vmem>> -> memref<40x128xf32, #tpu.memory_space<vmem>>
      %dma_start3A_531 = arith.constant 0 : i32
      %dma_start3A_532 = tpu.memref_slice %arg6[%dma_start3A_524, %dma_start3A_531] : memref<10x40xi32, #tpu.memory_space<vmem>> -> memref<1x40xi32, #tpu.memory_space<vmem>>
      %dma_start3A_533 = tpu.memref_squeeze %dma_start3A_532 : memref<1x40xi32, #tpu.memory_space<vmem>> -> memref<40xi32, #tpu.memory_space<vmem>>
      %dma_start3A_534 = arith.constant 0 : i32
      %dma_start3A_535 = arith.constant 0 : i32
      %dma_start3A_536 = tpu.memref_slice %arg4[%dma_start3A_534, %dma_start3A_535] : memref<10000x128xf32, #tpu.memory_space<hbm>> -> memref<10000x128xf32, #tpu.memory_space<hbm>>
      %dma_start3A_537 = tpu.memref_slice %arg12[%dma_start3A_526] : memref<5x!tpu.dma_semaphore, #tpu.memory_space<semaphore_mem>> -> memref<1x!tpu.dma_semaphore, #tpu.memory_space<semaphore_mem>>
      %dma_start3A_538 = tpu.memref_squeeze %dma_start3A_537 : memref<1x!tpu.dma_semaphore, #tpu.memory_space<semaphore_mem>> -> memref<!tpu.dma_semaphore, #tpu.memory_space<semaphore_mem>>
      tpu.enqueue_indirect_dma source(%dma_start3A_536 : memref<10000x128xf32, #tpu.memory_space<hbm>>) target(%dma_start3A_530 : memref<40x128xf32, #tpu.memory_space<vmem>>) offsets(%dma_start3A_533 : memref<40xi32, #tpu.memory_space<vmem>>) semaphore(%dma_start3A_538 : memref<!tpu.dma_semaphore, #tpu.memory_space<semaphore_mem>>)
      %mul3A_539 = arith.constant 10 : i32
      %mul3A_540 = arith.muli %scan3A_436, %mul3A_539 : i32
      %add3A_541 = arith.constant 1 : i32
      %add3A_542 = arith.addi %mul3A_540, %add3A_541 : i32
      %dma_wait3A_543 = arith.constant 1 : i32
      %dma_wait3A_544 = arith.constant 1 : i32
      %dma_wait3A_545 = arith.constant 1 : i32
      %dma_wait3A_546 = arith.constant 0 : i32
      %dma_wait3A_547 = arith.constant 0 : i32
      %dma_wait3A_548 = tpu.memref_slice %arg7[%dma_wait3A_544, %dma_wait3A_546, %dma_wait3A_547] : memref<5x40x128xf32, #tpu.memory_space<vmem>> -> memref<1x40x128xf32, #tpu.memory_space<vmem>>
      %dma_wait3A_549 = tpu.memref_squeeze %dma_wait3A_548 : memref<1x40x128xf32, #tpu.memory_space<vmem>> -> memref<40x128xf32, #tpu.memory_space<vmem>>
      %dma_wait3A_550 = arith.constant 0 : i32
      %dma_wait3A_551 = tpu.memref_slice %arg6[%dma_wait3A_543, %dma_wait3A_550] : memref<10x40xi32, #tpu.memory_space<vmem>> -> memref<1x40xi32, #tpu.memory_space<vmem>>
      %dma_wait3A_552 = tpu.memref_squeeze %dma_wait3A_551 : memref<1x40xi32, #tpu.memory_space<vmem>> -> memref<40xi32, #tpu.memory_space<vmem>>
      %dma_wait3A_553 = arith.constant 0 : i32
      %dma_wait3A_554 = arith.constant 0 : i32
      %dma_wait3A_555 = tpu.memref_slice %arg4[%dma_wait3A_553, %dma_wait3A_554] : memref<10000x128xf32, #tpu.memory_space<hbm>> -> memref<10000x128xf32, #tpu.memory_space<hbm>>
      %dma_wait3A_556 = tpu.memref_slice %arg12[%dma_wait3A_545] : memref<5x!tpu.dma_semaphore, #tpu.memory_space<semaphore_mem>> -> memref<1x!tpu.dma_semaphore, #tpu.memory_space<semaphore_mem>>
      %dma_wait3A_557 = tpu.memref_squeeze %dma_wait3A_556 : memref<1x!tpu.dma_semaphore, #tpu.memory_space<semaphore_mem>> -> memref<!tpu.dma_semaphore, #tpu.memory_space<semaphore_mem>>
      tpu.wait_indirect_dma semaphore(%dma_wait3A_557 : memref<!tpu.dma_semaphore, #tpu.memory_space<semaphore_mem>>) src(%dma_wait3A_555 : memref<10000x128xf32, #tpu.memory_space<hbm>>) dst(%dma_wait3A_549 : memref<40x128xf32, #tpu.memory_space<vmem>>)
      %dma_start3A_558 = arith.constant 1 : i32
      %dma_start3A_559 = arith.constant 1 : i32
      %dma_start3A_560 = arith.constant 0 : i32
      %dma_start3A_561 = arith.constant 0 : i32
      %dma_start3A_562 = tpu.memref_slice %arg7[%dma_start3A_558, %dma_start3A_560, %dma_start3A_561] : memref<5x40x128xf32, #tpu.memory_space<vmem>> -> memref<1x40x128xf32, #tpu.memory_space<vmem>>
      %dma_start3A_563 = tpu.memref_squeeze %dma_start3A_562 : memref<1x40x128xf32, #tpu.memory_space<vmem>> -> memref<40x128xf32, #tpu.memory_space<vmem>>
      %dma_start3A_564 = arith.constant 0 : i32
      %dma_start3A_565 = arith.constant 0 : i32
      %dma_start3A_566 = tpu.memref_slice %arg9[%dma_start3A_564, %dma_start3A_565] : memref<10240x128xf32, #tpu.memory_space<vmem_shared>> -> memref<10240x128xf32, #tpu.memory_space<vmem_shared>>
      %dma_start3A_567 = tpu.memref_slice %arg13[%dma_start3A_559] : memref<5x!tpu.dma_semaphore, #tpu.memory_space<semaphore_mem>> -> memref<1x!tpu.dma_semaphore, #tpu.memory_space<semaphore_mem>>
      %dma_start3A_568 = tpu.memref_squeeze %dma_start3A_567 : memref<1x!tpu.dma_semaphore, #tpu.memory_space<semaphore_mem>> -> memref<!tpu.dma_semaphore, #tpu.memory_space<semaphore_mem>>
      tpu.enqueue_indirect_dma source(%dma_start3A_563 : memref<40x128xf32, #tpu.memory_space<vmem>>) target(%dma_start3A_566 : memref<10240x128xf32, #tpu.memory_space<vmem_shared>>) offsets(%arg15 : memref<40xi32, #tpu.memory_space<vmem>>) semaphore(%dma_start3A_568 : memref<!tpu.dma_semaphore, #tpu.memory_space<semaphore_mem>>) {add = true}
      %dma_wait3A_569 = arith.constant 0 : i32
      %dma_wait3A_570 = arith.constant 0 : i32
      %dma_wait3A_571 = arith.constant 0 : i32
      %dma_wait3A_572 = arith.constant 0 : i32
      %dma_wait3A_573 = tpu.memref_slice %arg7[%dma_wait3A_569, %dma_wait3A_571, %dma_wait3A_572] : memref<5x40x128xf32, #tpu.memory_space<vmem>> -> memref<1x40x128xf32, #tpu.memory_space<vmem>>
      %dma_wait3A_574 = tpu.memref_squeeze %dma_wait3A_573 : memref<1x40x128xf32, #tpu.memory_space<vmem>> -> memref<40x128xf32, #tpu.memory_space<vmem>>
      %dma_wait3A_575 = arith.constant 0 : i32
      %dma_wait3A_576 = arith.constant 0 : i32
      %dma_wait3A_577 = tpu.memref_slice %arg9[%dma_wait3A_575, %dma_wait3A_576] : memref<10240x128xf32, #tpu.memory_space<vmem_shared>> -> memref<10240x128xf32, #tpu.memory_space<vmem_shared>>
      %dma_wait3A_578 = tpu.memref_slice %arg13[%dma_wait3A_570] : memref<5x!tpu.dma_semaphore, #tpu.memory_space<semaphore_mem>> -> memref<1x!tpu.dma_semaphore, #tpu.memory_space<semaphore_mem>>
      %dma_wait3A_579 = tpu.memref_squeeze %dma_wait3A_578 : memref<1x!tpu.dma_semaphore, #tpu.memory_space<semaphore_mem>> -> memref<!tpu.dma_semaphore, #tpu.memory_space<semaphore_mem>>
      tpu.wait_indirect_dma semaphore(%dma_wait3A_579 : memref<!tpu.dma_semaphore, #tpu.memory_space<semaphore_mem>>) src(%dma_wait3A_574 : memref<40x128xf32, #tpu.memory_space<vmem>>) dst(%dma_wait3A_577 : memref<10240x128xf32, #tpu.memory_space<vmem_shared>>)
      %add3A_580 = arith.constant 7 : i32
      %add3A_581 = arith.addi %add3A_542, %add3A_580 : i32
      %dma_start3A_582 = arith.constant 8 : i32
      %dma_start3A_583 = arith.constant 8 : i32
      %dma_start3A_584 = arith.constant 0 : i32
      %dma_start3A_585 = tpu.memref_slice %arg6[%dma_start3A_582, %dma_start3A_584] : memref<10x40xi32, #tpu.memory_space<vmem>> -> memref<1x40xi32, #tpu.memory_space<vmem>>
      %dma_start3A_586 = tpu.memref_squeeze %dma_start3A_585 : memref<1x40xi32, #tpu.memory_space<vmem>> -> memref<40xi32, #tpu.memory_space<vmem>>
      %dma_start3A_587 = arith.constant 0 : i32
      %dma_start3A_588 = tpu.memref_slice %arg2[%add3A, %add3A_581, %dma_start3A_587] : memref<32x250x40xi32, #tpu.memory_space<hbm>> -> memref<1x1x40xi32, #tpu.memory_space<hbm>>
      %dma_start3A_589 = tpu.memref_squeeze %dma_start3A_588 : memref<1x1x40xi32, #tpu.memory_space<hbm>> -> memref<40xi32, #tpu.memory_space<hbm>>
      %dma_start3A_590 = tpu.memref_slice %arg10[%dma_start3A_583] : memref<10x!tpu.dma_semaphore, #tpu.memory_space<semaphore_mem>> -> memref<1x!tpu.dma_semaphore, #tpu.memory_space<semaphore_mem>>
      %dma_start3A_591 = tpu.memref_squeeze %dma_start3A_590 : memref<1x!tpu.dma_semaphore, #tpu.memory_space<semaphore_mem>> -> memref<!tpu.dma_semaphore, #tpu.memory_space<semaphore_mem>>
      %dma_start3A_592 = arith.constant 0 : i32
      %dma_start3A_593 = tpu.memref_slice %arg6[%dma_start3A_582, %dma_start3A_592] : memref<10x40xi32, #tpu.memory_space<vmem>> -> memref<1x40xi32, #tpu.memory_space<vmem>>
      %dma_start3A_594 = tpu.memref_squeeze %dma_start3A_593 : memref<1x40xi32, #tpu.memory_space<vmem>> -> memref<40xi32, #tpu.memory_space<vmem>>
      %dma_start3A_595 = arith.constant 0 : i32
      %dma_start3A_596 = tpu.memref_slice %arg2[%add3A, %add3A_581, %dma_start3A_595] : memref<32x250x40xi32, #tpu.memory_space<hbm>> -> memref<1x1x40xi32, #tpu.memory_space<hbm>>
      %dma_start3A_597 = tpu.memref_squeeze %dma_start3A_596 : memref<1x1x40xi32, #tpu.memory_space<hbm>> -> memref<40xi32, #tpu.memory_space<hbm>>
      tpu.enqueue_dma source(%dma_start3A_597 : memref<40xi32, #tpu.memory_space<hbm>>) target(%dma_start3A_594 : memref<40xi32, #tpu.memory_space<vmem>>) target_semaphore(%dma_start3A_591 : memref<!tpu.dma_semaphore, #tpu.memory_space<semaphore_mem>>)
      %dma_start3A_598 = arith.constant 8 : i32
      %dma_start3A_599 = arith.constant 0 : i32
      %dma_start3A_600 = tpu.memref_slice %arg3[%add3A, %add3A_581, %dma_start3A_599] : memref<32x250x40xi32, #tpu.memory_space<hbm>> -> memref<1x1x40xi32, #tpu.memory_space<hbm>>
      %dma_start3A_601 = tpu.memref_squeeze %dma_start3A_600 : memref<1x1x40xi32, #tpu.memory_space<hbm>> -> memref<40xi32, #tpu.memory_space<hbm>>
      %dma_start3A_602 = tpu.memref_slice %arg11[%dma_start3A_598] : memref<10x!tpu.dma_semaphore, #tpu.memory_space<semaphore_mem>> -> memref<1x!tpu.dma_semaphore, #tpu.memory_space<semaphore_mem>>
      %dma_start3A_603 = tpu.memref_squeeze %dma_start3A_602 : memref<1x!tpu.dma_semaphore, #tpu.memory_space<semaphore_mem>> -> memref<!tpu.dma_semaphore, #tpu.memory_space<semaphore_mem>>
      %dma_start3A_604 = arith.constant 0 : i32
      %dma_start3A_605 = tpu.memref_slice %arg3[%add3A, %add3A_581, %dma_start3A_604] : memref<32x250x40xi32, #tpu.memory_space<hbm>> -> memref<1x1x40xi32, #tpu.memory_space<hbm>>
      %dma_start3A_606 = tpu.memref_squeeze %dma_start3A_605 : memref<1x1x40xi32, #tpu.memory_space<hbm>> -> memref<40xi32, #tpu.memory_space<hbm>>
      tpu.enqueue_dma source(%dma_start3A_606 : memref<40xi32, #tpu.memory_space<hbm>>) target(%arg22 : memref<40xi32, #tpu.memory_space<vmem>>) target_semaphore(%dma_start3A_603 : memref<!tpu.dma_semaphore, #tpu.memory_space<semaphore_mem>>)
      %add3A_607 = arith.constant 4 : i32
      %add3A_608 = arith.addi %add3A_542, %add3A_607 : i32
      %dma_wait3A_609 = arith.constant 5 : i32
      %dma_wait3A_610 = arith.constant 5 : i32
      %dma_wait3A_611 = arith.constant 0 : i32
      %dma_wait3A_612 = tpu.memref_slice %arg6[%dma_wait3A_609, %dma_wait3A_611] : memref<10x40xi32, #tpu.memory_space<vmem>> -> memref<1x40xi32, #tpu.memory_space<vmem>>
      %dma_wait3A_613 = tpu.memref_squeeze %dma_wait3A_612 : memref<1x40xi32, #tpu.memory_space<vmem>> -> memref<40xi32, #tpu.memory_space<vmem>>
      %dma_wait3A_614 = arith.constant 0 : i32
      %dma_wait3A_615 = tpu.memref_slice %arg2[%add3A, %add3A_608, %dma_wait3A_614] : memref<32x250x40xi32, #tpu.memory_space<hbm>> -> memref<1x1x40xi32, #tpu.memory_space<hbm>>
      %dma_wait3A_616 = tpu.memref_squeeze %dma_wait3A_615 : memref<1x1x40xi32, #tpu.memory_space<hbm>> -> memref<40xi32, #tpu.memory_space<hbm>>
      %dma_wait3A_617 = tpu.memref_slice %arg10[%dma_wait3A_610] : memref<10x!tpu.dma_semaphore, #tpu.memory_space<semaphore_mem>> -> memref<1x!tpu.dma_semaphore, #tpu.memory_space<semaphore_mem>>
      %dma_wait3A_618 = tpu.memref_squeeze %dma_wait3A_617 : memref<1x!tpu.dma_semaphore, #tpu.memory_space<semaphore_mem>> -> memref<!tpu.dma_semaphore, #tpu.memory_space<semaphore_mem>>
      %dma_wait3A_619 = arith.constant 0 : i32
      %dma_wait3A_620 = tpu.memref_slice %arg6[%dma_wait3A_609, %dma_wait3A_619] : memref<10x40xi32, #tpu.memory_space<vmem>> -> memref<1x40xi32, #tpu.memory_space<vmem>>
      %dma_wait3A_621 = tpu.memref_squeeze %dma_wait3A_620 : memref<1x40xi32, #tpu.memory_space<vmem>> -> memref<40xi32, #tpu.memory_space<vmem>>
      %dma_wait3A_622 = arith.constant 0 : i32
      %dma_wait3A_623 = tpu.memref_slice %arg2[%add3A, %add3A_608, %dma_wait3A_622] : memref<32x250x40xi32, #tpu.memory_space<hbm>> -> memref<1x1x40xi32, #tpu.memory_space<hbm>>
      %dma_wait3A_624 = tpu.memref_squeeze %dma_wait3A_623 : memref<1x1x40xi32, #tpu.memory_space<hbm>> -> memref<40xi32, #tpu.memory_space<hbm>>
      tpu.wait_dma2 semaphore(%dma_wait3A_618 : memref<!tpu.dma_semaphore, #tpu.memory_space<semaphore_mem>>) src(%dma_wait3A_624 : memref<40xi32, #tpu.memory_space<hbm>>) dst(%dma_wait3A_621 : memref<40xi32, #tpu.memory_space<vmem>>)
      %dma_wait3A_625 = arith.constant 5 : i32
      %dma_wait3A_626 = arith.constant 0 : i32
      %dma_wait3A_627 = tpu.memref_slice %arg3[%add3A, %add3A_608, %dma_wait3A_626] : memref<32x250x40xi32, #tpu.memory_space<hbm>> -> memref<1x1x40xi32, #tpu.memory_space<hbm>>
      %dma_wait3A_628 = tpu.memref_squeeze %dma_wait3A_627 : memref<1x1x40xi32, #tpu.memory_space<hbm>> -> memref<40xi32, #tpu.memory_space<hbm>>
      %dma_wait3A_629 = tpu.memref_slice %arg11[%dma_wait3A_625] : memref<10x!tpu.dma_semaphore, #tpu.memory_space<semaphore_mem>> -> memref<1x!tpu.dma_semaphore, #tpu.memory_space<semaphore_mem>>
      %dma_wait3A_630 = tpu.memref_squeeze %dma_wait3A_629 : memref<1x!tpu.dma_semaphore, #tpu.memory_space<semaphore_mem>> -> memref<!tpu.dma_semaphore, #tpu.memory_space<semaphore_mem>>
      %dma_wait3A_631 = arith.constant 0 : i32
      %dma_wait3A_632 = tpu.memref_slice %arg3[%add3A, %add3A_608, %dma_wait3A_631] : memref<32x250x40xi32, #tpu.memory_space<hbm>> -> memref<1x1x40xi32, #tpu.memory_space<hbm>>
      %dma_wait3A_633 = tpu.memref_squeeze %dma_wait3A_632 : memref<1x1x40xi32, #tpu.memory_space<hbm>> -> memref<40xi32, #tpu.memory_space<hbm>>
      tpu.wait_dma2 semaphore(%dma_wait3A_630 : memref<!tpu.dma_semaphore, #tpu.memory_space<semaphore_mem>>) src(%dma_wait3A_633 : memref<40xi32, #tpu.memory_space<hbm>>) dst(%arg19 : memref<40xi32, #tpu.memory_space<vmem>>)
      %dma_start3A_634 = arith.constant 5 : i32
      %dma_start3A_635 = arith.constant 0 : i32
      %dma_start3A_636 = arith.constant 0 : i32
      %dma_start3A_637 = arith.constant 0 : i32
      %dma_start3A_638 = arith.constant 0 : i32
      %dma_start3A_639 = tpu.memref_slice %arg7[%dma_start3A_635, %dma_start3A_637, %dma_start3A_638] : memref<5x40x128xf32, #tpu.memory_space<vmem>> -> memref<1x40x128xf32, #tpu.memory_space<vmem>>
      %dma_start3A_640 = tpu.memref_squeeze %dma_start3A_639 : memref<1x40x128xf32, #tpu.memory_space<vmem>> -> memref<40x128xf32, #tpu.memory_space<vmem>>
      %dma_start3A_641 = arith.constant 0 : i32
      %dma_start3A_642 = tpu.memref_slice %arg6[%dma_start3A_634, %dma_start3A_641] : memref<10x40xi32, #tpu.memory_space<vmem>> -> memref<1x40xi32, #tpu.memory_space<vmem>>
      %dma_start3A_643 = tpu.memref_squeeze %dma_start3A_642 : memref<1x40xi32, #tpu.memory_space<vmem>> -> memref<40xi32, #tpu.memory_space<vmem>>
      %dma_start3A_644 = arith.constant 0 : i32
      %dma_start3A_645 = arith.constant 0 : i32
      %dma_start3A_646 = tpu.memref_slice %arg4[%dma_start3A_644, %dma_start3A_645] : memref<10000x128xf32, #tpu.memory_space<hbm>> -> memref<10000x128xf32, #tpu.memory_space<hbm>>
      %dma_start3A_647 = tpu.memref_slice %arg12[%dma_start3A_636] : memref<5x!tpu.dma_semaphore, #tpu.memory_space<semaphore_mem>> -> memref<1x!tpu.dma_semaphore, #tpu.memory_space<semaphore_mem>>
      %dma_start3A_648 = tpu.memref_squeeze %dma_start3A_647 : memref<1x!tpu.dma_semaphore, #tpu.memory_space<semaphore_mem>> -> memref<!tpu.dma_semaphore, #tpu.memory_space<semaphore_mem>>
      tpu.enqueue_indirect_dma source(%dma_start3A_646 : memref<10000x128xf32, #tpu.memory_space<hbm>>) target(%dma_start3A_640 : memref<40x128xf32, #tpu.memory_space<vmem>>) offsets(%dma_start3A_643 : memref<40xi32, #tpu.memory_space<vmem>>) semaphore(%dma_start3A_648 : memref<!tpu.dma_semaphore, #tpu.memory_space<semaphore_mem>>)
      %mul3A_649 = arith.constant 10 : i32
      %mul3A_650 = arith.muli %scan3A_436, %mul3A_649 : i32
      %add3A_651 = arith.constant 2 : i32
      %add3A_652 = arith.addi %mul3A_650, %add3A_651 : i32
      %dma_wait3A_653 = arith.constant 2 : i32
      %dma_wait3A_654 = arith.constant 2 : i32
      %dma_wait3A_655 = arith.constant 2 : i32
      %dma_wait3A_656 = arith.constant 0 : i32
      %dma_wait3A_657 = arith.constant 0 : i32
      %dma_wait3A_658 = tpu.memref_slice %arg7[%dma_wait3A_654, %dma_wait3A_656, %dma_wait3A_657] : memref<5x40x128xf32, #tpu.memory_space<vmem>> -> memref<1x40x128xf32, #tpu.memory_space<vmem>>
      %dma_wait3A_659 = tpu.memref_squeeze %dma_wait3A_658 : memref<1x40x128xf32, #tpu.memory_space<vmem>> -> memref<40x128xf32, #tpu.memory_space<vmem>>
      %dma_wait3A_660 = arith.constant 0 : i32
      %dma_wait3A_661 = tpu.memref_slice %arg6[%dma_wait3A_653, %dma_wait3A_660] : memref<10x40xi32, #tpu.memory_space<vmem>> -> memref<1x40xi32, #tpu.memory_space<vmem>>
      %dma_wait3A_662 = tpu.memref_squeeze %dma_wait3A_661 : memref<1x40xi32, #tpu.memory_space<vmem>> -> memref<40xi32, #tpu.memory_space<vmem>>
      %dma_wait3A_663 = arith.constant 0 : i32
      %dma_wait3A_664 = arith.constant 0 : i32
      %dma_wait3A_665 = tpu.memref_slice %arg4[%dma_wait3A_663, %dma_wait3A_664] : memref<10000x128xf32, #tpu.memory_space<hbm>> -> memref<10000x128xf32, #tpu.memory_space<hbm>>
      %dma_wait3A_666 = tpu.memref_slice %arg12[%dma_wait3A_655] : memref<5x!tpu.dma_semaphore, #tpu.memory_space<semaphore_mem>> -> memref<1x!tpu.dma_semaphore, #tpu.memory_space<semaphore_mem>>
      %dma_wait3A_667 = tpu.memref_squeeze %dma_wait3A_666 : memref<1x!tpu.dma_semaphore, #tpu.memory_space<semaphore_mem>> -> memref<!tpu.dma_semaphore, #tpu.memory_space<semaphore_mem>>
      tpu.wait_indirect_dma semaphore(%dma_wait3A_667 : memref<!tpu.dma_semaphore, #tpu.memory_space<semaphore_mem>>) src(%dma_wait3A_665 : memref<10000x128xf32, #tpu.memory_space<hbm>>) dst(%dma_wait3A_659 : memref<40x128xf32, #tpu.memory_space<vmem>>)
      %dma_start3A_668 = arith.constant 2 : i32
      %dma_start3A_669 = arith.constant 2 : i32
      %dma_start3A_670 = arith.constant 0 : i32
      %dma_start3A_671 = arith.constant 0 : i32
      %dma_start3A_672 = tpu.memref_slice %arg7[%dma_start3A_668, %dma_start3A_670, %dma_start3A_671] : memref<5x40x128xf32, #tpu.memory_space<vmem>> -> memref<1x40x128xf32, #tpu.memory_space<vmem>>
      %dma_start3A_673 = tpu.memref_squeeze %dma_start3A_672 : memref<1x40x128xf32, #tpu.memory_space<vmem>> -> memref<40x128xf32, #tpu.memory_space<vmem>>
      %dma_start3A_674 = arith.constant 0 : i32
      %dma_start3A_675 = arith.constant 0 : i32
      %dma_start3A_676 = tpu.memref_slice %arg9[%dma_start3A_674, %dma_start3A_675] : memref<10240x128xf32, #tpu.memory_space<vmem_shared>> -> memref<10240x128xf32, #tpu.memory_space<vmem_shared>>
      %dma_start3A_677 = tpu.memref_slice %arg13[%dma_start3A_669] : memref<5x!tpu.dma_semaphore, #tpu.memory_space<semaphore_mem>> -> memref<1x!tpu.dma_semaphore, #tpu.memory_space<semaphore_mem>>
      %dma_start3A_678 = tpu.memref_squeeze %dma_start3A_677 : memref<1x!tpu.dma_semaphore, #tpu.memory_space<semaphore_mem>> -> memref<!tpu.dma_semaphore, #tpu.memory_space<semaphore_mem>>
      tpu.enqueue_indirect_dma source(%dma_start3A_673 : memref<40x128xf32, #tpu.memory_space<vmem>>) target(%dma_start3A_676 : memref<10240x128xf32, #tpu.memory_space<vmem_shared>>) offsets(%arg16 : memref<40xi32, #tpu.memory_space<vmem>>) semaphore(%dma_start3A_678 : memref<!tpu.dma_semaphore, #tpu.memory_space<semaphore_mem>>) {add = true}
      %dma_wait3A_679 = arith.constant 1 : i32
      %dma_wait3A_680 = arith.constant 1 : i32
      %dma_wait3A_681 = arith.constant 0 : i32
      %dma_wait3A_682 = arith.constant 0 : i32
      %dma_wait3A_683 = tpu.memref_slice %arg7[%dma_wait3A_679, %dma_wait3A_681, %dma_wait3A_682] : memref<5x40x128xf32, #tpu.memory_space<vmem>> -> memref<1x40x128xf32, #tpu.memory_space<vmem>>
      %dma_wait3A_684 = tpu.memref_squeeze %dma_wait3A_683 : memref<1x40x128xf32, #tpu.memory_space<vmem>> -> memref<40x128xf32, #tpu.memory_space<vmem>>
      %dma_wait3A_685 = arith.constant 0 : i32
      %dma_wait3A_686 = arith.constant 0 : i32
      %dma_wait3A_687 = tpu.memref_slice %arg9[%dma_wait3A_685, %dma_wait3A_686] : memref<10240x128xf32, #tpu.memory_space<vmem_shared>> -> memref<10240x128xf32, #tpu.memory_space<vmem_shared>>
      %dma_wait3A_688 = tpu.memref_slice %arg13[%dma_wait3A_680] : memref<5x!tpu.dma_semaphore, #tpu.memory_space<semaphore_mem>> -> memref<1x!tpu.dma_semaphore, #tpu.memory_space<semaphore_mem>>
      %dma_wait3A_689 = tpu.memref_squeeze %dma_wait3A_688 : memref<1x!tpu.dma_semaphore, #tpu.memory_space<semaphore_mem>> -> memref<!tpu.dma_semaphore, #tpu.memory_space<semaphore_mem>>
      tpu.wait_indirect_dma semaphore(%dma_wait3A_689 : memref<!tpu.dma_semaphore, #tpu.memory_space<semaphore_mem>>) src(%dma_wait3A_684 : memref<40x128xf32, #tpu.memory_space<vmem>>) dst(%dma_wait3A_687 : memref<10240x128xf32, #tpu.memory_space<vmem_shared>>)
      %add3A_690 = arith.constant 7 : i32
      %add3A_691 = arith.addi %add3A_652, %add3A_690 : i32
      %dma_start3A_692 = arith.constant 9 : i32
      %dma_start3A_693 = arith.constant 9 : i32
      %dma_start3A_694 = arith.constant 0 : i32
      %dma_start3A_695 = tpu.memref_slice %arg6[%dma_start3A_692, %dma_start3A_694] : memref<10x40xi32, #tpu.memory_space<vmem>> -> memref<1x40xi32, #tpu.memory_space<vmem>>
      %dma_start3A_696 = tpu.memref_squeeze %dma_start3A_695 : memref<1x40xi32, #tpu.memory_space<vmem>> -> memref<40xi32, #tpu.memory_space<vmem>>
      %dma_start3A_697 = arith.constant 0 : i32
      %dma_start3A_698 = tpu.memref_slice %arg2[%add3A, %add3A_691, %dma_start3A_697] : memref<32x250x40xi32, #tpu.memory_space<hbm>> -> memref<1x1x40xi32, #tpu.memory_space<hbm>>
      %dma_start3A_699 = tpu.memref_squeeze %dma_start3A_698 : memref<1x1x40xi32, #tpu.memory_space<hbm>> -> memref<40xi32, #tpu.memory_space<hbm>>
      %dma_start3A_700 = tpu.memref_slice %arg10[%dma_start3A_693] : memref<10x!tpu.dma_semaphore, #tpu.memory_space<semaphore_mem>> -> memref<1x!tpu.dma_semaphore, #tpu.memory_space<semaphore_mem>>
      %dma_start3A_701 = tpu.memref_squeeze %dma_start3A_700 : memref<1x!tpu.dma_semaphore, #tpu.memory_space<semaphore_mem>> -> memref<!tpu.dma_semaphore, #tpu.memory_space<semaphore_mem>>
      %dma_start3A_702 = arith.constant 0 : i32
      %dma_start3A_703 = tpu.memref_slice %arg6[%dma_start3A_692, %dma_start3A_702] : memref<10x40xi32, #tpu.memory_space<vmem>> -> memref<1x40xi32, #tpu.memory_space<vmem>>
      %dma_start3A_704 = tpu.memref_squeeze %dma_start3A_703 : memref<1x40xi32, #tpu.memory_space<vmem>> -> memref<40xi32, #tpu.memory_space<vmem>>
      %dma_start3A_705 = arith.constant 0 : i32
      %dma_start3A_706 = tpu.memref_slice %arg2[%add3A, %add3A_691, %dma_start3A_705] : memref<32x250x40xi32, #tpu.memory_space<hbm>> -> memref<1x1x40xi32, #tpu.memory_space<hbm>>
      %dma_start3A_707 = tpu.memref_squeeze %dma_start3A_706 : memref<1x1x40xi32, #tpu.memory_space<hbm>> -> memref<40xi32, #tpu.memory_space<hbm>>
      tpu.enqueue_dma source(%dma_start3A_707 : memref<40xi32, #tpu.memory_space<hbm>>) target(%dma_start3A_704 : memref<40xi32, #tpu.memory_space<vmem>>) target_semaphore(%dma_start3A_701 : memref<!tpu.dma_semaphore, #tpu.memory_space<semaphore_mem>>)
      %dma_start3A_708 = arith.constant 9 : i32
      %dma_start3A_709 = arith.constant 0 : i32
      %dma_start3A_710 = tpu.memref_slice %arg3[%add3A, %add3A_691, %dma_start3A_709] : memref<32x250x40xi32, #tpu.memory_space<hbm>> -> memref<1x1x40xi32, #tpu.memory_space<hbm>>
      %dma_start3A_711 = tpu.memref_squeeze %dma_start3A_710 : memref<1x1x40xi32, #tpu.memory_space<hbm>> -> memref<40xi32, #tpu.memory_space<hbm>>
      %dma_start3A_712 = tpu.memref_slice %arg11[%dma_start3A_708] : memref<10x!tpu.dma_semaphore, #tpu.memory_space<semaphore_mem>> -> memref<1x!tpu.dma_semaphore, #tpu.memory_space<semaphore_mem>>
      %dma_start3A_713 = tpu.memref_squeeze %dma_start3A_712 : memref<1x!tpu.dma_semaphore, #tpu.memory_space<semaphore_mem>> -> memref<!tpu.dma_semaphore, #tpu.memory_space<semaphore_mem>>
      %dma_start3A_714 = arith.constant 0 : i32
      %dma_start3A_715 = tpu.memref_slice %arg3[%add3A, %add3A_691, %dma_start3A_714] : memref<32x250x40xi32, #tpu.memory_space<hbm>> -> memref<1x1x40xi32, #tpu.memory_space<hbm>>
      %dma_start3A_716 = tpu.memref_squeeze %dma_start3A_715 : memref<1x1x40xi32, #tpu.memory_space<hbm>> -> memref<40xi32, #tpu.memory_space<hbm>>
      tpu.enqueue_dma source(%dma_start3A_716 : memref<40xi32, #tpu.memory_space<hbm>>) target(%arg23 : memref<40xi32, #tpu.memory_space<vmem>>) target_semaphore(%dma_start3A_713 : memref<!tpu.dma_semaphore, #tpu.memory_space<semaphore_mem>>)
      %add3A_717 = arith.constant 4 : i32
      %add3A_718 = arith.addi %add3A_652, %add3A_717 : i32
      %dma_wait3A_719 = arith.constant 6 : i32
      %dma_wait3A_720 = arith.constant 6 : i32
      %dma_wait3A_721 = arith.constant 0 : i32
      %dma_wait3A_722 = tpu.memref_slice %arg6[%dma_wait3A_719, %dma_wait3A_721] : memref<10x40xi32, #tpu.memory_space<vmem>> -> memref<1x40xi32, #tpu.memory_space<vmem>>
      %dma_wait3A_723 = tpu.memref_squeeze %dma_wait3A_722 : memref<1x40xi32, #tpu.memory_space<vmem>> -> memref<40xi32, #tpu.memory_space<vmem>>
      %dma_wait3A_724 = arith.constant 0 : i32
      %dma_wait3A_725 = tpu.memref_slice %arg2[%add3A, %add3A_718, %dma_wait3A_724] : memref<32x250x40xi32, #tpu.memory_space<hbm>> -> memref<1x1x40xi32, #tpu.memory_space<hbm>>
      %dma_wait3A_726 = tpu.memref_squeeze %dma_wait3A_725 : memref<1x1x40xi32, #tpu.memory_space<hbm>> -> memref<40xi32, #tpu.memory_space<hbm>>
      %dma_wait3A_727 = tpu.memref_slice %arg10[%dma_wait3A_720] : memref<10x!tpu.dma_semaphore, #tpu.memory_space<semaphore_mem>> -> memref<1x!tpu.dma_semaphore, #tpu.memory_space<semaphore_mem>>
      %dma_wait3A_728 = tpu.memref_squeeze %dma_wait3A_727 : memref<1x!tpu.dma_semaphore, #tpu.memory_space<semaphore_mem>> -> memref<!tpu.dma_semaphore, #tpu.memory_space<semaphore_mem>>
      %dma_wait3A_729 = arith.constant 0 : i32
      %dma_wait3A_730 = tpu.memref_slice %arg6[%dma_wait3A_719, %dma_wait3A_729] : memref<10x40xi32, #tpu.memory_space<vmem>> -> memref<1x40xi32, #tpu.memory_space<vmem>>
      %dma_wait3A_731 = tpu.memref_squeeze %dma_wait3A_730 : memref<1x40xi32, #tpu.memory_space<vmem>> -> memref<40xi32, #tpu.memory_space<vmem>>
      %dma_wait3A_732 = arith.constant 0 : i32
      %dma_wait3A_733 = tpu.memref_slice %arg2[%add3A, %add3A_718, %dma_wait3A_732] : memref<32x250x40xi32, #tpu.memory_space<hbm>> -> memref<1x1x40xi32, #tpu.memory_space<hbm>>
      %dma_wait3A_734 = tpu.memref_squeeze %dma_wait3A_733 : memref<1x1x40xi32, #tpu.memory_space<hbm>> -> memref<40xi32, #tpu.memory_space<hbm>>
      tpu.wait_dma2 semaphore(%dma_wait3A_728 : memref<!tpu.dma_semaphore, #tpu.memory_space<semaphore_mem>>) src(%dma_wait3A_734 : memref<40xi32, #tpu.memory_space<hbm>>) dst(%dma_wait3A_731 : memref<40xi32, #tpu.memory_space<vmem>>)
      %dma_wait3A_735 = arith.constant 6 : i32
      %dma_wait3A_736 = arith.constant 0 : i32
      %dma_wait3A_737 = tpu.memref_slice %arg3[%add3A, %add3A_718, %dma_wait3A_736] : memref<32x250x40xi32, #tpu.memory_space<hbm>> -> memref<1x1x40xi32, #tpu.memory_space<hbm>>
      %dma_wait3A_738 = tpu.memref_squeeze %dma_wait3A_737 : memref<1x1x40xi32, #tpu.memory_space<hbm>> -> memref<40xi32, #tpu.memory_space<hbm>>
      %dma_wait3A_739 = tpu.memref_slice %arg11[%dma_wait3A_735] : memref<10x!tpu.dma_semaphore, #tpu.memory_space<semaphore_mem>> -> memref<1x!tpu.dma_semaphore, #tpu.memory_space<semaphore_mem>>
      %dma_wait3A_740 = tpu.memref_squeeze %dma_wait3A_739 : memref<1x!tpu.dma_semaphore, #tpu.memory_space<semaphore_mem>> -> memref<!tpu.dma_semaphore, #tpu.memory_space<semaphore_mem>>
      %dma_wait3A_741 = arith.constant 0 : i32
      %dma_wait3A_742 = tpu.memref_slice %arg3[%add3A, %add3A_718, %dma_wait3A_741] : memref<32x250x40xi32, #tpu.memory_space<hbm>> -> memref<1x1x40xi32, #tpu.memory_space<hbm>>
      %dma_wait3A_743 = tpu.memref_squeeze %dma_wait3A_742 : memref<1x1x40xi32, #tpu.memory_space<hbm>> -> memref<40xi32, #tpu.memory_space<hbm>>
      tpu.wait_dma2 semaphore(%dma_wait3A_740 : memref<!tpu.dma_semaphore, #tpu.memory_space<semaphore_mem>>) src(%dma_wait3A_743 : memref<40xi32, #tpu.memory_space<hbm>>) dst(%arg20 : memref<40xi32, #tpu.memory_space<vmem>>)
      %dma_start3A_744 = arith.constant 6 : i32
      %dma_start3A_745 = arith.constant 1 : i32
      %dma_start3A_746 = arith.constant 1 : i32
      %dma_start3A_747 = arith.constant 0 : i32
      %dma_start3A_748 = arith.constant 0 : i32
      %dma_start3A_749 = tpu.memref_slice %arg7[%dma_start3A_745, %dma_start3A_747, %dma_start3A_748] : memref<5x40x128xf32, #tpu.memory_space<vmem>> -> memref<1x40x128xf32, #tpu.memory_space<vmem>>
      %dma_start3A_750 = tpu.memref_squeeze %dma_start3A_749 : memref<1x40x128xf32, #tpu.memory_space<vmem>> -> memref<40x128xf32, #tpu.memory_space<vmem>>
      %dma_start3A_751 = arith.constant 0 : i32
      %dma_start3A_752 = tpu.memref_slice %arg6[%dma_start3A_744, %dma_start3A_751] : memref<10x40xi32, #tpu.memory_space<vmem>> -> memref<1x40xi32, #tpu.memory_space<vmem>>
      %dma_start3A_753 = tpu.memref_squeeze %dma_start3A_752 : memref<1x40xi32, #tpu.memory_space<vmem>> -> memref<40xi32, #tpu.memory_space<vmem>>
      %dma_start3A_754 = arith.constant 0 : i32
      %dma_start3A_755 = arith.constant 0 : i32
      %dma_start3A_756 = tpu.memref_slice %arg4[%dma_start3A_754, %dma_start3A_755] : memref<10000x128xf32, #tpu.memory_space<hbm>> -> memref<10000x128xf32, #tpu.memory_space<hbm>>
      %dma_start3A_757 = tpu.memref_slice %arg12[%dma_start3A_746] : memref<5x!tpu.dma_semaphore, #tpu.memory_space<semaphore_mem>> -> memref<1x!tpu.dma_semaphore, #tpu.memory_space<semaphore_mem>>
      %dma_start3A_758 = tpu.memref_squeeze %dma_start3A_757 : memref<1x!tpu.dma_semaphore, #tpu.memory_space<semaphore_mem>> -> memref<!tpu.dma_semaphore, #tpu.memory_space<semaphore_mem>>
      tpu.enqueue_indirect_dma source(%dma_start3A_756 : memref<10000x128xf32, #tpu.memory_space<hbm>>) target(%dma_start3A_750 : memref<40x128xf32, #tpu.memory_space<vmem>>) offsets(%dma_start3A_753 : memref<40xi32, #tpu.memory_space<vmem>>) semaphore(%dma_start3A_758 : memref<!tpu.dma_semaphore, #tpu.memory_space<semaphore_mem>>)
      %mul3A_759 = arith.constant 10 : i32
      %mul3A_760 = arith.muli %scan3A_436, %mul3A_759 : i32
      %add3A_761 = arith.constant 3 : i32
      %add3A_762 = arith.addi %mul3A_760, %add3A_761 : i32
      %dma_wait3A_763 = arith.constant 3 : i32
      %dma_wait3A_764 = arith.constant 3 : i32
      %dma_wait3A_765 = arith.constant 3 : i32
      %dma_wait3A_766 = arith.constant 0 : i32
      %dma_wait3A_767 = arith.constant 0 : i32
      %dma_wait3A_768 = tpu.memref_slice %arg7[%dma_wait3A_764, %dma_wait3A_766, %dma_wait3A_767] : memref<5x40x128xf32, #tpu.memory_space<vmem>> -> memref<1x40x128xf32, #tpu.memory_space<vmem>>
      %dma_wait3A_769 = tpu.memref_squeeze %dma_wait3A_768 : memref<1x40x128xf32, #tpu.memory_space<vmem>> -> memref<40x128xf32, #tpu.memory_space<vmem>>
      %dma_wait3A_770 = arith.constant 0 : i32
      %dma_wait3A_771 = tpu.memref_slice %arg6[%dma_wait3A_763, %dma_wait3A_770] : memref<10x40xi32, #tpu.memory_space<vmem>> -> memref<1x40xi32, #tpu.memory_space<vmem>>
      %dma_wait3A_772 = tpu.memref_squeeze %dma_wait3A_771 : memref<1x40xi32, #tpu.memory_space<vmem>> -> memref<40xi32, #tpu.memory_space<vmem>>
      %dma_wait3A_773 = arith.constant 0 : i32
      %dma_wait3A_774 = arith.constant 0 : i32
      %dma_wait3A_775 = tpu.memref_slice %arg4[%dma_wait3A_773, %dma_wait3A_774] : memref<10000x128xf32, #tpu.memory_space<hbm>> -> memref<10000x128xf32, #tpu.memory_space<hbm>>
      %dma_wait3A_776 = tpu.memref_slice %arg12[%dma_wait3A_765] : memref<5x!tpu.dma_semaphore, #tpu.memory_space<semaphore_mem>> -> memref<1x!tpu.dma_semaphore, #tpu.memory_space<semaphore_mem>>
      %dma_wait3A_777 = tpu.memref_squeeze %dma_wait3A_776 : memref<1x!tpu.dma_semaphore, #tpu.memory_space<semaphore_mem>> -> memref<!tpu.dma_semaphore, #tpu.memory_space<semaphore_mem>>
      tpu.wait_indirect_dma semaphore(%dma_wait3A_777 : memref<!tpu.dma_semaphore, #tpu.memory_space<semaphore_mem>>) src(%dma_wait3A_775 : memref<10000x128xf32, #tpu.memory_space<hbm>>) dst(%dma_wait3A_769 : memref<40x128xf32, #tpu.memory_space<vmem>>)
      %dma_start3A_778 = arith.constant 3 : i32
      %dma_start3A_779 = arith.constant 3 : i32
      %dma_start3A_780 = arith.constant 0 : i32
      %dma_start3A_781 = arith.constant 0 : i32
      %dma_start3A_782 = tpu.memref_slice %arg7[%dma_start3A_778, %dma_start3A_780, %dma_start3A_781] : memref<5x40x128xf32, #tpu.memory_space<vmem>> -> memref<1x40x128xf32, #tpu.memory_space<vmem>>
      %dma_start3A_783 = tpu.memref_squeeze %dma_start3A_782 : memref<1x40x128xf32, #tpu.memory_space<vmem>> -> memref<40x128xf32, #tpu.memory_space<vmem>>
      %dma_start3A_784 = arith.constant 0 : i32
      %dma_start3A_785 = arith.constant 0 : i32
      %dma_start3A_786 = tpu.memref_slice %arg9[%dma_start3A_784, %dma_start3A_785] : memref<10240x128xf32, #tpu.memory_space<vmem_shared>> -> memref<10240x128xf32, #tpu.memory_space<vmem_shared>>
      %dma_start3A_787 = tpu.memref_slice %arg13[%dma_start3A_779] : memref<5x!tpu.dma_semaphore, #tpu.memory_space<semaphore_mem>> -> memref<1x!tpu.dma_semaphore, #tpu.memory_space<semaphore_mem>>
      %dma_start3A_788 = tpu.memref_squeeze %dma_start3A_787 : memref<1x!tpu.dma_semaphore, #tpu.memory_space<semaphore_mem>> -> memref<!tpu.dma_semaphore, #tpu.memory_space<semaphore_mem>>
      tpu.enqueue_indirect_dma source(%dma_start3A_783 : memref<40x128xf32, #tpu.memory_space<vmem>>) target(%dma_start3A_786 : memref<10240x128xf32, #tpu.memory_space<vmem_shared>>) offsets(%arg17 : memref<40xi32, #tpu.memory_space<vmem>>) semaphore(%dma_start3A_788 : memref<!tpu.dma_semaphore, #tpu.memory_space<semaphore_mem>>) {add = true}
      %dma_wait3A_789 = arith.constant 2 : i32
      %dma_wait3A_790 = arith.constant 2 : i32
      %dma_wait3A_791 = arith.constant 0 : i32
      %dma_wait3A_792 = arith.constant 0 : i32
      %dma_wait3A_793 = tpu.memref_slice %arg7[%dma_wait3A_789, %dma_wait3A_791, %dma_wait3A_792] : memref<5x40x128xf32, #tpu.memory_space<vmem>> -> memref<1x40x128xf32, #tpu.memory_space<vmem>>
      %dma_wait3A_794 = tpu.memref_squeeze %dma_wait3A_793 : memref<1x40x128xf32, #tpu.memory_space<vmem>> -> memref<40x128xf32, #tpu.memory_space<vmem>>
      %dma_wait3A_795 = arith.constant 0 : i32
      %dma_wait3A_796 = arith.constant 0 : i32
      %dma_wait3A_797 = tpu.memref_slice %arg9[%dma_wait3A_795, %dma_wait3A_796] : memref<10240x128xf32, #tpu.memory_space<vmem_shared>> -> memref<10240x128xf32, #tpu.memory_space<vmem_shared>>
      %dma_wait3A_798 = tpu.memref_slice %arg13[%dma_wait3A_790] : memref<5x!tpu.dma_semaphore, #tpu.memory_space<semaphore_mem>> -> memref<1x!tpu.dma_semaphore, #tpu.memory_space<semaphore_mem>>
      %dma_wait3A_799 = tpu.memref_squeeze %dma_wait3A_798 : memref<1x!tpu.dma_semaphore, #tpu.memory_space<semaphore_mem>> -> memref<!tpu.dma_semaphore, #tpu.memory_space<semaphore_mem>>
      tpu.wait_indirect_dma semaphore(%dma_wait3A_799 : memref<!tpu.dma_semaphore, #tpu.memory_space<semaphore_mem>>) src(%dma_wait3A_794 : memref<40x128xf32, #tpu.memory_space<vmem>>) dst(%dma_wait3A_797 : memref<10240x128xf32, #tpu.memory_space<vmem_shared>>)
      %lt3A = arith.constant 24 : i32
      %lt3A_800 = arith.cmpi slt, %scan3A_436, %lt3A : i32
      %convert_element_type3A_801 = arith.extui %lt3A_800 : i1 to i32
      %cond3A_802 = arith.constant 0 : i32
      %cond3A_803 = arith.cmpi ne, %convert_element_type3A_801, %cond3A_802 : i32
      scf.if %cond3A_803 {
        %add3A_1163 = arith.constant 7 : i32
        %add3A_1164 = arith.addi %add3A_762, %add3A_1163 : i32
        %dma_start3A_1165 = arith.constant 0 : i32
        %dma_start3A_1166 = arith.constant 0 : i32
        %dma_start3A_1167 = arith.constant 0 : i32
        %dma_start3A_1168 = tpu.memref_slice %arg6[%dma_start3A_1165, %dma_start3A_1167] : memref<10x40xi32, #tpu.memory_space<vmem>> -> memref<1x40xi32, #tpu.memory_space<vmem>>
        %dma_start3A_1169 = tpu.memref_squeeze %dma_start3A_1168 : memref<1x40xi32, #tpu.memory_space<vmem>> -> memref<40xi32, #tpu.memory_space<vmem>>
        %dma_start3A_1170 = arith.constant 0 : i32
        %dma_start3A_1171 = tpu.memref_slice %arg2[%add3A, %add3A_1164, %dma_start3A_1170] : memref<32x250x40xi32, #tpu.memory_space<hbm>> -> memref<1x1x40xi32, #tpu.memory_space<hbm>>
        %dma_start3A_1172 = tpu.memref_squeeze %dma_start3A_1171 : memref<1x1x40xi32, #tpu.memory_space<hbm>> -> memref<40xi32, #tpu.memory_space<hbm>>
        %dma_start3A_1173 = tpu.memref_slice %arg10[%dma_start3A_1166] : memref<10x!tpu.dma_semaphore, #tpu.memory_space<semaphore_mem>> -> memref<1x!tpu.dma_semaphore, #tpu.memory_space<semaphore_mem>>
        %dma_start3A_1174 = tpu.memref_squeeze %dma_start3A_1173 : memref<1x!tpu.dma_semaphore, #tpu.memory_space<semaphore_mem>> -> memref<!tpu.dma_semaphore, #tpu.memory_space<semaphore_mem>>
        %dma_start3A_1175 = arith.constant 0 : i32
        %dma_start3A_1176 = tpu.memref_slice %arg6[%dma_start3A_1165, %dma_start3A_1175] : memref<10x40xi32, #tpu.memory_space<vmem>> -> memref<1x40xi32, #tpu.memory_space<vmem>>
        %dma_start3A_1177 = tpu.memref_squeeze %dma_start3A_1176 : memref<1x40xi32, #tpu.memory_space<vmem>> -> memref<40xi32, #tpu.memory_space<vmem>>
        %dma_start3A_1178 = arith.constant 0 : i32
        %dma_start3A_1179 = tpu.memref_slice %arg2[%add3A, %add3A_1164, %dma_start3A_1178] : memref<32x250x40xi32, #tpu.memory_space<hbm>> -> memref<1x1x40xi32, #tpu.memory_space<hbm>>
        %dma_start3A_1180 = tpu.memref_squeeze %dma_start3A_1179 : memref<1x1x40xi32, #tpu.memory_space<hbm>> -> memref<40xi32, #tpu.memory_space<hbm>>
        tpu.enqueue_dma source(%dma_start3A_1180 : memref<40xi32, #tpu.memory_space<hbm>>) target(%dma_start3A_1177 : memref<40xi32, #tpu.memory_space<vmem>>) target_semaphore(%dma_start3A_1174 : memref<!tpu.dma_semaphore, #tpu.memory_space<semaphore_mem>>)
        %dma_start3A_1181 = arith.constant 0 : i32
        %dma_start3A_1182 = arith.constant 0 : i32
        %dma_start3A_1183 = tpu.memref_slice %arg3[%add3A, %add3A_1164, %dma_start3A_1182] : memref<32x250x40xi32, #tpu.memory_space<hbm>> -> memref<1x1x40xi32, #tpu.memory_space<hbm>>
        %dma_start3A_1184 = tpu.memref_squeeze %dma_start3A_1183 : memref<1x1x40xi32, #tpu.memory_space<hbm>> -> memref<40xi32, #tpu.memory_space<hbm>>
        %dma_start3A_1185 = tpu.memref_slice %arg11[%dma_start3A_1181] : memref<10x!tpu.dma_semaphore, #tpu.memory_space<semaphore_mem>> -> memref<1x!tpu.dma_semaphore, #tpu.memory_space<semaphore_mem>>
        %dma_start3A_1186 = tpu.memref_squeeze %dma_start3A_1185 : memref<1x!tpu.dma_semaphore, #tpu.memory_space<semaphore_mem>> -> memref<!tpu.dma_semaphore, #tpu.memory_space<semaphore_mem>>
        %dma_start3A_1187 = arith.constant 0 : i32
        %dma_start3A_1188 = tpu.memref_slice %arg3[%add3A, %add3A_1164, %dma_start3A_1187] : memref<32x250x40xi32, #tpu.memory_space<hbm>> -> memref<1x1x40xi32, #tpu.memory_space<hbm>>
        %dma_start3A_1189 = tpu.memref_squeeze %dma_start3A_1188 : memref<1x1x40xi32, #tpu.memory_space<hbm>> -> memref<40xi32, #tpu.memory_space<hbm>>
        tpu.enqueue_dma source(%dma_start3A_1189 : memref<40xi32, #tpu.memory_space<hbm>>) target(%arg14 : memref<40xi32, #tpu.memory_space<vmem>>) target_semaphore(%dma_start3A_1186 : memref<!tpu.dma_semaphore, #tpu.memory_space<semaphore_mem>>)
      } else {
      }
      %add3A_804 = arith.constant 4 : i32
      %add3A_805 = arith.addi %add3A_762, %add3A_804 : i32
      %dma_wait3A_806 = arith.constant 7 : i32
      %dma_wait3A_807 = arith.constant 7 : i32
      %dma_wait3A_808 = arith.constant 0 : i32
      %dma_wait3A_809 = tpu.memref_slice %arg6[%dma_wait3A_806, %dma_wait3A_808] : memref<10x40xi32, #tpu.memory_space<vmem>> -> memref<1x40xi32, #tpu.memory_space<vmem>>
      %dma_wait3A_810 = tpu.memref_squeeze %dma_wait3A_809 : memref<1x40xi32, #tpu.memory_space<vmem>> -> memref<40xi32, #tpu.memory_space<vmem>>
      %dma_wait3A_811 = arith.constant 0 : i32
      %dma_wait3A_812 = tpu.memref_slice %arg2[%add3A, %add3A_805, %dma_wait3A_811] : memref<32x250x40xi32, #tpu.memory_space<hbm>> -> memref<1x1x40xi32, #tpu.memory_space<hbm>>
      %dma_wait3A_813 = tpu.memref_squeeze %dma_wait3A_812 : memref<1x1x40xi32, #tpu.memory_space<hbm>> -> memref<40xi32, #tpu.memory_space<hbm>>
      %dma_wait3A_814 = tpu.memref_slice %arg10[%dma_wait3A_807] : memref<10x!tpu.dma_semaphore, #tpu.memory_space<semaphore_mem>> -> memref<1x!tpu.dma_semaphore, #tpu.memory_space<semaphore_mem>>
      %dma_wait3A_815 = tpu.memref_squeeze %dma_wait3A_814 : memref<1x!tpu.dma_semaphore, #tpu.memory_space<semaphore_mem>> -> memref<!tpu.dma_semaphore, #tpu.memory_space<semaphore_mem>>
      %dma_wait3A_816 = arith.constant 0 : i32
      %dma_wait3A_817 = tpu.memref_slice %arg6[%dma_wait3A_806, %dma_wait3A_816] : memref<10x40xi32, #tpu.memory_space<vmem>> -> memref<1x40xi32, #tpu.memory_space<vmem>>
      %dma_wait3A_818 = tpu.memref_squeeze %dma_wait3A_817 : memref<1x40xi32, #tpu.memory_space<vmem>> -> memref<40xi32, #tpu.memory_space<vmem>>
      %dma_wait3A_819 = arith.constant 0 : i32
      %dma_wait3A_820 = tpu.memref_slice %arg2[%add3A, %add3A_805, %dma_wait3A_819] : memref<32x250x40xi32, #tpu.memory_space<hbm>> -> memref<1x1x40xi32, #tpu.memory_space<hbm>>
      %dma_wait3A_821 = tpu.memref_squeeze %dma_wait3A_820 : memref<1x1x40xi32, #tpu.memory_space<hbm>> -> memref<40xi32, #tpu.memory_space<hbm>>
      tpu.wait_dma2 semaphore(%dma_wait3A_815 : memref<!tpu.dma_semaphore, #tpu.memory_space<semaphore_mem>>) src(%dma_wait3A_821 : memref<40xi32, #tpu.memory_space<hbm>>) dst(%dma_wait3A_818 : memref<40xi32, #tpu.memory_space<vmem>>)
      %dma_wait3A_822 = arith.constant 7 : i32
      %dma_wait3A_823 = arith.constant 0 : i32
      %dma_wait3A_824 = tpu.memref_slice %arg3[%add3A, %add3A_805, %dma_wait3A_823] : memref<32x250x40xi32, #tpu.memory_space<hbm>> -> memref<1x1x40xi32, #tpu.memory_space<hbm>>
      %dma_wait3A_825 = tpu.memref_squeeze %dma_wait3A_824 : memref<1x1x40xi32, #tpu.memory_space<hbm>> -> memref<40xi32, #tpu.memory_space<hbm>>
      %dma_wait3A_826 = tpu.memref_slice %arg11[%dma_wait3A_822] : memref<10x!tpu.dma_semaphore, #tpu.memory_space<semaphore_mem>> -> memref<1x!tpu.dma_semaphore, #tpu.memory_space<semaphore_mem>>
      %dma_wait3A_827 = tpu.memref_squeeze %dma_wait3A_826 : memref<1x!tpu.dma_semaphore, #tpu.memory_space<semaphore_mem>> -> memref<!tpu.dma_semaphore, #tpu.memory_space<semaphore_mem>>
      %dma_wait3A_828 = arith.constant 0 : i32
      %dma_wait3A_829 = tpu.memref_slice %arg3[%add3A, %add3A_805, %dma_wait3A_828] : memref<32x250x40xi32, #tpu.memory_space<hbm>> -> memref<1x1x40xi32, #tpu.memory_space<hbm>>
      %dma_wait3A_830 = tpu.memref_squeeze %dma_wait3A_829 : memref<1x1x40xi32, #tpu.memory_space<hbm>> -> memref<40xi32, #tpu.memory_space<hbm>>
      tpu.wait_dma2 semaphore(%dma_wait3A_827 : memref<!tpu.dma_semaphore, #tpu.memory_space<semaphore_mem>>) src(%dma_wait3A_830 : memref<40xi32, #tpu.memory_space<hbm>>) dst(%arg21 : memref<40xi32, #tpu.memory_space<vmem>>)
      %dma_start3A_831 = arith.constant 7 : i32
      %dma_start3A_832 = arith.constant 2 : i32
      %dma_start3A_833 = arith.constant 2 : i32
      %dma_start3A_834 = arith.constant 0 : i32
      %dma_start3A_835 = arith.constant 0 : i32
      %dma_start3A_836 = tpu.memref_slice %arg7[%dma_start3A_832, %dma_start3A_834, %dma_start3A_835] : memref<5x40x128xf32, #tpu.memory_space<vmem>> -> memref<1x40x128xf32, #tpu.memory_space<vmem>>
      %dma_start3A_837 = tpu.memref_squeeze %dma_start3A_836 : memref<1x40x128xf32, #tpu.memory_space<vmem>> -> memref<40x128xf32, #tpu.memory_space<vmem>>
      %dma_start3A_838 = arith.constant 0 : i32
      %dma_start3A_839 = tpu.memref_slice %arg6[%dma_start3A_831, %dma_start3A_838] : memref<10x40xi32, #tpu.memory_space<vmem>> -> memref<1x40xi32, #tpu.memory_space<vmem>>
      %dma_start3A_840 = tpu.memref_squeeze %dma_start3A_839 : memref<1x40xi32, #tpu.memory_space<vmem>> -> memref<40xi32, #tpu.memory_space<vmem>>
      %dma_start3A_841 = arith.constant 0 : i32
      %dma_start3A_842 = arith.constant 0 : i32
      %dma_start3A_843 = tpu.memref_slice %arg4[%dma_start3A_841, %dma_start3A_842] : memref<10000x128xf32, #tpu.memory_space<hbm>> -> memref<10000x128xf32, #tpu.memory_space<hbm>>
      %dma_start3A_844 = tpu.memref_slice %arg12[%dma_start3A_833] : memref<5x!tpu.dma_semaphore, #tpu.memory_space<semaphore_mem>> -> memref<1x!tpu.dma_semaphore, #tpu.memory_space<semaphore_mem>>
      %dma_start3A_845 = tpu.memref_squeeze %dma_start3A_844 : memref<1x!tpu.dma_semaphore, #tpu.memory_space<semaphore_mem>> -> memref<!tpu.dma_semaphore, #tpu.memory_space<semaphore_mem>>
      tpu.enqueue_indirect_dma source(%dma_start3A_843 : memref<10000x128xf32, #tpu.memory_space<hbm>>) target(%dma_start3A_837 : memref<40x128xf32, #tpu.memory_space<vmem>>) offsets(%dma_start3A_840 : memref<40xi32, #tpu.memory_space<vmem>>) semaphore(%dma_start3A_845 : memref<!tpu.dma_semaphore, #tpu.memory_space<semaphore_mem>>)
      %mul3A_846 = arith.constant 10 : i32
      %mul3A_847 = arith.muli %scan3A_436, %mul3A_846 : i32
      %add3A_848 = arith.constant 4 : i32
      %add3A_849 = arith.addi %mul3A_847, %add3A_848 : i32
      %dma_wait3A_850 = arith.constant 4 : i32
      %dma_wait3A_851 = arith.constant 4 : i32
      %dma_wait3A_852 = arith.constant 4 : i32
      %dma_wait3A_853 = arith.constant 0 : i32
      %dma_wait3A_854 = arith.constant 0 : i32
      %dma_wait3A_855 = tpu.memref_slice %arg7[%dma_wait3A_851, %dma_wait3A_853, %dma_wait3A_854] : memref<5x40x128xf32, #tpu.memory_space<vmem>> -> memref<1x40x128xf32, #tpu.memory_space<vmem>>
      %dma_wait3A_856 = tpu.memref_squeeze %dma_wait3A_855 : memref<1x40x128xf32, #tpu.memory_space<vmem>> -> memref<40x128xf32, #tpu.memory_space<vmem>>
      %dma_wait3A_857 = arith.constant 0 : i32
      %dma_wait3A_858 = tpu.memref_slice %arg6[%dma_wait3A_850, %dma_wait3A_857] : memref<10x40xi32, #tpu.memory_space<vmem>> -> memref<1x40xi32, #tpu.memory_space<vmem>>
      %dma_wait3A_859 = tpu.memref_squeeze %dma_wait3A_858 : memref<1x40xi32, #tpu.memory_space<vmem>> -> memref<40xi32, #tpu.memory_space<vmem>>
      %dma_wait3A_860 = arith.constant 0 : i32
      %dma_wait3A_861 = arith.constant 0 : i32
      %dma_wait3A_862 = tpu.memref_slice %arg4[%dma_wait3A_860, %dma_wait3A_861] : memref<10000x128xf32, #tpu.memory_space<hbm>> -> memref<10000x128xf32, #tpu.memory_space<hbm>>
      %dma_wait3A_863 = tpu.memref_slice %arg12[%dma_wait3A_852] : memref<5x!tpu.dma_semaphore, #tpu.memory_space<semaphore_mem>> -> memref<1x!tpu.dma_semaphore, #tpu.memory_space<semaphore_mem>>
      %dma_wait3A_864 = tpu.memref_squeeze %dma_wait3A_863 : memref<1x!tpu.dma_semaphore, #tpu.memory_space<semaphore_mem>> -> memref<!tpu.dma_semaphore, #tpu.memory_space<semaphore_mem>>
      tpu.wait_indirect_dma semaphore(%dma_wait3A_864 : memref<!tpu.dma_semaphore, #tpu.memory_space<semaphore_mem>>) src(%dma_wait3A_862 : memref<10000x128xf32, #tpu.memory_space<hbm>>) dst(%dma_wait3A_856 : memref<40x128xf32, #tpu.memory_space<vmem>>)
      %dma_start3A_865 = arith.constant 4 : i32
      %dma_start3A_866 = arith.constant 4 : i32
      %dma_start3A_867 = arith.constant 0 : i32
      %dma_start3A_868 = arith.constant 0 : i32
      %dma_start3A_869 = tpu.memref_slice %arg7[%dma_start3A_865, %dma_start3A_867, %dma_start3A_868] : memref<5x40x128xf32, #tpu.memory_space<vmem>> -> memref<1x40x128xf32, #tpu.memory_space<vmem>>
      %dma_start3A_870 = tpu.memref_squeeze %dma_start3A_869 : memref<1x40x128xf32, #tpu.memory_space<vmem>> -> memref<40x128xf32, #tpu.memory_space<vmem>>
      %dma_start3A_871 = arith.constant 0 : i32
      %dma_start3A_872 = arith.constant 0 : i32
      %dma_start3A_873 = tpu.memref_slice %arg9[%dma_start3A_871, %dma_start3A_872] : memref<10240x128xf32, #tpu.memory_space<vmem_shared>> -> memref<10240x128xf32, #tpu.memory_space<vmem_shared>>
      %dma_start3A_874 = tpu.memref_slice %arg13[%dma_start3A_866] : memref<5x!tpu.dma_semaphore, #tpu.memory_space<semaphore_mem>> -> memref<1x!tpu.dma_semaphore, #tpu.memory_space<semaphore_mem>>
      %dma_start3A_875 = tpu.memref_squeeze %dma_start3A_874 : memref<1x!tpu.dma_semaphore, #tpu.memory_space<semaphore_mem>> -> memref<!tpu.dma_semaphore, #tpu.memory_space<semaphore_mem>>
      tpu.enqueue_indirect_dma source(%dma_start3A_870 : memref<40x128xf32, #tpu.memory_space<vmem>>) target(%dma_start3A_873 : memref<10240x128xf32, #tpu.memory_space<vmem_shared>>) offsets(%arg18 : memref<40xi32, #tpu.memory_space<vmem>>) semaphore(%dma_start3A_875 : memref<!tpu.dma_semaphore, #tpu.memory_space<semaphore_mem>>) {add = true}
      %dma_wait3A_876 = arith.constant 3 : i32
      %dma_wait3A_877 = arith.constant 3 : i32
      %dma_wait3A_878 = arith.constant 0 : i32
      %dma_wait3A_879 = arith.constant 0 : i32
      %dma_wait3A_880 = tpu.memref_slice %arg7[%dma_wait3A_876, %dma_wait3A_878, %dma_wait3A_879] : memref<5x40x128xf32, #tpu.memory_space<vmem>> -> memref<1x40x128xf32, #tpu.memory_space<vmem>>
      %dma_wait3A_881 = tpu.memref_squeeze %dma_wait3A_880 : memref<1x40x128xf32, #tpu.memory_space<vmem>> -> memref<40x128xf32, #tpu.memory_space<vmem>>
      %dma_wait3A_882 = arith.constant 0 : i32
      %dma_wait3A_883 = arith.constant 0 : i32
      %dma_wait3A_884 = tpu.memref_slice %arg9[%dma_wait3A_882, %dma_wait3A_883] : memref<10240x128xf32, #tpu.memory_space<vmem_shared>> -> memref<10240x128xf32, #tpu.memory_space<vmem_shared>>
      %dma_wait3A_885 = tpu.memref_slice %arg13[%dma_wait3A_877] : memref<5x!tpu.dma_semaphore, #tpu.memory_space<semaphore_mem>> -> memref<1x!tpu.dma_semaphore, #tpu.memory_space<semaphore_mem>>
      %dma_wait3A_886 = tpu.memref_squeeze %dma_wait3A_885 : memref<1x!tpu.dma_semaphore, #tpu.memory_space<semaphore_mem>> -> memref<!tpu.dma_semaphore, #tpu.memory_space<semaphore_mem>>
      tpu.wait_indirect_dma semaphore(%dma_wait3A_886 : memref<!tpu.dma_semaphore, #tpu.memory_space<semaphore_mem>>) src(%dma_wait3A_881 : memref<40x128xf32, #tpu.memory_space<vmem>>) dst(%dma_wait3A_884 : memref<10240x128xf32, #tpu.memory_space<vmem_shared>>)
      %lt3A_887 = arith.constant 24 : i32
      %lt3A_888 = arith.cmpi slt, %scan3A_436, %lt3A_887 : i32
      %convert_element_type3A_889 = arith.extui %lt3A_888 : i1 to i32
      %cond3A_890 = arith.constant 0 : i32
      %cond3A_891 = arith.cmpi ne, %convert_element_type3A_889, %cond3A_890 : i32
      scf.if %cond3A_891 {
        %add3A_1163 = arith.constant 7 : i32
        %add3A_1164 = arith.addi %add3A_849, %add3A_1163 : i32
        %dma_start3A_1165 = arith.constant 1 : i32
        %dma_start3A_1166 = arith.constant 1 : i32
        %dma_start3A_1167 = arith.constant 0 : i32
        %dma_start3A_1168 = tpu.memref_slice %arg6[%dma_start3A_1165, %dma_start3A_1167] : memref<10x40xi32, #tpu.memory_space<vmem>> -> memref<1x40xi32, #tpu.memory_space<vmem>>
        %dma_start3A_1169 = tpu.memref_squeeze %dma_start3A_1168 : memref<1x40xi32, #tpu.memory_space<vmem>> -> memref<40xi32, #tpu.memory_space<vmem>>
        %dma_start3A_1170 = arith.constant 0 : i32
        %dma_start3A_1171 = tpu.memref_slice %arg2[%add3A, %add3A_1164, %dma_start3A_1170] : memref<32x250x40xi32, #tpu.memory_space<hbm>> -> memref<1x1x40xi32, #tpu.memory_space<hbm>>
        %dma_start3A_1172 = tpu.memref_squeeze %dma_start3A_1171 : memref<1x1x40xi32, #tpu.memory_space<hbm>> -> memref<40xi32, #tpu.memory_space<hbm>>
        %dma_start3A_1173 = tpu.memref_slice %arg10[%dma_start3A_1166] : memref<10x!tpu.dma_semaphore, #tpu.memory_space<semaphore_mem>> -> memref<1x!tpu.dma_semaphore, #tpu.memory_space<semaphore_mem>>
        %dma_start3A_1174 = tpu.memref_squeeze %dma_start3A_1173 : memref<1x!tpu.dma_semaphore, #tpu.memory_space<semaphore_mem>> -> memref<!tpu.dma_semaphore, #tpu.memory_space<semaphore_mem>>
        %dma_start3A_1175 = arith.constant 0 : i32
        %dma_start3A_1176 = tpu.memref_slice %arg6[%dma_start3A_1165, %dma_start3A_1175] : memref<10x40xi32, #tpu.memory_space<vmem>> -> memref<1x40xi32, #tpu.memory_space<vmem>>
        %dma_start3A_1177 = tpu.memref_squeeze %dma_start3A_1176 : memref<1x40xi32, #tpu.memory_space<vmem>> -> memref<40xi32, #tpu.memory_space<vmem>>
        %dma_start3A_1178 = arith.constant 0 : i32
        %dma_start3A_1179 = tpu.memref_slice %arg2[%add3A, %add3A_1164, %dma_start3A_1178] : memref<32x250x40xi32, #tpu.memory_space<hbm>> -> memref<1x1x40xi32, #tpu.memory_space<hbm>>
        %dma_start3A_1180 = tpu.memref_squeeze %dma_start3A_1179 : memref<1x1x40xi32, #tpu.memory_space<hbm>> -> memref<40xi32, #tpu.memory_space<hbm>>
        tpu.enqueue_dma source(%dma_start3A_1180 : memref<40xi32, #tpu.memory_space<hbm>>) target(%dma_start3A_1177 : memref<40xi32, #tpu.memory_space<vmem>>) target_semaphore(%dma_start3A_1174 : memref<!tpu.dma_semaphore, #tpu.memory_space<semaphore_mem>>)
        %dma_start3A_1181 = arith.constant 1 : i32
        %dma_start3A_1182 = arith.constant 0 : i32
        %dma_start3A_1183 = tpu.memref_slice %arg3[%add3A, %add3A_1164, %dma_start3A_1182] : memref<32x250x40xi32, #tpu.memory_space<hbm>> -> memref<1x1x40xi32, #tpu.memory_space<hbm>>
        %dma_start3A_1184 = tpu.memref_squeeze %dma_start3A_1183 : memref<1x1x40xi32, #tpu.memory_space<hbm>> -> memref<40xi32, #tpu.memory_space<hbm>>
        %dma_start3A_1185 = tpu.memref_slice %arg11[%dma_start3A_1181] : memref<10x!tpu.dma_semaphore, #tpu.memory_space<semaphore_mem>> -> memref<1x!tpu.dma_semaphore, #tpu.memory_space<semaphore_mem>>
        %dma_start3A_1186 = tpu.memref_squeeze %dma_start3A_1185 : memref<1x!tpu.dma_semaphore, #tpu.memory_space<semaphore_mem>> -> memref<!tpu.dma_semaphore, #tpu.memory_space<semaphore_mem>>
        %dma_start3A_1187 = arith.constant 0 : i32
        %dma_start3A_1188 = tpu.memref_slice %arg3[%add3A, %add3A_1164, %dma_start3A_1187] : memref<32x250x40xi32, #tpu.memory_space<hbm>> -> memref<1x1x40xi32, #tpu.memory_space<hbm>>
        %dma_start3A_1189 = tpu.memref_squeeze %dma_start3A_1188 : memref<1x1x40xi32, #tpu.memory_space<hbm>> -> memref<40xi32, #tpu.memory_space<hbm>>
        tpu.enqueue_dma source(%dma_start3A_1189 : memref<40xi32, #tpu.memory_space<hbm>>) target(%arg15 : memref<40xi32, #tpu.memory_space<vmem>>) target_semaphore(%dma_start3A_1186 : memref<!tpu.dma_semaphore, #tpu.memory_space<semaphore_mem>>)
      } else {
      }
      %add3A_892 = arith.constant 4 : i32
      %add3A_893 = arith.addi %add3A_849, %add3A_892 : i32
      %dma_wait3A_894 = arith.constant 8 : i32
      %dma_wait3A_895 = arith.constant 8 : i32
      %dma_wait3A_896 = arith.constant 0 : i32
      %dma_wait3A_897 = tpu.memref_slice %arg6[%dma_wait3A_894, %dma_wait3A_896] : memref<10x40xi32, #tpu.memory_space<vmem>> -> memref<1x40xi32, #tpu.memory_space<vmem>>
      %dma_wait3A_898 = tpu.memref_squeeze %dma_wait3A_897 : memref<1x40xi32, #tpu.memory_space<vmem>> -> memref<40xi32, #tpu.memory_space<vmem>>
      %dma_wait3A_899 = arith.constant 0 : i32
      %dma_wait3A_900 = tpu.memref_slice %arg2[%add3A, %add3A_893, %dma_wait3A_899] : memref<32x250x40xi32, #tpu.memory_space<hbm>> -> memref<1x1x40xi32, #tpu.memory_space<hbm>>
      %dma_wait3A_901 = tpu.memref_squeeze %dma_wait3A_900 : memref<1x1x40xi32, #tpu.memory_space<hbm>> -> memref<40xi32, #tpu.memory_space<hbm>>
      %dma_wait3A_902 = tpu.memref_slice %arg10[%dma_wait3A_895] : memref<10x!tpu.dma_semaphore, #tpu.memory_space<semaphore_mem>> -> memref<1x!tpu.dma_semaphore, #tpu.memory_space<semaphore_mem>>
      %dma_wait3A_903 = tpu.memref_squeeze %dma_wait3A_902 : memref<1x!tpu.dma_semaphore, #tpu.memory_space<semaphore_mem>> -> memref<!tpu.dma_semaphore, #tpu.memory_space<semaphore_mem>>
      %dma_wait3A_904 = arith.constant 0 : i32
      %dma_wait3A_905 = tpu.memref_slice %arg6[%dma_wait3A_894, %dma_wait3A_904] : memref<10x40xi32, #tpu.memory_space<vmem>> -> memref<1x40xi32, #tpu.memory_space<vmem>>
      %dma_wait3A_906 = tpu.memref_squeeze %dma_wait3A_905 : memref<1x40xi32, #tpu.memory_space<vmem>> -> memref<40xi32, #tpu.memory_space<vmem>>
      %dma_wait3A_907 = arith.constant 0 : i32
      %dma_wait3A_908 = tpu.memref_slice %arg2[%add3A, %add3A_893, %dma_wait3A_907] : memref<32x250x40xi32, #tpu.memory_space<hbm>> -> memref<1x1x40xi32, #tpu.memory_space<hbm>>
      %dma_wait3A_909 = tpu.memref_squeeze %dma_wait3A_908 : memref<1x1x40xi32, #tpu.memory_space<hbm>> -> memref<40xi32, #tpu.memory_space<hbm>>
      tpu.wait_dma2 semaphore(%dma_wait3A_903 : memref<!tpu.dma_semaphore, #tpu.memory_space<semaphore_mem>>) src(%dma_wait3A_909 : memref<40xi32, #tpu.memory_space<hbm>>) dst(%dma_wait3A_906 : memref<40xi32, #tpu.memory_space<vmem>>)
      %dma_wait3A_910 = arith.constant 8 : i32
      %dma_wait3A_911 = arith.constant 0 : i32
      %dma_wait3A_912 = tpu.memref_slice %arg3[%add3A, %add3A_893, %dma_wait3A_911] : memref<32x250x40xi32, #tpu.memory_space<hbm>> -> memref<1x1x40xi32, #tpu.memory_space<hbm>>
      %dma_wait3A_913 = tpu.memref_squeeze %dma_wait3A_912 : memref<1x1x40xi32, #tpu.memory_space<hbm>> -> memref<40xi32, #tpu.memory_space<hbm>>
      %dma_wait3A_914 = tpu.memref_slice %arg11[%dma_wait3A_910] : memref<10x!tpu.dma_semaphore, #tpu.memory_space<semaphore_mem>> -> memref<1x!tpu.dma_semaphore, #tpu.memory_space<semaphore_mem>>
      %dma_wait3A_915 = tpu.memref_squeeze %dma_wait3A_914 : memref<1x!tpu.dma_semaphore, #tpu.memory_space<semaphore_mem>> -> memref<!tpu.dma_semaphore, #tpu.memory_space<semaphore_mem>>
      %dma_wait3A_916 = arith.constant 0 : i32
      %dma_wait3A_917 = tpu.memref_slice %arg3[%add3A, %add3A_893, %dma_wait3A_916] : memref<32x250x40xi32, #tpu.memory_space<hbm>> -> memref<1x1x40xi32, #tpu.memory_space<hbm>>
      %dma_wait3A_918 = tpu.memref_squeeze %dma_wait3A_917 : memref<1x1x40xi32, #tpu.memory_space<hbm>> -> memref<40xi32, #tpu.memory_space<hbm>>
      tpu.wait_dma2 semaphore(%dma_wait3A_915 : memref<!tpu.dma_semaphore, #tpu.memory_space<semaphore_mem>>) src(%dma_wait3A_918 : memref<40xi32, #tpu.memory_space<hbm>>) dst(%arg22 : memref<40xi32, #tpu.memory_space<vmem>>)
      %dma_start3A_919 = arith.constant 8 : i32
      %dma_start3A_920 = arith.constant 3 : i32
      %dma_start3A_921 = arith.constant 3 : i32
      %dma_start3A_922 = arith.constant 0 : i32
      %dma_start3A_923 = arith.constant 0 : i32
      %dma_start3A_924 = tpu.memref_slice %arg7[%dma_start3A_920, %dma_start3A_922, %dma_start3A_923] : memref<5x40x128xf32, #tpu.memory_space<vmem>> -> memref<1x40x128xf32, #tpu.memory_space<vmem>>
      %dma_start3A_925 = tpu.memref_squeeze %dma_start3A_924 : memref<1x40x128xf32, #tpu.memory_space<vmem>> -> memref<40x128xf32, #tpu.memory_space<vmem>>
      %dma_start3A_926 = arith.constant 0 : i32
      %dma_start3A_927 = tpu.memref_slice %arg6[%dma_start3A_919, %dma_start3A_926] : memref<10x40xi32, #tpu.memory_space<vmem>> -> memref<1x40xi32, #tpu.memory_space<vmem>>
      %dma_start3A_928 = tpu.memref_squeeze %dma_start3A_927 : memref<1x40xi32, #tpu.memory_space<vmem>> -> memref<40xi32, #tpu.memory_space<vmem>>
      %dma_start3A_929 = arith.constant 0 : i32
      %dma_start3A_930 = arith.constant 0 : i32
      %dma_start3A_931 = tpu.memref_slice %arg4[%dma_start3A_929, %dma_start3A_930] : memref<10000x128xf32, #tpu.memory_space<hbm>> -> memref<10000x128xf32, #tpu.memory_space<hbm>>
      %dma_start3A_932 = tpu.memref_slice %arg12[%dma_start3A_921] : memref<5x!tpu.dma_semaphore, #tpu.memory_space<semaphore_mem>> -> memref<1x!tpu.dma_semaphore, #tpu.memory_space<semaphore_mem>>
      %dma_start3A_933 = tpu.memref_squeeze %dma_start3A_932 : memref<1x!tpu.dma_semaphore, #tpu.memory_space<semaphore_mem>> -> memref<!tpu.dma_semaphore, #tpu.memory_space<semaphore_mem>>
      tpu.enqueue_indirect_dma source(%dma_start3A_931 : memref<10000x128xf32, #tpu.memory_space<hbm>>) target(%dma_start3A_925 : memref<40x128xf32, #tpu.memory_space<vmem>>) offsets(%dma_start3A_928 : memref<40xi32, #tpu.memory_space<vmem>>) semaphore(%dma_start3A_933 : memref<!tpu.dma_semaphore, #tpu.memory_space<semaphore_mem>>)
      %mul3A_934 = arith.constant 10 : i32
      %mul3A_935 = arith.muli %scan3A_436, %mul3A_934 : i32
      %add3A_936 = arith.constant 5 : i32
      %add3A_937 = arith.addi %mul3A_935, %add3A_936 : i32
      %dma_wait3A_938 = arith.constant 5 : i32
      %dma_wait3A_939 = arith.constant 0 : i32
      %dma_wait3A_940 = arith.constant 0 : i32
      %dma_wait3A_941 = arith.constant 0 : i32
      %dma_wait3A_942 = arith.constant 0 : i32
      %dma_wait3A_943 = tpu.memref_slice %arg7[%dma_wait3A_939, %dma_wait3A_941, %dma_wait3A_942] : memref<5x40x128xf32, #tpu.memory_space<vmem>> -> memref<1x40x128xf32, #tpu.memory_space<vmem>>
      %dma_wait3A_944 = tpu.memref_squeeze %dma_wait3A_943 : memref<1x40x128xf32, #tpu.memory_space<vmem>> -> memref<40x128xf32, #tpu.memory_space<vmem>>
      %dma_wait3A_945 = arith.constant 0 : i32
      %dma_wait3A_946 = tpu.memref_slice %arg6[%dma_wait3A_938, %dma_wait3A_945] : memref<10x40xi32, #tpu.memory_space<vmem>> -> memref<1x40xi32, #tpu.memory_space<vmem>>
      %dma_wait3A_947 = tpu.memref_squeeze %dma_wait3A_946 : memref<1x40xi32, #tpu.memory_space<vmem>> -> memref<40xi32, #tpu.memory_space<vmem>>
      %dma_wait3A_948 = arith.constant 0 : i32
      %dma_wait3A_949 = arith.constant 0 : i32
      %dma_wait3A_950 = tpu.memref_slice %arg4[%dma_wait3A_948, %dma_wait3A_949] : memref<10000x128xf32, #tpu.memory_space<hbm>> -> memref<10000x128xf32, #tpu.memory_space<hbm>>
      %dma_wait3A_951 = tpu.memref_slice %arg12[%dma_wait3A_940] : memref<5x!tpu.dma_semaphore, #tpu.memory_space<semaphore_mem>> -> memref<1x!tpu.dma_semaphore, #tpu.memory_space<semaphore_mem>>
      %dma_wait3A_952 = tpu.memref_squeeze %dma_wait3A_951 : memref<1x!tpu.dma_semaphore, #tpu.memory_space<semaphore_mem>> -> memref<!tpu.dma_semaphore, #tpu.memory_space<semaphore_mem>>
      tpu.wait_indirect_dma semaphore(%dma_wait3A_952 : memref<!tpu.dma_semaphore, #tpu.memory_space<semaphore_mem>>) src(%dma_wait3A_950 : memref<10000x128xf32, #tpu.memory_space<hbm>>) dst(%dma_wait3A_944 : memref<40x128xf32, #tpu.memory_space<vmem>>)
      %dma_start3A_953 = arith.constant 0 : i32
      %dma_start3A_954 = arith.constant 0 : i32
      %dma_start3A_955 = arith.constant 0 : i32
      %dma_start3A_956 = arith.constant 0 : i32
      %dma_start3A_957 = tpu.memref_slice %arg7[%dma_start3A_953, %dma_start3A_955, %dma_start3A_956] : memref<5x40x128xf32, #tpu.memory_space<vmem>> -> memref<1x40x128xf32, #tpu.memory_space<vmem>>
      %dma_start3A_958 = tpu.memref_squeeze %dma_start3A_957 : memref<1x40x128xf32, #tpu.memory_space<vmem>> -> memref<40x128xf32, #tpu.memory_space<vmem>>
      %dma_start3A_959 = arith.constant 0 : i32
      %dma_start3A_960 = arith.constant 0 : i32
      %dma_start3A_961 = tpu.memref_slice %arg9[%dma_start3A_959, %dma_start3A_960] : memref<10240x128xf32, #tpu.memory_space<vmem_shared>> -> memref<10240x128xf32, #tpu.memory_space<vmem_shared>>
      %dma_start3A_962 = tpu.memref_slice %arg13[%dma_start3A_954] : memref<5x!tpu.dma_semaphore, #tpu.memory_space<semaphore_mem>> -> memref<1x!tpu.dma_semaphore, #tpu.memory_space<semaphore_mem>>
      %dma_start3A_963 = tpu.memref_squeeze %dma_start3A_962 : memref<1x!tpu.dma_semaphore, #tpu.memory_space<semaphore_mem>> -> memref<!tpu.dma_semaphore, #tpu.memory_space<semaphore_mem>>
      tpu.enqueue_indirect_dma source(%dma_start3A_958 : memref<40x128xf32, #tpu.memory_space<vmem>>) target(%dma_start3A_961 : memref<10240x128xf32, #tpu.memory_space<vmem_shared>>) offsets(%arg19 : memref<40xi32, #tpu.memory_space<vmem>>) semaphore(%dma_start3A_963 : memref<!tpu.dma_semaphore, #tpu.memory_space<semaphore_mem>>) {add = true}
      %dma_wait3A_964 = arith.constant 4 : i32
      %dma_wait3A_965 = arith.constant 4 : i32
      %dma_wait3A_966 = arith.constant 0 : i32
      %dma_wait3A_967 = arith.constant 0 : i32
      %dma_wait3A_968 = tpu.memref_slice %arg7[%dma_wait3A_964, %dma_wait3A_966, %dma_wait3A_967] : memref<5x40x128xf32, #tpu.memory_space<vmem>> -> memref<1x40x128xf32, #tpu.memory_space<vmem>>
      %dma_wait3A_969 = tpu.memref_squeeze %dma_wait3A_968 : memref<1x40x128xf32, #tpu.memory_space<vmem>> -> memref<40x128xf32, #tpu.memory_space<vmem>>
      %dma_wait3A_970 = arith.constant 0 : i32
      %dma_wait3A_971 = arith.constant 0 : i32
      %dma_wait3A_972 = tpu.memref_slice %arg9[%dma_wait3A_970, %dma_wait3A_971] : memref<10240x128xf32, #tpu.memory_space<vmem_shared>> -> memref<10240x128xf32, #tpu.memory_space<vmem_shared>>
      %dma_wait3A_973 = tpu.memref_slice %arg13[%dma_wait3A_965] : memref<5x!tpu.dma_semaphore, #tpu.memory_space<semaphore_mem>> -> memref<1x!tpu.dma_semaphore, #tpu.memory_space<semaphore_mem>>
      %dma_wait3A_974 = tpu.memref_squeeze %dma_wait3A_973 : memref<1x!tpu.dma_semaphore, #tpu.memory_space<semaphore_mem>> -> memref<!tpu.dma_semaphore, #tpu.memory_space<semaphore_mem>>
      tpu.wait_indirect_dma semaphore(%dma_wait3A_974 : memref<!tpu.dma_semaphore, #tpu.memory_space<semaphore_mem>>) src(%dma_wait3A_969 : memref<40x128xf32, #tpu.memory_space<vmem>>) dst(%dma_wait3A_972 : memref<10240x128xf32, #tpu.memory_space<vmem_shared>>)
      %lt3A_975 = arith.constant 24 : i32
      %lt3A_976 = arith.cmpi slt, %scan3A_436, %lt3A_975 : i32
      %convert_element_type3A_977 = arith.extui %lt3A_976 : i1 to i32
      %cond3A_978 = arith.constant 0 : i32
      %cond3A_979 = arith.cmpi ne, %convert_element_type3A_977, %cond3A_978 : i32
      scf.if %cond3A_979 {
        %add3A_1163 = arith.constant 7 : i32
        %add3A_1164 = arith.addi %add3A_937, %add3A_1163 : i32
        %dma_start3A_1165 = arith.constant 2 : i32
        %dma_start3A_1166 = arith.constant 2 : i32
        %dma_start3A_1167 = arith.constant 0 : i32
        %dma_start3A_1168 = tpu.memref_slice %arg6[%dma_start3A_1165, %dma_start3A_1167] : memref<10x40xi32, #tpu.memory_space<vmem>> -> memref<1x40xi32, #tpu.memory_space<vmem>>
        %dma_start3A_1169 = tpu.memref_squeeze %dma_start3A_1168 : memref<1x40xi32, #tpu.memory_space<vmem>> -> memref<40xi32, #tpu.memory_space<vmem>>
        %dma_start3A_1170 = arith.constant 0 : i32
        %dma_start3A_1171 = tpu.memref_slice %arg2[%add3A, %add3A_1164, %dma_start3A_1170] : memref<32x250x40xi32, #tpu.memory_space<hbm>> -> memref<1x1x40xi32, #tpu.memory_space<hbm>>
        %dma_start3A_1172 = tpu.memref_squeeze %dma_start3A_1171 : memref<1x1x40xi32, #tpu.memory_space<hbm>> -> memref<40xi32, #tpu.memory_space<hbm>>
        %dma_start3A_1173 = tpu.memref_slice %arg10[%dma_start3A_1166] : memref<10x!tpu.dma_semaphore, #tpu.memory_space<semaphore_mem>> -> memref<1x!tpu.dma_semaphore, #tpu.memory_space<semaphore_mem>>
        %dma_start3A_1174 = tpu.memref_squeeze %dma_start3A_1173 : memref<1x!tpu.dma_semaphore, #tpu.memory_space<semaphore_mem>> -> memref<!tpu.dma_semaphore, #tpu.memory_space<semaphore_mem>>
        %dma_start3A_1175 = arith.constant 0 : i32
        %dma_start3A_1176 = tpu.memref_slice %arg6[%dma_start3A_1165, %dma_start3A_1175] : memref<10x40xi32, #tpu.memory_space<vmem>> -> memref<1x40xi32, #tpu.memory_space<vmem>>
        %dma_start3A_1177 = tpu.memref_squeeze %dma_start3A_1176 : memref<1x40xi32, #tpu.memory_space<vmem>> -> memref<40xi32, #tpu.memory_space<vmem>>
        %dma_start3A_1178 = arith.constant 0 : i32
        %dma_start3A_1179 = tpu.memref_slice %arg2[%add3A, %add3A_1164, %dma_start3A_1178] : memref<32x250x40xi32, #tpu.memory_space<hbm>> -> memref<1x1x40xi32, #tpu.memory_space<hbm>>
        %dma_start3A_1180 = tpu.memref_squeeze %dma_start3A_1179 : memref<1x1x40xi32, #tpu.memory_space<hbm>> -> memref<40xi32, #tpu.memory_space<hbm>>
        tpu.enqueue_dma source(%dma_start3A_1180 : memref<40xi32, #tpu.memory_space<hbm>>) target(%dma_start3A_1177 : memref<40xi32, #tpu.memory_space<vmem>>) target_semaphore(%dma_start3A_1174 : memref<!tpu.dma_semaphore, #tpu.memory_space<semaphore_mem>>)
        %dma_start3A_1181 = arith.constant 2 : i32
        %dma_start3A_1182 = arith.constant 0 : i32
        %dma_start3A_1183 = tpu.memref_slice %arg3[%add3A, %add3A_1164, %dma_start3A_1182] : memref<32x250x40xi32, #tpu.memory_space<hbm>> -> memref<1x1x40xi32, #tpu.memory_space<hbm>>
        %dma_start3A_1184 = tpu.memref_squeeze %dma_start3A_1183 : memref<1x1x40xi32, #tpu.memory_space<hbm>> -> memref<40xi32, #tpu.memory_space<hbm>>
        %dma_start3A_1185 = tpu.memref_slice %arg11[%dma_start3A_1181] : memref<10x!tpu.dma_semaphore, #tpu.memory_space<semaphore_mem>> -> memref<1x!tpu.dma_semaphore, #tpu.memory_space<semaphore_mem>>
        %dma_start3A_1186 = tpu.memref_squeeze %dma_start3A_1185 : memref<1x!tpu.dma_semaphore, #tpu.memory_space<semaphore_mem>> -> memref<!tpu.dma_semaphore, #tpu.memory_space<semaphore_mem>>
        %dma_start3A_1187 = arith.constant 0 : i32
        %dma_start3A_1188 = tpu.memref_slice %arg3[%add3A, %add3A_1164, %dma_start3A_1187] : memref<32x250x40xi32, #tpu.memory_space<hbm>> -> memref<1x1x40xi32, #tpu.memory_space<hbm>>
        %dma_start3A_1189 = tpu.memref_squeeze %dma_start3A_1188 : memref<1x1x40xi32, #tpu.memory_space<hbm>> -> memref<40xi32, #tpu.memory_space<hbm>>
        tpu.enqueue_dma source(%dma_start3A_1189 : memref<40xi32, #tpu.memory_space<hbm>>) target(%arg16 : memref<40xi32, #tpu.memory_space<vmem>>) target_semaphore(%dma_start3A_1186 : memref<!tpu.dma_semaphore, #tpu.memory_space<semaphore_mem>>)
      } else {
      }
      %add3A_980 = arith.constant 4 : i32
      %add3A_981 = arith.addi %add3A_937, %add3A_980 : i32
      %dma_wait3A_982 = arith.constant 9 : i32
      %dma_wait3A_983 = arith.constant 9 : i32
      %dma_wait3A_984 = arith.constant 0 : i32
      %dma_wait3A_985 = tpu.memref_slice %arg6[%dma_wait3A_982, %dma_wait3A_984] : memref<10x40xi32, #tpu.memory_space<vmem>> -> memref<1x40xi32, #tpu.memory_space<vmem>>
      %dma_wait3A_986 = tpu.memref_squeeze %dma_wait3A_985 : memref<1x40xi32, #tpu.memory_space<vmem>> -> memref<40xi32, #tpu.memory_space<vmem>>
      %dma_wait3A_987 = arith.constant 0 : i32
      %dma_wait3A_988 = tpu.memref_slice %arg2[%add3A, %add3A_981, %dma_wait3A_987] : memref<32x250x40xi32, #tpu.memory_space<hbm>> -> memref<1x1x40xi32, #tpu.memory_space<hbm>>
      %dma_wait3A_989 = tpu.memref_squeeze %dma_wait3A_988 : memref<1x1x40xi32, #tpu.memory_space<hbm>> -> memref<40xi32, #tpu.memory_space<hbm>>
      %dma_wait3A_990 = tpu.memref_slice %arg10[%dma_wait3A_983] : memref<10x!tpu.dma_semaphore, #tpu.memory_space<semaphore_mem>> -> memref<1x!tpu.dma_semaphore, #tpu.memory_space<semaphore_mem>>
      %dma_wait3A_991 = tpu.memref_squeeze %dma_wait3A_990 : memref<1x!tpu.dma_semaphore, #tpu.memory_space<semaphore_mem>> -> memref<!tpu.dma_semaphore, #tpu.memory_space<semaphore_mem>>
      %dma_wait3A_992 = arith.constant 0 : i32
      %dma_wait3A_993 = tpu.memref_slice %arg6[%dma_wait3A_982, %dma_wait3A_992] : memref<10x40xi32, #tpu.memory_space<vmem>> -> memref<1x40xi32, #tpu.memory_space<vmem>>
      %dma_wait3A_994 = tpu.memref_squeeze %dma_wait3A_993 : memref<1x40xi32, #tpu.memory_space<vmem>> -> memref<40xi32, #tpu.memory_space<vmem>>
      %dma_wait3A_995 = arith.constant 0 : i32
      %dma_wait3A_996 = tpu.memref_slice %arg2[%add3A, %add3A_981, %dma_wait3A_995] : memref<32x250x40xi32, #tpu.memory_space<hbm>> -> memref<1x1x40xi32, #tpu.memory_space<hbm>>
      %dma_wait3A_997 = tpu.memref_squeeze %dma_wait3A_996 : memref<1x1x40xi32, #tpu.memory_space<hbm>> -> memref<40xi32, #tpu.memory_space<hbm>>
      tpu.wait_dma2 semaphore(%dma_wait3A_991 : memref<!tpu.dma_semaphore, #tpu.memory_space<semaphore_mem>>) src(%dma_wait3A_997 : memref<40xi32, #tpu.memory_space<hbm>>) dst(%dma_wait3A_994 : memref<40xi32, #tpu.memory_space<vmem>>)
      %dma_wait3A_998 = arith.constant 9 : i32
      %dma_wait3A_999 = arith.constant 0 : i32
      %dma_wait3A_1000 = tpu.memref_slice %arg3[%add3A, %add3A_981, %dma_wait3A_999] : memref<32x250x40xi32, #tpu.memory_space<hbm>> -> memref<1x1x40xi32, #tpu.memory_space<hbm>>
      %dma_wait3A_1001 = tpu.memref_squeeze %dma_wait3A_1000 : memref<1x1x40xi32, #tpu.memory_space<hbm>> -> memref<40xi32, #tpu.memory_space<hbm>>
      %dma_wait3A_1002 = tpu.memref_slice %arg11[%dma_wait3A_998] : memref<10x!tpu.dma_semaphore, #tpu.memory_space<semaphore_mem>> -> memref<1x!tpu.dma_semaphore, #tpu.memory_space<semaphore_mem>>
      %dma_wait3A_1003 = tpu.memref_squeeze %dma_wait3A_1002 : memref<1x!tpu.dma_semaphore, #tpu.memory_space<semaphore_mem>> -> memref<!tpu.dma_semaphore, #tpu.memory_space<semaphore_mem>>
      %dma_wait3A_1004 = arith.constant 0 : i32
      %dma_wait3A_1005 = tpu.memref_slice %arg3[%add3A, %add3A_981, %dma_wait3A_1004] : memref<32x250x40xi32, #tpu.memory_space<hbm>> -> memref<1x1x40xi32, #tpu.memory_space<hbm>>
      %dma_wait3A_1006 = tpu.memref_squeeze %dma_wait3A_1005 : memref<1x1x40xi32, #tpu.memory_space<hbm>> -> memref<40xi32, #tpu.memory_space<hbm>>
      tpu.wait_dma2 semaphore(%dma_wait3A_1003 : memref<!tpu.dma_semaphore, #tpu.memory_space<semaphore_mem>>) src(%dma_wait3A_1006 : memref<40xi32, #tpu.memory_space<hbm>>) dst(%arg23 : memref<40xi32, #tpu.memory_space<vmem>>)
      %dma_start3A_1007 = arith.constant 9 : i32
      %dma_start3A_1008 = arith.constant 4 : i32
      %dma_start3A_1009 = arith.constant 4 : i32
      %dma_start3A_1010 = arith.constant 0 : i32
      %dma_start3A_1011 = arith.constant 0 : i32
      %dma_start3A_1012 = tpu.memref_slice %arg7[%dma_start3A_1008, %dma_start3A_1010, %dma_start3A_1011] : memref<5x40x128xf32, #tpu.memory_space<vmem>> -> memref<1x40x128xf32, #tpu.memory_space<vmem>>
      %dma_start3A_1013 = tpu.memref_squeeze %dma_start3A_1012 : memref<1x40x128xf32, #tpu.memory_space<vmem>> -> memref<40x128xf32, #tpu.memory_space<vmem>>
      %dma_start3A_1014 = arith.constant 0 : i32
      %dma_start3A_1015 = tpu.memref_slice %arg6[%dma_start3A_1007, %dma_start3A_1014] : memref<10x40xi32, #tpu.memory_space<vmem>> -> memref<1x40xi32, #tpu.memory_space<vmem>>
      %dma_start3A_1016 = tpu.memref_squeeze %dma_start3A_1015 : memref<1x40xi32, #tpu.memory_space<vmem>> -> memref<40xi32, #tpu.memory_space<vmem>>
      %dma_start3A_1017 = arith.constant 0 : i32
      %dma_start3A_1018 = arith.constant 0 : i32
      %dma_start3A_1019 = tpu.memref_slice %arg4[%dma_start3A_1017, %dma_start3A_1018] : memref<10000x128xf32, #tpu.memory_space<hbm>> -> memref<10000x128xf32, #tpu.memory_space<hbm>>
      %dma_start3A_1020 = tpu.memref_slice %arg12[%dma_start3A_1009] : memref<5x!tpu.dma_semaphore, #tpu.memory_space<semaphore_mem>> -> memref<1x!tpu.dma_semaphore, #tpu.memory_space<semaphore_mem>>
      %dma_start3A_1021 = tpu.memref_squeeze %dma_start3A_1020 : memref<1x!tpu.dma_semaphore, #tpu.memory_space<semaphore_mem>> -> memref<!tpu.dma_semaphore, #tpu.memory_space<semaphore_mem>>
      tpu.enqueue_indirect_dma source(%dma_start3A_1019 : memref<10000x128xf32, #tpu.memory_space<hbm>>) target(%dma_start3A_1013 : memref<40x128xf32, #tpu.memory_space<vmem>>) offsets(%dma_start3A_1016 : memref<40xi32, #tpu.memory_space<vmem>>) semaphore(%dma_start3A_1021 : memref<!tpu.dma_semaphore, #tpu.memory_space<semaphore_mem>>)
      %mul3A_1022 = arith.constant 10 : i32
      %mul3A_1023 = arith.muli %scan3A_436, %mul3A_1022 : i32
      %add3A_1024 = arith.constant 6 : i32
      %add3A_1025 = arith.addi %mul3A_1023, %add3A_1024 : i32
      %dma_wait3A_1026 = arith.constant 6 : i32
      %dma_wait3A_1027 = arith.constant 1 : i32
      %dma_wait3A_1028 = arith.constant 1 : i32
      %dma_wait3A_1029 = arith.constant 0 : i32
      %dma_wait3A_1030 = arith.constant 0 : i32
      %dma_wait3A_1031 = tpu.memref_slice %arg7[%dma_wait3A_1027, %dma_wait3A_1029, %dma_wait3A_1030] : memref<5x40x128xf32, #tpu.memory_space<vmem>> -> memref<1x40x128xf32, #tpu.memory_space<vmem>>
      %dma_wait3A_1032 = tpu.memref_squeeze %dma_wait3A_1031 : memref<1x40x128xf32, #tpu.memory_space<vmem>> -> memref<40x128xf32, #tpu.memory_space<vmem>>
      %dma_wait3A_1033 = arith.constant 0 : i32
      %dma_wait3A_1034 = tpu.memref_slice %arg6[%dma_wait3A_1026, %dma_wait3A_1033] : memref<10x40xi32, #tpu.memory_space<vmem>> -> memref<1x40xi32, #tpu.memory_space<vmem>>
      %dma_wait3A_1035 = tpu.memref_squeeze %dma_wait3A_1034 : memref<1x40xi32, #tpu.memory_space<vmem>> -> memref<40xi32, #tpu.memory_space<vmem>>
      %dma_wait3A_1036 = arith.constant 0 : i32
      %dma_wait3A_1037 = arith.constant 0 : i32
      %dma_wait3A_1038 = tpu.memref_slice %arg4[%dma_wait3A_1036, %dma_wait3A_1037] : memref<10000x128xf32, #tpu.memory_space<hbm>> -> memref<10000x128xf32, #tpu.memory_space<hbm>>
      %dma_wait3A_1039 = tpu.memref_slice %arg12[%dma_wait3A_1028] : memref<5x!tpu.dma_semaphore, #tpu.memory_space<semaphore_mem>> -> memref<1x!tpu.dma_semaphore, #tpu.memory_space<semaphore_mem>>
      %dma_wait3A_1040 = tpu.memref_squeeze %dma_wait3A_1039 : memref<1x!tpu.dma_semaphore, #tpu.memory_space<semaphore_mem>> -> memref<!tpu.dma_semaphore, #tpu.memory_space<semaphore_mem>>
      tpu.wait_indirect_dma semaphore(%dma_wait3A_1040 : memref<!tpu.dma_semaphore, #tpu.memory_space<semaphore_mem>>) src(%dma_wait3A_1038 : memref<10000x128xf32, #tpu.memory_space<hbm>>) dst(%dma_wait3A_1032 : memref<40x128xf32, #tpu.memory_space<vmem>>)
      %dma_start3A_1041 = arith.constant 1 : i32
      %dma_start3A_1042 = arith.constant 1 : i32
      %dma_start3A_1043 = arith.constant 0 : i32
      %dma_start3A_1044 = arith.constant 0 : i32
      %dma_start3A_1045 = tpu.memref_slice %arg7[%dma_start3A_1041, %dma_start3A_1043, %dma_start3A_1044] : memref<5x40x128xf32, #tpu.memory_space<vmem>> -> memref<1x40x128xf32, #tpu.memory_space<vmem>>
      %dma_start3A_1046 = tpu.memref_squeeze %dma_start3A_1045 : memref<1x40x128xf32, #tpu.memory_space<vmem>> -> memref<40x128xf32, #tpu.memory_space<vmem>>
      %dma_start3A_1047 = arith.constant 0 : i32
      %dma_start3A_1048 = arith.constant 0 : i32
      %dma_start3A_1049 = tpu.memref_slice %arg9[%dma_start3A_1047, %dma_start3A_1048] : memref<10240x128xf32, #tpu.memory_space<vmem_shared>> -> memref<10240x128xf32, #tpu.memory_space<vmem_shared>>
      %dma_start3A_1050 = tpu.memref_slice %arg13[%dma_start3A_1042] : memref<5x!tpu.dma_semaphore, #tpu.memory_space<semaphore_mem>> -> memref<1x!tpu.dma_semaphore, #tpu.memory_space<semaphore_mem>>
      %dma_start3A_1051 = tpu.memref_squeeze %dma_start3A_1050 : memref<1x!tpu.dma_semaphore, #tpu.memory_space<semaphore_mem>> -> memref<!tpu.dma_semaphore, #tpu.memory_space<semaphore_mem>>
      tpu.enqueue_indirect_dma source(%dma_start3A_1046 : memref<40x128xf32, #tpu.memory_space<vmem>>) target(%dma_start3A_1049 : memref<10240x128xf32, #tpu.memory_space<vmem_shared>>) offsets(%arg20 : memref<40xi32, #tpu.memory_space<vmem>>) semaphore(%dma_start3A_1051 : memref<!tpu.dma_semaphore, #tpu.memory_space<semaphore_mem>>) {add = true}
      %lt3A_1052 = arith.constant 24 : i32
      %lt3A_1053 = arith.cmpi slt, %scan3A_436, %lt3A_1052 : i32
      %convert_element_type3A_1054 = arith.extui %lt3A_1053 : i1 to i32
      %cond3A_1055 = arith.constant 0 : i32
      %cond3A_1056 = arith.cmpi ne, %convert_element_type3A_1054, %cond3A_1055 : i32
      scf.if %cond3A_1056 {
        %dma_wait3A_1163 = arith.constant 0 : i32
        %dma_wait3A_1164 = arith.constant 0 : i32
        %dma_wait3A_1165 = arith.constant 0 : i32
        %dma_wait3A_1166 = arith.constant 0 : i32
        %dma_wait3A_1167 = tpu.memref_slice %arg7[%dma_wait3A_1163, %dma_wait3A_1165, %dma_wait3A_1166] : memref<5x40x128xf32, #tpu.memory_space<vmem>> -> memref<1x40x128xf32, #tpu.memory_space<vmem>>
        %dma_wait3A_1168 = tpu.memref_squeeze %dma_wait3A_1167 : memref<1x40x128xf32, #tpu.memory_space<vmem>> -> memref<40x128xf32, #tpu.memory_space<vmem>>
        %dma_wait3A_1169 = arith.constant 0 : i32
        %dma_wait3A_1170 = arith.constant 0 : i32
        %dma_wait3A_1171 = tpu.memref_slice %arg9[%dma_wait3A_1169, %dma_wait3A_1170] : memref<10240x128xf32, #tpu.memory_space<vmem_shared>> -> memref<10240x128xf32, #tpu.memory_space<vmem_shared>>
        %dma_wait3A_1172 = tpu.memref_slice %arg13[%dma_wait3A_1164] : memref<5x!tpu.dma_semaphore, #tpu.memory_space<semaphore_mem>> -> memref<1x!tpu.dma_semaphore, #tpu.memory_space<semaphore_mem>>
        %dma_wait3A_1173 = tpu.memref_squeeze %dma_wait3A_1172 : memref<1x!tpu.dma_semaphore, #tpu.memory_space<semaphore_mem>> -> memref<!tpu.dma_semaphore, #tpu.memory_space<semaphore_mem>>
        tpu.wait_indirect_dma semaphore(%dma_wait3A_1173 : memref<!tpu.dma_semaphore, #tpu.memory_space<semaphore_mem>>) src(%dma_wait3A_1168 : memref<40x128xf32, #tpu.memory_space<vmem>>) dst(%dma_wait3A_1171 : memref<10240x128xf32, #tpu.memory_space<vmem_shared>>)
        %lt3A_1174 = arith.constant 24 : i32
        %lt3A_1175 = arith.cmpi slt, %scan3A_436, %lt3A_1174 : i32
        %convert_element_type3A_1176 = arith.extui %lt3A_1175 : i1 to i32
        %cond3A_1177 = arith.constant 0 : i32
        %cond3A_1178 = arith.cmpi ne, %convert_element_type3A_1176, %cond3A_1177 : i32
        scf.if %cond3A_1178 {
          %add3A_1221 = arith.constant 7 : i32
          %add3A_1222 = arith.addi %add3A_1025, %add3A_1221 : i32
          %dma_start3A_1223 = arith.constant 3 : i32
          %dma_start3A_1224 = arith.constant 3 : i32
          %dma_start3A_1225 = arith.constant 0 : i32
          %dma_start3A_1226 = tpu.memref_slice %arg6[%dma_start3A_1223, %dma_start3A_1225] : memref<10x40xi32, #tpu.memory_space<vmem>> -> memref<1x40xi32, #tpu.memory_space<vmem>>
          %dma_start3A_1227 = tpu.memref_squeeze %dma_start3A_1226 : memref<1x40xi32, #tpu.memory_space<vmem>> -> memref<40xi32, #tpu.memory_space<vmem>>
          %dma_start3A_1228 = arith.constant 0 : i32
          %dma_start3A_1229 = tpu.memref_slice %arg2[%add3A, %add3A_1222, %dma_start3A_1228] : memref<32x250x40xi32, #tpu.memory_space<hbm>> -> memref<1x1x40xi32, #tpu.memory_space<hbm>>
          %dma_start3A_1230 = tpu.memref_squeeze %dma_start3A_1229 : memref<1x1x40xi32, #tpu.memory_space<hbm>> -> memref<40xi32, #tpu.memory_space<hbm>>
          %dma_start3A_1231 = tpu.memref_slice %arg10[%dma_start3A_1224] : memref<10x!tpu.dma_semaphore, #tpu.memory_space<semaphore_mem>> -> memref<1x!tpu.dma_semaphore, #tpu.memory_space<semaphore_mem>>
          %dma_start3A_1232 = tpu.memref_squeeze %dma_start3A_1231 : memref<1x!tpu.dma_semaphore, #tpu.memory_space<semaphore_mem>> -> memref<!tpu.dma_semaphore, #tpu.memory_space<semaphore_mem>>
          %dma_start3A_1233 = arith.constant 0 : i32
          %dma_start3A_1234 = tpu.memref_slice %arg6[%dma_start3A_1223, %dma_start3A_1233] : memref<10x40xi32, #tpu.memory_space<vmem>> -> memref<1x40xi32, #tpu.memory_space<vmem>>
          %dma_start3A_1235 = tpu.memref_squeeze %dma_start3A_1234 : memref<1x40xi32, #tpu.memory_space<vmem>> -> memref<40xi32, #tpu.memory_space<vmem>>
          %dma_start3A_1236 = arith.constant 0 : i32
          %dma_start3A_1237 = tpu.memref_slice %arg2[%add3A, %add3A_1222, %dma_start3A_1236] : memref<32x250x40xi32, #tpu.memory_space<hbm>> -> memref<1x1x40xi32, #tpu.memory_space<hbm>>
          %dma_start3A_1238 = tpu.memref_squeeze %dma_start3A_1237 : memref<1x1x40xi32, #tpu.memory_space<hbm>> -> memref<40xi32, #tpu.memory_space<hbm>>
          tpu.enqueue_dma source(%dma_start3A_1238 : memref<40xi32, #tpu.memory_space<hbm>>) target(%dma_start3A_1235 : memref<40xi32, #tpu.memory_space<vmem>>) target_semaphore(%dma_start3A_1232 : memref<!tpu.dma_semaphore, #tpu.memory_space<semaphore_mem>>)
          %dma_start3A_1239 = arith.constant 3 : i32
          %dma_start3A_1240 = arith.constant 0 : i32
          %dma_start3A_1241 = tpu.memref_slice %arg3[%add3A, %add3A_1222, %dma_start3A_1240] : memref<32x250x40xi32, #tpu.memory_space<hbm>> -> memref<1x1x40xi32, #tpu.memory_space<hbm>>
          %dma_start3A_1242 = tpu.memref_squeeze %dma_start3A_1241 : memref<1x1x40xi32, #tpu.memory_space<hbm>> -> memref<40xi32, #tpu.memory_space<hbm>>
          %dma_start3A_1243 = tpu.memref_slice %arg11[%dma_start3A_1239] : memref<10x!tpu.dma_semaphore, #tpu.memory_space<semaphore_mem>> -> memref<1x!tpu.dma_semaphore, #tpu.memory_space<semaphore_mem>>
          %dma_start3A_1244 = tpu.memref_squeeze %dma_start3A_1243 : memref<1x!tpu.dma_semaphore, #tpu.memory_space<semaphore_mem>> -> memref<!tpu.dma_semaphore, #tpu.memory_space<semaphore_mem>>
          %dma_start3A_1245 = arith.constant 0 : i32
          %dma_start3A_1246 = tpu.memref_slice %arg3[%add3A, %add3A_1222, %dma_start3A_1245] : memref<32x250x40xi32, #tpu.memory_space<hbm>> -> memref<1x1x40xi32, #tpu.memory_space<hbm>>
          %dma_start3A_1247 = tpu.memref_squeeze %dma_start3A_1246 : memref<1x1x40xi32, #tpu.memory_space<hbm>> -> memref<40xi32, #tpu.memory_space<hbm>>
          tpu.enqueue_dma source(%dma_start3A_1247 : memref<40xi32, #tpu.memory_space<hbm>>) target(%arg17 : memref<40xi32, #tpu.memory_space<vmem>>) target_semaphore(%dma_start3A_1244 : memref<!tpu.dma_semaphore, #tpu.memory_space<semaphore_mem>>)
        } else {
        }
        %add3A_1179 = arith.constant 4 : i32
        %add3A_1180 = arith.addi %add3A_1025, %add3A_1179 : i32
        %dma_wait3A_1181 = arith.constant 0 : i32
        %dma_wait3A_1182 = arith.constant 0 : i32
        %dma_wait3A_1183 = arith.constant 0 : i32
        %dma_wait3A_1184 = tpu.memref_slice %arg6[%dma_wait3A_1181, %dma_wait3A_1183] : memref<10x40xi32, #tpu.memory_space<vmem>> -> memref<1x40xi32, #tpu.memory_space<vmem>>
        %dma_wait3A_1185 = tpu.memref_squeeze %dma_wait3A_1184 : memref<1x40xi32, #tpu.memory_space<vmem>> -> memref<40xi32, #tpu.memory_space<vmem>>
        %dma_wait3A_1186 = arith.constant 0 : i32
        %dma_wait3A_1187 = tpu.memref_slice %arg2[%add3A, %add3A_1180, %dma_wait3A_1186] : memref<32x250x40xi32, #tpu.memory_space<hbm>> -> memref<1x1x40xi32, #tpu.memory_space<hbm>>
        %dma_wait3A_1188 = tpu.memref_squeeze %dma_wait3A_1187 : memref<1x1x40xi32, #tpu.memory_space<hbm>> -> memref<40xi32, #tpu.memory_space<hbm>>
        %dma_wait3A_1189 = tpu.memref_slice %arg10[%dma_wait3A_1182] : memref<10x!tpu.dma_semaphore, #tpu.memory_space<semaphore_mem>> -> memref<1x!tpu.dma_semaphore, #tpu.memory_space<semaphore_mem>>
        %dma_wait3A_1190 = tpu.memref_squeeze %dma_wait3A_1189 : memref<1x!tpu.dma_semaphore, #tpu.memory_space<semaphore_mem>> -> memref<!tpu.dma_semaphore, #tpu.memory_space<semaphore_mem>>
        %dma_wait3A_1191 = arith.constant 0 : i32
        %dma_wait3A_1192 = tpu.memref_slice %arg6[%dma_wait3A_1181, %dma_wait3A_1191] : memref<10x40xi32, #tpu.memory_space<vmem>> -> memref<1x40xi32, #tpu.memory_space<vmem>>
        %dma_wait3A_1193 = tpu.memref_squeeze %dma_wait3A_1192 : memref<1x40xi32, #tpu.memory_space<vmem>> -> memref<40xi32, #tpu.memory_space<vmem>>
        %dma_wait3A_1194 = arith.constant 0 : i32
        %dma_wait3A_1195 = tpu.memref_slice %arg2[%add3A, %add3A_1180, %dma_wait3A_1194] : memref<32x250x40xi32, #tpu.memory_space<hbm>> -> memref<1x1x40xi32, #tpu.memory_space<hbm>>
        %dma_wait3A_1196 = tpu.memref_squeeze %dma_wait3A_1195 : memref<1x1x40xi32, #tpu.memory_space<hbm>> -> memref<40xi32, #tpu.memory_space<hbm>>
        tpu.wait_dma2 semaphore(%dma_wait3A_1190 : memref<!tpu.dma_semaphore, #tpu.memory_space<semaphore_mem>>) src(%dma_wait3A_1196 : memref<40xi32, #tpu.memory_space<hbm>>) dst(%dma_wait3A_1193 : memref<40xi32, #tpu.memory_space<vmem>>)
        %dma_wait3A_1197 = arith.constant 0 : i32
        %dma_wait3A_1198 = arith.constant 0 : i32
        %dma_wait3A_1199 = tpu.memref_slice %arg3[%add3A, %add3A_1180, %dma_wait3A_1198] : memref<32x250x40xi32, #tpu.memory_space<hbm>> -> memref<1x1x40xi32, #tpu.memory_space<hbm>>
        %dma_wait3A_1200 = tpu.memref_squeeze %dma_wait3A_1199 : memref<1x1x40xi32, #tpu.memory_space<hbm>> -> memref<40xi32, #tpu.memory_space<hbm>>
        %dma_wait3A_1201 = tpu.memref_slice %arg11[%dma_wait3A_1197] : memref<10x!tpu.dma_semaphore, #tpu.memory_space<semaphore_mem>> -> memref<1x!tpu.dma_semaphore, #tpu.memory_space<semaphore_mem>>
        %dma_wait3A_1202 = tpu.memref_squeeze %dma_wait3A_1201 : memref<1x!tpu.dma_semaphore, #tpu.memory_space<semaphore_mem>> -> memref<!tpu.dma_semaphore, #tpu.memory_space<semaphore_mem>>
        %dma_wait3A_1203 = arith.constant 0 : i32
        %dma_wait3A_1204 = tpu.memref_slice %arg3[%add3A, %add3A_1180, %dma_wait3A_1203] : memref<32x250x40xi32, #tpu.memory_space<hbm>> -> memref<1x1x40xi32, #tpu.memory_space<hbm>>
        %dma_wait3A_1205 = tpu.memref_squeeze %dma_wait3A_1204 : memref<1x1x40xi32, #tpu.memory_space<hbm>> -> memref<40xi32, #tpu.memory_space<hbm>>
        tpu.wait_dma2 semaphore(%dma_wait3A_1202 : memref<!tpu.dma_semaphore, #tpu.memory_space<semaphore_mem>>) src(%dma_wait3A_1205 : memref<40xi32, #tpu.memory_space<hbm>>) dst(%arg14 : memref<40xi32, #tpu.memory_space<vmem>>)
        %dma_start3A_1206 = arith.constant 0 : i32
        %dma_start3A_1207 = arith.constant 0 : i32
        %dma_start3A_1208 = arith.constant 0 : i32
        %dma_start3A_1209 = arith.constant 0 : i32
        %dma_start3A_1210 = arith.constant 0 : i32
        %dma_start3A_1211 = tpu.memref_slice %arg7[%dma_start3A_1207, %dma_start3A_1209, %dma_start3A_1210] : memref<5x40x128xf32, #tpu.memory_space<vmem>> -> memref<1x40x128xf32, #tpu.memory_space<vmem>>
        %dma_start3A_1212 = tpu.memref_squeeze %dma_start3A_1211 : memref<1x40x128xf32, #tpu.memory_space<vmem>> -> memref<40x128xf32, #tpu.memory_space<vmem>>
        %dma_start3A_1213 = arith.constant 0 : i32
        %dma_start3A_1214 = tpu.memref_slice %arg6[%dma_start3A_1206, %dma_start3A_1213] : memref<10x40xi32, #tpu.memory_space<vmem>> -> memref<1x40xi32, #tpu.memory_space<vmem>>
        %dma_start3A_1215 = tpu.memref_squeeze %dma_start3A_1214 : memref<1x40xi32, #tpu.memory_space<vmem>> -> memref<40xi32, #tpu.memory_space<vmem>>
        %dma_start3A_1216 = arith.constant 0 : i32
        %dma_start3A_1217 = arith.constant 0 : i32
        %dma_start3A_1218 = tpu.memref_slice %arg4[%dma_start3A_1216, %dma_start3A_1217] : memref<10000x128xf32, #tpu.memory_space<hbm>> -> memref<10000x128xf32, #tpu.memory_space<hbm>>
        %dma_start3A_1219 = tpu.memref_slice %arg12[%dma_start3A_1208] : memref<5x!tpu.dma_semaphore, #tpu.memory_space<semaphore_mem>> -> memref<1x!tpu.dma_semaphore, #tpu.memory_space<semaphore_mem>>
        %dma_start3A_1220 = tpu.memref_squeeze %dma_start3A_1219 : memref<1x!tpu.dma_semaphore, #tpu.memory_space<semaphore_mem>> -> memref<!tpu.dma_semaphore, #tpu.memory_space<semaphore_mem>>
        tpu.enqueue_indirect_dma source(%dma_start3A_1218 : memref<10000x128xf32, #tpu.memory_space<hbm>>) target(%dma_start3A_1212 : memref<40x128xf32, #tpu.memory_space<vmem>>) offsets(%dma_start3A_1215 : memref<40xi32, #tpu.memory_space<vmem>>) semaphore(%dma_start3A_1220 : memref<!tpu.dma_semaphore, #tpu.memory_space<semaphore_mem>>)
      } else {
      }
      %mul3A_1057 = arith.constant 10 : i32
      %mul3A_1058 = arith.muli %scan3A_436, %mul3A_1057 : i32
      %add3A_1059 = arith.constant 7 : i32
      %add3A_1060 = arith.addi %mul3A_1058, %add3A_1059 : i32
      %dma_wait3A_1061 = arith.constant 7 : i32
      %dma_wait3A_1062 = arith.constant 2 : i32
      %dma_wait3A_1063 = arith.constant 2 : i32
      %dma_wait3A_1064 = arith.constant 0 : i32
      %dma_wait3A_1065 = arith.constant 0 : i32
      %dma_wait3A_1066 = tpu.memref_slice %arg7[%dma_wait3A_1062, %dma_wait3A_1064, %dma_wait3A_1065] : memref<5x40x128xf32, #tpu.memory_space<vmem>> -> memref<1x40x128xf32, #tpu.memory_space<vmem>>
      %dma_wait3A_1067 = tpu.memref_squeeze %dma_wait3A_1066 : memref<1x40x128xf32, #tpu.memory_space<vmem>> -> memref<40x128xf32, #tpu.memory_space<vmem>>
      %dma_wait3A_1068 = arith.constant 0 : i32
      %dma_wait3A_1069 = tpu.memref_slice %arg6[%dma_wait3A_1061, %dma_wait3A_1068] : memref<10x40xi32, #tpu.memory_space<vmem>> -> memref<1x40xi32, #tpu.memory_space<vmem>>
      %dma_wait3A_1070 = tpu.memref_squeeze %dma_wait3A_1069 : memref<1x40xi32, #tpu.memory_space<vmem>> -> memref<40xi32, #tpu.memory_space<vmem>>
      %dma_wait3A_1071 = arith.constant 0 : i32
      %dma_wait3A_1072 = arith.constant 0 : i32
      %dma_wait3A_1073 = tpu.memref_slice %arg4[%dma_wait3A_1071, %dma_wait3A_1072] : memref<10000x128xf32, #tpu.memory_space<hbm>> -> memref<10000x128xf32, #tpu.memory_space<hbm>>
      %dma_wait3A_1074 = tpu.memref_slice %arg12[%dma_wait3A_1063] : memref<5x!tpu.dma_semaphore, #tpu.memory_space<semaphore_mem>> -> memref<1x!tpu.dma_semaphore, #tpu.memory_space<semaphore_mem>>
      %dma_wait3A_1075 = tpu.memref_squeeze %dma_wait3A_1074 : memref<1x!tpu.dma_semaphore, #tpu.memory_space<semaphore_mem>> -> memref<!tpu.dma_semaphore, #tpu.memory_space<semaphore_mem>>
      tpu.wait_indirect_dma semaphore(%dma_wait3A_1075 : memref<!tpu.dma_semaphore, #tpu.memory_space<semaphore_mem>>) src(%dma_wait3A_1073 : memref<10000x128xf32, #tpu.memory_space<hbm>>) dst(%dma_wait3A_1067 : memref<40x128xf32, #tpu.memory_space<vmem>>)
      %dma_start3A_1076 = arith.constant 2 : i32
      %dma_start3A_1077 = arith.constant 2 : i32
      %dma_start3A_1078 = arith.constant 0 : i32
      %dma_start3A_1079 = arith.constant 0 : i32
      %dma_start3A_1080 = tpu.memref_slice %arg7[%dma_start3A_1076, %dma_start3A_1078, %dma_start3A_1079] : memref<5x40x128xf32, #tpu.memory_space<vmem>> -> memref<1x40x128xf32, #tpu.memory_space<vmem>>
      %dma_start3A_1081 = tpu.memref_squeeze %dma_start3A_1080 : memref<1x40x128xf32, #tpu.memory_space<vmem>> -> memref<40x128xf32, #tpu.memory_space<vmem>>
      %dma_start3A_1082 = arith.constant 0 : i32
      %dma_start3A_1083 = arith.constant 0 : i32
      %dma_start3A_1084 = tpu.memref_slice %arg9[%dma_start3A_1082, %dma_start3A_1083] : memref<10240x128xf32, #tpu.memory_space<vmem_shared>> -> memref<10240x128xf32, #tpu.memory_space<vmem_shared>>
      %dma_start3A_1085 = tpu.memref_slice %arg13[%dma_start3A_1077] : memref<5x!tpu.dma_semaphore, #tpu.memory_space<semaphore_mem>> -> memref<1x!tpu.dma_semaphore, #tpu.memory_space<semaphore_mem>>
      %dma_start3A_1086 = tpu.memref_squeeze %dma_start3A_1085 : memref<1x!tpu.dma_semaphore, #tpu.memory_space<semaphore_mem>> -> memref<!tpu.dma_semaphore, #tpu.memory_space<semaphore_mem>>
      tpu.enqueue_indirect_dma source(%dma_start3A_1081 : memref<40x128xf32, #tpu.memory_space<vmem>>) target(%dma_start3A_1084 : memref<10240x128xf32, #tpu.memory_space<vmem_shared>>) offsets(%arg21 : memref<40xi32, #tpu.memory_space<vmem>>) semaphore(%dma_start3A_1086 : memref<!tpu.dma_semaphore, #tpu.memory_space<semaphore_mem>>) {add = true}
      %lt3A_1087 = arith.constant 24 : i32
      %lt3A_1088 = arith.cmpi slt, %scan3A_436, %lt3A_1087 : i32
      %convert_element_type3A_1089 = arith.extui %lt3A_1088 : i1 to i32
      %cond3A_1090 = arith.constant 0 : i32
      %cond3A_1091 = arith.cmpi ne, %convert_element_type3A_1089, %cond3A_1090 : i32
      scf.if %cond3A_1091 {
        %dma_wait3A_1163 = arith.constant 1 : i32
        %dma_wait3A_1164 = arith.constant 1 : i32
        %dma_wait3A_1165 = arith.constant 0 : i32
        %dma_wait3A_1166 = arith.constant 0 : i32
        %dma_wait3A_1167 = tpu.memref_slice %arg7[%dma_wait3A_1163, %dma_wait3A_1165, %dma_wait3A_1166] : memref<5x40x128xf32, #tpu.memory_space<vmem>> -> memref<1x40x128xf32, #tpu.memory_space<vmem>>
        %dma_wait3A_1168 = tpu.memref_squeeze %dma_wait3A_1167 : memref<1x40x128xf32, #tpu.memory_space<vmem>> -> memref<40x128xf32, #tpu.memory_space<vmem>>
        %dma_wait3A_1169 = arith.constant 0 : i32
        %dma_wait3A_1170 = arith.constant 0 : i32
        %dma_wait3A_1171 = tpu.memref_slice %arg9[%dma_wait3A_1169, %dma_wait3A_1170] : memref<10240x128xf32, #tpu.memory_space<vmem_shared>> -> memref<10240x128xf32, #tpu.memory_space<vmem_shared>>
        %dma_wait3A_1172 = tpu.memref_slice %arg13[%dma_wait3A_1164] : memref<5x!tpu.dma_semaphore, #tpu.memory_space<semaphore_mem>> -> memref<1x!tpu.dma_semaphore, #tpu.memory_space<semaphore_mem>>
        %dma_wait3A_1173 = tpu.memref_squeeze %dma_wait3A_1172 : memref<1x!tpu.dma_semaphore, #tpu.memory_space<semaphore_mem>> -> memref<!tpu.dma_semaphore, #tpu.memory_space<semaphore_mem>>
        tpu.wait_indirect_dma semaphore(%dma_wait3A_1173 : memref<!tpu.dma_semaphore, #tpu.memory_space<semaphore_mem>>) src(%dma_wait3A_1168 : memref<40x128xf32, #tpu.memory_space<vmem>>) dst(%dma_wait3A_1171 : memref<10240x128xf32, #tpu.memory_space<vmem_shared>>)
        %lt3A_1174 = arith.constant 24 : i32
        %lt3A_1175 = arith.cmpi slt, %scan3A_436, %lt3A_1174 : i32
        %convert_element_type3A_1176 = arith.extui %lt3A_1175 : i1 to i32
        %cond3A_1177 = arith.constant 0 : i32
        %cond3A_1178 = arith.cmpi ne, %convert_element_type3A_1176, %cond3A_1177 : i32
        scf.if %cond3A_1178 {
          %add3A_1221 = arith.constant 7 : i32
          %add3A_1222 = arith.addi %add3A_1060, %add3A_1221 : i32
          %dma_start3A_1223 = arith.constant 4 : i32
          %dma_start3A_1224 = arith.constant 4 : i32
          %dma_start3A_1225 = arith.constant 0 : i32
          %dma_start3A_1226 = tpu.memref_slice %arg6[%dma_start3A_1223, %dma_start3A_1225] : memref<10x40xi32, #tpu.memory_space<vmem>> -> memref<1x40xi32, #tpu.memory_space<vmem>>
          %dma_start3A_1227 = tpu.memref_squeeze %dma_start3A_1226 : memref<1x40xi32, #tpu.memory_space<vmem>> -> memref<40xi32, #tpu.memory_space<vmem>>
          %dma_start3A_1228 = arith.constant 0 : i32
          %dma_start3A_1229 = tpu.memref_slice %arg2[%add3A, %add3A_1222, %dma_start3A_1228] : memref<32x250x40xi32, #tpu.memory_space<hbm>> -> memref<1x1x40xi32, #tpu.memory_space<hbm>>
          %dma_start3A_1230 = tpu.memref_squeeze %dma_start3A_1229 : memref<1x1x40xi32, #tpu.memory_space<hbm>> -> memref<40xi32, #tpu.memory_space<hbm>>
          %dma_start3A_1231 = tpu.memref_slice %arg10[%dma_start3A_1224] : memref<10x!tpu.dma_semaphore, #tpu.memory_space<semaphore_mem>> -> memref<1x!tpu.dma_semaphore, #tpu.memory_space<semaphore_mem>>
          %dma_start3A_1232 = tpu.memref_squeeze %dma_start3A_1231 : memref<1x!tpu.dma_semaphore, #tpu.memory_space<semaphore_mem>> -> memref<!tpu.dma_semaphore, #tpu.memory_space<semaphore_mem>>
          %dma_start3A_1233 = arith.constant 0 : i32
          %dma_start3A_1234 = tpu.memref_slice %arg6[%dma_start3A_1223, %dma_start3A_1233] : memref<10x40xi32, #tpu.memory_space<vmem>> -> memref<1x40xi32, #tpu.memory_space<vmem>>
          %dma_start3A_1235 = tpu.memref_squeeze %dma_start3A_1234 : memref<1x40xi32, #tpu.memory_space<vmem>> -> memref<40xi32, #tpu.memory_space<vmem>>
          %dma_start3A_1236 = arith.constant 0 : i32
          %dma_start3A_1237 = tpu.memref_slice %arg2[%add3A, %add3A_1222, %dma_start3A_1236] : memref<32x250x40xi32, #tpu.memory_space<hbm>> -> memref<1x1x40xi32, #tpu.memory_space<hbm>>
          %dma_start3A_1238 = tpu.memref_squeeze %dma_start3A_1237 : memref<1x1x40xi32, #tpu.memory_space<hbm>> -> memref<40xi32, #tpu.memory_space<hbm>>
          tpu.enqueue_dma source(%dma_start3A_1238 : memref<40xi32, #tpu.memory_space<hbm>>) target(%dma_start3A_1235 : memref<40xi32, #tpu.memory_space<vmem>>) target_semaphore(%dma_start3A_1232 : memref<!tpu.dma_semaphore, #tpu.memory_space<semaphore_mem>>)
          %dma_start3A_1239 = arith.constant 4 : i32
          %dma_start3A_1240 = arith.constant 0 : i32
          %dma_start3A_1241 = tpu.memref_slice %arg3[%add3A, %add3A_1222, %dma_start3A_1240] : memref<32x250x40xi32, #tpu.memory_space<hbm>> -> memref<1x1x40xi32, #tpu.memory_space<hbm>>
          %dma_start3A_1242 = tpu.memref_squeeze %dma_start3A_1241 : memref<1x1x40xi32, #tpu.memory_space<hbm>> -> memref<40xi32, #tpu.memory_space<hbm>>
          %dma_start3A_1243 = tpu.memref_slice %arg11[%dma_start3A_1239] : memref<10x!tpu.dma_semaphore, #tpu.memory_space<semaphore_mem>> -> memref<1x!tpu.dma_semaphore, #tpu.memory_space<semaphore_mem>>
          %dma_start3A_1244 = tpu.memref_squeeze %dma_start3A_1243 : memref<1x!tpu.dma_semaphore, #tpu.memory_space<semaphore_mem>> -> memref<!tpu.dma_semaphore, #tpu.memory_space<semaphore_mem>>
          %dma_start3A_1245 = arith.constant 0 : i32
          %dma_start3A_1246 = tpu.memref_slice %arg3[%add3A, %add3A_1222, %dma_start3A_1245] : memref<32x250x40xi32, #tpu.memory_space<hbm>> -> memref<1x1x40xi32, #tpu.memory_space<hbm>>
          %dma_start3A_1247 = tpu.memref_squeeze %dma_start3A_1246 : memref<1x1x40xi32, #tpu.memory_space<hbm>> -> memref<40xi32, #tpu.memory_space<hbm>>
          tpu.enqueue_dma source(%dma_start3A_1247 : memref<40xi32, #tpu.memory_space<hbm>>) target(%arg18 : memref<40xi32, #tpu.memory_space<vmem>>) target_semaphore(%dma_start3A_1244 : memref<!tpu.dma_semaphore, #tpu.memory_space<semaphore_mem>>)
        } else {
        }
        %add3A_1179 = arith.constant 4 : i32
        %add3A_1180 = arith.addi %add3A_1060, %add3A_1179 : i32
        %dma_wait3A_1181 = arith.constant 1 : i32
        %dma_wait3A_1182 = arith.constant 1 : i32
        %dma_wait3A_1183 = arith.constant 0 : i32
        %dma_wait3A_1184 = tpu.memref_slice %arg6[%dma_wait3A_1181, %dma_wait3A_1183] : memref<10x40xi32, #tpu.memory_space<vmem>> -> memref<1x40xi32, #tpu.memory_space<vmem>>
        %dma_wait3A_1185 = tpu.memref_squeeze %dma_wait3A_1184 : memref<1x40xi32, #tpu.memory_space<vmem>> -> memref<40xi32, #tpu.memory_space<vmem>>
        %dma_wait3A_1186 = arith.constant 0 : i32
        %dma_wait3A_1187 = tpu.memref_slice %arg2[%add3A, %add3A_1180, %dma_wait3A_1186] : memref<32x250x40xi32, #tpu.memory_space<hbm>> -> memref<1x1x40xi32, #tpu.memory_space<hbm>>
        %dma_wait3A_1188 = tpu.memref_squeeze %dma_wait3A_1187 : memref<1x1x40xi32, #tpu.memory_space<hbm>> -> memref<40xi32, #tpu.memory_space<hbm>>
        %dma_wait3A_1189 = tpu.memref_slice %arg10[%dma_wait3A_1182] : memref<10x!tpu.dma_semaphore, #tpu.memory_space<semaphore_mem>> -> memref<1x!tpu.dma_semaphore, #tpu.memory_space<semaphore_mem>>
        %dma_wait3A_1190 = tpu.memref_squeeze %dma_wait3A_1189 : memref<1x!tpu.dma_semaphore, #tpu.memory_space<semaphore_mem>> -> memref<!tpu.dma_semaphore, #tpu.memory_space<semaphore_mem>>
        %dma_wait3A_1191 = arith.constant 0 : i32
        %dma_wait3A_1192 = tpu.memref_slice %arg6[%dma_wait3A_1181, %dma_wait3A_1191] : memref<10x40xi32, #tpu.memory_space<vmem>> -> memref<1x40xi32, #tpu.memory_space<vmem>>
        %dma_wait3A_1193 = tpu.memref_squeeze %dma_wait3A_1192 : memref<1x40xi32, #tpu.memory_space<vmem>> -> memref<40xi32, #tpu.memory_space<vmem>>
        %dma_wait3A_1194 = arith.constant 0 : i32
        %dma_wait3A_1195 = tpu.memref_slice %arg2[%add3A, %add3A_1180, %dma_wait3A_1194] : memref<32x250x40xi32, #tpu.memory_space<hbm>> -> memref<1x1x40xi32, #tpu.memory_space<hbm>>
        %dma_wait3A_1196 = tpu.memref_squeeze %dma_wait3A_1195 : memref<1x1x40xi32, #tpu.memory_space<hbm>> -> memref<40xi32, #tpu.memory_space<hbm>>
        tpu.wait_dma2 semaphore(%dma_wait3A_1190 : memref<!tpu.dma_semaphore, #tpu.memory_space<semaphore_mem>>) src(%dma_wait3A_1196 : memref<40xi32, #tpu.memory_space<hbm>>) dst(%dma_wait3A_1193 : memref<40xi32, #tpu.memory_space<vmem>>)
        %dma_wait3A_1197 = arith.constant 1 : i32
        %dma_wait3A_1198 = arith.constant 0 : i32
        %dma_wait3A_1199 = tpu.memref_slice %arg3[%add3A, %add3A_1180, %dma_wait3A_1198] : memref<32x250x40xi32, #tpu.memory_space<hbm>> -> memref<1x1x40xi32, #tpu.memory_space<hbm>>
        %dma_wait3A_1200 = tpu.memref_squeeze %dma_wait3A_1199 : memref<1x1x40xi32, #tpu.memory_space<hbm>> -> memref<40xi32, #tpu.memory_space<hbm>>
        %dma_wait3A_1201 = tpu.memref_slice %arg11[%dma_wait3A_1197] : memref<10x!tpu.dma_semaphore, #tpu.memory_space<semaphore_mem>> -> memref<1x!tpu.dma_semaphore, #tpu.memory_space<semaphore_mem>>
        %dma_wait3A_1202 = tpu.memref_squeeze %dma_wait3A_1201 : memref<1x!tpu.dma_semaphore, #tpu.memory_space<semaphore_mem>> -> memref<!tpu.dma_semaphore, #tpu.memory_space<semaphore_mem>>
        %dma_wait3A_1203 = arith.constant 0 : i32
        %dma_wait3A_1204 = tpu.memref_slice %arg3[%add3A, %add3A_1180, %dma_wait3A_1203] : memref<32x250x40xi32, #tpu.memory_space<hbm>> -> memref<1x1x40xi32, #tpu.memory_space<hbm>>
        %dma_wait3A_1205 = tpu.memref_squeeze %dma_wait3A_1204 : memref<1x1x40xi32, #tpu.memory_space<hbm>> -> memref<40xi32, #tpu.memory_space<hbm>>
        tpu.wait_dma2 semaphore(%dma_wait3A_1202 : memref<!tpu.dma_semaphore, #tpu.memory_space<semaphore_mem>>) src(%dma_wait3A_1205 : memref<40xi32, #tpu.memory_space<hbm>>) dst(%arg15 : memref<40xi32, #tpu.memory_space<vmem>>)
        %dma_start3A_1206 = arith.constant 1 : i32
        %dma_start3A_1207 = arith.constant 1 : i32
        %dma_start3A_1208 = arith.constant 1 : i32
        %dma_start3A_1209 = arith.constant 0 : i32
        %dma_start3A_1210 = arith.constant 0 : i32
        %dma_start3A_1211 = tpu.memref_slice %arg7[%dma_start3A_1207, %dma_start3A_1209, %dma_start3A_1210] : memref<5x40x128xf32, #tpu.memory_space<vmem>> -> memref<1x40x128xf32, #tpu.memory_space<vmem>>
        %dma_start3A_1212 = tpu.memref_squeeze %dma_start3A_1211 : memref<1x40x128xf32, #tpu.memory_space<vmem>> -> memref<40x128xf32, #tpu.memory_space<vmem>>
        %dma_start3A_1213 = arith.constant 0 : i32
        %dma_start3A_1214 = tpu.memref_slice %arg6[%dma_start3A_1206, %dma_start3A_1213] : memref<10x40xi32, #tpu.memory_space<vmem>> -> memref<1x40xi32, #tpu.memory_space<vmem>>
        %dma_start3A_1215 = tpu.memref_squeeze %dma_start3A_1214 : memref<1x40xi32, #tpu.memory_space<vmem>> -> memref<40xi32, #tpu.memory_space<vmem>>
        %dma_start3A_1216 = arith.constant 0 : i32
        %dma_start3A_1217 = arith.constant 0 : i32
        %dma_start3A_1218 = tpu.memref_slice %arg4[%dma_start3A_1216, %dma_start3A_1217] : memref<10000x128xf32, #tpu.memory_space<hbm>> -> memref<10000x128xf32, #tpu.memory_space<hbm>>
        %dma_start3A_1219 = tpu.memref_slice %arg12[%dma_start3A_1208] : memref<5x!tpu.dma_semaphore, #tpu.memory_space<semaphore_mem>> -> memref<1x!tpu.dma_semaphore, #tpu.memory_space<semaphore_mem>>
        %dma_start3A_1220 = tpu.memref_squeeze %dma_start3A_1219 : memref<1x!tpu.dma_semaphore, #tpu.memory_space<semaphore_mem>> -> memref<!tpu.dma_semaphore, #tpu.memory_space<semaphore_mem>>
        tpu.enqueue_indirect_dma source(%dma_start3A_1218 : memref<10000x128xf32, #tpu.memory_space<hbm>>) target(%dma_start3A_1212 : memref<40x128xf32, #tpu.memory_space<vmem>>) offsets(%dma_start3A_1215 : memref<40xi32, #tpu.memory_space<vmem>>) semaphore(%dma_start3A_1220 : memref<!tpu.dma_semaphore, #tpu.memory_space<semaphore_mem>>)
      } else {
      }
      %mul3A_1092 = arith.constant 10 : i32
      %mul3A_1093 = arith.muli %scan3A_436, %mul3A_1092 : i32
      %add3A_1094 = arith.constant 8 : i32
      %add3A_1095 = arith.addi %mul3A_1093, %add3A_1094 : i32
      %dma_wait3A_1096 = arith.constant 8 : i32
      %dma_wait3A_1097 = arith.constant 3 : i32
      %dma_wait3A_1098 = arith.constant 3 : i32
      %dma_wait3A_1099 = arith.constant 0 : i32
      %dma_wait3A_1100 = arith.constant 0 : i32
      %dma_wait3A_1101 = tpu.memref_slice %arg7[%dma_wait3A_1097, %dma_wait3A_1099, %dma_wait3A_1100] : memref<5x40x128xf32, #tpu.memory_space<vmem>> -> memref<1x40x128xf32, #tpu.memory_space<vmem>>
      %dma_wait3A_1102 = tpu.memref_squeeze %dma_wait3A_1101 : memref<1x40x128xf32, #tpu.memory_space<vmem>> -> memref<40x128xf32, #tpu.memory_space<vmem>>
      %dma_wait3A_1103 = arith.constant 0 : i32
      %dma_wait3A_1104 = tpu.memref_slice %arg6[%dma_wait3A_1096, %dma_wait3A_1103] : memref<10x40xi32, #tpu.memory_space<vmem>> -> memref<1x40xi32, #tpu.memory_space<vmem>>
      %dma_wait3A_1105 = tpu.memref_squeeze %dma_wait3A_1104 : memref<1x40xi32, #tpu.memory_space<vmem>> -> memref<40xi32, #tpu.memory_space<vmem>>
      %dma_wait3A_1106 = arith.constant 0 : i32
      %dma_wait3A_1107 = arith.constant 0 : i32
      %dma_wait3A_1108 = tpu.memref_slice %arg4[%dma_wait3A_1106, %dma_wait3A_1107] : memref<10000x128xf32, #tpu.memory_space<hbm>> -> memref<10000x128xf32, #tpu.memory_space<hbm>>
      %dma_wait3A_1109 = tpu.memref_slice %arg12[%dma_wait3A_1098] : memref<5x!tpu.dma_semaphore, #tpu.memory_space<semaphore_mem>> -> memref<1x!tpu.dma_semaphore, #tpu.memory_space<semaphore_mem>>
      %dma_wait3A_1110 = tpu.memref_squeeze %dma_wait3A_1109 : memref<1x!tpu.dma_semaphore, #tpu.memory_space<semaphore_mem>> -> memref<!tpu.dma_semaphore, #tpu.memory_space<semaphore_mem>>
      tpu.wait_indirect_dma semaphore(%dma_wait3A_1110 : memref<!tpu.dma_semaphore, #tpu.memory_space<semaphore_mem>>) src(%dma_wait3A_1108 : memref<10000x128xf32, #tpu.memory_space<hbm>>) dst(%dma_wait3A_1102 : memref<40x128xf32, #tpu.memory_space<vmem>>)
      %dma_start3A_1111 = arith.constant 3 : i32
      %dma_start3A_1112 = arith.constant 3 : i32
      %dma_start3A_1113 = arith.constant 0 : i32
      %dma_start3A_1114 = arith.constant 0 : i32
      %dma_start3A_1115 = tpu.memref_slice %arg7[%dma_start3A_1111, %dma_start3A_1113, %dma_start3A_1114] : memref<5x40x128xf32, #tpu.memory_space<vmem>> -> memref<1x40x128xf32, #tpu.memory_space<vmem>>
      %dma_start3A_1116 = tpu.memref_squeeze %dma_start3A_1115 : memref<1x40x128xf32, #tpu.memory_space<vmem>> -> memref<40x128xf32, #tpu.memory_space<vmem>>
      %dma_start3A_1117 = arith.constant 0 : i32
      %dma_start3A_1118 = arith.constant 0 : i32
      %dma_start3A_1119 = tpu.memref_slice %arg9[%dma_start3A_1117, %dma_start3A_1118] : memref<10240x128xf32, #tpu.memory_space<vmem_shared>> -> memref<10240x128xf32, #tpu.memory_space<vmem_shared>>
      %dma_start3A_1120 = tpu.memref_slice %arg13[%dma_start3A_1112] : memref<5x!tpu.dma_semaphore, #tpu.memory_space<semaphore_mem>> -> memref<1x!tpu.dma_semaphore, #tpu.memory_space<semaphore_mem>>
      %dma_start3A_1121 = tpu.memref_squeeze %dma_start3A_1120 : memref<1x!tpu.dma_semaphore, #tpu.memory_space<semaphore_mem>> -> memref<!tpu.dma_semaphore, #tpu.memory_space<semaphore_mem>>
      tpu.enqueue_indirect_dma source(%dma_start3A_1116 : memref<40x128xf32, #tpu.memory_space<vmem>>) target(%dma_start3A_1119 : memref<10240x128xf32, #tpu.memory_space<vmem_shared>>) offsets(%arg22 : memref<40xi32, #tpu.memory_space<vmem>>) semaphore(%dma_start3A_1121 : memref<!tpu.dma_semaphore, #tpu.memory_space<semaphore_mem>>) {add = true}
      %lt3A_1122 = arith.constant 24 : i32
      %lt3A_1123 = arith.cmpi slt, %scan3A_436, %lt3A_1122 : i32
      %convert_element_type3A_1124 = arith.extui %lt3A_1123 : i1 to i32
      %cond3A_1125 = arith.constant 0 : i32
      %cond3A_1126 = arith.cmpi ne, %convert_element_type3A_1124, %cond3A_1125 : i32
      scf.if %cond3A_1126 {
        %dma_wait3A_1163 = arith.constant 2 : i32
        %dma_wait3A_1164 = arith.constant 2 : i32
        %dma_wait3A_1165 = arith.constant 0 : i32
        %dma_wait3A_1166 = arith.constant 0 : i32
        %dma_wait3A_1167 = tpu.memref_slice %arg7[%dma_wait3A_1163, %dma_wait3A_1165, %dma_wait3A_1166] : memref<5x40x128xf32, #tpu.memory_space<vmem>> -> memref<1x40x128xf32, #tpu.memory_space<vmem>>
        %dma_wait3A_1168 = tpu.memref_squeeze %dma_wait3A_1167 : memref<1x40x128xf32, #tpu.memory_space<vmem>> -> memref<40x128xf32, #tpu.memory_space<vmem>>
        %dma_wait3A_1169 = arith.constant 0 : i32
        %dma_wait3A_1170 = arith.constant 0 : i32
        %dma_wait3A_1171 = tpu.memref_slice %arg9[%dma_wait3A_1169, %dma_wait3A_1170] : memref<10240x128xf32, #tpu.memory_space<vmem_shared>> -> memref<10240x128xf32, #tpu.memory_space<vmem_shared>>
        %dma_wait3A_1172 = tpu.memref_slice %arg13[%dma_wait3A_1164] : memref<5x!tpu.dma_semaphore, #tpu.memory_space<semaphore_mem>> -> memref<1x!tpu.dma_semaphore, #tpu.memory_space<semaphore_mem>>
        %dma_wait3A_1173 = tpu.memref_squeeze %dma_wait3A_1172 : memref<1x!tpu.dma_semaphore, #tpu.memory_space<semaphore_mem>> -> memref<!tpu.dma_semaphore, #tpu.memory_space<semaphore_mem>>
        tpu.wait_indirect_dma semaphore(%dma_wait3A_1173 : memref<!tpu.dma_semaphore, #tpu.memory_space<semaphore_mem>>) src(%dma_wait3A_1168 : memref<40x128xf32, #tpu.memory_space<vmem>>) dst(%dma_wait3A_1171 : memref<10240x128xf32, #tpu.memory_space<vmem_shared>>)
        %lt3A_1174 = arith.constant 24 : i32
        %lt3A_1175 = arith.cmpi slt, %scan3A_436, %lt3A_1174 : i32
        %convert_element_type3A_1176 = arith.extui %lt3A_1175 : i1 to i32
        %cond3A_1177 = arith.constant 0 : i32
        %cond3A_1178 = arith.cmpi ne, %convert_element_type3A_1176, %cond3A_1177 : i32
        scf.if %cond3A_1178 {
          %add3A_1221 = arith.constant 7 : i32
          %add3A_1222 = arith.addi %add3A_1095, %add3A_1221 : i32
          %dma_start3A_1223 = arith.constant 5 : i32
          %dma_start3A_1224 = arith.constant 5 : i32
          %dma_start3A_1225 = arith.constant 0 : i32
          %dma_start3A_1226 = tpu.memref_slice %arg6[%dma_start3A_1223, %dma_start3A_1225] : memref<10x40xi32, #tpu.memory_space<vmem>> -> memref<1x40xi32, #tpu.memory_space<vmem>>
          %dma_start3A_1227 = tpu.memref_squeeze %dma_start3A_1226 : memref<1x40xi32, #tpu.memory_space<vmem>> -> memref<40xi32, #tpu.memory_space<vmem>>
          %dma_start3A_1228 = arith.constant 0 : i32
          %dma_start3A_1229 = tpu.memref_slice %arg2[%add3A, %add3A_1222, %dma_start3A_1228] : memref<32x250x40xi32, #tpu.memory_space<hbm>> -> memref<1x1x40xi32, #tpu.memory_space<hbm>>
          %dma_start3A_1230 = tpu.memref_squeeze %dma_start3A_1229 : memref<1x1x40xi32, #tpu.memory_space<hbm>> -> memref<40xi32, #tpu.memory_space<hbm>>
          %dma_start3A_1231 = tpu.memref_slice %arg10[%dma_start3A_1224] : memref<10x!tpu.dma_semaphore, #tpu.memory_space<semaphore_mem>> -> memref<1x!tpu.dma_semaphore, #tpu.memory_space<semaphore_mem>>
          %dma_start3A_1232 = tpu.memref_squeeze %dma_start3A_1231 : memref<1x!tpu.dma_semaphore, #tpu.memory_space<semaphore_mem>> -> memref<!tpu.dma_semaphore, #tpu.memory_space<semaphore_mem>>
          %dma_start3A_1233 = arith.constant 0 : i32
          %dma_start3A_1234 = tpu.memref_slice %arg6[%dma_start3A_1223, %dma_start3A_1233] : memref<10x40xi32, #tpu.memory_space<vmem>> -> memref<1x40xi32, #tpu.memory_space<vmem>>
          %dma_start3A_1235 = tpu.memref_squeeze %dma_start3A_1234 : memref<1x40xi32, #tpu.memory_space<vmem>> -> memref<40xi32, #tpu.memory_space<vmem>>
          %dma_start3A_1236 = arith.constant 0 : i32
          %dma_start3A_1237 = tpu.memref_slice %arg2[%add3A, %add3A_1222, %dma_start3A_1236] : memref<32x250x40xi32, #tpu.memory_space<hbm>> -> memref<1x1x40xi32, #tpu.memory_space<hbm>>
          %dma_start3A_1238 = tpu.memref_squeeze %dma_start3A_1237 : memref<1x1x40xi32, #tpu.memory_space<hbm>> -> memref<40xi32, #tpu.memory_space<hbm>>
          tpu.enqueue_dma source(%dma_start3A_1238 : memref<40xi32, #tpu.memory_space<hbm>>) target(%dma_start3A_1235 : memref<40xi32, #tpu.memory_space<vmem>>) target_semaphore(%dma_start3A_1232 : memref<!tpu.dma_semaphore, #tpu.memory_space<semaphore_mem>>)
          %dma_start3A_1239 = arith.constant 5 : i32
          %dma_start3A_1240 = arith.constant 0 : i32
          %dma_start3A_1241 = tpu.memref_slice %arg3[%add3A, %add3A_1222, %dma_start3A_1240] : memref<32x250x40xi32, #tpu.memory_space<hbm>> -> memref<1x1x40xi32, #tpu.memory_space<hbm>>
          %dma_start3A_1242 = tpu.memref_squeeze %dma_start3A_1241 : memref<1x1x40xi32, #tpu.memory_space<hbm>> -> memref<40xi32, #tpu.memory_space<hbm>>
          %dma_start3A_1243 = tpu.memref_slice %arg11[%dma_start3A_1239] : memref<10x!tpu.dma_semaphore, #tpu.memory_space<semaphore_mem>> -> memref<1x!tpu.dma_semaphore, #tpu.memory_space<semaphore_mem>>
          %dma_start3A_1244 = tpu.memref_squeeze %dma_start3A_1243 : memref<1x!tpu.dma_semaphore, #tpu.memory_space<semaphore_mem>> -> memref<!tpu.dma_semaphore, #tpu.memory_space<semaphore_mem>>
          %dma_start3A_1245 = arith.constant 0 : i32
          %dma_start3A_1246 = tpu.memref_slice %arg3[%add3A, %add3A_1222, %dma_start3A_1245] : memref<32x250x40xi32, #tpu.memory_space<hbm>> -> memref<1x1x40xi32, #tpu.memory_space<hbm>>
          %dma_start3A_1247 = tpu.memref_squeeze %dma_start3A_1246 : memref<1x1x40xi32, #tpu.memory_space<hbm>> -> memref<40xi32, #tpu.memory_space<hbm>>
          tpu.enqueue_dma source(%dma_start3A_1247 : memref<40xi32, #tpu.memory_space<hbm>>) target(%arg19 : memref<40xi32, #tpu.memory_space<vmem>>) target_semaphore(%dma_start3A_1244 : memref<!tpu.dma_semaphore, #tpu.memory_space<semaphore_mem>>)
        } else {
        }
        %add3A_1179 = arith.constant 4 : i32
        %add3A_1180 = arith.addi %add3A_1095, %add3A_1179 : i32
        %dma_wait3A_1181 = arith.constant 2 : i32
        %dma_wait3A_1182 = arith.constant 2 : i32
        %dma_wait3A_1183 = arith.constant 0 : i32
        %dma_wait3A_1184 = tpu.memref_slice %arg6[%dma_wait3A_1181, %dma_wait3A_1183] : memref<10x40xi32, #tpu.memory_space<vmem>> -> memref<1x40xi32, #tpu.memory_space<vmem>>
        %dma_wait3A_1185 = tpu.memref_squeeze %dma_wait3A_1184 : memref<1x40xi32, #tpu.memory_space<vmem>> -> memref<40xi32, #tpu.memory_space<vmem>>
        %dma_wait3A_1186 = arith.constant 0 : i32
        %dma_wait3A_1187 = tpu.memref_slice %arg2[%add3A, %add3A_1180, %dma_wait3A_1186] : memref<32x250x40xi32, #tpu.memory_space<hbm>> -> memref<1x1x40xi32, #tpu.memory_space<hbm>>
        %dma_wait3A_1188 = tpu.memref_squeeze %dma_wait3A_1187 : memref<1x1x40xi32, #tpu.memory_space<hbm>> -> memref<40xi32, #tpu.memory_space<hbm>>
        %dma_wait3A_1189 = tpu.memref_slice %arg10[%dma_wait3A_1182] : memref<10x!tpu.dma_semaphore, #tpu.memory_space<semaphore_mem>> -> memref<1x!tpu.dma_semaphore, #tpu.memory_space<semaphore_mem>>
        %dma_wait3A_1190 = tpu.memref_squeeze %dma_wait3A_1189 : memref<1x!tpu.dma_semaphore, #tpu.memory_space<semaphore_mem>> -> memref<!tpu.dma_semaphore, #tpu.memory_space<semaphore_mem>>
        %dma_wait3A_1191 = arith.constant 0 : i32
        %dma_wait3A_1192 = tpu.memref_slice %arg6[%dma_wait3A_1181, %dma_wait3A_1191] : memref<10x40xi32, #tpu.memory_space<vmem>> -> memref<1x40xi32, #tpu.memory_space<vmem>>
        %dma_wait3A_1193 = tpu.memref_squeeze %dma_wait3A_1192 : memref<1x40xi32, #tpu.memory_space<vmem>> -> memref<40xi32, #tpu.memory_space<vmem>>
        %dma_wait3A_1194 = arith.constant 0 : i32
        %dma_wait3A_1195 = tpu.memref_slice %arg2[%add3A, %add3A_1180, %dma_wait3A_1194] : memref<32x250x40xi32, #tpu.memory_space<hbm>> -> memref<1x1x40xi32, #tpu.memory_space<hbm>>
        %dma_wait3A_1196 = tpu.memref_squeeze %dma_wait3A_1195 : memref<1x1x40xi32, #tpu.memory_space<hbm>> -> memref<40xi32, #tpu.memory_space<hbm>>
        tpu.wait_dma2 semaphore(%dma_wait3A_1190 : memref<!tpu.dma_semaphore, #tpu.memory_space<semaphore_mem>>) src(%dma_wait3A_1196 : memref<40xi32, #tpu.memory_space<hbm>>) dst(%dma_wait3A_1193 : memref<40xi32, #tpu.memory_space<vmem>>)
        %dma_wait3A_1197 = arith.constant 2 : i32
        %dma_wait3A_1198 = arith.constant 0 : i32
        %dma_wait3A_1199 = tpu.memref_slice %arg3[%add3A, %add3A_1180, %dma_wait3A_1198] : memref<32x250x40xi32, #tpu.memory_space<hbm>> -> memref<1x1x40xi32, #tpu.memory_space<hbm>>
        %dma_wait3A_1200 = tpu.memref_squeeze %dma_wait3A_1199 : memref<1x1x40xi32, #tpu.memory_space<hbm>> -> memref<40xi32, #tpu.memory_space<hbm>>
        %dma_wait3A_1201 = tpu.memref_slice %arg11[%dma_wait3A_1197] : memref<10x!tpu.dma_semaphore, #tpu.memory_space<semaphore_mem>> -> memref<1x!tpu.dma_semaphore, #tpu.memory_space<semaphore_mem>>
        %dma_wait3A_1202 = tpu.memref_squeeze %dma_wait3A_1201 : memref<1x!tpu.dma_semaphore, #tpu.memory_space<semaphore_mem>> -> memref<!tpu.dma_semaphore, #tpu.memory_space<semaphore_mem>>
        %dma_wait3A_1203 = arith.constant 0 : i32
        %dma_wait3A_1204 = tpu.memref_slice %arg3[%add3A, %add3A_1180, %dma_wait3A_1203] : memref<32x250x40xi32, #tpu.memory_space<hbm>> -> memref<1x1x40xi32, #tpu.memory_space<hbm>>
        %dma_wait3A_1205 = tpu.memref_squeeze %dma_wait3A_1204 : memref<1x1x40xi32, #tpu.memory_space<hbm>> -> memref<40xi32, #tpu.memory_space<hbm>>
        tpu.wait_dma2 semaphore(%dma_wait3A_1202 : memref<!tpu.dma_semaphore, #tpu.memory_space<semaphore_mem>>) src(%dma_wait3A_1205 : memref<40xi32, #tpu.memory_space<hbm>>) dst(%arg16 : memref<40xi32, #tpu.memory_space<vmem>>)
        %dma_start3A_1206 = arith.constant 2 : i32
        %dma_start3A_1207 = arith.constant 2 : i32
        %dma_start3A_1208 = arith.constant 2 : i32
        %dma_start3A_1209 = arith.constant 0 : i32
        %dma_start3A_1210 = arith.constant 0 : i32
        %dma_start3A_1211 = tpu.memref_slice %arg7[%dma_start3A_1207, %dma_start3A_1209, %dma_start3A_1210] : memref<5x40x128xf32, #tpu.memory_space<vmem>> -> memref<1x40x128xf32, #tpu.memory_space<vmem>>
        %dma_start3A_1212 = tpu.memref_squeeze %dma_start3A_1211 : memref<1x40x128xf32, #tpu.memory_space<vmem>> -> memref<40x128xf32, #tpu.memory_space<vmem>>
        %dma_start3A_1213 = arith.constant 0 : i32
        %dma_start3A_1214 = tpu.memref_slice %arg6[%dma_start3A_1206, %dma_start3A_1213] : memref<10x40xi32, #tpu.memory_space<vmem>> -> memref<1x40xi32, #tpu.memory_space<vmem>>
        %dma_start3A_1215 = tpu.memref_squeeze %dma_start3A_1214 : memref<1x40xi32, #tpu.memory_space<vmem>> -> memref<40xi32, #tpu.memory_space<vmem>>
        %dma_start3A_1216 = arith.constant 0 : i32
        %dma_start3A_1217 = arith.constant 0 : i32
        %dma_start3A_1218 = tpu.memref_slice %arg4[%dma_start3A_1216, %dma_start3A_1217] : memref<10000x128xf32, #tpu.memory_space<hbm>> -> memref<10000x128xf32, #tpu.memory_space<hbm>>
        %dma_start3A_1219 = tpu.memref_slice %arg12[%dma_start3A_1208] : memref<5x!tpu.dma_semaphore, #tpu.memory_space<semaphore_mem>> -> memref<1x!tpu.dma_semaphore, #tpu.memory_space<semaphore_mem>>
        %dma_start3A_1220 = tpu.memref_squeeze %dma_start3A_1219 : memref<1x!tpu.dma_semaphore, #tpu.memory_space<semaphore_mem>> -> memref<!tpu.dma_semaphore, #tpu.memory_space<semaphore_mem>>
        tpu.enqueue_indirect_dma source(%dma_start3A_1218 : memref<10000x128xf32, #tpu.memory_space<hbm>>) target(%dma_start3A_1212 : memref<40x128xf32, #tpu.memory_space<vmem>>) offsets(%dma_start3A_1215 : memref<40xi32, #tpu.memory_space<vmem>>) semaphore(%dma_start3A_1220 : memref<!tpu.dma_semaphore, #tpu.memory_space<semaphore_mem>>)
      } else {
      }
      %mul3A_1127 = arith.constant 10 : i32
      %mul3A_1128 = arith.muli %scan3A_436, %mul3A_1127 : i32
      %add3A_1129 = arith.constant 9 : i32
      %add3A_1130 = arith.addi %mul3A_1128, %add3A_1129 : i32
      %dma_wait3A_1131 = arith.constant 9 : i32
      %dma_wait3A_1132 = arith.constant 4 : i32
      %dma_wait3A_1133 = arith.constant 4 : i32
      %dma_wait3A_1134 = arith.constant 0 : i32
      %dma_wait3A_1135 = arith.constant 0 : i32
      %dma_wait3A_1136 = tpu.memref_slice %arg7[%dma_wait3A_1132, %dma_wait3A_1134, %dma_wait3A_1135] : memref<5x40x128xf32, #tpu.memory_space<vmem>> -> memref<1x40x128xf32, #tpu.memory_space<vmem>>
      %dma_wait3A_1137 = tpu.memref_squeeze %dma_wait3A_1136 : memref<1x40x128xf32, #tpu.memory_space<vmem>> -> memref<40x128xf32, #tpu.memory_space<vmem>>
      %dma_wait3A_1138 = arith.constant 0 : i32
      %dma_wait3A_1139 = tpu.memref_slice %arg6[%dma_wait3A_1131, %dma_wait3A_1138] : memref<10x40xi32, #tpu.memory_space<vmem>> -> memref<1x40xi32, #tpu.memory_space<vmem>>
      %dma_wait3A_1140 = tpu.memref_squeeze %dma_wait3A_1139 : memref<1x40xi32, #tpu.memory_space<vmem>> -> memref<40xi32, #tpu.memory_space<vmem>>
      %dma_wait3A_1141 = arith.constant 0 : i32
      %dma_wait3A_1142 = arith.constant 0 : i32
      %dma_wait3A_1143 = tpu.memref_slice %arg4[%dma_wait3A_1141, %dma_wait3A_1142] : memref<10000x128xf32, #tpu.memory_space<hbm>> -> memref<10000x128xf32, #tpu.memory_space<hbm>>
      %dma_wait3A_1144 = tpu.memref_slice %arg12[%dma_wait3A_1133] : memref<5x!tpu.dma_semaphore, #tpu.memory_space<semaphore_mem>> -> memref<1x!tpu.dma_semaphore, #tpu.memory_space<semaphore_mem>>
      %dma_wait3A_1145 = tpu.memref_squeeze %dma_wait3A_1144 : memref<1x!tpu.dma_semaphore, #tpu.memory_space<semaphore_mem>> -> memref<!tpu.dma_semaphore, #tpu.memory_space<semaphore_mem>>
      tpu.wait_indirect_dma semaphore(%dma_wait3A_1145 : memref<!tpu.dma_semaphore, #tpu.memory_space<semaphore_mem>>) src(%dma_wait3A_1143 : memref<10000x128xf32, #tpu.memory_space<hbm>>) dst(%dma_wait3A_1137 : memref<40x128xf32, #tpu.memory_space<vmem>>)
      %dma_start3A_1146 = arith.constant 4 : i32
      %dma_start3A_1147 = arith.constant 4 : i32
      %dma_start3A_1148 = arith.constant 0 : i32
      %dma_start3A_1149 = arith.constant 0 : i32
      %dma_start3A_1150 = tpu.memref_slice %arg7[%dma_start3A_1146, %dma_start3A_1148, %dma_start3A_1149] : memref<5x40x128xf32, #tpu.memory_space<vmem>> -> memref<1x40x128xf32, #tpu.memory_space<vmem>>
      %dma_start3A_1151 = tpu.memref_squeeze %dma_start3A_1150 : memref<1x40x128xf32, #tpu.memory_space<vmem>> -> memref<40x128xf32, #tpu.memory_space<vmem>>
      %dma_start3A_1152 = arith.constant 0 : i32
      %dma_start3A_1153 = arith.constant 0 : i32
      %dma_start3A_1154 = tpu.memref_slice %arg9[%dma_start3A_1152, %dma_start3A_1153] : memref<10240x128xf32, #tpu.memory_space<vmem_shared>> -> memref<10240x128xf32, #tpu.memory_space<vmem_shared>>
      %dma_start3A_1155 = tpu.memref_slice %arg13[%dma_start3A_1147] : memref<5x!tpu.dma_semaphore, #tpu.memory_space<semaphore_mem>> -> memref<1x!tpu.dma_semaphore, #tpu.memory_space<semaphore_mem>>
      %dma_start3A_1156 = tpu.memref_squeeze %dma_start3A_1155 : memref<1x!tpu.dma_semaphore, #tpu.memory_space<semaphore_mem>> -> memref<!tpu.dma_semaphore, #tpu.memory_space<semaphore_mem>>
      tpu.enqueue_indirect_dma source(%dma_start3A_1151 : memref<40x128xf32, #tpu.memory_space<vmem>>) target(%dma_start3A_1154 : memref<10240x128xf32, #tpu.memory_space<vmem_shared>>) offsets(%arg23 : memref<40xi32, #tpu.memory_space<vmem>>) semaphore(%dma_start3A_1156 : memref<!tpu.dma_semaphore, #tpu.memory_space<semaphore_mem>>) {add = true}
      %lt3A_1157 = arith.constant 24 : i32
      %lt3A_1158 = arith.cmpi slt, %scan3A_436, %lt3A_1157 : i32
      %convert_element_type3A_1159 = arith.extui %lt3A_1158 : i1 to i32
      %cond3A_1160 = arith.constant 0 : i32
      %cond3A_1161 = arith.cmpi ne, %convert_element_type3A_1159, %cond3A_1160 : i32
      scf.if %cond3A_1161 {
        %dma_wait3A_1163 = arith.constant 3 : i32
        %dma_wait3A_1164 = arith.constant 3 : i32
        %dma_wait3A_1165 = arith.constant 0 : i32
        %dma_wait3A_1166 = arith.constant 0 : i32
        %dma_wait3A_1167 = tpu.memref_slice %arg7[%dma_wait3A_1163, %dma_wait3A_1165, %dma_wait3A_1166] : memref<5x40x128xf32, #tpu.memory_space<vmem>> -> memref<1x40x128xf32, #tpu.memory_space<vmem>>
        %dma_wait3A_1168 = tpu.memref_squeeze %dma_wait3A_1167 : memref<1x40x128xf32, #tpu.memory_space<vmem>> -> memref<40x128xf32, #tpu.memory_space<vmem>>
        %dma_wait3A_1169 = arith.constant 0 : i32
        %dma_wait3A_1170 = arith.constant 0 : i32
        %dma_wait3A_1171 = tpu.memref_slice %arg9[%dma_wait3A_1169, %dma_wait3A_1170] : memref<10240x128xf32, #tpu.memory_space<vmem_shared>> -> memref<10240x128xf32, #tpu.memory_space<vmem_shared>>
        %dma_wait3A_1172 = tpu.memref_slice %arg13[%dma_wait3A_1164] : memref<5x!tpu.dma_semaphore, #tpu.memory_space<semaphore_mem>> -> memref<1x!tpu.dma_semaphore, #tpu.memory_space<semaphore_mem>>
        %dma_wait3A_1173 = tpu.memref_squeeze %dma_wait3A_1172 : memref<1x!tpu.dma_semaphore, #tpu.memory_space<semaphore_mem>> -> memref<!tpu.dma_semaphore, #tpu.memory_space<semaphore_mem>>
        tpu.wait_indirect_dma semaphore(%dma_wait3A_1173 : memref<!tpu.dma_semaphore, #tpu.memory_space<semaphore_mem>>) src(%dma_wait3A_1168 : memref<40x128xf32, #tpu.memory_space<vmem>>) dst(%dma_wait3A_1171 : memref<10240x128xf32, #tpu.memory_space<vmem_shared>>)
        %lt3A_1174 = arith.constant 24 : i32
        %lt3A_1175 = arith.cmpi slt, %scan3A_436, %lt3A_1174 : i32
        %convert_element_type3A_1176 = arith.extui %lt3A_1175 : i1 to i32
        %cond3A_1177 = arith.constant 0 : i32
        %cond3A_1178 = arith.cmpi ne, %convert_element_type3A_1176, %cond3A_1177 : i32
        scf.if %cond3A_1178 {
          %add3A_1221 = arith.constant 7 : i32
          %add3A_1222 = arith.addi %add3A_1130, %add3A_1221 : i32
          %dma_start3A_1223 = arith.constant 6 : i32
          %dma_start3A_1224 = arith.constant 6 : i32
          %dma_start3A_1225 = arith.constant 0 : i32
          %dma_start3A_1226 = tpu.memref_slice %arg6[%dma_start3A_1223, %dma_start3A_1225] : memref<10x40xi32, #tpu.memory_space<vmem>> -> memref<1x40xi32, #tpu.memory_space<vmem>>
          %dma_start3A_1227 = tpu.memref_squeeze %dma_start3A_1226 : memref<1x40xi32, #tpu.memory_space<vmem>> -> memref<40xi32, #tpu.memory_space<vmem>>
          %dma_start3A_1228 = arith.constant 0 : i32
          %dma_start3A_1229 = tpu.memref_slice %arg2[%add3A, %add3A_1222, %dma_start3A_1228] : memref<32x250x40xi32, #tpu.memory_space<hbm>> -> memref<1x1x40xi32, #tpu.memory_space<hbm>>
          %dma_start3A_1230 = tpu.memref_squeeze %dma_start3A_1229 : memref<1x1x40xi32, #tpu.memory_space<hbm>> -> memref<40xi32, #tpu.memory_space<hbm>>
          %dma_start3A_1231 = tpu.memref_slice %arg10[%dma_start3A_1224] : memref<10x!tpu.dma_semaphore, #tpu.memory_space<semaphore_mem>> -> memref<1x!tpu.dma_semaphore, #tpu.memory_space<semaphore_mem>>
          %dma_start3A_1232 = tpu.memref_squeeze %dma_start3A_1231 : memref<1x!tpu.dma_semaphore, #tpu.memory_space<semaphore_mem>> -> memref<!tpu.dma_semaphore, #tpu.memory_space<semaphore_mem>>
          %dma_start3A_1233 = arith.constant 0 : i32
          %dma_start3A_1234 = tpu.memref_slice %arg6[%dma_start3A_1223, %dma_start3A_1233] : memref<10x40xi32, #tpu.memory_space<vmem>> -> memref<1x40xi32, #tpu.memory_space<vmem>>
          %dma_start3A_1235 = tpu.memref_squeeze %dma_start3A_1234 : memref<1x40xi32, #tpu.memory_space<vmem>> -> memref<40xi32, #tpu.memory_space<vmem>>
          %dma_start3A_1236 = arith.constant 0 : i32
          %dma_start3A_1237 = tpu.memref_slice %arg2[%add3A, %add3A_1222, %dma_start3A_1236] : memref<32x250x40xi32, #tpu.memory_space<hbm>> -> memref<1x1x40xi32, #tpu.memory_space<hbm>>
          %dma_start3A_1238 = tpu.memref_squeeze %dma_start3A_1237 : memref<1x1x40xi32, #tpu.memory_space<hbm>> -> memref<40xi32, #tpu.memory_space<hbm>>
          tpu.enqueue_dma source(%dma_start3A_1238 : memref<40xi32, #tpu.memory_space<hbm>>) target(%dma_start3A_1235 : memref<40xi32, #tpu.memory_space<vmem>>) target_semaphore(%dma_start3A_1232 : memref<!tpu.dma_semaphore, #tpu.memory_space<semaphore_mem>>)
          %dma_start3A_1239 = arith.constant 6 : i32
          %dma_start3A_1240 = arith.constant 0 : i32
          %dma_start3A_1241 = tpu.memref_slice %arg3[%add3A, %add3A_1222, %dma_start3A_1240] : memref<32x250x40xi32, #tpu.memory_space<hbm>> -> memref<1x1x40xi32, #tpu.memory_space<hbm>>
          %dma_start3A_1242 = tpu.memref_squeeze %dma_start3A_1241 : memref<1x1x40xi32, #tpu.memory_space<hbm>> -> memref<40xi32, #tpu.memory_space<hbm>>
          %dma_start3A_1243 = tpu.memref_slice %arg11[%dma_start3A_1239] : memref<10x!tpu.dma_semaphore, #tpu.memory_space<semaphore_mem>> -> memref<1x!tpu.dma_semaphore, #tpu.memory_space<semaphore_mem>>
          %dma_start3A_1244 = tpu.memref_squeeze %dma_start3A_1243 : memref<1x!tpu.dma_semaphore, #tpu.memory_space<semaphore_mem>> -> memref<!tpu.dma_semaphore, #tpu.memory_space<semaphore_mem>>
          %dma_start3A_1245 = arith.constant 0 : i32
          %dma_start3A_1246 = tpu.memref_slice %arg3[%add3A, %add3A_1222, %dma_start3A_1245] : memref<32x250x40xi32, #tpu.memory_space<hbm>> -> memref<1x1x40xi32, #tpu.memory_space<hbm>>
          %dma_start3A_1247 = tpu.memref_squeeze %dma_start3A_1246 : memref<1x1x40xi32, #tpu.memory_space<hbm>> -> memref<40xi32, #tpu.memory_space<hbm>>
          tpu.enqueue_dma source(%dma_start3A_1247 : memref<40xi32, #tpu.memory_space<hbm>>) target(%arg20 : memref<40xi32, #tpu.memory_space<vmem>>) target_semaphore(%dma_start3A_1244 : memref<!tpu.dma_semaphore, #tpu.memory_space<semaphore_mem>>)
        } else {
        }
        %add3A_1179 = arith.constant 4 : i32
        %add3A_1180 = arith.addi %add3A_1130, %add3A_1179 : i32
        %dma_wait3A_1181 = arith.constant 3 : i32
        %dma_wait3A_1182 = arith.constant 3 : i32
        %dma_wait3A_1183 = arith.constant 0 : i32
        %dma_wait3A_1184 = tpu.memref_slice %arg6[%dma_wait3A_1181, %dma_wait3A_1183] : memref<10x40xi32, #tpu.memory_space<vmem>> -> memref<1x40xi32, #tpu.memory_space<vmem>>
        %dma_wait3A_1185 = tpu.memref_squeeze %dma_wait3A_1184 : memref<1x40xi32, #tpu.memory_space<vmem>> -> memref<40xi32, #tpu.memory_space<vmem>>
        %dma_wait3A_1186 = arith.constant 0 : i32
        %dma_wait3A_1187 = tpu.memref_slice %arg2[%add3A, %add3A_1180, %dma_wait3A_1186] : memref<32x250x40xi32, #tpu.memory_space<hbm>> -> memref<1x1x40xi32, #tpu.memory_space<hbm>>
        %dma_wait3A_1188 = tpu.memref_squeeze %dma_wait3A_1187 : memref<1x1x40xi32, #tpu.memory_space<hbm>> -> memref<40xi32, #tpu.memory_space<hbm>>
        %dma_wait3A_1189 = tpu.memref_slice %arg10[%dma_wait3A_1182] : memref<10x!tpu.dma_semaphore, #tpu.memory_space<semaphore_mem>> -> memref<1x!tpu.dma_semaphore, #tpu.memory_space<semaphore_mem>>
        %dma_wait3A_1190 = tpu.memref_squeeze %dma_wait3A_1189 : memref<1x!tpu.dma_semaphore, #tpu.memory_space<semaphore_mem>> -> memref<!tpu.dma_semaphore, #tpu.memory_space<semaphore_mem>>
        %dma_wait3A_1191 = arith.constant 0 : i32
        %dma_wait3A_1192 = tpu.memref_slice %arg6[%dma_wait3A_1181, %dma_wait3A_1191] : memref<10x40xi32, #tpu.memory_space<vmem>> -> memref<1x40xi32, #tpu.memory_space<vmem>>
        %dma_wait3A_1193 = tpu.memref_squeeze %dma_wait3A_1192 : memref<1x40xi32, #tpu.memory_space<vmem>> -> memref<40xi32, #tpu.memory_space<vmem>>
        %dma_wait3A_1194 = arith.constant 0 : i32
        %dma_wait3A_1195 = tpu.memref_slice %arg2[%add3A, %add3A_1180, %dma_wait3A_1194] : memref<32x250x40xi32, #tpu.memory_space<hbm>> -> memref<1x1x40xi32, #tpu.memory_space<hbm>>
        %dma_wait3A_1196 = tpu.memref_squeeze %dma_wait3A_1195 : memref<1x1x40xi32, #tpu.memory_space<hbm>> -> memref<40xi32, #tpu.memory_space<hbm>>
        tpu.wait_dma2 semaphore(%dma_wait3A_1190 : memref<!tpu.dma_semaphore, #tpu.memory_space<semaphore_mem>>) src(%dma_wait3A_1196 : memref<40xi32, #tpu.memory_space<hbm>>) dst(%dma_wait3A_1193 : memref<40xi32, #tpu.memory_space<vmem>>)
        %dma_wait3A_1197 = arith.constant 3 : i32
        %dma_wait3A_1198 = arith.constant 0 : i32
        %dma_wait3A_1199 = tpu.memref_slice %arg3[%add3A, %add3A_1180, %dma_wait3A_1198] : memref<32x250x40xi32, #tpu.memory_space<hbm>> -> memref<1x1x40xi32, #tpu.memory_space<hbm>>
        %dma_wait3A_1200 = tpu.memref_squeeze %dma_wait3A_1199 : memref<1x1x40xi32, #tpu.memory_space<hbm>> -> memref<40xi32, #tpu.memory_space<hbm>>
        %dma_wait3A_1201 = tpu.memref_slice %arg11[%dma_wait3A_1197] : memref<10x!tpu.dma_semaphore, #tpu.memory_space<semaphore_mem>> -> memref<1x!tpu.dma_semaphore, #tpu.memory_space<semaphore_mem>>
        %dma_wait3A_1202 = tpu.memref_squeeze %dma_wait3A_1201 : memref<1x!tpu.dma_semaphore, #tpu.memory_space<semaphore_mem>> -> memref<!tpu.dma_semaphore, #tpu.memory_space<semaphore_mem>>
        %dma_wait3A_1203 = arith.constant 0 : i32
        %dma_wait3A_1204 = tpu.memref_slice %arg3[%add3A, %add3A_1180, %dma_wait3A_1203] : memref<32x250x40xi32, #tpu.memory_space<hbm>> -> memref<1x1x40xi32, #tpu.memory_space<hbm>>
        %dma_wait3A_1205 = tpu.memref_squeeze %dma_wait3A_1204 : memref<1x1x40xi32, #tpu.memory_space<hbm>> -> memref<40xi32, #tpu.memory_space<hbm>>
        tpu.wait_dma2 semaphore(%dma_wait3A_1202 : memref<!tpu.dma_semaphore, #tpu.memory_space<semaphore_mem>>) src(%dma_wait3A_1205 : memref<40xi32, #tpu.memory_space<hbm>>) dst(%arg17 : memref<40xi32, #tpu.memory_space<vmem>>)
        %dma_start3A_1206 = arith.constant 3 : i32
        %dma_start3A_1207 = arith.constant 3 : i32
        %dma_start3A_1208 = arith.constant 3 : i32
        %dma_start3A_1209 = arith.constant 0 : i32
        %dma_start3A_1210 = arith.constant 0 : i32
        %dma_start3A_1211 = tpu.memref_slice %arg7[%dma_start3A_1207, %dma_start3A_1209, %dma_start3A_1210] : memref<5x40x128xf32, #tpu.memory_space<vmem>> -> memref<1x40x128xf32, #tpu.memory_space<vmem>>
        %dma_start3A_1212 = tpu.memref_squeeze %dma_start3A_1211 : memref<1x40x128xf32, #tpu.memory_space<vmem>> -> memref<40x128xf32, #tpu.memory_space<vmem>>
        %dma_start3A_1213 = arith.constant 0 : i32
        %dma_start3A_1214 = tpu.memref_slice %arg6[%dma_start3A_1206, %dma_start3A_1213] : memref<10x40xi32, #tpu.memory_space<vmem>> -> memref<1x40xi32, #tpu.memory_space<vmem>>
        %dma_start3A_1215 = tpu.memref_squeeze %dma_start3A_1214 : memref<1x40xi32, #tpu.memory_space<vmem>> -> memref<40xi32, #tpu.memory_space<vmem>>
        %dma_start3A_1216 = arith.constant 0 : i32
        %dma_start3A_1217 = arith.constant 0 : i32
        %dma_start3A_1218 = tpu.memref_slice %arg4[%dma_start3A_1216, %dma_start3A_1217] : memref<10000x128xf32, #tpu.memory_space<hbm>> -> memref<10000x128xf32, #tpu.memory_space<hbm>>
        %dma_start3A_1219 = tpu.memref_slice %arg12[%dma_start3A_1208] : memref<5x!tpu.dma_semaphore, #tpu.memory_space<semaphore_mem>> -> memref<1x!tpu.dma_semaphore, #tpu.memory_space<semaphore_mem>>
        %dma_start3A_1220 = tpu.memref_squeeze %dma_start3A_1219 : memref<1x!tpu.dma_semaphore, #tpu.memory_space<semaphore_mem>> -> memref<!tpu.dma_semaphore, #tpu.memory_space<semaphore_mem>>
        tpu.enqueue_indirect_dma source(%dma_start3A_1218 : memref<10000x128xf32, #tpu.memory_space<hbm>>) target(%dma_start3A_1212 : memref<40x128xf32, #tpu.memory_space<vmem>>) offsets(%dma_start3A_1215 : memref<40xi32, #tpu.memory_space<vmem>>) semaphore(%dma_start3A_1220 : memref<!tpu.dma_semaphore, #tpu.memory_space<semaphore_mem>>)
      } else {
      }
      %scan3A_1162 = arith.constant 0 : i32
      scf.yield %scan3A_1162 : i32
    }
    %scan3A_375 = arith.constant 25 : i32
    %dma_wait3A_376 = arith.constant 0 : i32
    %dma_wait3A_377 = arith.constant 0 : i32
    %dma_wait3A_378 = arith.constant 0 : i32
    %dma_wait3A_379 = arith.constant 0 : i32
    %dma_wait3A_380 = tpu.memref_slice %arg7[%dma_wait3A_376, %dma_wait3A_378, %dma_wait3A_379] : memref<5x40x128xf32, #tpu.memory_space<vmem>> -> memref<1x40x128xf32, #tpu.memory_space<vmem>>
    %dma_wait3A_381 = tpu.memref_squeeze %dma_wait3A_380 : memref<1x40x128xf32, #tpu.memory_space<vmem>> -> memref<40x128xf32, #tpu.memory_space<vmem>>
    %dma_wait3A_382 = arith.constant 0 : i32
    %dma_wait3A_383 = arith.constant 0 : i32
    %dma_wait3A_384 = tpu.memref_slice %arg9[%dma_wait3A_382, %dma_wait3A_383] : memref<10240x128xf32, #tpu.memory_space<vmem_shared>> -> memref<10240x128xf32, #tpu.memory_space<vmem_shared>>
    %dma_wait3A_385 = tpu.memref_slice %arg13[%dma_wait3A_377] : memref<5x!tpu.dma_semaphore, #tpu.memory_space<semaphore_mem>> -> memref<1x!tpu.dma_semaphore, #tpu.memory_space<semaphore_mem>>
    %dma_wait3A_386 = tpu.memref_squeeze %dma_wait3A_385 : memref<1x!tpu.dma_semaphore, #tpu.memory_space<semaphore_mem>> -> memref<!tpu.dma_semaphore, #tpu.memory_space<semaphore_mem>>
    tpu.wait_indirect_dma semaphore(%dma_wait3A_386 : memref<!tpu.dma_semaphore, #tpu.memory_space<semaphore_mem>>) src(%dma_wait3A_381 : memref<40x128xf32, #tpu.memory_space<vmem>>) dst(%dma_wait3A_384 : memref<10240x128xf32, #tpu.memory_space<vmem_shared>>)
    %dma_wait3A_387 = arith.constant 1 : i32
    %dma_wait3A_388 = arith.constant 1 : i32
    %dma_wait3A_389 = arith.constant 0 : i32
    %dma_wait3A_390 = arith.constant 0 : i32
    %dma_wait3A_391 = tpu.memref_slice %arg7[%dma_wait3A_387, %dma_wait3A_389, %dma_wait3A_390] : memref<5x40x128xf32, #tpu.memory_space<vmem>> -> memref<1x40x128xf32, #tpu.memory_space<vmem>>
    %dma_wait3A_392 = tpu.memref_squeeze %dma_wait3A_391 : memref<1x40x128xf32, #tpu.memory_space<vmem>> -> memref<40x128xf32, #tpu.memory_space<vmem>>
    %dma_wait3A_393 = arith.constant 0 : i32
    %dma_wait3A_394 = arith.constant 0 : i32
    %dma_wait3A_395 = tpu.memref_slice %arg9[%dma_wait3A_393, %dma_wait3A_394] : memref<10240x128xf32, #tpu.memory_space<vmem_shared>> -> memref<10240x128xf32, #tpu.memory_space<vmem_shared>>
    %dma_wait3A_396 = tpu.memref_slice %arg13[%dma_wait3A_388] : memref<5x!tpu.dma_semaphore, #tpu.memory_space<semaphore_mem>> -> memref<1x!tpu.dma_semaphore, #tpu.memory_space<semaphore_mem>>
    %dma_wait3A_397 = tpu.memref_squeeze %dma_wait3A_396 : memref<1x!tpu.dma_semaphore, #tpu.memory_space<semaphore_mem>> -> memref<!tpu.dma_semaphore, #tpu.memory_space<semaphore_mem>>
    tpu.wait_indirect_dma semaphore(%dma_wait3A_397 : memref<!tpu.dma_semaphore, #tpu.memory_space<semaphore_mem>>) src(%dma_wait3A_392 : memref<40x128xf32, #tpu.memory_space<vmem>>) dst(%dma_wait3A_395 : memref<10240x128xf32, #tpu.memory_space<vmem_shared>>)
    %dma_wait3A_398 = arith.constant 2 : i32
    %dma_wait3A_399 = arith.constant 2 : i32
    %dma_wait3A_400 = arith.constant 0 : i32
    %dma_wait3A_401 = arith.constant 0 : i32
    %dma_wait3A_402 = tpu.memref_slice %arg7[%dma_wait3A_398, %dma_wait3A_400, %dma_wait3A_401] : memref<5x40x128xf32, #tpu.memory_space<vmem>> -> memref<1x40x128xf32, #tpu.memory_space<vmem>>
    %dma_wait3A_403 = tpu.memref_squeeze %dma_wait3A_402 : memref<1x40x128xf32, #tpu.memory_space<vmem>> -> memref<40x128xf32, #tpu.memory_space<vmem>>
    %dma_wait3A_404 = arith.constant 0 : i32
    %dma_wait3A_405 = arith.constant 0 : i32
    %dma_wait3A_406 = tpu.memref_slice %arg9[%dma_wait3A_404, %dma_wait3A_405] : memref<10240x128xf32, #tpu.memory_space<vmem_shared>> -> memref<10240x128xf32, #tpu.memory_space<vmem_shared>>
    %dma_wait3A_407 = tpu.memref_slice %arg13[%dma_wait3A_399] : memref<5x!tpu.dma_semaphore, #tpu.memory_space<semaphore_mem>> -> memref<1x!tpu.dma_semaphore, #tpu.memory_space<semaphore_mem>>
    %dma_wait3A_408 = tpu.memref_squeeze %dma_wait3A_407 : memref<1x!tpu.dma_semaphore, #tpu.memory_space<semaphore_mem>> -> memref<!tpu.dma_semaphore, #tpu.memory_space<semaphore_mem>>
    tpu.wait_indirect_dma semaphore(%dma_wait3A_408 : memref<!tpu.dma_semaphore, #tpu.memory_space<semaphore_mem>>) src(%dma_wait3A_403 : memref<40x128xf32, #tpu.memory_space<vmem>>) dst(%dma_wait3A_406 : memref<10240x128xf32, #tpu.memory_space<vmem_shared>>)
    %dma_wait3A_409 = arith.constant 3 : i32
    %dma_wait3A_410 = arith.constant 3 : i32
    %dma_wait3A_411 = arith.constant 0 : i32
    %dma_wait3A_412 = arith.constant 0 : i32
    %dma_wait3A_413 = tpu.memref_slice %arg7[%dma_wait3A_409, %dma_wait3A_411, %dma_wait3A_412] : memref<5x40x128xf32, #tpu.memory_space<vmem>> -> memref<1x40x128xf32, #tpu.memory_space<vmem>>
    %dma_wait3A_414 = tpu.memref_squeeze %dma_wait3A_413 : memref<1x40x128xf32, #tpu.memory_space<vmem>> -> memref<40x128xf32, #tpu.memory_space<vmem>>
    %dma_wait3A_415 = arith.constant 0 : i32
    %dma_wait3A_416 = arith.constant 0 : i32
    %dma_wait3A_417 = tpu.memref_slice %arg9[%dma_wait3A_415, %dma_wait3A_416] : memref<10240x128xf32, #tpu.memory_space<vmem_shared>> -> memref<10240x128xf32, #tpu.memory_space<vmem_shared>>
    %dma_wait3A_418 = tpu.memref_slice %arg13[%dma_wait3A_410] : memref<5x!tpu.dma_semaphore, #tpu.memory_space<semaphore_mem>> -> memref<1x!tpu.dma_semaphore, #tpu.memory_space<semaphore_mem>>
    %dma_wait3A_419 = tpu.memref_squeeze %dma_wait3A_418 : memref<1x!tpu.dma_semaphore, #tpu.memory_space<semaphore_mem>> -> memref<!tpu.dma_semaphore, #tpu.memory_space<semaphore_mem>>
    tpu.wait_indirect_dma semaphore(%dma_wait3A_419 : memref<!tpu.dma_semaphore, #tpu.memory_space<semaphore_mem>>) src(%dma_wait3A_414 : memref<40x128xf32, #tpu.memory_space<vmem>>) dst(%dma_wait3A_417 : memref<10240x128xf32, #tpu.memory_space<vmem_shared>>)
    %dma_wait3A_420 = arith.constant 4 : i32
    %dma_wait3A_421 = arith.constant 4 : i32
    %dma_wait3A_422 = arith.constant 0 : i32
    %dma_wait3A_423 = arith.constant 0 : i32
    %dma_wait3A_424 = tpu.memref_slice %arg7[%dma_wait3A_420, %dma_wait3A_422, %dma_wait3A_423] : memref<5x40x128xf32, #tpu.memory_space<vmem>> -> memref<1x40x128xf32, #tpu.memory_space<vmem>>
    %dma_wait3A_425 = tpu.memref_squeeze %dma_wait3A_424 : memref<1x40x128xf32, #tpu.memory_space<vmem>> -> memref<40x128xf32, #tpu.memory_space<vmem>>
    %dma_wait3A_426 = arith.constant 0 : i32
    %dma_wait3A_427 = arith.constant 0 : i32
    %dma_wait3A_428 = tpu.memref_slice %arg9[%dma_wait3A_426, %dma_wait3A_427] : memref<10240x128xf32, #tpu.memory_space<vmem_shared>> -> memref<10240x128xf32, #tpu.memory_space<vmem_shared>>
    %dma_wait3A_429 = tpu.memref_slice %arg13[%dma_wait3A_421] : memref<5x!tpu.dma_semaphore, #tpu.memory_space<semaphore_mem>> -> memref<1x!tpu.dma_semaphore, #tpu.memory_space<semaphore_mem>>
    %dma_wait3A_430 = tpu.memref_squeeze %dma_wait3A_429 : memref<1x!tpu.dma_semaphore, #tpu.memory_space<semaphore_mem>> -> memref<!tpu.dma_semaphore, #tpu.memory_space<semaphore_mem>>
    tpu.wait_indirect_dma semaphore(%dma_wait3A_430 : memref<!tpu.dma_semaphore, #tpu.memory_space<semaphore_mem>>) src(%dma_wait3A_425 : memref<40x128xf32, #tpu.memory_space<vmem>>) dst(%dma_wait3A_428 : memref<10240x128xf32, #tpu.memory_space<vmem_shared>>)
    %barrier3A_431 = arith.constant 0 : index
    tpu.barrier barrier_id(%barrier3A_431)
    %mul3A_432 = arith.constant 640 : i32
    %mul3A_433 = arith.muli %arg1, %mul3A_432 : i32
    %mul3A_434 = arith.constant 640 : i32
    %mul3A_435 = arith.muli %arg1, %mul3A_434 : i32
    "tpu.region"() ({
      %run_scoped3A = tpu.sem_alloc : memref<!tpu.dma_semaphore, #tpu.memory_space<semaphore_mem>>
      %dma_start3A_436 = arith.constant 0 : i32
      %dma_start3A_437 = tpu.memref_slice %arg5[%arg0, %mul3A_435, %dma_start3A_436] : memref<2x10240x128xf32, #tpu.memory_space<hbm>> -> memref<1x640x128xf32, #tpu.memory_space<hbm>>
      %dma_start3A_438 = tpu.memref_squeeze %dma_start3A_437 : memref<1x640x128xf32, #tpu.memory_space<hbm>> -> memref<640x128xf32, #tpu.memory_space<hbm>>
      %dma_start3A_439 = arith.constant 0 : i32
      %dma_start3A_440 = tpu.memref_slice %arg9[%mul3A_433, %dma_start3A_439] : memref<10240x128xf32, #tpu.memory_space<vmem_shared>> -> memref<640x128xf32, #tpu.memory_space<vmem_shared>>
      tpu.enqueue_dma source(%dma_start3A_440 : memref<640x128xf32, #tpu.memory_space<vmem_shared>>) target(%dma_start3A_438 : memref<640x128xf32, #tpu.memory_space<hbm>>) target_semaphore(%run_scoped3A : memref<!tpu.dma_semaphore, #tpu.memory_space<semaphore_mem>>)
      %dma_wait3A_441 = arith.constant 0 : i32
      %dma_wait3A_442 = tpu.memref_slice %arg5[%arg0, %mul3A_435, %dma_wait3A_441] : memref<2x10240x128xf32, #tpu.memory_space<hbm>> -> memref<1x640x128xf32, #tpu.memory_space<hbm>>
      %dma_wait3A_443 = tpu.memref_squeeze %dma_wait3A_442 : memref<1x640x128xf32, #tpu.memory_space<hbm>> -> memref<640x128xf32, #tpu.memory_space<hbm>>
      %dma_wait3A_444 = arith.constant 0 : i32
      %dma_wait3A_445 = tpu.memref_slice %arg9[%mul3A_433, %dma_wait3A_444] : memref<10240x128xf32, #tpu.memory_space<vmem_shared>> -> memref<640x128xf32, #tpu.memory_space<vmem_shared>>
      tpu.wait_dma2 semaphore(%run_scoped3A : memref<!tpu.dma_semaphore, #tpu.memory_space<semaphore_mem>>) src(%dma_wait3A_445 : memref<640x128xf32, #tpu.memory_space<vmem_shared>>) dst(%dma_wait3A_443 : memref<640x128xf32, #tpu.memory_space<hbm>>)
      tpu.yield
    }) : () -> ()
    return
  }
}

#map = affine_map<(d0, d1) -> (0, 0, 0)>
#map1 = affine_map<(d0, d1) -> (0, 0)>
module attributes {stable_mosaic.version = 14 : i64} {
  func.func @_deg_kernel(%arg0: i32, %arg1: i32, %arg2: memref<32x125x80xi32, #tpu.memory_space<hbm>>, %arg3: memref<10x10240xf32, #tpu.memory_space<hbm>>, %arg4: memref<125x80xi32, #tpu.memory_space<vmem>>, %arg5: memref<80xf32, #tpu.memory_space<vmem>>, %arg6: memref<640xf32, #tpu.memory_space<vmem>>, %arg7: memref<5x!tpu.dma_semaphore, #tpu.memory_space<semaphore_mem>>, %arg8: memref<80xi32, #tpu.memory_space<vmem>>, %arg9: memref<80xi32, #tpu.memory_space<vmem>>, %arg10: memref<80xi32, #tpu.memory_space<vmem>>, %arg11: memref<80xi32, #tpu.memory_space<vmem>>, %arg12: memref<80xi32, #tpu.memory_space<vmem>>, %arg13: memref<10240xf32, #tpu.memory_space<vmem_shared>>, %arg14: memref<10240xf32, #tpu.memory_space<vmem_shared>>, %arg15: memref<10240xf32, #tpu.memory_space<vmem_shared>>, %arg16: memref<10240xf32, #tpu.memory_space<vmem_shared>>, %arg17: memref<10240xf32, #tpu.memory_space<vmem_shared>>) attributes {dimension_semantics = [#tpu.dimension_semantics<core_parallel>, #tpu.dimension_semantics<subcore_parallel>], iteration_bounds = array<i64: 2, 16>, scalar_prefetch = 0 : i64, scratch_operands = 14 : i64, tpu.core_type = #tpu.core_type<sc_vector_subcore>, window_params = [{transform_indices = #map}, {transform_indices = #map1}]} {
    %mul3A = arith.constant 2 : i32
    %mul3A_0 = arith.muli %arg1, %mul3A : i32
    %add3A = arith.addi %mul3A_0, %arg0 : i32
    %scan3A = arith.constant 0 : i32
    %scan3A_1 = arith.constant 0 : i32
    %scan3A_2 = arith.constant 5 : i32
    %scan3A_3 = arith.addi %scan3A_1, %scan3A_2 : i32
    %scan3A_4 = arith.constant 1 : i32
    %scan3A_5 = scf.for %scan3A_96 = %scan3A_1 to %scan3A_3 step %scan3A_4 iter_args(%scan3A_97 = %scan3A) -> (i32)  : i32 {
      %broadcast_in_dim3A = arith.constant 1.000000e+00 : f32
      %broadcast_in_dim3A_98 = vector.broadcast %broadcast_in_dim3A : f32 to vector<16xf32>
      %mul3A_99 = arith.constant 16 : i32
      %mul3A_100 = arith.muli %scan3A_96, %mul3A_99 : i32
      %swap3A = arith.index_cast %mul3A_100 : i32 to index
      %swap3A_101 = tpu.vector_load %arg5[%swap3A] {strides = array<i32>} : memref<80xf32, #tpu.memory_space<vmem>>, vector<16xf32>,
      %swap3A_102 = vector.shape_cast %swap3A_101 : vector<16xf32> to vector<16xf32>
      %swap3A_103 = vector.shape_cast %broadcast_in_dim3A_98 : vector<16xf32> to vector<16xf32>
      tpu.vector_store %arg5[%swap3A], %swap3A_103 {strides = array<i32>} : memref<80xf32, #tpu.memory_space<vmem>>, vector<16xf32>,
      %scan3A_104 = arith.constant 0 : i32
      scf.yield %scan3A_104 : i32
    }
    %scan3A_6 = arith.constant 5 : i32
    %scan3A_7 = arith.constant 0 : i32
    %scan3A_8 = arith.constant 0 : i32
    %scan3A_9 = arith.constant 40 : i32
    %scan3A_10 = arith.addi %scan3A_8, %scan3A_9 : i32
    %scan3A_11 = arith.constant 1 : i32
    %scan3A_12 = scf.for %scan3A_96 = %scan3A_8 to %scan3A_10 step %scan3A_11 iter_args(%scan3A_97 = %scan3A_7) -> (i32)  : i32 {
      %broadcast_in_dim3A = arith.constant 0.000000e+00 : f32
      %broadcast_in_dim3A_98 = vector.broadcast %broadcast_in_dim3A : f32 to vector<16xf32>
      %mul3A_99 = arith.constant 16 : i32
      %mul3A_100 = arith.muli %scan3A_96, %mul3A_99 : i32
      %swap3A = arith.index_cast %mul3A_100 : i32 to index
      %swap3A_101 = tpu.vector_load %arg6[%swap3A] {strides = array<i32>} : memref<640xf32, #tpu.memory_space<vmem>>, vector<16xf32>,
      %swap3A_102 = vector.shape_cast %swap3A_101 : vector<16xf32> to vector<16xf32>
      %swap3A_103 = vector.shape_cast %broadcast_in_dim3A_98 : vector<16xf32> to vector<16xf32>
      tpu.vector_store %arg6[%swap3A], %swap3A_103 {strides = array<i32>} : memref<640xf32, #tpu.memory_space<vmem>>, vector<16xf32>,
      %scan3A_104 = arith.constant 0 : i32
      scf.yield %scan3A_104 : i32
    }
    %scan3A_13 = arith.constant 40 : i32
    %mul3A_14 = arith.constant 640 : i32
    %mul3A_15 = arith.muli %arg1, %mul3A_14 : i32
    "tpu.region"() ({
      %run_scoped3A = tpu.sem_alloc : memref<!tpu.dma_semaphore, #tpu.memory_space<semaphore_mem>>
      %dma_start3A = tpu.memref_slice %arg13[%mul3A_15] : memref<10240xf32, #tpu.memory_space<vmem_shared>> -> memref<640xf32, #tpu.memory_space<vmem_shared>>
      %dma_start3A_96 = tpu.memref_slice %arg13[%mul3A_15] : memref<10240xf32, #tpu.memory_space<vmem_shared>> -> memref<640xf32, #tpu.memory_space<vmem_shared>>
      tpu.enqueue_dma source(%arg6 : memref<640xf32, #tpu.memory_space<vmem>>) target(%dma_start3A_96 : memref<640xf32, #tpu.memory_space<vmem_shared>>) target_semaphore(%run_scoped3A : memref<!tpu.dma_semaphore, #tpu.memory_space<semaphore_mem>>)
      %dma_wait3A_97 = tpu.memref_slice %arg13[%mul3A_15] : memref<10240xf32, #tpu.memory_space<vmem_shared>> -> memref<640xf32, #tpu.memory_space<vmem_shared>>
      %dma_wait3A_98 = tpu.memref_slice %arg13[%mul3A_15] : memref<10240xf32, #tpu.memory_space<vmem_shared>> -> memref<640xf32, #tpu.memory_space<vmem_shared>>
      tpu.wait_dma2 semaphore(%run_scoped3A : memref<!tpu.dma_semaphore, #tpu.memory_space<semaphore_mem>>) src(%arg6 : memref<640xf32, #tpu.memory_space<vmem>>) dst(%dma_wait3A_98 : memref<640xf32, #tpu.memory_space<vmem_shared>>)
      tpu.yield
    }) : () -> ()
    %mul3A_16 = arith.constant 640 : i32
    %mul3A_17 = arith.muli %arg1, %mul3A_16 : i32
    "tpu.region"() ({
      %run_scoped3A = tpu.sem_alloc : memref<!tpu.dma_semaphore, #tpu.memory_space<semaphore_mem>>
      %dma_start3A = tpu.memref_slice %arg14[%mul3A_17] : memref<10240xf32, #tpu.memory_space<vmem_shared>> -> memref<640xf32, #tpu.memory_space<vmem_shared>>
      %dma_start3A_96 = tpu.memref_slice %arg14[%mul3A_17] : memref<10240xf32, #tpu.memory_space<vmem_shared>> -> memref<640xf32, #tpu.memory_space<vmem_shared>>
      tpu.enqueue_dma source(%arg6 : memref<640xf32, #tpu.memory_space<vmem>>) target(%dma_start3A_96 : memref<640xf32, #tpu.memory_space<vmem_shared>>) target_semaphore(%run_scoped3A : memref<!tpu.dma_semaphore, #tpu.memory_space<semaphore_mem>>)
      %dma_wait3A_97 = tpu.memref_slice %arg14[%mul3A_17] : memref<10240xf32, #tpu.memory_space<vmem_shared>> -> memref<640xf32, #tpu.memory_space<vmem_shared>>
      %dma_wait3A_98 = tpu.memref_slice %arg14[%mul3A_17] : memref<10240xf32, #tpu.memory_space<vmem_shared>> -> memref<640xf32, #tpu.memory_space<vmem_shared>>
      tpu.wait_dma2 semaphore(%run_scoped3A : memref<!tpu.dma_semaphore, #tpu.memory_space<semaphore_mem>>) src(%arg6 : memref<640xf32, #tpu.memory_space<vmem>>) dst(%dma_wait3A_98 : memref<640xf32, #tpu.memory_space<vmem_shared>>)
      tpu.yield
    }) : () -> ()
    %mul3A_18 = arith.constant 640 : i32
    %mul3A_19 = arith.muli %arg1, %mul3A_18 : i32
    "tpu.region"() ({
      %run_scoped3A = tpu.sem_alloc : memref<!tpu.dma_semaphore, #tpu.memory_space<semaphore_mem>>
      %dma_start3A = tpu.memref_slice %arg15[%mul3A_19] : memref<10240xf32, #tpu.memory_space<vmem_shared>> -> memref<640xf32, #tpu.memory_space<vmem_shared>>
      %dma_start3A_96 = tpu.memref_slice %arg15[%mul3A_19] : memref<10240xf32, #tpu.memory_space<vmem_shared>> -> memref<640xf32, #tpu.memory_space<vmem_shared>>
      tpu.enqueue_dma source(%arg6 : memref<640xf32, #tpu.memory_space<vmem>>) target(%dma_start3A_96 : memref<640xf32, #tpu.memory_space<vmem_shared>>) target_semaphore(%run_scoped3A : memref<!tpu.dma_semaphore, #tpu.memory_space<semaphore_mem>>)
      %dma_wait3A_97 = tpu.memref_slice %arg15[%mul3A_19] : memref<10240xf32, #tpu.memory_space<vmem_shared>> -> memref<640xf32, #tpu.memory_space<vmem_shared>>
      %dma_wait3A_98 = tpu.memref_slice %arg15[%mul3A_19] : memref<10240xf32, #tpu.memory_space<vmem_shared>> -> memref<640xf32, #tpu.memory_space<vmem_shared>>
      tpu.wait_dma2 semaphore(%run_scoped3A : memref<!tpu.dma_semaphore, #tpu.memory_space<semaphore_mem>>) src(%arg6 : memref<640xf32, #tpu.memory_space<vmem>>) dst(%dma_wait3A_98 : memref<640xf32, #tpu.memory_space<vmem_shared>>)
      tpu.yield
    }) : () -> ()
    %mul3A_20 = arith.constant 640 : i32
    %mul3A_21 = arith.muli %arg1, %mul3A_20 : i32
    "tpu.region"() ({
      %run_scoped3A = tpu.sem_alloc : memref<!tpu.dma_semaphore, #tpu.memory_space<semaphore_mem>>
      %dma_start3A = tpu.memref_slice %arg16[%mul3A_21] : memref<10240xf32, #tpu.memory_space<vmem_shared>> -> memref<640xf32, #tpu.memory_space<vmem_shared>>
      %dma_start3A_96 = tpu.memref_slice %arg16[%mul3A_21] : memref<10240xf32, #tpu.memory_space<vmem_shared>> -> memref<640xf32, #tpu.memory_space<vmem_shared>>
      tpu.enqueue_dma source(%arg6 : memref<640xf32, #tpu.memory_space<vmem>>) target(%dma_start3A_96 : memref<640xf32, #tpu.memory_space<vmem_shared>>) target_semaphore(%run_scoped3A : memref<!tpu.dma_semaphore, #tpu.memory_space<semaphore_mem>>)
      %dma_wait3A_97 = tpu.memref_slice %arg16[%mul3A_21] : memref<10240xf32, #tpu.memory_space<vmem_shared>> -> memref<640xf32, #tpu.memory_space<vmem_shared>>
      %dma_wait3A_98 = tpu.memref_slice %arg16[%mul3A_21] : memref<10240xf32, #tpu.memory_space<vmem_shared>> -> memref<640xf32, #tpu.memory_space<vmem_shared>>
      tpu.wait_dma2 semaphore(%run_scoped3A : memref<!tpu.dma_semaphore, #tpu.memory_space<semaphore_mem>>) src(%arg6 : memref<640xf32, #tpu.memory_space<vmem>>) dst(%dma_wait3A_98 : memref<640xf32, #tpu.memory_space<vmem_shared>>)
      tpu.yield
    }) : () -> ()
    %mul3A_22 = arith.constant 640 : i32
    %mul3A_23 = arith.muli %arg1, %mul3A_22 : i32
    "tpu.region"() ({
      %run_scoped3A = tpu.sem_alloc : memref<!tpu.dma_semaphore, #tpu.memory_space<semaphore_mem>>
      %dma_start3A = tpu.memref_slice %arg17[%mul3A_23] : memref<10240xf32, #tpu.memory_space<vmem_shared>> -> memref<640xf32, #tpu.memory_space<vmem_shared>>
      %dma_start3A_96 = tpu.memref_slice %arg17[%mul3A_23] : memref<10240xf32, #tpu.memory_space<vmem_shared>> -> memref<640xf32, #tpu.memory_space<vmem_shared>>
      tpu.enqueue_dma source(%arg6 : memref<640xf32, #tpu.memory_space<vmem>>) target(%dma_start3A_96 : memref<640xf32, #tpu.memory_space<vmem_shared>>) target_semaphore(%run_scoped3A : memref<!tpu.dma_semaphore, #tpu.memory_space<semaphore_mem>>)
      %dma_wait3A_97 = tpu.memref_slice %arg17[%mul3A_23] : memref<10240xf32, #tpu.memory_space<vmem_shared>> -> memref<640xf32, #tpu.memory_space<vmem_shared>>
      %dma_wait3A_98 = tpu.memref_slice %arg17[%mul3A_23] : memref<10240xf32, #tpu.memory_space<vmem_shared>> -> memref<640xf32, #tpu.memory_space<vmem_shared>>
      tpu.wait_dma2 semaphore(%run_scoped3A : memref<!tpu.dma_semaphore, #tpu.memory_space<semaphore_mem>>) src(%arg6 : memref<640xf32, #tpu.memory_space<vmem>>) dst(%dma_wait3A_98 : memref<640xf32, #tpu.memory_space<vmem_shared>>)
      tpu.yield
    }) : () -> ()
    %barrier3A = arith.constant 0 : index
    tpu.barrier barrier_id(%barrier3A)
    "tpu.region"() ({
      %run_scoped3A = tpu.sem_alloc : memref<!tpu.dma_semaphore, #tpu.memory_space<semaphore_mem>>
      %dma_start3A = arith.constant 0 : i32
      %dma_start3A_96 = arith.constant 0 : i32
      %dma_start3A_97 = tpu.memref_slice %arg2[%add3A, %dma_start3A, %dma_start3A_96] : memref<32x125x80xi32, #tpu.memory_space<hbm>> -> memref<1x125x80xi32, #tpu.memory_space<hbm>>
      %dma_start3A_98 = tpu.memref_squeeze %dma_start3A_97 : memref<1x125x80xi32, #tpu.memory_space<hbm>> -> memref<125x80xi32, #tpu.memory_space<hbm>>
      %dma_start3A_99 = arith.constant 0 : i32
      %dma_start3A_100 = arith.constant 0 : i32
      %dma_start3A_101 = tpu.memref_slice %arg2[%add3A, %dma_start3A_99, %dma_start3A_100] : memref<32x125x80xi32, #tpu.memory_space<hbm>> -> memref<1x125x80xi32, #tpu.memory_space<hbm>>
      %dma_start3A_102 = tpu.memref_squeeze %dma_start3A_101 : memref<1x125x80xi32, #tpu.memory_space<hbm>> -> memref<125x80xi32, #tpu.memory_space<hbm>>
      tpu.enqueue_dma source(%dma_start3A_102 : memref<125x80xi32, #tpu.memory_space<hbm>>) target(%arg4 : memref<125x80xi32, #tpu.memory_space<vmem>>) target_semaphore(%run_scoped3A : memref<!tpu.dma_semaphore, #tpu.memory_space<semaphore_mem>>)
      %dma_wait3A_103 = arith.constant 0 : i32
      %dma_wait3A_104 = arith.constant 0 : i32
      %dma_wait3A_105 = tpu.memref_slice %arg2[%add3A, %dma_wait3A_103, %dma_wait3A_104] : memref<32x125x80xi32, #tpu.memory_space<hbm>> -> memref<1x125x80xi32, #tpu.memory_space<hbm>>
      %dma_wait3A_106 = tpu.memref_squeeze %dma_wait3A_105 : memref<1x125x80xi32, #tpu.memory_space<hbm>> -> memref<125x80xi32, #tpu.memory_space<hbm>>
      %dma_wait3A_107 = arith.constant 0 : i32
      %dma_wait3A_108 = arith.constant 0 : i32
      %dma_wait3A_109 = tpu.memref_slice %arg2[%add3A, %dma_wait3A_107, %dma_wait3A_108] : memref<32x125x80xi32, #tpu.memory_space<hbm>> -> memref<1x125x80xi32, #tpu.memory_space<hbm>>
      %dma_wait3A_110 = tpu.memref_squeeze %dma_wait3A_109 : memref<1x125x80xi32, #tpu.memory_space<hbm>> -> memref<125x80xi32, #tpu.memory_space<hbm>>
      tpu.wait_dma2 semaphore(%run_scoped3A : memref<!tpu.dma_semaphore, #tpu.memory_space<semaphore_mem>>) src(%dma_wait3A_110 : memref<125x80xi32, #tpu.memory_space<hbm>>) dst(%arg4 : memref<125x80xi32, #tpu.memory_space<vmem>>)
      tpu.yield
    }) : () -> ()
    %scan3A_24 = arith.constant 0 : i32
    %scan3A_25 = arith.constant 0 : i32
    %scan3A_26 = arith.constant 25 : i32
    %scan3A_27 = arith.addi %scan3A_25, %scan3A_26 : i32
    %scan3A_28 = arith.constant 1 : i32
    %scan3A_29 = scf.for %scan3A_96 = %scan3A_25 to %scan3A_27 step %scan3A_28 iter_args(%scan3A_97 = %scan3A_24) -> (i32)  : i32 {
      %mul3A_98 = arith.constant 5 : i32
      %mul3A_99 = arith.muli %scan3A_96, %mul3A_98 : i32
      %add3A_100 = arith.constant 0 : i32
      %add3A_101 = arith.addi %mul3A_99, %add3A_100 : i32
      %ge3A = arith.constant 1 : i32
      %ge3A_102 = arith.cmpi sge, %scan3A_96, %ge3A : i32
      %convert_element_type3A = arith.extui %ge3A_102 : i1 to i32
      %cond3A = arith.constant 0 : i32
      %cond3A_103 = arith.cmpi ne, %convert_element_type3A, %cond3A : i32
      scf.if %cond3A_103 {
        %dma_wait3A_200 = arith.constant 0 : i32
        %dma_wait3A_201 = arith.constant 0 : i32
        %dma_wait3A_202 = tpu.memref_slice %arg13[%dma_wait3A_201] : memref<10240xf32, #tpu.memory_space<vmem_shared>> -> memref<10240xf32, #tpu.memory_space<vmem_shared>>
        %dma_wait3A_203 = tpu.memref_slice %arg7[%dma_wait3A_200] : memref<5x!tpu.dma_semaphore, #tpu.memory_space<semaphore_mem>> -> memref<1x!tpu.dma_semaphore, #tpu.memory_space<semaphore_mem>>
        %dma_wait3A_204 = tpu.memref_squeeze %dma_wait3A_203 : memref<1x!tpu.dma_semaphore, #tpu.memory_space<semaphore_mem>> -> memref<!tpu.dma_semaphore, #tpu.memory_space<semaphore_mem>>
        tpu.wait_indirect_dma semaphore(%dma_wait3A_204 : memref<!tpu.dma_semaphore, #tpu.memory_space<semaphore_mem>>) src(%arg5 : memref<80xf32, #tpu.memory_space<vmem>>) dst(%dma_wait3A_202 : memref<10240xf32, #tpu.memory_space<vmem_shared>>)
      } else {
      }
      %scan3A_104 = arith.constant 0 : i32
      %scan3A_105 = arith.constant 0 : i32
      %scan3A_106 = arith.constant 5 : i32
      %scan3A_107 = arith.addi %scan3A_105, %scan3A_106 : i32
      %scan3A_108 = arith.constant 1 : i32
      %scan3A_109 = scf.for %scan3A_200 = %scan3A_105 to %scan3A_107 step %scan3A_108 iter_args(%scan3A_201 = %scan3A_104) -> (i32)  : i32 {
        %mul3A_202 = arith.constant 16 : i32
        %mul3A_203 = arith.muli %scan3A_200, %mul3A_202 : i32
        %get3A = arith.index_cast %add3A_101 : i32 to index
        %get3A_204 = arith.index_cast %mul3A_203 : i32 to index
        %get3A_205 = tpu.vector_load %arg4[%get3A, %get3A_204] {strides = array<i32>} : memref<125x80xi32, #tpu.memory_space<vmem>>, vector<1x16xi32>,
        %get3A_206 = vector.shape_cast %get3A_205 : vector<1x16xi32> to vector<16xi32>
        %mul3A_207 = arith.constant 16 : i32
        %mul3A_208 = arith.muli %scan3A_200, %mul3A_207 : i32
        %swap3A = arith.index_cast %mul3A_208 : i32 to index
        %swap3A_209 = tpu.vector_load %arg8[%swap3A] {strides = array<i32>} : memref<80xi32, #tpu.memory_space<vmem>>, vector<16xi32>,
        %swap3A_210 = vector.shape_cast %swap3A_209 : vector<16xi32> to vector<16xi32>
        %swap3A_211 = vector.shape_cast %get3A_206 : vector<16xi32> to vector<16xi32>
        tpu.vector_store %arg8[%swap3A], %swap3A_211 {strides = array<i32>} : memref<80xi32, #tpu.memory_space<vmem>>, vector<16xi32>,
        %scan3A_212 = arith.constant 0 : i32
        scf.yield %scan3A_212 : i32
      }
      %scan3A_110 = arith.constant 5 : i32
      %dma_start3A = arith.constant 0 : i32
      %dma_start3A_111 = arith.constant 0 : i32
      %dma_start3A_112 = tpu.memref_slice %arg13[%dma_start3A_111] : memref<10240xf32, #tpu.memory_space<vmem_shared>> -> memref<10240xf32, #tpu.memory_space<vmem_shared>>
      %dma_start3A_113 = tpu.memref_slice %arg7[%dma_start3A] : memref<5x!tpu.dma_semaphore, #tpu.memory_space<semaphore_mem>> -> memref<1x!tpu.dma_semaphore, #tpu.memory_space<semaphore_mem>>
      %dma_start3A_114 = tpu.memref_squeeze %dma_start3A_113 : memref<1x!tpu.dma_semaphore, #tpu.memory_space<semaphore_mem>> -> memref<!tpu.dma_semaphore, #tpu.memory_space<semaphore_mem>>
      tpu.enqueue_indirect_dma source(%arg5 : memref<80xf32, #tpu.memory_space<vmem>>) target(%dma_start3A_112 : memref<10240xf32, #tpu.memory_space<vmem_shared>>) offsets(%arg8 : memref<80xi32, #tpu.memory_space<vmem>>) semaphore(%dma_start3A_114 : memref<!tpu.dma_semaphore, #tpu.memory_space<semaphore_mem>>) {add = true}
      %mul3A_115 = arith.constant 5 : i32
      %mul3A_116 = arith.muli %scan3A_96, %mul3A_115 : i32
      %add3A_117 = arith.constant 1 : i32
      %add3A_118 = arith.addi %mul3A_116, %add3A_117 : i32
      %ge3A_119 = arith.constant 1 : i32
      %ge3A_120 = arith.cmpi sge, %scan3A_96, %ge3A_119 : i32
      %convert_element_type3A_121 = arith.extui %ge3A_120 : i1 to i32
      %cond3A_122 = arith.constant 0 : i32
      %cond3A_123 = arith.cmpi ne, %convert_element_type3A_121, %cond3A_122 : i32
      scf.if %cond3A_123 {
        %dma_wait3A_200 = arith.constant 1 : i32
        %dma_wait3A_201 = arith.constant 0 : i32
        %dma_wait3A_202 = tpu.memref_slice %arg14[%dma_wait3A_201] : memref<10240xf32, #tpu.memory_space<vmem_shared>> -> memref<10240xf32, #tpu.memory_space<vmem_shared>>
        %dma_wait3A_203 = tpu.memref_slice %arg7[%dma_wait3A_200] : memref<5x!tpu.dma_semaphore, #tpu.memory_space<semaphore_mem>> -> memref<1x!tpu.dma_semaphore, #tpu.memory_space<semaphore_mem>>
        %dma_wait3A_204 = tpu.memref_squeeze %dma_wait3A_203 : memref<1x!tpu.dma_semaphore, #tpu.memory_space<semaphore_mem>> -> memref<!tpu.dma_semaphore, #tpu.memory_space<semaphore_mem>>
        tpu.wait_indirect_dma semaphore(%dma_wait3A_204 : memref<!tpu.dma_semaphore, #tpu.memory_space<semaphore_mem>>) src(%arg5 : memref<80xf32, #tpu.memory_space<vmem>>) dst(%dma_wait3A_202 : memref<10240xf32, #tpu.memory_space<vmem_shared>>)
      } else {
      }
      %scan3A_124 = arith.constant 0 : i32
      %scan3A_125 = arith.constant 0 : i32
      %scan3A_126 = arith.constant 5 : i32
      %scan3A_127 = arith.addi %scan3A_125, %scan3A_126 : i32
      %scan3A_128 = arith.constant 1 : i32
      %scan3A_129 = scf.for %scan3A_200 = %scan3A_125 to %scan3A_127 step %scan3A_128 iter_args(%scan3A_201 = %scan3A_124) -> (i32)  : i32 {
        %mul3A_202 = arith.constant 16 : i32
        %mul3A_203 = arith.muli %scan3A_200, %mul3A_202 : i32
        %get3A = arith.index_cast %add3A_118 : i32 to index
        %get3A_204 = arith.index_cast %mul3A_203 : i32 to index
        %get3A_205 = tpu.vector_load %arg4[%get3A, %get3A_204] {strides = array<i32>} : memref<125x80xi32, #tpu.memory_space<vmem>>, vector<1x16xi32>,
        %get3A_206 = vector.shape_cast %get3A_205 : vector<1x16xi32> to vector<16xi32>
        %mul3A_207 = arith.constant 16 : i32
        %mul3A_208 = arith.muli %scan3A_200, %mul3A_207 : i32
        %swap3A = arith.index_cast %mul3A_208 : i32 to index
        %swap3A_209 = tpu.vector_load %arg9[%swap3A] {strides = array<i32>} : memref<80xi32, #tpu.memory_space<vmem>>, vector<16xi32>,
        %swap3A_210 = vector.shape_cast %swap3A_209 : vector<16xi32> to vector<16xi32>
        %swap3A_211 = vector.shape_cast %get3A_206 : vector<16xi32> to vector<16xi32>
        tpu.vector_store %arg9[%swap3A], %swap3A_211 {strides = array<i32>} : memref<80xi32, #tpu.memory_space<vmem>>, vector<16xi32>,
        %scan3A_212 = arith.constant 0 : i32
        scf.yield %scan3A_212 : i32
      }
      %scan3A_130 = arith.constant 5 : i32
      %dma_start3A_131 = arith.constant 1 : i32
      %dma_start3A_132 = arith.constant 0 : i32
      %dma_start3A_133 = tpu.memref_slice %arg14[%dma_start3A_132] : memref<10240xf32, #tpu.memory_space<vmem_shared>> -> memref<10240xf32, #tpu.memory_space<vmem_shared>>
      %dma_start3A_134 = tpu.memref_slice %arg7[%dma_start3A_131] : memref<5x!tpu.dma_semaphore, #tpu.memory_space<semaphore_mem>> -> memref<1x!tpu.dma_semaphore, #tpu.memory_space<semaphore_mem>>
      %dma_start3A_135 = tpu.memref_squeeze %dma_start3A_134 : memref<1x!tpu.dma_semaphore, #tpu.memory_space<semaphore_mem>> -> memref<!tpu.dma_semaphore, #tpu.memory_space<semaphore_mem>>
      tpu.enqueue_indirect_dma source(%arg5 : memref<80xf32, #tpu.memory_space<vmem>>) target(%dma_start3A_133 : memref<10240xf32, #tpu.memory_space<vmem_shared>>) offsets(%arg9 : memref<80xi32, #tpu.memory_space<vmem>>) semaphore(%dma_start3A_135 : memref<!tpu.dma_semaphore, #tpu.memory_space<semaphore_mem>>) {add = true}
      %mul3A_136 = arith.constant 5 : i32
      %mul3A_137 = arith.muli %scan3A_96, %mul3A_136 : i32
      %add3A_138 = arith.constant 2 : i32
      %add3A_139 = arith.addi %mul3A_137, %add3A_138 : i32
      %ge3A_140 = arith.constant 1 : i32
      %ge3A_141 = arith.cmpi sge, %scan3A_96, %ge3A_140 : i32
      %convert_element_type3A_142 = arith.extui %ge3A_141 : i1 to i32
      %cond3A_143 = arith.constant 0 : i32
      %cond3A_144 = arith.cmpi ne, %convert_element_type3A_142, %cond3A_143 : i32
      scf.if %cond3A_144 {
        %dma_wait3A_200 = arith.constant 2 : i32
        %dma_wait3A_201 = arith.constant 0 : i32
        %dma_wait3A_202 = tpu.memref_slice %arg15[%dma_wait3A_201] : memref<10240xf32, #tpu.memory_space<vmem_shared>> -> memref<10240xf32, #tpu.memory_space<vmem_shared>>
        %dma_wait3A_203 = tpu.memref_slice %arg7[%dma_wait3A_200] : memref<5x!tpu.dma_semaphore, #tpu.memory_space<semaphore_mem>> -> memref<1x!tpu.dma_semaphore, #tpu.memory_space<semaphore_mem>>
        %dma_wait3A_204 = tpu.memref_squeeze %dma_wait3A_203 : memref<1x!tpu.dma_semaphore, #tpu.memory_space<semaphore_mem>> -> memref<!tpu.dma_semaphore, #tpu.memory_space<semaphore_mem>>
        tpu.wait_indirect_dma semaphore(%dma_wait3A_204 : memref<!tpu.dma_semaphore, #tpu.memory_space<semaphore_mem>>) src(%arg5 : memref<80xf32, #tpu.memory_space<vmem>>) dst(%dma_wait3A_202 : memref<10240xf32, #tpu.memory_space<vmem_shared>>)
      } else {
      }
      %scan3A_145 = arith.constant 0 : i32
      %scan3A_146 = arith.constant 0 : i32
      %scan3A_147 = arith.constant 5 : i32
      %scan3A_148 = arith.addi %scan3A_146, %scan3A_147 : i32
      %scan3A_149 = arith.constant 1 : i32
      %scan3A_150 = scf.for %scan3A_200 = %scan3A_146 to %scan3A_148 step %scan3A_149 iter_args(%scan3A_201 = %scan3A_145) -> (i32)  : i32 {
        %mul3A_202 = arith.constant 16 : i32
        %mul3A_203 = arith.muli %scan3A_200, %mul3A_202 : i32
        %get3A = arith.index_cast %add3A_139 : i32 to index
        %get3A_204 = arith.index_cast %mul3A_203 : i32 to index
        %get3A_205 = tpu.vector_load %arg4[%get3A, %get3A_204] {strides = array<i32>} : memref<125x80xi32, #tpu.memory_space<vmem>>, vector<1x16xi32>,
        %get3A_206 = vector.shape_cast %get3A_205 : vector<1x16xi32> to vector<16xi32>
        %mul3A_207 = arith.constant 16 : i32
        %mul3A_208 = arith.muli %scan3A_200, %mul3A_207 : i32
        %swap3A = arith.index_cast %mul3A_208 : i32 to index
        %swap3A_209 = tpu.vector_load %arg10[%swap3A] {strides = array<i32>} : memref<80xi32, #tpu.memory_space<vmem>>, vector<16xi32>,
        %swap3A_210 = vector.shape_cast %swap3A_209 : vector<16xi32> to vector<16xi32>
        %swap3A_211 = vector.shape_cast %get3A_206 : vector<16xi32> to vector<16xi32>
        tpu.vector_store %arg10[%swap3A], %swap3A_211 {strides = array<i32>} : memref<80xi32, #tpu.memory_space<vmem>>, vector<16xi32>,
        %scan3A_212 = arith.constant 0 : i32
        scf.yield %scan3A_212 : i32
      }
      %scan3A_151 = arith.constant 5 : i32
      %dma_start3A_152 = arith.constant 2 : i32
      %dma_start3A_153 = arith.constant 0 : i32
      %dma_start3A_154 = tpu.memref_slice %arg15[%dma_start3A_153] : memref<10240xf32, #tpu.memory_space<vmem_shared>> -> memref<10240xf32, #tpu.memory_space<vmem_shared>>
      %dma_start3A_155 = tpu.memref_slice %arg7[%dma_start3A_152] : memref<5x!tpu.dma_semaphore, #tpu.memory_space<semaphore_mem>> -> memref<1x!tpu.dma_semaphore, #tpu.memory_space<semaphore_mem>>
      %dma_start3A_156 = tpu.memref_squeeze %dma_start3A_155 : memref<1x!tpu.dma_semaphore, #tpu.memory_space<semaphore_mem>> -> memref<!tpu.dma_semaphore, #tpu.memory_space<semaphore_mem>>
      tpu.enqueue_indirect_dma source(%arg5 : memref<80xf32, #tpu.memory_space<vmem>>) target(%dma_start3A_154 : memref<10240xf32, #tpu.memory_space<vmem_shared>>) offsets(%arg10 : memref<80xi32, #tpu.memory_space<vmem>>) semaphore(%dma_start3A_156 : memref<!tpu.dma_semaphore, #tpu.memory_space<semaphore_mem>>) {add = true}
      %mul3A_157 = arith.constant 5 : i32
      %mul3A_158 = arith.muli %scan3A_96, %mul3A_157 : i32
      %add3A_159 = arith.constant 3 : i32
      %add3A_160 = arith.addi %mul3A_158, %add3A_159 : i32
      %ge3A_161 = arith.constant 1 : i32
      %ge3A_162 = arith.cmpi sge, %scan3A_96, %ge3A_161 : i32
      %convert_element_type3A_163 = arith.extui %ge3A_162 : i1 to i32
      %cond3A_164 = arith.constant 0 : i32
      %cond3A_165 = arith.cmpi ne, %convert_element_type3A_163, %cond3A_164 : i32
      scf.if %cond3A_165 {
        %dma_wait3A_200 = arith.constant 3 : i32
        %dma_wait3A_201 = arith.constant 0 : i32
        %dma_wait3A_202 = tpu.memref_slice %arg16[%dma_wait3A_201] : memref<10240xf32, #tpu.memory_space<vmem_shared>> -> memref<10240xf32, #tpu.memory_space<vmem_shared>>
        %dma_wait3A_203 = tpu.memref_slice %arg7[%dma_wait3A_200] : memref<5x!tpu.dma_semaphore, #tpu.memory_space<semaphore_mem>> -> memref<1x!tpu.dma_semaphore, #tpu.memory_space<semaphore_mem>>
        %dma_wait3A_204 = tpu.memref_squeeze %dma_wait3A_203 : memref<1x!tpu.dma_semaphore, #tpu.memory_space<semaphore_mem>> -> memref<!tpu.dma_semaphore, #tpu.memory_space<semaphore_mem>>
        tpu.wait_indirect_dma semaphore(%dma_wait3A_204 : memref<!tpu.dma_semaphore, #tpu.memory_space<semaphore_mem>>) src(%arg5 : memref<80xf32, #tpu.memory_space<vmem>>) dst(%dma_wait3A_202 : memref<10240xf32, #tpu.memory_space<vmem_shared>>)
      } else {
      }
      %scan3A_166 = arith.constant 0 : i32
      %scan3A_167 = arith.constant 0 : i32
      %scan3A_168 = arith.constant 5 : i32
      %scan3A_169 = arith.addi %scan3A_167, %scan3A_168 : i32
      %scan3A_170 = arith.constant 1 : i32
      %scan3A_171 = scf.for %scan3A_200 = %scan3A_167 to %scan3A_169 step %scan3A_170 iter_args(%scan3A_201 = %scan3A_166) -> (i32)  : i32 {
        %mul3A_202 = arith.constant 16 : i32
        %mul3A_203 = arith.muli %scan3A_200, %mul3A_202 : i32
        %get3A = arith.index_cast %add3A_160 : i32 to index
        %get3A_204 = arith.index_cast %mul3A_203 : i32 to index
        %get3A_205 = tpu.vector_load %arg4[%get3A, %get3A_204] {strides = array<i32>} : memref<125x80xi32, #tpu.memory_space<vmem>>, vector<1x16xi32>,
        %get3A_206 = vector.shape_cast %get3A_205 : vector<1x16xi32> to vector<16xi32>
        %mul3A_207 = arith.constant 16 : i32
        %mul3A_208 = arith.muli %scan3A_200, %mul3A_207 : i32
        %swap3A = arith.index_cast %mul3A_208 : i32 to index
        %swap3A_209 = tpu.vector_load %arg11[%swap3A] {strides = array<i32>} : memref<80xi32, #tpu.memory_space<vmem>>, vector<16xi32>,
        %swap3A_210 = vector.shape_cast %swap3A_209 : vector<16xi32> to vector<16xi32>
        %swap3A_211 = vector.shape_cast %get3A_206 : vector<16xi32> to vector<16xi32>
        tpu.vector_store %arg11[%swap3A], %swap3A_211 {strides = array<i32>} : memref<80xi32, #tpu.memory_space<vmem>>, vector<16xi32>,
        %scan3A_212 = arith.constant 0 : i32
        scf.yield %scan3A_212 : i32
      }
      %scan3A_172 = arith.constant 5 : i32
      %dma_start3A_173 = arith.constant 3 : i32
      %dma_start3A_174 = arith.constant 0 : i32
      %dma_start3A_175 = tpu.memref_slice %arg16[%dma_start3A_174] : memref<10240xf32, #tpu.memory_space<vmem_shared>> -> memref<10240xf32, #tpu.memory_space<vmem_shared>>
      %dma_start3A_176 = tpu.memref_slice %arg7[%dma_start3A_173] : memref<5x!tpu.dma_semaphore, #tpu.memory_space<semaphore_mem>> -> memref<1x!tpu.dma_semaphore, #tpu.memory_space<semaphore_mem>>
      %dma_start3A_177 = tpu.memref_squeeze %dma_start3A_176 : memref<1x!tpu.dma_semaphore, #tpu.memory_space<semaphore_mem>> -> memref<!tpu.dma_semaphore, #tpu.memory_space<semaphore_mem>>
      tpu.enqueue_indirect_dma source(%arg5 : memref<80xf32, #tpu.memory_space<vmem>>) target(%dma_start3A_175 : memref<10240xf32, #tpu.memory_space<vmem_shared>>) offsets(%arg11 : memref<80xi32, #tpu.memory_space<vmem>>) semaphore(%dma_start3A_177 : memref<!tpu.dma_semaphore, #tpu.memory_space<semaphore_mem>>) {add = true}
      %mul3A_178 = arith.constant 5 : i32
      %mul3A_179 = arith.muli %scan3A_96, %mul3A_178 : i32
      %add3A_180 = arith.constant 4 : i32
      %add3A_181 = arith.addi %mul3A_179, %add3A_180 : i32
      %ge3A_182 = arith.constant 1 : i32
      %ge3A_183 = arith.cmpi sge, %scan3A_96, %ge3A_182 : i32
      %convert_element_type3A_184 = arith.extui %ge3A_183 : i1 to i32
      %cond3A_185 = arith.constant 0 : i32
      %cond3A_186 = arith.cmpi ne, %convert_element_type3A_184, %cond3A_185 : i32
      scf.if %cond3A_186 {
        %dma_wait3A_200 = arith.constant 4 : i32
        %dma_wait3A_201 = arith.constant 0 : i32
        %dma_wait3A_202 = tpu.memref_slice %arg17[%dma_wait3A_201] : memref<10240xf32, #tpu.memory_space<vmem_shared>> -> memref<10240xf32, #tpu.memory_space<vmem_shared>>
        %dma_wait3A_203 = tpu.memref_slice %arg7[%dma_wait3A_200] : memref<5x!tpu.dma_semaphore, #tpu.memory_space<semaphore_mem>> -> memref<1x!tpu.dma_semaphore, #tpu.memory_space<semaphore_mem>>
        %dma_wait3A_204 = tpu.memref_squeeze %dma_wait3A_203 : memref<1x!tpu.dma_semaphore, #tpu.memory_space<semaphore_mem>> -> memref<!tpu.dma_semaphore, #tpu.memory_space<semaphore_mem>>
        tpu.wait_indirect_dma semaphore(%dma_wait3A_204 : memref<!tpu.dma_semaphore, #tpu.memory_space<semaphore_mem>>) src(%arg5 : memref<80xf32, #tpu.memory_space<vmem>>) dst(%dma_wait3A_202 : memref<10240xf32, #tpu.memory_space<vmem_shared>>)
      } else {
      }
      %scan3A_187 = arith.constant 0 : i32
      %scan3A_188 = arith.constant 0 : i32
      %scan3A_189 = arith.constant 5 : i32
      %scan3A_190 = arith.addi %scan3A_188, %scan3A_189 : i32
      %scan3A_191 = arith.constant 1 : i32
      %scan3A_192 = scf.for %scan3A_200 = %scan3A_188 to %scan3A_190 step %scan3A_191 iter_args(%scan3A_201 = %scan3A_187) -> (i32)  : i32 {
        %mul3A_202 = arith.constant 16 : i32
        %mul3A_203 = arith.muli %scan3A_200, %mul3A_202 : i32
        %get3A = arith.index_cast %add3A_181 : i32 to index
        %get3A_204 = arith.index_cast %mul3A_203 : i32 to index
        %get3A_205 = tpu.vector_load %arg4[%get3A, %get3A_204] {strides = array<i32>} : memref<125x80xi32, #tpu.memory_space<vmem>>, vector<1x16xi32>,
        %get3A_206 = vector.shape_cast %get3A_205 : vector<1x16xi32> to vector<16xi32>
        %mul3A_207 = arith.constant 16 : i32
        %mul3A_208 = arith.muli %scan3A_200, %mul3A_207 : i32
        %swap3A = arith.index_cast %mul3A_208 : i32 to index
        %swap3A_209 = tpu.vector_load %arg12[%swap3A] {strides = array<i32>} : memref<80xi32, #tpu.memory_space<vmem>>, vector<16xi32>,
        %swap3A_210 = vector.shape_cast %swap3A_209 : vector<16xi32> to vector<16xi32>
        %swap3A_211 = vector.shape_cast %get3A_206 : vector<16xi32> to vector<16xi32>
        tpu.vector_store %arg12[%swap3A], %swap3A_211 {strides = array<i32>} : memref<80xi32, #tpu.memory_space<vmem>>, vector<16xi32>,
        %scan3A_212 = arith.constant 0 : i32
        scf.yield %scan3A_212 : i32
      }
      %scan3A_193 = arith.constant 5 : i32
      %dma_start3A_194 = arith.constant 4 : i32
      %dma_start3A_195 = arith.constant 0 : i32
      %dma_start3A_196 = tpu.memref_slice %arg17[%dma_start3A_195] : memref<10240xf32, #tpu.memory_space<vmem_shared>> -> memref<10240xf32, #tpu.memory_space<vmem_shared>>
      %dma_start3A_197 = tpu.memref_slice %arg7[%dma_start3A_194] : memref<5x!tpu.dma_semaphore, #tpu.memory_space<semaphore_mem>> -> memref<1x!tpu.dma_semaphore, #tpu.memory_space<semaphore_mem>>
      %dma_start3A_198 = tpu.memref_squeeze %dma_start3A_197 : memref<1x!tpu.dma_semaphore, #tpu.memory_space<semaphore_mem>> -> memref<!tpu.dma_semaphore, #tpu.memory_space<semaphore_mem>>
      tpu.enqueue_indirect_dma source(%arg5 : memref<80xf32, #tpu.memory_space<vmem>>) target(%dma_start3A_196 : memref<10240xf32, #tpu.memory_space<vmem_shared>>) offsets(%arg12 : memref<80xi32, #tpu.memory_space<vmem>>) semaphore(%dma_start3A_198 : memref<!tpu.dma_semaphore, #tpu.memory_space<semaphore_mem>>) {add = true}
      %scan3A_199 = arith.constant 0 : i32
      scf.yield %scan3A_199 : i32
    }
    %scan3A_30 = arith.constant 25 : i32
    %dma_wait3A = arith.constant 0 : i32
    %dma_wait3A_31 = arith.constant 0 : i32
    %dma_wait3A_32 = tpu.memref_slice %arg13[%dma_wait3A_31] : memref<10240xf32, #tpu.memory_space<vmem_shared>> -> memref<10240xf32, #tpu.memory_space<vmem_shared>>
    %dma_wait3A_33 = tpu.memref_slice %arg7[%dma_wait3A] : memref<5x!tpu.dma_semaphore, #tpu.memory_space<semaphore_mem>> -> memref<1x!tpu.dma_semaphore, #tpu.memory_space<semaphore_mem>>
    %dma_wait3A_34 = tpu.memref_squeeze %dma_wait3A_33 : memref<1x!tpu.dma_semaphore, #tpu.memory_space<semaphore_mem>> -> memref<!tpu.dma_semaphore, #tpu.memory_space<semaphore_mem>>
    tpu.wait_indirect_dma semaphore(%dma_wait3A_34 : memref<!tpu.dma_semaphore, #tpu.memory_space<semaphore_mem>>) src(%arg5 : memref<80xf32, #tpu.memory_space<vmem>>) dst(%dma_wait3A_32 : memref<10240xf32, #tpu.memory_space<vmem_shared>>)
    %dma_wait3A_35 = arith.constant 1 : i32
    %dma_wait3A_36 = arith.constant 0 : i32
    %dma_wait3A_37 = tpu.memref_slice %arg14[%dma_wait3A_36] : memref<10240xf32, #tpu.memory_space<vmem_shared>> -> memref<10240xf32, #tpu.memory_space<vmem_shared>>
    %dma_wait3A_38 = tpu.memref_slice %arg7[%dma_wait3A_35] : memref<5x!tpu.dma_semaphore, #tpu.memory_space<semaphore_mem>> -> memref<1x!tpu.dma_semaphore, #tpu.memory_space<semaphore_mem>>
    %dma_wait3A_39 = tpu.memref_squeeze %dma_wait3A_38 : memref<1x!tpu.dma_semaphore, #tpu.memory_space<semaphore_mem>> -> memref<!tpu.dma_semaphore, #tpu.memory_space<semaphore_mem>>
    tpu.wait_indirect_dma semaphore(%dma_wait3A_39 : memref<!tpu.dma_semaphore, #tpu.memory_space<semaphore_mem>>) src(%arg5 : memref<80xf32, #tpu.memory_space<vmem>>) dst(%dma_wait3A_37 : memref<10240xf32, #tpu.memory_space<vmem_shared>>)
    %dma_wait3A_40 = arith.constant 2 : i32
    %dma_wait3A_41 = arith.constant 0 : i32
    %dma_wait3A_42 = tpu.memref_slice %arg15[%dma_wait3A_41] : memref<10240xf32, #tpu.memory_space<vmem_shared>> -> memref<10240xf32, #tpu.memory_space<vmem_shared>>
    %dma_wait3A_43 = tpu.memref_slice %arg7[%dma_wait3A_40] : memref<5x!tpu.dma_semaphore, #tpu.memory_space<semaphore_mem>> -> memref<1x!tpu.dma_semaphore, #tpu.memory_space<semaphore_mem>>
    %dma_wait3A_44 = tpu.memref_squeeze %dma_wait3A_43 : memref<1x!tpu.dma_semaphore, #tpu.memory_space<semaphore_mem>> -> memref<!tpu.dma_semaphore, #tpu.memory_space<semaphore_mem>>
    tpu.wait_indirect_dma semaphore(%dma_wait3A_44 : memref<!tpu.dma_semaphore, #tpu.memory_space<semaphore_mem>>) src(%arg5 : memref<80xf32, #tpu.memory_space<vmem>>) dst(%dma_wait3A_42 : memref<10240xf32, #tpu.memory_space<vmem_shared>>)
    %dma_wait3A_45 = arith.constant 3 : i32
    %dma_wait3A_46 = arith.constant 0 : i32
    %dma_wait3A_47 = tpu.memref_slice %arg16[%dma_wait3A_46] : memref<10240xf32, #tpu.memory_space<vmem_shared>> -> memref<10240xf32, #tpu.memory_space<vmem_shared>>
    %dma_wait3A_48 = tpu.memref_slice %arg7[%dma_wait3A_45] : memref<5x!tpu.dma_semaphore, #tpu.memory_space<semaphore_mem>> -> memref<1x!tpu.dma_semaphore, #tpu.memory_space<semaphore_mem>>
    %dma_wait3A_49 = tpu.memref_squeeze %dma_wait3A_48 : memref<1x!tpu.dma_semaphore, #tpu.memory_space<semaphore_mem>> -> memref<!tpu.dma_semaphore, #tpu.memory_space<semaphore_mem>>
    tpu.wait_indirect_dma semaphore(%dma_wait3A_49 : memref<!tpu.dma_semaphore, #tpu.memory_space<semaphore_mem>>) src(%arg5 : memref<80xf32, #tpu.memory_space<vmem>>) dst(%dma_wait3A_47 : memref<10240xf32, #tpu.memory_space<vmem_shared>>)
    %dma_wait3A_50 = arith.constant 4 : i32
    %dma_wait3A_51 = arith.constant 0 : i32
    %dma_wait3A_52 = tpu.memref_slice %arg17[%dma_wait3A_51] : memref<10240xf32, #tpu.memory_space<vmem_shared>> -> memref<10240xf32, #tpu.memory_space<vmem_shared>>
    %dma_wait3A_53 = tpu.memref_slice %arg7[%dma_wait3A_50] : memref<5x!tpu.dma_semaphore, #tpu.memory_space<semaphore_mem>> -> memref<1x!tpu.dma_semaphore, #tpu.memory_space<semaphore_mem>>
    %dma_wait3A_54 = tpu.memref_squeeze %dma_wait3A_53 : memref<1x!tpu.dma_semaphore, #tpu.memory_space<semaphore_mem>> -> memref<!tpu.dma_semaphore, #tpu.memory_space<semaphore_mem>>
    tpu.wait_indirect_dma semaphore(%dma_wait3A_54 : memref<!tpu.dma_semaphore, #tpu.memory_space<semaphore_mem>>) src(%arg5 : memref<80xf32, #tpu.memory_space<vmem>>) dst(%dma_wait3A_52 : memref<10240xf32, #tpu.memory_space<vmem_shared>>)
    %barrier3A_55 = arith.constant 0 : index
    tpu.barrier barrier_id(%barrier3A_55)
    %mul3A_56 = arith.constant 640 : i32
    %mul3A_57 = arith.muli %arg1, %mul3A_56 : i32
    %mul3A_58 = arith.constant 5 : i32
    %mul3A_59 = arith.muli %arg0, %mul3A_58 : i32
    %add3A_60 = arith.constant 0 : i32
    %add3A_61 = arith.addi %mul3A_59, %add3A_60 : i32
    %mul3A_62 = arith.constant 640 : i32
    %mul3A_63 = arith.muli %arg1, %mul3A_62 : i32
    "tpu.region"() ({
      %run_scoped3A = tpu.sem_alloc : memref<!tpu.dma_semaphore, #tpu.memory_space<semaphore_mem>>
      %dma_start3A = tpu.memref_slice %arg3[%add3A_61, %mul3A_63] : memref<10x10240xf32, #tpu.memory_space<hbm>> -> memref<1x640xf32, #tpu.memory_space<hbm>>
      %dma_start3A_96 = tpu.memref_squeeze %dma_start3A : memref<1x640xf32, #tpu.memory_space<hbm>> -> memref<640xf32, #tpu.memory_space<hbm>>
      %dma_start3A_97 = tpu.memref_slice %arg13[%mul3A_57] : memref<10240xf32, #tpu.memory_space<vmem_shared>> -> memref<640xf32, #tpu.memory_space<vmem_shared>>
      tpu.enqueue_dma source(%dma_start3A_97 : memref<640xf32, #tpu.memory_space<vmem_shared>>) target(%dma_start3A_96 : memref<640xf32, #tpu.memory_space<hbm>>) target_semaphore(%run_scoped3A : memref<!tpu.dma_semaphore, #tpu.memory_space<semaphore_mem>>)
      %dma_wait3A_98 = tpu.memref_slice %arg3[%add3A_61, %mul3A_63] : memref<10x10240xf32, #tpu.memory_space<hbm>> -> memref<1x640xf32, #tpu.memory_space<hbm>>
      %dma_wait3A_99 = tpu.memref_squeeze %dma_wait3A_98 : memref<1x640xf32, #tpu.memory_space<hbm>> -> memref<640xf32, #tpu.memory_space<hbm>>
      %dma_wait3A_100 = tpu.memref_slice %arg13[%mul3A_57] : memref<10240xf32, #tpu.memory_space<vmem_shared>> -> memref<640xf32, #tpu.memory_space<vmem_shared>>
      tpu.wait_dma2 semaphore(%run_scoped3A : memref<!tpu.dma_semaphore, #tpu.memory_space<semaphore_mem>>) src(%dma_wait3A_100 : memref<640xf32, #tpu.memory_space<vmem_shared>>) dst(%dma_wait3A_99 : memref<640xf32, #tpu.memory_space<hbm>>)
      tpu.yield
    }) : () -> ()
    %mul3A_64 = arith.constant 640 : i32
    %mul3A_65 = arith.muli %arg1, %mul3A_64 : i32
    %mul3A_66 = arith.constant 5 : i32
    %mul3A_67 = arith.muli %arg0, %mul3A_66 : i32
    %add3A_68 = arith.constant 1 : i32
    %add3A_69 = arith.addi %mul3A_67, %add3A_68 : i32
    %mul3A_70 = arith.constant 640 : i32
    %mul3A_71 = arith.muli %arg1, %mul3A_70 : i32
    "tpu.region"() ({
      %run_scoped3A = tpu.sem_alloc : memref<!tpu.dma_semaphore, #tpu.memory_space<semaphore_mem>>
      %dma_start3A = tpu.memref_slice %arg3[%add3A_69, %mul3A_71] : memref<10x10240xf32, #tpu.memory_space<hbm>> -> memref<1x640xf32, #tpu.memory_space<hbm>>
      %dma_start3A_96 = tpu.memref_squeeze %dma_start3A : memref<1x640xf32, #tpu.memory_space<hbm>> -> memref<640xf32, #tpu.memory_space<hbm>>
      %dma_start3A_97 = tpu.memref_slice %arg14[%mul3A_65] : memref<10240xf32, #tpu.memory_space<vmem_shared>> -> memref<640xf32, #tpu.memory_space<vmem_shared>>
      tpu.enqueue_dma source(%dma_start3A_97 : memref<640xf32, #tpu.memory_space<vmem_shared>>) target(%dma_start3A_96 : memref<640xf32, #tpu.memory_space<hbm>>) target_semaphore(%run_scoped3A : memref<!tpu.dma_semaphore, #tpu.memory_space<semaphore_mem>>)
      %dma_wait3A_98 = tpu.memref_slice %arg3[%add3A_69, %mul3A_71] : memref<10x10240xf32, #tpu.memory_space<hbm>> -> memref<1x640xf32, #tpu.memory_space<hbm>>
      %dma_wait3A_99 = tpu.memref_squeeze %dma_wait3A_98 : memref<1x640xf32, #tpu.memory_space<hbm>> -> memref<640xf32, #tpu.memory_space<hbm>>
      %dma_wait3A_100 = tpu.memref_slice %arg14[%mul3A_65] : memref<10240xf32, #tpu.memory_space<vmem_shared>> -> memref<640xf32, #tpu.memory_space<vmem_shared>>
      tpu.wait_dma2 semaphore(%run_scoped3A : memref<!tpu.dma_semaphore, #tpu.memory_space<semaphore_mem>>) src(%dma_wait3A_100 : memref<640xf32, #tpu.memory_space<vmem_shared>>) dst(%dma_wait3A_99 : memref<640xf32, #tpu.memory_space<hbm>>)
      tpu.yield
    }) : () -> ()
    %mul3A_72 = arith.constant 640 : i32
    %mul3A_73 = arith.muli %arg1, %mul3A_72 : i32
    %mul3A_74 = arith.constant 5 : i32
    %mul3A_75 = arith.muli %arg0, %mul3A_74 : i32
    %add3A_76 = arith.constant 2 : i32
    %add3A_77 = arith.addi %mul3A_75, %add3A_76 : i32
    %mul3A_78 = arith.constant 640 : i32
    %mul3A_79 = arith.muli %arg1, %mul3A_78 : i32
    "tpu.region"() ({
      %run_scoped3A = tpu.sem_alloc : memref<!tpu.dma_semaphore, #tpu.memory_space<semaphore_mem>>
      %dma_start3A = tpu.memref_slice %arg3[%add3A_77, %mul3A_79] : memref<10x10240xf32, #tpu.memory_space<hbm>> -> memref<1x640xf32, #tpu.memory_space<hbm>>
      %dma_start3A_96 = tpu.memref_squeeze %dma_start3A : memref<1x640xf32, #tpu.memory_space<hbm>> -> memref<640xf32, #tpu.memory_space<hbm>>
      %dma_start3A_97 = tpu.memref_slice %arg15[%mul3A_73] : memref<10240xf32, #tpu.memory_space<vmem_shared>> -> memref<640xf32, #tpu.memory_space<vmem_shared>>
      tpu.enqueue_dma source(%dma_start3A_97 : memref<640xf32, #tpu.memory_space<vmem_shared>>) target(%dma_start3A_96 : memref<640xf32, #tpu.memory_space<hbm>>) target_semaphore(%run_scoped3A : memref<!tpu.dma_semaphore, #tpu.memory_space<semaphore_mem>>)
      %dma_wait3A_98 = tpu.memref_slice %arg3[%add3A_77, %mul3A_79] : memref<10x10240xf32, #tpu.memory_space<hbm>> -> memref<1x640xf32, #tpu.memory_space<hbm>>
      %dma_wait3A_99 = tpu.memref_squeeze %dma_wait3A_98 : memref<1x640xf32, #tpu.memory_space<hbm>> -> memref<640xf32, #tpu.memory_space<hbm>>
      %dma_wait3A_100 = tpu.memref_slice %arg15[%mul3A_73] : memref<10240xf32, #tpu.memory_space<vmem_shared>> -> memref<640xf32, #tpu.memory_space<vmem_shared>>
      tpu.wait_dma2 semaphore(%run_scoped3A : memref<!tpu.dma_semaphore, #tpu.memory_space<semaphore_mem>>) src(%dma_wait3A_100 : memref<640xf32, #tpu.memory_space<vmem_shared>>) dst(%dma_wait3A_99 : memref<640xf32, #tpu.memory_space<hbm>>)
      tpu.yield
    }) : () -> ()
    %mul3A_80 = arith.constant 640 : i32
    %mul3A_81 = arith.muli %arg1, %mul3A_80 : i32
    %mul3A_82 = arith.constant 5 : i32
    %mul3A_83 = arith.muli %arg0, %mul3A_82 : i32
    %add3A_84 = arith.constant 3 : i32
    %add3A_85 = arith.addi %mul3A_83, %add3A_84 : i32
    %mul3A_86 = arith.constant 640 : i32
    %mul3A_87 = arith.muli %arg1, %mul3A_86 : i32
    "tpu.region"() ({
      %run_scoped3A = tpu.sem_alloc : memref<!tpu.dma_semaphore, #tpu.memory_space<semaphore_mem>>
      %dma_start3A = tpu.memref_slice %arg3[%add3A_85, %mul3A_87] : memref<10x10240xf32, #tpu.memory_space<hbm>> -> memref<1x640xf32, #tpu.memory_space<hbm>>
      %dma_start3A_96 = tpu.memref_squeeze %dma_start3A : memref<1x640xf32, #tpu.memory_space<hbm>> -> memref<640xf32, #tpu.memory_space<hbm>>
      %dma_start3A_97 = tpu.memref_slice %arg16[%mul3A_81] : memref<10240xf32, #tpu.memory_space<vmem_shared>> -> memref<640xf32, #tpu.memory_space<vmem_shared>>
      tpu.enqueue_dma source(%dma_start3A_97 : memref<640xf32, #tpu.memory_space<vmem_shared>>) target(%dma_start3A_96 : memref<640xf32, #tpu.memory_space<hbm>>) target_semaphore(%run_scoped3A : memref<!tpu.dma_semaphore, #tpu.memory_space<semaphore_mem>>)
      %dma_wait3A_98 = tpu.memref_slice %arg3[%add3A_85, %mul3A_87] : memref<10x10240xf32, #tpu.memory_space<hbm>> -> memref<1x640xf32, #tpu.memory_space<hbm>>
      %dma_wait3A_99 = tpu.memref_squeeze %dma_wait3A_98 : memref<1x640xf32, #tpu.memory_space<hbm>> -> memref<640xf32, #tpu.memory_space<hbm>>
      %dma_wait3A_100 = tpu.memref_slice %arg16[%mul3A_81] : memref<10240xf32, #tpu.memory_space<vmem_shared>> -> memref<640xf32, #tpu.memory_space<vmem_shared>>
      tpu.wait_dma2 semaphore(%run_scoped3A : memref<!tpu.dma_semaphore, #tpu.memory_space<semaphore_mem>>) src(%dma_wait3A_100 : memref<640xf32, #tpu.memory_space<vmem_shared>>) dst(%dma_wait3A_99 : memref<640xf32, #tpu.memory_space<hbm>>)
      tpu.yield
    }) : () -> ()
    %mul3A_88 = arith.constant 640 : i32
    %mul3A_89 = arith.muli %arg1, %mul3A_88 : i32
    %mul3A_90 = arith.constant 5 : i32
    %mul3A_91 = arith.muli %arg0, %mul3A_90 : i32
    %add3A_92 = arith.constant 4 : i32
    %add3A_93 = arith.addi %mul3A_91, %add3A_92 : i32
    %mul3A_94 = arith.constant 640 : i32
    %mul3A_95 = arith.muli %arg1, %mul3A_94 : i32
    "tpu.region"() ({
      %run_scoped3A = tpu.sem_alloc : memref<!tpu.dma_semaphore, #tpu.memory_space<semaphore_mem>>
      %dma_start3A = tpu.memref_slice %arg3[%add3A_93, %mul3A_95] : memref<10x10240xf32, #tpu.memory_space<hbm>> -> memref<1x640xf32, #tpu.memory_space<hbm>>
      %dma_start3A_96 = tpu.memref_squeeze %dma_start3A : memref<1x640xf32, #tpu.memory_space<hbm>> -> memref<640xf32, #tpu.memory_space<hbm>>
      %dma_start3A_97 = tpu.memref_slice %arg17[%mul3A_89] : memref<10240xf32, #tpu.memory_space<vmem_shared>> -> memref<640xf32, #tpu.memory_space<vmem_shared>>
      tpu.enqueue_dma source(%dma_start3A_97 : memref<640xf32, #tpu.memory_space<vmem_shared>>) target(%dma_start3A_96 : memref<640xf32, #tpu.memory_space<hbm>>) target_semaphore(%run_scoped3A : memref<!tpu.dma_semaphore, #tpu.memory_space<semaphore_mem>>)
      %dma_wait3A_98 = tpu.memref_slice %arg3[%add3A_93, %mul3A_95] : memref<10x10240xf32, #tpu.memory_space<hbm>> -> memref<1x640xf32, #tpu.memory_space<hbm>>
      %dma_wait3A_99 = tpu.memref_squeeze %dma_wait3A_98 : memref<1x640xf32, #tpu.memory_space<hbm>> -> memref<640xf32, #tpu.memory_space<hbm>>
      %dma_wait3A_100 = tpu.memref_slice %arg17[%mul3A_89] : memref<10240xf32, #tpu.memory_space<vmem_shared>> -> memref<640xf32, #tpu.memory_space<vmem_shared>>
      tpu.wait_dma2 semaphore(%run_scoped3A : memref<!tpu.dma_semaphore, #tpu.memory_space<semaphore_mem>>) src(%dma_wait3A_100 : memref<640xf32, #tpu.memory_space<vmem_shared>>) dst(%dma_wait3A_99 : memref<640xf32, #tpu.memory_space<hbm>>)
      tpu.yield
    }) : () -> ()
    return
  }
}

module attributes {stable_mosaic.version = 14 : i64} {
  func.func @_hs_body(%arg0: memref<10000x128xf32, #tpu.memory_space<vmem>>, %arg1: memref<128x128xf32, #tpu.memory_space<vmem>>, %arg2: memref<10x10240xf32, #tpu.memory_space<vmem>>, %arg3: memref<10000x128xf32, #tpu.memory_space<vmem>>) attributes {dimension_semantics = [], scalar_prefetch = 0 : i64, scratch_operands = 0 : i64, tpu.core_type = #tpu.core_type<tc>} {
    %get3A = arith.constant 0 : index
    %get3A_0 = arith.constant 0 : index
    %get3A_1 = vector.load %arg2[%get3A, %get3A_0] : memref<10x10240xf32, #tpu.memory_space<vmem>>, vector<10x10240xf32>
    %reduce_sum3A = arith.constant dense<0.000000e+00> : vector<10240xf32>
    %reduce_sum3A_2 = vector.multi_reduction <add>, %get3A_1, %reduce_sum3A [0] : vector<10x10240xf32> to vector<10240xf32>
    %slice3A = vector.extract_strided_slice %reduce_sum3A_2 {offsets = [0], sizes = [10000], strides = [1]} : vector<10240xf32> to vector<10000xf32>
    %add3A = arith.constant 1.000000e+00 : f32
    %add3A_3 = vector.broadcast %add3A : f32 to vector<10000xf32>
    %add3A_4 = arith.addf %slice3A, %add3A_3 : vector<10000xf32>
    %rsqrt3A = math.rsqrt %add3A_4 : vector<10000xf32>
    %get3A_5 = arith.constant 0 : index
    %get3A_6 = arith.constant 0 : index
    %get3A_7 = vector.load %arg0[%get3A_5, %get3A_6] : memref<10000x128xf32, #tpu.memory_space<vmem>>, vector<10000x128xf32>
    %get3A_8 = arith.constant 0 : index
    %get3A_9 = arith.constant 0 : index
    %get3A_10 = vector.load %arg1[%get3A_8, %get3A_9] : memref<128x128xf32, #tpu.memory_space<vmem>>, vector<128x128xf32>
    %dot_general3A = arith.constant dense<0.000000e+00> : vector<10000x128xf32>
    %dot_general3A_11 = tpu.matmul %get3A_7, %get3A_10, %dot_general3A {dimension_numbers = #tpu.dot_dimension_numbers<[1], [0], [0], [1], [0, 0, 1, 1], [], []>, transpose_lhs_hint = false} : vector<10000x128xf32>, vector<128x128xf32>, vector<10000x128xf32> -> vector<10000x128xf32>
    %broadcast_in_dim3A = vector.shape_cast %rsqrt3A : vector<10000xf32> to vector<10000x1xf32>
    %mul3A = vector.broadcast %broadcast_in_dim3A : vector<10000x1xf32> to vector<10000x128xf32>
    %mul3A_12 = arith.mulf %dot_general3A_11, %mul3A : vector<10000x128xf32>
    %swap3A = arith.constant 0 : index
    %swap3A_13 = arith.constant 0 : index
    %swap3A_14 = vector.load %arg3[%swap3A, %swap3A_13] : memref<10000x128xf32, #tpu.memory_space<vmem>>, vector<10000x128xf32>
    tpu.vector_store %arg3[%swap3A, %swap3A_13], %mul3A_12 {strides = array<i32>} : memref<10000x128xf32, #tpu.memory_space<vmem>>, vector<10000x128xf32>,
    return
  }
}

module attributes {stable_mosaic.version = 14 : i64} {
  func.func @_head_body(%arg0: memref<2x10240x128xf32, #tpu.memory_space<vmem>>, %arg1: memref<10000x128xf32, #tpu.memory_space<vmem>>, %arg2: memref<10x10240xf32, #tpu.memory_space<vmem>>, %arg3: memref<10000xi32, #tpu.memory_space<vmem>>, %arg4: memref<128xf32, #tpu.memory_space<vmem>>, %arg5: memref<128xf32, #tpu.memory_space<vmem>>, %arg6: memref<128xf32, #tpu.memory_space<vmem>>, %arg7: memref<128x128xf32, #tpu.memory_space<vmem>>, %arg8: memref<128xf32, #tpu.memory_space<vmem>>, %arg9: memref<128x128xf32, #tpu.memory_space<vmem>>, %arg10: memref<128xf32, #tpu.memory_space<vmem>>, %arg11: memref<1x128xf32, #tpu.memory_space<vmem>>, %arg12: memref<16xf32, #tpu.memory_space<vmem>>, %arg13: memref<16x128xf32, #tpu.memory_space<vmem>>, %arg14: memref<16xf32, #tpu.memory_space<vmem>>, %arg15: memref<64x16xf32, #tpu.memory_space<vmem>>) attributes {dimension_semantics = [], scalar_prefetch = 0 : i64, scratch_operands = 0 : i64, tpu.core_type = #tpu.core_type<tc>} {
    %get3A = arith.constant 0 : index
    %get3A_0 = arith.constant 0 : index
    %get3A_1 = vector.load %arg2[%get3A, %get3A_0] : memref<10x10240xf32, #tpu.memory_space<vmem>>, vector<10x10240xf32>
    %reduce_sum3A = arith.constant dense<0.000000e+00> : vector<10240xf32>
    %reduce_sum3A_2 = vector.multi_reduction <add>, %get3A_1, %reduce_sum3A [0] : vector<10x10240xf32> to vector<10240xf32>
    %slice3A = vector.extract_strided_slice %reduce_sum3A_2 {offsets = [0], sizes = [10000], strides = [1]} : vector<10240xf32> to vector<10000xf32>
    %add3A = arith.constant 1.000000e+00 : f32
    %add3A_3 = vector.broadcast %add3A : f32 to vector<10000xf32>
    %add3A_4 = arith.addf %slice3A, %add3A_3 : vector<10000xf32>
    %rsqrt3A = math.rsqrt %add3A_4 : vector<10000xf32>
    %get3A_5 = arith.constant 0 : index
    %get3A_6 = arith.constant 0 : index
    %get3A_7 = arith.constant 0 : index
    %get3A_8 = vector.load %arg0[%get3A_5, %get3A_6, %get3A_7] : memref<2x10240x128xf32, #tpu.memory_space<vmem>>, vector<1x10000x128xf32>
    %get3A_9 = vector.shape_cast %get3A_8 : vector<1x10000x128xf32> to vector<10000x128xf32>
    %get3A_10 = arith.constant 1 : index
    %get3A_11 = arith.constant 0 : index
    %get3A_12 = arith.constant 0 : index
    %get3A_13 = vector.load %arg0[%get3A_10, %get3A_11, %get3A_12] : memref<2x10240x128xf32, #tpu.memory_space<vmem>>, vector<1x10000x128xf32>
    %get3A_14 = vector.shape_cast %get3A_13 : vector<1x10000x128xf32> to vector<10000x128xf32>
    %add3A_15 = arith.addf %get3A_9, %get3A_14 : vector<10000x128xf32>
    %get3A_16 = arith.constant 0 : index
    %get3A_17 = arith.constant 0 : index
    %get3A_18 = vector.load %arg1[%get3A_16, %get3A_17] : memref<10000x128xf32, #tpu.memory_space<vmem>>, vector<10000x128xf32>
    %add3A_19 = arith.addf %add3A_15, %get3A_18 : vector<10000x128xf32>
    %broadcast_in_dim3A = vector.shape_cast %rsqrt3A : vector<10000xf32> to vector<10000x1xf32>
    %mul3A = vector.broadcast %broadcast_in_dim3A : vector<10000x1xf32> to vector<10000x128xf32>
    %mul3A_20 = arith.mulf %add3A_19, %mul3A : vector<10000x128xf32>
    %get3A_21 = arith.constant 0 : index
    %get3A_22 = vector.load %arg4[%get3A_21] : memref<128xf32, #tpu.memory_space<vmem>>, vector<128xf32>
    %broadcast_in_dim3A_23 = vector.shape_cast %get3A_22 : vector<128xf32> to vector<1x128xf32>
    %add3A_24 = vector.broadcast %broadcast_in_dim3A_23 : vector<1x128xf32> to vector<10000x128xf32>
    %add3A_25 = arith.addf %mul3A_20, %add3A_24 : vector<10000x128xf32>
    %max3A = arith.constant 0.000000e+00 : f32
    %max3A_26 = vector.broadcast %max3A : f32 to vector<10000x128xf32>
    %max3A_27 = arith.maximumf %add3A_25, %max3A_26 : vector<10000x128xf32>
    %reduce_sum3A_28 = arith.constant dense<0.000000e+00> : vector<128xf32>
    %reduce_sum3A_29 = vector.multi_reduction <add>, %max3A_27, %reduce_sum3A_28 [0] : vector<10000x128xf32> to vector<128xf32>
    %div3A = arith.constant 1.000000e+04 : f32
    %div3A_30 = vector.broadcast %div3A : f32 to vector<128xf32>
    %div3A_31 = arith.divf %reduce_sum3A_29, %div3A_30 : vector<128xf32>
    %broadcast_in_dim3A_32 = vector.shape_cast %div3A_31 : vector<128xf32> to vector<1x128xf32>
    %sub3A = vector.broadcast %broadcast_in_dim3A_32 : vector<1x128xf32> to vector<10000x128xf32>
    %sub3A_33 = arith.subf %max3A_27, %sub3A : vector<10000x128xf32>
    %integer_pow3A = arith.mulf %sub3A_33, %sub3A_33 : vector<10000x128xf32>
    %reduce_sum3A_34 = arith.constant dense<0.000000e+00> : vector<128xf32>
    %reduce_sum3A_35 = vector.multi_reduction <add>, %integer_pow3A, %reduce_sum3A_34 [0] : vector<10000x128xf32> to vector<128xf32>
    %div3A_36 = arith.constant 1.000000e+04 : f32
    %div3A_37 = vector.broadcast %div3A_36 : f32 to vector<128xf32>
    %div3A_38 = arith.divf %reduce_sum3A_35, %div3A_37 : vector<128xf32>
    %broadcast_in_dim3A_39 = vector.shape_cast %div3A_31 : vector<128xf32> to vector<1x128xf32>
    %sub3A_40 = vector.broadcast %broadcast_in_dim3A_39 : vector<1x128xf32> to vector<10000x128xf32>
    %sub3A_41 = arith.subf %max3A_27, %sub3A_40 : vector<10000x128xf32>
    %add3A_42 = arith.constant 9.99999974E-6 : f32
    %add3A_43 = vector.broadcast %add3A_42 : f32 to vector<128xf32>
    %add3A_44 = arith.addf %div3A_38, %add3A_43 : vector<128xf32>
    %rsqrt3A_45 = math.rsqrt %add3A_44 : vector<128xf32>
    %broadcast_in_dim3A_46 = vector.shape_cast %rsqrt3A_45 : vector<128xf32> to vector<1x128xf32>
    %mul3A_47 = vector.broadcast %broadcast_in_dim3A_46 : vector<1x128xf32> to vector<10000x128xf32>
    %mul3A_48 = arith.mulf %sub3A_41, %mul3A_47 : vector<10000x128xf32>
    %get3A_49 = arith.constant 0 : index
    %get3A_50 = vector.load %arg5[%get3A_49] : memref<128xf32, #tpu.memory_space<vmem>>, vector<128xf32>
    %broadcast_in_dim3A_51 = vector.shape_cast %get3A_50 : vector<128xf32> to vector<1x128xf32>
    %mul3A_52 = vector.broadcast %broadcast_in_dim3A_51 : vector<1x128xf32> to vector<10000x128xf32>
    %mul3A_53 = arith.mulf %mul3A_48, %mul3A_52 : vector<10000x128xf32>
    %get3A_54 = arith.constant 0 : index
    %get3A_55 = vector.load %arg6[%get3A_54] : memref<128xf32, #tpu.memory_space<vmem>>, vector<128xf32>
    %broadcast_in_dim3A_56 = vector.shape_cast %get3A_55 : vector<128xf32> to vector<1x128xf32>
    %add3A_57 = vector.broadcast %broadcast_in_dim3A_56 : vector<1x128xf32> to vector<10000x128xf32>
    %add3A_58 = arith.addf %mul3A_53, %add3A_57 : vector<10000x128xf32>
    %get3A_59 = arith.constant 0 : index
    %get3A_60 = arith.constant 0 : index
    %get3A_61 = vector.load %arg7[%get3A_59, %get3A_60] : memref<128x128xf32, #tpu.memory_space<vmem>>, vector<128x128xf32>
    %dot_general3A = arith.constant dense<0.000000e+00> : vector<10000x128xf32>
    %dot_general3A_62 = tpu.matmul %add3A_58, %get3A_61, %dot_general3A {dimension_numbers = #tpu.dot_dimension_numbers<[1], [1], [0], [0], [0, 0, 1, 0], [], []>, transpose_lhs_hint = false} : vector<10000x128xf32>, vector<128x128xf32>, vector<10000x128xf32> -> vector<10000x128xf32>
    %get3A_63 = arith.constant 0 : index
    %get3A_64 = vector.load %arg8[%get3A_63] : memref<128xf32, #tpu.memory_space<vmem>>, vector<128xf32>
    %broadcast_in_dim3A_65 = vector.shape_cast %get3A_64 : vector<128xf32> to vector<1x128xf32>
    %add3A_66 = vector.broadcast %broadcast_in_dim3A_65 : vector<1x128xf32> to vector<10000x128xf32>
    %add3A_67 = arith.addf %dot_general3A_62, %add3A_66 : vector<10000x128xf32>
    %max3A_68 = arith.constant 0.000000e+00 : f32
    %max3A_69 = vector.broadcast %max3A_68 : f32 to vector<10000x128xf32>
    %max3A_70 = arith.maximumf %add3A_67, %max3A_69 : vector<10000x128xf32>
    %get3A_71 = arith.constant 0 : index
    %get3A_72 = arith.constant 0 : index
    %get3A_73 = vector.load %arg9[%get3A_71, %get3A_72] : memref<128x128xf32, #tpu.memory_space<vmem>>, vector<128x128xf32>
    %dot_general3A_74 = arith.constant dense<0.000000e+00> : vector<10000x128xf32>
    %dot_general3A_75 = tpu.matmul %max3A_70, %get3A_73, %dot_general3A_74 {dimension_numbers = #tpu.dot_dimension_numbers<[1], [1], [0], [0], [0, 0, 1, 0], [], []>, transpose_lhs_hint = false} : vector<10000x128xf32>, vector<128x128xf32>, vector<10000x128xf32> -> vector<10000x128xf32>
    %get3A_76 = arith.constant 0 : index
    %get3A_77 = vector.load %arg10[%get3A_76] : memref<128xf32, #tpu.memory_space<vmem>>, vector<128xf32>
    %broadcast_in_dim3A_78 = vector.shape_cast %get3A_77 : vector<128xf32> to vector<1x128xf32>
    %add3A_79 = vector.broadcast %broadcast_in_dim3A_78 : vector<1x128xf32> to vector<10000x128xf32>
    %add3A_80 = arith.addf %dot_general3A_75, %add3A_79 : vector<10000x128xf32>
    %max3A_81 = arith.constant 0.000000e+00 : f32
    %max3A_82 = vector.broadcast %max3A_81 : f32 to vector<10000x128xf32>
    %max3A_83 = arith.maximumf %add3A_80, %max3A_82 : vector<10000x128xf32>
    %get3A_84 = arith.constant 0 : index
    %get3A_85 = arith.constant 0 : index
    %get3A_86 = vector.load %arg13[%get3A_84, %get3A_85] : memref<16x128xf32, #tpu.memory_space<vmem>>, vector<16x128xf32>
    %dot_general3A_87 = arith.constant dense<0.000000e+00> : vector<10000x16xf32>
    %dot_general3A_88 = tpu.matmul %max3A_83, %get3A_86, %dot_general3A_87 {dimension_numbers = #tpu.dot_dimension_numbers<[1], [1], [0], [0], [0, 0, 1, 0], [], []>, transpose_lhs_hint = false} : vector<10000x128xf32>, vector<16x128xf32>, vector<10000x16xf32> -> vector<10000x16xf32>
    %get3A_89 = arith.constant 0 : index
    %get3A_90 = vector.load %arg14[%get3A_89] : memref<16xf32, #tpu.memory_space<vmem>>, vector<16xf32>
    %broadcast_in_dim3A_91 = vector.shape_cast %get3A_90 : vector<16xf32> to vector<1x16xf32>
    %add3A_92 = vector.broadcast %broadcast_in_dim3A_91 : vector<1x16xf32> to vector<10000x16xf32>
    %add3A_93 = arith.addf %dot_general3A_88, %add3A_92 : vector<10000x16xf32>
    %iota3A = tpu.iota {dimensions = array<i32: 1>} : vector<10000x64xi32>
    %get3A_94 = arith.constant 0 : index
    %get3A_95 = vector.load %arg3[%get3A_94] : memref<10000xi32, #tpu.memory_space<vmem>>, vector<10000xi32>
    %broadcast_in_dim3A_96 = vector.shape_cast %get3A_95 : vector<10000xi32> to vector<10000x1xi32>
    %eq3A = vector.broadcast %broadcast_in_dim3A_96 : vector<10000x1xi32> to vector<10000x64xi32>
    %eq3A_97 = arith.cmpi eq, %eq3A, %iota3A : vector<10000x64xi32>
    %jit3A = arith.constant 1.000000e+00 : f32
    %jit3A_98 = arith.constant 0.000000e+00 : f32
    %broadcast_in_dim3A_99 = vector.broadcast %jit3A : f32 to vector<10000x64xf32>
    %broadcast_in_dim3A_100 = vector.broadcast %jit3A_98 : f32 to vector<10000x64xf32>
    %select_n3A = arith.select %eq3A_97, %broadcast_in_dim3A_99, %broadcast_in_dim3A_100 : vector<10000x64xi1>, vector<10000x64xf32>
    %reduce_sum3A_101 = arith.constant dense<0.000000e+00> : vector<64xf32>
    %reduce_sum3A_102 = vector.multi_reduction <add>, %select_n3A, %reduce_sum3A_101 [0] : vector<10000x64xf32> to vector<64xf32>
    %max3A_103 = arith.constant 1.000000e+00 : f32
    %max3A_104 = vector.broadcast %max3A_103 : f32 to vector<64xf32>
    %max3A_105 = arith.maximumf %reduce_sum3A_102, %max3A_104 : vector<64xf32>
    %div3A_106 = arith.constant 1.000000e+00 : f32
    %div3A_107 = vector.broadcast %div3A_106 : f32 to vector<64xf32>
    %div3A_108 = arith.divf %div3A_107, %max3A_105 : vector<64xf32>
    %dot_general3A_109 = arith.constant dense<0.000000e+00> : vector<64x16xf32>
    %dot_general3A_110 = tpu.matmul %select_n3A, %add3A_93, %dot_general3A_109 {dimension_numbers = #tpu.dot_dimension_numbers<[0], [0], [1], [1], [0, 1, 1, 1], [], []>, transpose_lhs_hint = false} : vector<10000x64xf32>, vector<10000x16xf32>, vector<64x16xf32> -> vector<64x16xf32>
    %dot_general3A_111 = arith.constant dense<0.000000e+00> : vector<64x128xf32>
    %dot_general3A_112 = tpu.matmul %select_n3A, %max3A_83, %dot_general3A_111 {dimension_numbers = #tpu.dot_dimension_numbers<[0], [0], [1], [1], [0, 1, 1, 1], [], []>, transpose_lhs_hint = false} : vector<10000x64xf32>, vector<10000x128xf32>, vector<64x128xf32> -> vector<64x128xf32>
    %broadcast_in_dim3A_113 = vector.shape_cast %div3A_108 : vector<64xf32> to vector<64x1xf32>
    %mul3A_114 = vector.broadcast %broadcast_in_dim3A_113 : vector<64x1xf32> to vector<64x16xf32>
    %mul3A_115 = arith.mulf %dot_general3A_110, %mul3A_114 : vector<64x16xf32>
    %broadcast_in_dim3A_116 = vector.shape_cast %div3A_108 : vector<64xf32> to vector<64x1xf32>
    %mul3A_117 = vector.broadcast %broadcast_in_dim3A_116 : vector<64x1xf32> to vector<64x128xf32>
    %mul3A_118 = arith.mulf %dot_general3A_112, %mul3A_117 : vector<64x128xf32>
    %get3A_119 = arith.constant 0 : index
    %get3A_120 = arith.constant 0 : index
    %get3A_121 = vector.load %arg11[%get3A_119, %get3A_120] : memref<1x128xf32, #tpu.memory_space<vmem>>, vector<1x128xf32>
    %broadcast_in_dim3A_122 = vector.shape_cast %get3A_121 : vector<1x128xf32> to vector<1x128xf32>
    %broadcast_in_dim3A_123 = vector.broadcast %broadcast_in_dim3A_122 : vector<1x128xf32> to vector<16x128xf32>
    %dot_general3A_124 = arith.constant dense<0.000000e+00> : vector<64x16xf32>
    %dot_general3A_125 = tpu.matmul %mul3A_118, %broadcast_in_dim3A_123, %dot_general3A_124 {dimension_numbers = #tpu.dot_dimension_numbers<[1], [1], [0], [0], [0, 0, 1, 0], [], []>, transpose_lhs_hint = false} : vector<64x128xf32>, vector<16x128xf32>, vector<64x16xf32> -> vector<64x16xf32>
    %broadcast_in_dim3A_126 = arith.constant 6.250000e-02 : f32
    %broadcast_in_dim3A_127 = vector.broadcast %broadcast_in_dim3A_126 : f32 to vector<16x16xf32>
    %dot_general3A_128 = arith.constant dense<0.000000e+00> : vector<64x16xf32>
    %dot_general3A_129 = tpu.matmul %mul3A_115, %broadcast_in_dim3A_127, %dot_general3A_128 {dimension_numbers = #tpu.dot_dimension_numbers<[1], [0], [0], [1], [0, 0, 1, 1], [], []>, transpose_lhs_hint = false} : vector<64x16xf32>, vector<16x16xf32>, vector<64x16xf32> -> vector<64x16xf32>
    %add3A_130 = arith.addf %dot_general3A_125, %mul3A_115 : vector<64x16xf32>
    %sub3A_131 = arith.subf %add3A_130, %dot_general3A_129 : vector<64x16xf32>
    %get3A_132 = arith.constant 0 : index
    %get3A_133 = vector.load %arg12[%get3A_132] : memref<16xf32, #tpu.memory_space<vmem>>, vector<16xf32>
    %broadcast_in_dim3A_134 = vector.shape_cast %get3A_133 : vector<16xf32> to vector<1x16xf32>
    %add3A_135 = vector.broadcast %broadcast_in_dim3A_134 : vector<1x16xf32> to vector<64x16xf32>
    %add3A_136 = arith.addf %sub3A_131, %add3A_135 : vector<64x16xf32>
    %swap3A = arith.constant 0 : index
    %swap3A_137 = arith.constant 0 : index
    %swap3A_138 = vector.load %arg15[%swap3A, %swap3A_137] : memref<64x16xf32, #tpu.memory_space<vmem>>, vector<64x16xf32>
    tpu.vector_store %arg15[%swap3A, %swap3A_137], %add3A_136 {strides = array<i32>} : memref<64x16xf32, #tpu.memory_space<vmem>>, vector<64x16xf32>,
    return
  }
}

</mosaic_0001>

<sc_bundles>
// kernel: kernel.6.cloned.1.call-start
scs
__scs_entry_jumppad:
0x0: {  	(pc) =	sbr.rel $0x88, $3  }
0x1: {  	(tag) =	ssettag $0x0;
	lr =	simm.s32 $0x1  }
0x2: {  	[smem:$0x3F92] =	sst lr;
	_ =	strace $0xD0000000  }
0x3: {  	_ = 	snop  }
0x4: {  	_ = 	snop  }
0x5: {  	_ = 	snop  }
0x6: {  	_ = 	snop  }
0x7: {  	_ = 	snop  }
__scs_overlays_trampoline_lowered:
0x8: {  	[smem:$0x3FA1] =	sst s0  }
0x9: {  	[smem:$0x3FA2] =	sst s1  }
0xa: {  	[smem:$0x3FA3] =	sst s2  }
0xb: {  	[smem:$0x3FA4] =	sst s3  }
0xc: {  	[smem:$0x3FA5] =	sst s4  }
0xd: {  	[smem:$0x3FA6] =	sst s5  }
0xe: {  	[smem:$0x3FA7] =	sst s6  }
0xf: {  	[smem:$0x3FA8] =	sst s7  }
0x10: {  	[smem:$0x3FA9] =	sst s8  }
0x11: {  	[smem:$0x3FAA] =	sst s9;
	s0 =	simm.s32 @!p0 $0x0  }
0x12: {  	s1 =	sld [smem:$0x3F90];
	s0 =	simm.s32 @p0 $0x1  }
0x13: {  	[smem:$0x3FAB] =	sst s0;
	s0 =	simm.s32 @!p1 $0x0  }
0x14: {  	s2 =	sld [smem:$0x3F8F];
	s0 =	simm.s32 @p1 $0x1  }
0x15: {  	[smem:$0x3FAC] =	sst s0;
	s0 =	simm.s32 @!p2 $0x0  }
0x16: {  	s3 =	sld [smem:$0x3FDB];
	s0 =	simm.s32 @p2 $0x1  }
0x17: {  	s4 =	simm.s32 $0x1BF5;
	[smem:$0x3FAE] =	sst s0  }
0x18: {  	s0 =	sld [smem:$0x3F91];
	_ =	swait.ge [sflag:s4], $0x0  }
0x19: {  	s7 =	sld [smem:$0x3F92]  }
0x1a: {  	s8 =	sadd.s32 $0xFFFFE003, lr  }
0x1b: {  	s9 =	sadd.s32 $0xFFFFFEF7, lr;
	s5 =	simm.s32 $0xFFFFFFFF;
	p2 =	slt.u32 s8, $0xFFFFF086  }
0x1c: {  	p1 =	slt.u32 s9, $0xF7A;
	s5 =	simm.s32 @!p2 $0x0  }
0x1d: {  	s5 =	simm.s32 @p1 $0x1;
	p0 =	seq.s32 s7, s2  }
0x1e: {  	s7 =	smul.u32 @!p0 $0xF7A, s2;
	p2 =	seq.s32 @!p0 s5, $0x0  }
0x1f: {  	s9 =	smul.u32 $0xF7A, s1;
	s8 =	simm.s32 @!p0 $0x1BF5;
	p2 =	por !p2, p0  }
0x20: {  	[sflag:s8] =	ssyncset.s32 @!p0 $0xFFFFF086;
	s6 =	sadd.s32 @!p0 s3, s7;
	s7 =	simm.s32 @!p0 $0x108  }
0x21: {  	s3 =	sadd.s32 s3, s9;
	s6 =	sadd.s32 @!p0 $0x88, s6;
	s7 =	simm.s32 @p2 $0x1082  }
0x22: {  	[simem:s7], [sflag:s8] =	dma.local @!p0 [hbm:s6], $0xF7A  }
0x23: {  	s9 =	sor.u32 $0xD0000000, s2;
	s6 =	simm.s32 $0x108;
	_ =	swait.ge @!p0 [sflag:s8], $0x0  }
0x24: {  	s3 =	sadd.s32 $0x88, s3;
	s6 =	simm.s32 @!p1 $0x1082;
	[sflag:s4] =	ssyncset.s32 $0xFFFFF086  }
0x25: {  	[simem:s6], [sflag:s4] =	dma.local [hbm:s3], $0xF7A  }
0x26: {  	[smem:$0x3F92] =	sst s1;
	(tag) =	ssettag s2;
	_ =	strace s9  }
0x27: {  	s1 =	sld [smem:$0x3FA2]  }
0x28: {  	s2 =	sld [smem:$0x3FA3]  }
0x29: {  	s4 =	sld [smem:$0x3FA5]  }
0x2a: {  	p0 =	seq.s32 s5, $0x0;
	s5 =	sld [smem:$0x3FA6]  }
0x2b: {  	s6 =	sld [smem:$0x3FA7]  }
0x2c: {  	s7 =	sld [smem:$0x3FA8]  }
0x2d: {  	s3 =	simm.s32 $0x108;
	s8 =	sld [smem:$0x3FA9]  }
0x2e: {  	s3 =	simm.s32 @!p0 $0x1082;
	s9 =	sld [smem:$0x3FAA]  }
0x2f: {  	lr =	sadd.s32 s0, s3;
	s0 =	sld [smem:$0x3FA1]  }
0x30: {  	s3 =	sld [smem:$0x3FA4]  }
0x31: {  	[smem:$0x3FAD] =	sst s10  }
0x32: {  	s10 =	sld [smem:$0x3FAB];
	_ =	sdelay $0x3  }
0x33: {  	p0 =	seq.s32 s10, $0x1;
	s10 =	sld [smem:$0x3FAD];
	_ =	sdelay $0x3  }
0x34: {  	[smem:$0x3FAD] =	sst s10  }
0x35: {  	s10 =	sld [smem:$0x3FAC];
	_ =	sdelay $0x3  }
0x36: {  	p1 =	seq.s32 s10, $0x1;
	s10 =	sld [smem:$0x3FAD];
	_ =	sdelay $0x3  }
0x37: {  	[smem:$0x3FAD] =	sst s10  }
0x38: {  	s10 =	sld [smem:$0x3FAE]  }
0x39: {  	_ = 	snop;
	(pc) =	sbr.ind lr, $3  }
0x3a: {  	_ = 	snop  }
0x3b: {  	_ = 	snop  }
0x3c: {  	p2 =	seq.s32 s10, $0x1;
	s10 =	sld [smem:$0x3FAD]  }
0x3d: {  	_ =	shalt  }
0x3e: {  	_ =	shalt  }
0x3f: {  	_ =	shalt  }
0x40: {  	_ =	shalt  }
0x41: {  	_ =	shalt  }
0x42: {  	_ =	shalt  }
0x43: {  	_ =	shalt  }
0x44: {  	_ =	shalt  }
0x45: {  	_ =	shalt  }
0x46: {  	_ =	shalt  }
0x47: {  	_ =	shalt  }
0x48: {  	_ =	shalt  }
0x49: {  	_ =	shalt  }
0x4a: {  	_ =	shalt  }
0x4b: {  	_ =	shalt  }
0x4c: {  	_ =	shalt  }
0x4d: {  	_ =	shalt  }
0x4e: {  	_ =	shalt  }
0x4f: {  	_ =	shalt  }
0x50: {  	_ =	shalt  }
0x51: {  	_ =	shalt  }
0x52: {  	_ =	shalt  }
0x53: {  	_ =	shalt  }
0x54: {  	_ =	shalt  }
0x55: {  	_ =	shalt  }
0x56: {  	_ =	shalt  }
0x57: {  	_ =	shalt  }
0x58: {  	_ =	shalt  }
0x59: {  	_ =	shalt  }
0x5a: {  	_ =	shalt  }
0x5b: {  	_ =	shalt  }
0x5c: {  	_ =	shalt  }
0x5d: {  	_ =	shalt  }
0x5e: {  	_ =	shalt  }
0x5f: {  	_ =	shalt  }
0x60: {  	_ =	shalt  }
0x61: {  	_ =	shalt  }
0x62: {  	_ =	shalt  }
0x63: {  	_ =	shalt  }
0x64: {  	_ =	shalt  }
0x65: {  	_ =	shalt  }
0x66: {  	_ =	shalt  }
0x67: {  	_ =	shalt  }
0x68: {  	_ =	shalt  }
0x69: {  	_ =	shalt  }
0x6a: {  	_ =	shalt  }
0x6b: {  	_ =	shalt  }
0x6c: {  	_ =	shalt  }
0x6d: {  	_ =	shalt  }
0x6e: {  	_ =	shalt  }
0x6f: {  	_ =	shalt  }
0x70: {  	_ =	shalt  }
0x71: {  	_ =	shalt  }
0x72: {  	_ =	shalt  }
0x73: {  	_ =	shalt  }
0x74: {  	_ =	shalt  }
0x75: {  	_ =	shalt  }
0x76: {  	_ =	shalt  }
0x77: {  	_ =	shalt  }
0x78: {  	_ =	shalt  }
0x79: {  	_ =	shalt  }
0x7a: {  	_ =	shalt  }
0x7b: {  	_ =	shalt  }
0x7c: {  	_ =	shalt  }
0x7d: {  	_ =	shalt  }
0x7e: {  	_ =	shalt  }
0x7f: {  	_ =	shalt  }
0x80: {  	_ =	shalt  }
0x81: {  	_ =	shalt  }
0x82: {  	_ =	shalt  }
0x83: {  	_ =	shalt  }
0x84: {  	_ =	shalt  }
0x85: {  	_ =	shalt  }
0x86: {  	_ =	shalt  }
0x87: {  	_ =	shalt  }
.Lfunc_end0:
.L_simem_size_0:
called_computation_lowered:
.L_overlay_start_0:
0x88: {  	s2 =	sld [smem:$0x3FD9]  }
0x89: {  	s3 =	sld [smem:$0x3FFE];
	_ =	sdelay $0x1  }
0x8a: {  	s1 =	srdreg.scid  }
0x8b: {  	s0 =	sand.u32 $0x1, s1  }
0x8c: {  	s16 =	sshll.u32 s0, $0xA;
	s2 =	sadd.s32 s3, s2  }
0x8d: {  	s2 =	sadd.s32 s2, s16  }
0x8e: {  	[smem:$0x3FB9] =	sst s2  }
0x8f: {  	_ = 	snop  }
0x90: {  	(tm) =	ssettm $0x1  }
0x91: {  	s17 =	sld [smem:$0x3FFB];
	_ =	sdelay $0x3  }
0x92: {  	_ =	strace s17  }
0x93: {  	s2 =	sld [smem:$0x3FFC];
	_ =	sdelay $0x3  }
0x94: {  	_ =	strace s2  }
0x95: {  	s2 =	sld [smem:$0x3FFD];
	_ =	sdelay $0x3  }
0x96: {  	_ =	strace s2  }
0x97: {  	_ =	strace $0x8FFFFFFF  }
0x98: {  	s18 =	sld [smem:$0x3FDB];
	_ =	sdelay $0x1  }
0x99: {  	s19 =	simm.s32 $_scs_section_size  }
0x9a: {  	s4 =	simm.s32 $_size__tile_overlayer_lowered;
	s5 =	simm.s32 $_tile_overlayer_lowered  }
0x9b: {  	s22 =	simm.s32 $0x1BFF;
	s21 =	sshll.u32 s5, $0x1;
	s2 =	sadd.s32 s19, s18  }
0x9c: {  	s6 =	simm.s32 $0x0;
	s20 =	sshll.u32 s4, $0x1;
	s4 =	sadd.s32 s21, s2  }
0x9d: {  	[timem:s6], [sflag:s22] =	dma.local [hbm:s4], s20  }
0x9e: {  	_ =	swait.ge [sflag:s22], s20  }
0x9f: {  	s3 =	ssub.s32 $0x0, s20;
	[sflag:s22] =	ssyncset.done $0x0  }
0xa0: {  	[sflag:s22] =	ssyncadd.s32 s3;
	_ =	sdelay $0x1  }
0xa1: {  	s23 =	simm.s32 $0x1B8B  }
0xa2: {  	_ =	swait.ge [sflag:s23], $0x1  }
0xa3: {  	[sflag:s23] =	ssyncset.done $0x0  }
0xa4: {  	s25 =	simm.s32 $0x1B8E;
	s24 =	sld [smem:$0x3FFE];
	[sflag:s23] =	ssyncadd.s32 $0xFFFFFFFF  }
0xa5: {  	s26 =	simm.s32 $execute0_lowered;
	[smem:$0x3FD2] =	sst s25  }
0xa6: {  	s4 =	sshll.u32 s26, $0x1;
	_ =	strace $0x80000046;
	[dreg:$0x1] =	wrdreg $0xFFFFFFFF  }
0xa7: {  	s28 =	simm.s32 $_size_execute0_lowered;
	s2 =	sadd.s32 s2, s4;
	[dreg:$0x0] =	wrdreg $0x0  }
0xa8: {  	s4 =	sshll.u32 s28, $0x1;
	[dreg:$0x2] =	wrdreg s2  }
0xa9: {  	[dreg:$0x3] =	wrdreg s4  }
0xaa: {  	[dreg:$0x4] =	wrdreg $0xC0  }
0xab: {  	_ =	task [dreg:s6], $0x5FFFF  }
0xac: {  	[dreg:$0x1] =	wrdreg $0xFFFFFFFF  }
0xad: {  	[dreg:$0x0] =	wrdreg $0x60  }
0xae: {  	[dreg:$0x2] =	wrdreg s24  }
0xaf: {  	[dreg:$0x3] =	wrdreg $0x45800  }
0xb0: {  	[dreg:$0x4] =	wrdreg $0x48000  }
0xb1: {  	[dreg:$0x5] =	wrdreg $0x4A800  }
0xb2: {  	[dreg:$0x6] =	wrdreg $0x4D000  }
0xb3: {  	[dreg:$0x7] =	wrdreg $0x4F800  }
0xb4: {  	[dreg:$0x8] =	wrdreg $0x9  }
0xb5: {  	_ =	task.clear_ibuf [dreg:s6], $0x9FFFF;
	_ =	strace $0x90000046  }
0xb6: {  	s29 =	simm.s32 $0x9;
	_ =	strace $0x80000048  }
0xb7: {  	_ =	swait.ge [sflag:s29], $0x1  }
0xb8: {  	[sflag:s29] =	ssyncadd.s32 $0xFFFFFFFF  }
0xb9: {  	_ =	strace $0x90000048  }
0xba: {  	_ =	sfence  }
0xbb: {  	s30 =	sld [smem:$0x0];
	_ =	sdelay $0x2  }
0xbc: {  	s31 =	sshll.u32 s1, $0xD;
	s1 =	sshrl.u32 s1, $0x2  }
0xbd: {  	s3 =	sand.u32 $0x4000, s31;
	s1 =	sadd.s32 s1, s30  }
0xbe: {  	s0 =	sor.u32 s3, s0;
	s1 =	sshll.u32 s1, $0x11  }
0xbf: {  	s0 =	sor.u32 s1, s0  }
0xc0: {  	s0 =	sadd.s32 $0x8F2B, s0  }
0xc1: {  	[sflag:s0] =	ssyncadd.remote.s32 $0x1  }
0xc2: {  	_ =	sfence.sel $0xFFFF  }
0xc3: {  	[dreg:$0x0] =	wrdreg $0xFFFFFFFF;
	(pc) =	sbr.abs _section_cstart, $3  }
0xc4: {  	[dreg:$0x1] =	wrdreg $0xFFFFFFFF  }
0xc5: {  	_ =	task.clear_ibuf [dreg:s6], $0x2FFFF;
	_ =	strace $0x9FFFFFFF  }
0xc6: {  	(tm) =	ssettm $0x7FFFFFFF  }
0xc7: {  	_ =	shalt  }
tec
execute0_lowered:
.L_overlay_start_1:
0x0: {  	(tag) =	ssettag $0x1  }
0x1: {  	s0 =	rddreg [dreg:$0x0]  }
0x2: {  	s1 =	rddreg [dreg:$0x1]  }
0x3: {  	s2 =	rddreg [dreg:$0x2]  }
0x4: {  	s3 =	rddreg [dreg:$0x3]  }
0x5: {  	s4 =	rddreg [dreg:$0x4]  }
0x6: {  	s5 =	rddreg [dreg:$0x5];
	s7 =	simm.s32 $0x0;
	s6 =	srdreg.scid  }
0x7: {  	s11 =	stileid.u32;
	s28 =	simm.s32 $0x4480;
	s29 =	simm.s32 $0x4500  }
0x8: {  	s30 =	simm.s32 $0x1;
	s31 =	simm.s32 $0x2;
	s12 =	smul.u32 $0x280, s11  }
0x9: {  	[smem:$0x7FF] =	sst s7;
	s6 =	sand.u32 $0x1, s6;
	s14 =	smul.u32 $0x1400, s11  }
0xa: {  	s15 =	sshll.u32 s11, $0xC;
	_ =	strace $0x80000047;
	s16 =	smul.u32 $0x280, s6  }
0xb: {  	s25 =	ssub.s32 $0x2, s6;
	s8 =	sshll.u32 s6, $0xB;
	s6 =	smul.u32 $0x5, s6  }
0xc: {  	s9 =	sshrl.u32 s25, $0x1;
	s13 =	sadd.s32 s8, s0;
	s0 =	sadd.s32 $0x12800, s0  }
0xd: {  	s8 =	sadd.s32 s12, s1;
	s10 =	sadd.s32 s12, s3;
	s11 =	sadd.s32 s12, s4  }
0xe: {  	s7 =	ssub.s32 s25, s9;
	s9 =	sadd.s32 s12, s2;
	s12 =	sadd.s32 s12, s5  }
0xf: {  	s13 =	sadd.s32 s15, s13;
	s26 =	sor.u32 s16, s14;
	s17 =	sadd.s32 $0x80, s16  }
0x10: {  	s20 =	sadd.s32 $0x3, s6;
	s6 =	sadd.s32 $0x4, s6;
	s16 =	sadd.s32 $0x100, s16  }
0x11: {  	s13 =	sadd.s32 $0x2800, s13;
	s15 =	sshrl.u32 s26, $0x3;
	s18 =	sand.u32 $0x380, s17  }
0x12: {  	s21 =	sshrl.u32 s20, $0x3;
	s22 =	sand.u32 $0x380, s16;
	s26 =	smax.u32 s7, $0x1  }
0x13: {  	s7 =	simm.s32 $0x5;
	[dreg:$0x7] =	wrdreg s13;
	s13 =	sadd.s32 s0, s15  }
0x14: {  	s19 =	sor.u32 s14, s18;
	s17 =	smul.u32 $0x14000, s21;
	s18 =	sshrl.u32 s6, $0x3  }
0x15: {  	s15 =	sshll.u32 s20, $0x7;
	s6 =	sshll.u32 s6, $0x7;
	[dreg:$0xd] =	wrdreg s26  }
0x16: {  	s20 =	simm.s32 $0x4080;
	s21 =	simm.s32 $0x6;
	s26 =	simm.s32 $0x4400  }
0x17: {  	[dreg:$0x8] =	wrdreg s13;
	s13 =	sshrl.u32 s19, $0x3;
	s23 =	smul.u32 $0x14000, s18  }
0x18: {  	s15 =	sand.u32 $0x380, s15;
	s6 =	sand.u32 $0x380, s6;
	s13 =	sadd.s32 s0, s13  }
0x19: {  	s17 =	sadd.s32 s14, s17;
	[dreg:$0x9] =	wrdreg s13;
	s16 =	sadd.s32 s14, s23  }
0x1a: {  	s13 =	sor.u32 s14, s22;
	s24 =	sor.u32 s15, s17;
	s22 =	simm.s32 $0x50  }
0x1b: {  	s23 =	simm.s32 $0x4300;
	s15 =	simm.s32 $0x0;
	s13 =	sshrl.u32 s13, $0x3  }
0x1c: {  	s6 =	sor.u32 s6, s16;
	s14 =	sshrl.u32 s24, $0x3;
	s13 =	sadd.s32 s0, s13  }
0x1d: {  	s24 =	simm.s32 $0x4000;
	s25 =	sadd.s32 s0, s14;
	[dreg:$0xa] =	wrdreg s13  }
0x1e: {  	s6 =	sshrl.u32 s6, $0x3;
	s14 =	simm.s32 $0x10;
	[dreg:$0xb] =	wrdreg s25  }
0x1f: {  	s0 =	sadd.s32 s0, s6;
	s25 =	simm.s32 $0x4380;
	s6 =	simm.s32 $0x4  }
0x20: {  	v0 =	vimm.f32 $1.000000000e+00;
	v1 =	vimm.f32 $0.0e+00;
	s13 =	simm.s32 $0x80;
	[dreg:$0xc] =	wrdreg s0;
	s0 =	simm.s32 $0x3  }
.LBB2_1:
0x21: {  	[tilespmem:$0x4000] =	vst v0  }
0x22: {  	[tilespmem:$0x4010] =	vst v0  }
0x23: {  	[tilespmem:$0x4020] =	vst v0  }
0x24: {  	[tilespmem:$0x4030] =	vst v0  }
0x25: {  	[tilespmem:$0x4040] =	vst v0  }
0x26: {  	[tilespmem:$0x4080] =	vst v1  }
0x27: {  	[tilespmem:$0x4090] =	vst v1  }
0x28: {  	[tilespmem:$0x40A0] =	vst v1  }
0x29: {  	[tilespmem:$0x40B0] =	vst v1  }
0x2a: {  	[tilespmem:$0x40C0] =	vst v1  }
0x2b: {  	[tilespmem:$0x40D0] =	vst v1  }
0x2c: {  	[tilespmem:$0x40E0] =	vst v1  }
0x2d: {  	[tilespmem:$0x40F0] =	vst v1  }
0x2e: {  	[tilespmem:$0x4100] =	vst v1  }
0x2f: {  	[tilespmem:$0x4110] =	vst v1  }
0x30: {  	[tilespmem:$0x4120] =	vst v1  }
0x31: {  	[tilespmem:$0x4130] =	vst v1  }
0x32: {  	[tilespmem:$0x4140] =	vst v1  }
0x33: {  	[tilespmem:$0x4150] =	vst v1  }
0x34: {  	[tilespmem:$0x4160] =	vst v1  }
0x35: {  	[tilespmem:$0x4170] =	vst v1  }
0x36: {  	[tilespmem:$0x4180] =	vst v1  }
0x37: {  	[tilespmem:$0x4190] =	vst v1  }
0x38: {  	[tilespmem:$0x41A0] =	vst v1  }
0x39: {  	[tilespmem:$0x41B0] =	vst v1  }
0x3a: {  	[tilespmem:$0x41C0] =	vst v1  }
0x3b: {  	[tilespmem:$0x41D0] =	vst v1  }
0x3c: {  	[tilespmem:$0x41E0] =	vst v1  }
0x3d: {  	[tilespmem:$0x41F0] =	vst v1  }
0x3e: {  	[tilespmem:$0x4200] =	vst v1  }
0x3f: {  	[tilespmem:$0x4210] =	vst v1  }
0x40: {  	[tilespmem:$0x4220] =	vst v1  }
0x41: {  	[tilespmem:$0x4230] =	vst v1  }
0x42: {  	[tilespmem:$0x4240] =	vst v1  }
0x43: {  	[tilespmem:$0x4250] =	vst v1  }
0x44: {  	[tilespmem:$0x4260] =	vst v1  }
0x45: {  	[tilespmem:$0x4270] =	vst v1  }
0x46: {  	[tilespmem:$0x4280] =	vst v1  }
0x47: {  	[tilespmem:$0x4290] =	vst v1  }
0x48: {  	[tilespmem:$0x42A0] =	vst v1  }
0x49: {  	[tilespmem:$0x42B0] =	vst v1  }
0x4a: {  	[tilespmem:$0x42C0] =	vst v1  }
0x4b: {  	[tilespmem:$0x42D0] =	vst v1  }
0x4c: {  	[tilespmem:$0x42E0] =	vst v1  }
0x4d: {  	[tilespmem:$0x42F0] =	vst v1  }
0x4e: {  	[spmem:s8] =	stream.linear.scatter [tilespmem:s20], [sflag:$0x6], $0x280, $0x38;
	[tilespmem:$0x5200] =	vst v63  }
0x4f: {  	_ =	swait.ge [sflag:s21], $0x280  }
0x50: {  	[sflag:s21] =	ssyncset.done $0x0  }
0x51: {  	[sflag:s21] =	ssyncadd.s32 $0xFFFFFD80  }
0x52: {  	[spmem:s9] =	stream.linear.scatter [tilespmem:s20], [sflag:$0x6], $0x280, $0x38;
	[tilespmem:$0x5200] =	vst v63  }
0x53: {  	_ =	swait.ge [sflag:s21], $0x280  }
0x54: {  	[sflag:s21] =	ssyncset.done $0x0  }
0x55: {  	[sflag:s21] =	ssyncadd.s32 $0xFFFFFD80  }
0x56: {  	[spmem:s10] =	stream.linear.scatter [tilespmem:s20], [sflag:$0x6], $0x280, $0x38;
	[tilespmem:$0x5200] =	vst v63  }
0x57: {  	_ =	swait.ge [sflag:s21], $0x280  }
0x58: {  	[sflag:s21] =	ssyncset.done $0x0  }
0x59: {  	[sflag:s21] =	ssyncadd.s32 $0xFFFFFD80  }
0x5a: {  	[spmem:s11] =	stream.linear.scatter [tilespmem:s20], [sflag:$0x6], $0x280, $0x38;
	[tilespmem:$0x5200] =	vst v63  }
0x5b: {  	_ =	swait.ge [sflag:s21], $0x280  }
0x5c: {  	[sflag:s21] =	ssyncset.done $0x0  }
0x5d: {  	[sflag:s21] =	ssyncadd.s32 $0xFFFFFD80  }
0x5e: {  	[spmem:s12] =	stream.linear.scatter [tilespmem:s20], [sflag:$0x6], $0x280, $0x38;
	[tilespmem:$0x5200] =	vst v63  }
0x5f: {  	_ =	swait.ge [sflag:s21], $0x280  }
0x60: {  	[sflag:s21] =	ssyncset.done $0x0  }
0x61: {  	[sflag:s21] =	ssyncadd.s32 $0xFFFFFD80  }
0x62: {  	[bflag:$0x0] =	sbarrier.arrive $0xFFFF  }
0x63: {  	s16 =	simm.s32 $0x0;
	s17 =	rddreg [dreg:$0x7]  }
0x64: {  	[tilespmem:s16], [sflag:$0x6] =	stream.linear.gather [hbm4b:s17+s16], $0x3E80, $0x38;
	[tilespmem:$0x5200] =	vst v63  }
0x65: {  	_ =	swait.ge [sflag:s21], $0x3E80  }
0x66: {  	p0 =	por $0x1, $0x1;
	[sflag:s21] =	ssyncset.done $0x0  }
0x67: {  	s16 =	simm.s32 @!p0 $0x1;
	[sflag:s21] =	ssyncadd.s32 $0xFFFFC180  }
0x68: {  	_ =	swait.ge @!p0 [sflag:s16], $0x50  }
0x69: {  	[sflag:s16] =	ssyncset.done @!p0 $0x0  }
0x6a: {  	s18 =	simm.s32 $0x0;
	[sflag:s16] =	ssyncadd.s32 @!p0 $0xFFFFFFB0  }
0x6b: {  	v2 =	vld [tilespmem:s18+$0x0];
	_ =	sdelay $0x4  }
0x6c: {  	[tilespmem:$0x4300] =	vst v2  }
0x6d: {  	v2 =	vld [tilespmem:s18+$0x10];
	_ =	sdelay $0x4  }
0x6e: {  	[tilespmem:$0x4310] =	vst v2  }
0x6f: {  	v2 =	vld [tilespmem:s18+$0x20];
	_ =	sdelay $0x4  }
0x70: {  	[tilespmem:$0x4320] =	vst v2  }
0x71: {  	v2 =	vld [tilespmem:s18+$0x30];
	_ =	sdelay $0x4  }
0x72: {  	[tilespmem:$0x4330] =	vst v2  }
0x73: {  	v2 =	vld [tilespmem:s18+$0x40];
	_ =	sdelay $0x4  }
0x74: {  	s16 =	simm.s32 @!p0 $0x2;
	[tilespmem:$0x4340] =	vst v2  }
0x75: {  	[spmem:s1] =	stream.indirect.scatter.add.f32 [tilespmem:s24], [sflag:$0x1], $0x1, s23, s22, $0xb8;
	[tilespmem:$0x5200] =	vst v63  }
0x76: {  	_ =	swait.ge @!p0 [sflag:s16], $0x50  }
0x77: {  	[sflag:s16] =	ssyncset.done @!p0 $0x0  }
0x78: {  	[sflag:s16] =	ssyncadd.s32 @!p0 $0xFFFFFFB0  }
0x79: {  	v2 =	vld [tilespmem:s18+$0x80];
	_ =	sdelay $0x4  }
0x7a: {  	[tilespmem:$0x4380] =	vst v2  }
0x7b: {  	v2 =	vld [tilespmem:s18+$0x90];
	_ =	sdelay $0x4  }
0x7c: {  	[tilespmem:$0x4390] =	vst v2  }
0x7d: {  	v2 =	vld [tilespmem:s18+$0xA0];
	_ =	sdelay $0x4  }
0x7e: {  	[tilespmem:$0x43A0] =	vst v2  }
0x7f: {  	v2 =	vld [tilespmem:s18+$0xB0];
	_ =	sdelay $0x4  }
0x80: {  	[tilespmem:$0x43B0] =	vst v2  }
0x81: {  	v2 =	vld [tilespmem:s18+$0xC0];
	_ =	sdelay $0x4  }
0x82: {  	s16 =	simm.s32 @!p0 $0x3;
	[tilespmem:$0x43C0] =	vst v2  }
0x83: {  	[spmem:s2] =	stream.indirect.scatter.add.f32 [tilespmem:s24], [sflag:$0x2], $0x1, s25, s22, $0xb8;
	[tilespmem:$0x5200] =	vst v63  }
0x84: {  	_ =	swait.ge @!p0 [sflag:s16], $0x50  }
0x85: {  	[sflag:s16] =	ssyncset.done @!p0 $0x0  }
0x86: {  	[sflag:s16] =	ssyncadd.s32 @!p0 $0xFFFFFFB0  }
0x87: {  	v2 =	vld [tilespmem:s18+$0x100];
	_ =	sdelay $0x4  }
0x88: {  	[tilespmem:$0x4400] =	vst v2  }
0x89: {  	v2 =	vld [tilespmem:s18+$0x110];
	_ =	sdelay $0x4  }
0x8a: {  	[tilespmem:$0x4410] =	vst v2  }
0x8b: {  	v2 =	vld [tilespmem:s18+$0x120];
	_ =	sdelay $0x4  }
0x8c: {  	[tilespmem:$0x4420] =	vst v2  }
0x8d: {  	v2 =	vld [tilespmem:s18+$0x130];
	_ =	sdelay $0x4  }
0x8e: {  	[tilespmem:$0x4430] =	vst v2  }
0x8f: {  	v2 =	vld [tilespmem:s18+$0x140];
	_ =	sdelay $0x4  }
0x90: {  	s16 =	simm.s32 @!p0 $0x4;
	[tilespmem:$0x4440] =	vst v2  }
0x91: {  	[spmem:s3] =	stream.indirect.scatter.add.f32 [tilespmem:s24], [sflag:$0x3], $0x1, s26, s22, $0xb8;
	[tilespmem:$0x5200] =	vst v63  }
0x92: {  	_ =	swait.ge @!p0 [sflag:s16], $0x50  }
0x93: {  	[sflag:s16] =	ssyncset.done @!p0 $0x0  }
0x94: {  	[sflag:s16] =	ssyncadd.s32 @!p0 $0xFFFFFFB0  }
0x95: {  	v2 =	vld [tilespmem:s18+$0x180];
	_ =	sdelay $0x4  }
0x96: {  	[tilespmem:$0x4480] =	vst v2  }
0x97: {  	v2 =	vld [tilespmem:s18+$0x190];
	_ =	sdelay $0x4  }
0x98: {  	[tilespmem:$0x4490] =	vst v2  }
0x99: {  	v2 =	vld [tilespmem:s18+$0x1A0];
	_ =	sdelay $0x4  }
0x9a: {  	[tilespmem:$0x44A0] =	vst v2  }
0x9b: {  	v2 =	vld [tilespmem:s18+$0x1B0];
	_ =	sdelay $0x4  }
0x9c: {  	[tilespmem:$0x44B0] =	vst v2  }
0x9d: {  	v2 =	vld [tilespmem:s18+$0x1C0];
	_ =	sdelay $0x4  }
0x9e: {  	s16 =	simm.s32 @!p0 $0x5;
	[tilespmem:$0x44C0] =	vst v2  }
0x9f: {  	[spmem:s4] =	stream.indirect.scatter.add.f32 [tilespmem:s24], [sflag:$0x4], $0x1, s28, s22, $0xb8;
	[tilespmem:$0x5200] =	vst v63  }
0xa0: {  	_ =	swait.ge @!p0 [sflag:s16], $0x50  }
0xa1: {  	[sflag:s16] =	ssyncset.done @!p0 $0x0  }
0xa2: {  	[sflag:s16] =	ssyncadd.s32 @!p0 $0xFFFFFFB0  }
0xa3: {  	v2 =	vld [tilespmem:s18+$0x200];
	_ =	sdelay $0x4  }
0xa4: {  	[tilespmem:$0x4500] =	vst v2  }
0xa5: {  	v2 =	vld [tilespmem:s18+$0x210];
	_ =	sdelay $0x4  }
0xa6: {  	[tilespmem:$0x4510] =	vst v2  }
0xa7: {  	v2 =	vld [tilespmem:s18+$0x220];
	_ =	sdelay $0x4  }
0xa8: {  	[tilespmem:$0x4520] =	vst v2  }
0xa9: {  	v2 =	vld [tilespmem:s18+$0x230];
	_ =	sdelay $0x4  }
0xaa: {  	[tilespmem:$0x4530] =	vst v2  }
0xab: {  	v2 =	vld [tilespmem:s18+$0x240];
	_ =	sdelay $0x3  }
0xac: {  	s17 =	simm.s32 $0x1400;
	s16 =	simm.s32 $0xA00;
	p0 =	por $0x0, $0x0  }
.LBB2_2:
0xad: {  	s18 =	simm.s32 @!p0 $0x1;
	[tilespmem:$0x4540] =	vst v2;
	s19 =	smov.u32 s17;
	s17 =	sadd.s32 $0xA00, s17  }
0xae: {  	[spmem:s5] =	stream.indirect.scatter.add.f32 [tilespmem:s24], [sflag:$0x5], $0x1, s29, s22, $0xb8;
	[tilespmem:$0x5200] =	vst v63  }
0xaf: {  	p1 =	sne.s32 s17, $0xFA00;
	_ =	swait.ge @!p0 [sflag:s18], $0x50  }
0xb0: {  	[sflag:s18] =	ssyncset.done @!p0 $0x0  }
0xb1: {  	[sflag:s18] =	ssyncadd.s32 @!p0 $0xFFFFFFB0;
	s18 =	sshra.s32 s16, $0x2;
	s16 =	smov.u32 s19  }
0xb2: {  	v2 =	vld [tilespmem:s18+$0x0];
	_ =	sdelay $0x4  }
0xb3: {  	[tilespmem:$0x4300] =	vst v2  }
0xb4: {  	v2 =	vld [tilespmem:s18+$0x10];
	_ =	sdelay $0x4  }
0xb5: {  	[tilespmem:$0x4310] =	vst v2  }
0xb6: {  	v2 =	vld [tilespmem:s18+$0x20];
	_ =	sdelay $0x4  }
0xb7: {  	[tilespmem:$0x4320] =	vst v2  }
0xb8: {  	v2 =	vld [tilespmem:s18+$0x30];
	_ =	sdelay $0x4  }
0xb9: {  	[tilespmem:$0x4330] =	vst v2  }
0xba: {  	v2 =	vld [tilespmem:s18+$0x40];
	_ =	sdelay $0x4  }
0xbb: {  	s19 =	simm.s32 @!p0 $0x2;
	[tilespmem:$0x4340] =	vst v2  }
0xbc: {  	[spmem:s1] =	stream.indirect.scatter.add.f32 [tilespmem:s24], [sflag:$0x1], $0x1, s23, s22, $0xb8;
	[tilespmem:$0x5200] =	vst v63  }
0xbd: {  	_ =	swait.ge @!p0 [sflag:s19], $0x50  }
0xbe: {  	[sflag:s19] =	ssyncset.done @!p0 $0x0  }
0xbf: {  	[sflag:s19] =	ssyncadd.s32 @!p0 $0xFFFFFFB0  }
0xc0: {  	v2 =	vld [tilespmem:s18+$0x80];
	_ =	sdelay $0x4  }
0xc1: {  	[tilespmem:$0x4380] =	vst v2  }
0xc2: {  	v2 =	vld [tilespmem:s18+$0x90];
	_ =	sdelay $0x4  }
0xc3: {  	[tilespmem:$0x4390] =	vst v2  }
0xc4: {  	v2 =	vld [tilespmem:s18+$0xA0];
	_ =	sdelay $0x4  }
0xc5: {  	[tilespmem:$0x43A0] =	vst v2  }
0xc6: {  	v2 =	vld [tilespmem:s18+$0xB0];
	_ =	sdelay $0x4  }
0xc7: {  	[tilespmem:$0x43B0] =	vst v2  }
0xc8: {  	v2 =	vld [tilespmem:s18+$0xC0];
	_ =	sdelay $0x4  }
0xc9: {  	s19 =	simm.s32 @!p0 $0x3;
	[tilespmem:$0x43C0] =	vst v2  }
0xca: {  	[spmem:s2] =	stream.indirect.scatter.add.f32 [tilespmem:s24], [sflag:$0x2], $0x1, s25, s22, $0xb8;
	[tilespmem:$0x5200] =	vst v63  }
0xcb: {  	_ =	swait.ge @!p0 [sflag:s19], $0x50  }
0xcc: {  	[sflag:s19] =	ssyncset.done @!p0 $0x0  }
0xcd: {  	[sflag:s19] =	ssyncadd.s32 @!p0 $0xFFFFFFB0  }
0xce: {  	v2 =	vld [tilespmem:s18+$0x100];
	_ =	sdelay $0x4  }
0xcf: {  	[tilespmem:$0x4400] =	vst v2  }
0xd0: {  	v2 =	vld [tilespmem:s18+$0x110];
	_ =	sdelay $0x4  }
0xd1: {  	[tilespmem:$0x4410] =	vst v2  }
0xd2: {  	v2 =	vld [tilespmem:s18+$0x120];
	_ =	sdelay $0x4  }
0xd3: {  	[tilespmem:$0x4420] =	vst v2  }
0xd4: {  	v2 =	vld [tilespmem:s18+$0x130];
	_ =	sdelay $0x4  }
0xd5: {  	[tilespmem:$0x4430] =	vst v2  }
0xd6: {  	v2 =	vld [tilespmem:s18+$0x140];
	_ =	sdelay $0x4  }
0xd7: {  	s19 =	simm.s32 @!p0 $0x4;
	[tilespmem:$0x4440] =	vst v2  }
0xd8: {  	[spmem:s3] =	stream.indirect.scatter.add.f32 [tilespmem:s24], [sflag:$0x3], $0x1, s26, s22, $0xb8;
	[tilespmem:$0x5200] =	vst v63  }
0xd9: {  	_ =	swait.ge @!p0 [sflag:s19], $0x50  }
0xda: {  	[sflag:s19] =	ssyncset.done @!p0 $0x0  }
0xdb: {  	[sflag:s19] =	ssyncadd.s32 @!p0 $0xFFFFFFB0  }
0xdc: {  	v2 =	vld [tilespmem:s18+$0x180];
	_ =	sdelay $0x4  }
0xdd: {  	[tilespmem:$0x4480] =	vst v2  }
0xde: {  	v2 =	vld [tilespmem:s18+$0x190];
	_ =	sdelay $0x4  }
0xdf: {  	[tilespmem:$0x4490] =	vst v2  }
0xe0: {  	v2 =	vld [tilespmem:s18+$0x1A0];
	_ =	sdelay $0x4  }
0xe1: {  	[tilespmem:$0x44A0] =	vst v2  }
0xe2: {  	v2 =	vld [tilespmem:s18+$0x1B0];
	_ =	sdelay $0x4  }
0xe3: {  	[tilespmem:$0x44B0] =	vst v2  }
0xe4: {  	v2 =	vld [tilespmem:s18+$0x1C0];
	_ =	sdelay $0x4  }
0xe5: {  	s19 =	simm.s32 @!p0 $0x5;
	[tilespmem:$0x44C0] =	vst v2  }
0xe6: {  	[spmem:s4] =	stream.indirect.scatter.add.f32 [tilespmem:s24], [sflag:$0x4], $0x1, s28, s22, $0xb8;
	[tilespmem:$0x5200] =	vst v63  }
0xe7: {  	_ =	swait.ge @!p0 [sflag:s19], $0x50  }
0xe8: {  	[sflag:s19] =	ssyncset.done @!p0 $0x0  }
0xe9: {  	[sflag:s19] =	ssyncadd.s32 @!p0 $0xFFFFFFB0  }
0xea: {  	v2 =	vld [tilespmem:s18+$0x200];
	_ =	sdelay $0x4  }
0xeb: {  	[tilespmem:$0x4500] =	vst v2  }
0xec: {  	v2 =	vld [tilespmem:s18+$0x210];
	_ =	sdelay $0x4  }
0xed: {  	[tilespmem:$0x4510] =	vst v2  }
0xee: {  	v2 =	vld [tilespmem:s18+$0x220];
	_ =	sdelay $0x4  }
0xef: {  	[tilespmem:$0x4520] =	vst v2  }
0xf0: {  	v2 =	vld [tilespmem:s18+$0x230];
	_ =	sdelay $0x4  }
0xf1: {  	[tilespmem:$0x4530] =	vst v2  }
.Ltmp0:
0xf2: {  	v2 =	vld [tilespmem:s18+$0x240];
	(pc) =	sbr.rel @p1 .LBB2_2-.Ltmp0, $2  }
0xf3: {  	_ =	sdelay $0x2  }
0xf4: {  	p0 =	seq.s32 s16, $0x0  }
0xf5: {  	s17 =	simm.s32 @!p0 $0x1;
	[tilespmem:$0x4540] =	vst v2  }
0xf6: {  	[spmem:s5] =	stream.indirect.scatter.add.f32 [tilespmem:s24], [sflag:$0x5], $0x1, s29, s22, $0xb8;
	[tilespmem:$0x5200] =	vst v63  }
0xf7: {  	_ =	swait.ge @!p0 [sflag:s17], $0x50  }
0xf8: {  	[sflag:s17] =	ssyncset.done @!p0 $0x0  }
0xf9: {  	s16 =	sshra.s32 s16, $0x2;
	[sflag:s17] =	ssyncadd.s32 @!p0 $0xFFFFFFB0  }
0xfa: {  	v2 =	vld [tilespmem:s16+$0x0];
	_ =	sdelay $0x4  }
0xfb: {  	[tilespmem:$0x4300] =	vst v2  }
0xfc: {  	v2 =	vld [tilespmem:s16+$0x10];
	_ =	sdelay $0x4  }
0xfd: {  	[tilespmem:$0x4310] =	vst v2  }
0xfe: {  	v2 =	vld [tilespmem:s16+$0x20];
	_ =	sdelay $0x4  }
0xff: {  	[tilespmem:$0x4320] =	vst v2  }
0x100: {  	v2 =	vld [tilespmem:s16+$0x30];
	_ =	sdelay $0x4  }
0x101: {  	[tilespmem:$0x4330] =	vst v2  }
0x102: {  	v2 =	vld [tilespmem:s16+$0x40];
	_ =	sdelay $0x4  }
0x103: {  	s17 =	simm.s32 @!p0 $0x2;
	[tilespmem:$0x4340] =	vst v2  }
0x104: {  	[spmem:s1] =	stream.indirect.scatter.add.f32 [tilespmem:s24], [sflag:$0x1], $0x1, s23, s22, $0xb8;
	[tilespmem:$0x5200] =	vst v63  }
0x105: {  	_ =	swait.ge @!p0 [sflag:s17], $0x50  }
0x106: {  	[sflag:s17] =	ssyncset.done @!p0 $0x0  }
0x107: {  	[sflag:s17] =	ssyncadd.s32 @!p0 $0xFFFFFFB0  }
0x108: {  	v2 =	vld [tilespmem:s16+$0x80];
	_ =	sdelay $0x4  }
0x109: {  	[tilespmem:$0x4380] =	vst v2  }
0x10a: {  	v2 =	vld [tilespmem:s16+$0x90];
	_ =	sdelay $0x4  }
0x10b: {  	[tilespmem:$0x4390] =	vst v2  }
0x10c: {  	v2 =	vld [tilespmem:s16+$0xA0];
	_ =	sdelay $0x4  }
0x10d: {  	[tilespmem:$0x43A0] =	vst v2  }
0x10e: {  	v2 =	vld [tilespmem:s16+$0xB0];
	_ =	sdelay $0x4  }
0x10f: {  	[tilespmem:$0x43B0] =	vst v2  }
0x110: {  	v2 =	vld [tilespmem:s16+$0xC0];
	_ =	sdelay $0x4  }
0x111: {  	s17 =	simm.s32 @!p0 $0x3;
	[tilespmem:$0x43C0] =	vst v2  }
0x112: {  	[spmem:s2] =	stream.indirect.scatter.add.f32 [tilespmem:s24], [sflag:$0x2], $0x1, s25, s22, $0xb8;
	[tilespmem:$0x5200] =	vst v63  }
0x113: {  	_ =	swait.ge @!p0 [sflag:s17], $0x50  }
0x114: {  	[sflag:s17] =	ssyncset.done @!p0 $0x0  }
0x115: {  	[sflag:s17] =	ssyncadd.s32 @!p0 $0xFFFFFFB0  }
0x116: {  	v2 =	vld [tilespmem:s16+$0x100];
	_ =	sdelay $0x4  }
0x117: {  	[tilespmem:$0x4400] =	vst v2  }
0x118: {  	v2 =	vld [tilespmem:s16+$0x110];
	_ =	sdelay $0x4  }
0x119: {  	[tilespmem:$0x4410] =	vst v2  }
0x11a: {  	v2 =	vld [tilespmem:s16+$0x120];
	_ =	sdelay $0x4  }
0x11b: {  	[tilespmem:$0x4420] =	vst v2  }
0x11c: {  	v2 =	vld [tilespmem:s16+$0x130];
	_ =	sdelay $0x4  }
0x11d: {  	[tilespmem:$0x4430] =	vst v2  }
0x11e: {  	v2 =	vld [tilespmem:s16+$0x140];
	_ =	sdelay $0x4  }
0x11f: {  	s17 =	simm.s32 @!p0 $0x4;
	[tilespmem:$0x4440] =	vst v2  }
0x120: {  	[spmem:s3] =	stream.indirect.scatter.add.f32 [tilespmem:s24], [sflag:$0x3], $0x1, s26, s22, $0xb8;
	[tilespmem:$0x5200] =	vst v63  }
0x121: {  	_ =	swait.ge @!p0 [sflag:s17], $0x50  }
0x122: {  	[sflag:s17] =	ssyncset.done @!p0 $0x0  }
0x123: {  	[sflag:s17] =	ssyncadd.s32 @!p0 $0xFFFFFFB0  }
0x124: {  	v2 =	vld [tilespmem:s16+$0x180];
	_ =	sdelay $0x4  }
0x125: {  	[tilespmem:$0x4480] =	vst v2  }
0x126: {  	v2 =	vld [tilespmem:s16+$0x190];
	_ =	sdelay $0x4  }
0x127: {  	[tilespmem:$0x4490] =	vst v2  }
0x128: {  	v2 =	vld [tilespmem:s16+$0x1A0];
	_ =	sdelay $0x4  }
0x129: {  	[tilespmem:$0x44A0] =	vst v2  }
0x12a: {  	v2 =	vld [tilespmem:s16+$0x1B0];
	_ =	sdelay $0x4  }
0x12b: {  	[tilespmem:$0x44B0] =	vst v2  }
0x12c: {  	v2 =	vld [tilespmem:s16+$0x1C0];
	_ =	sdelay $0x4  }
0x12d: {  	s17 =	simm.s32 @!p0 $0x5;
	[tilespmem:$0x44C0] =	vst v2  }
0x12e: {  	[spmem:s4] =	stream.indirect.scatter.add.f32 [tilespmem:s24], [sflag:$0x4], $0x1, s28, s22, $0xb8;
	[tilespmem:$0x5200] =	vst v63  }
0x12f: {  	_ =	swait.ge @!p0 [sflag:s17], $0x50  }
0x130: {  	[sflag:s17] =	ssyncset.done @!p0 $0x0  }
0x131: {  	[sflag:s17] =	ssyncadd.s32 @!p0 $0xFFFFFFB0  }
0x132: {  	v2 =	vld [tilespmem:s16+$0x200];
	_ =	sdelay $0x4  }
0x133: {  	[tilespmem:$0x4500] =	vst v2  }
0x134: {  	v2 =	vld [tilespmem:s16+$0x210];
	_ =	sdelay $0x4  }
0x135: {  	[tilespmem:$0x4510] =	vst v2  }
0x136: {  	v2 =	vld [tilespmem:s16+$0x220];
	_ =	sdelay $0x4  }
0x137: {  	[tilespmem:$0x4520] =	vst v2  }
0x138: {  	v2 =	vld [tilespmem:s16+$0x230];
	_ =	sdelay $0x4  }
0x139: {  	[tilespmem:$0x4530] =	vst v2  }
0x13a: {  	v2 =	vld [tilespmem:s16+$0x240];
	_ =	sdelay $0x4  }
0x13b: {  	[tilespmem:$0x4540] =	vst v2  }
0x13c: {  	[spmem:s5] =	stream.indirect.scatter.add.f32 [tilespmem:s24], [sflag:$0x5], $0x1, s29, s22, $0xb8;
	[tilespmem:$0x5200] =	vst v63  }
0x13d: {  	_ =	swait.ge [sflag:s30], $0x50  }
0x13e: {  	[sflag:s30] =	ssyncset.done $0x0  }
0x13f: {  	[sflag:s30] =	ssyncadd.s32 $0xFFFFFFB0  }
0x140: {  	_ =	swait.ge [sflag:s31], $0x50  }
0x141: {  	[sflag:s31] =	ssyncset.done $0x0  }
0x142: {  	[sflag:s31] =	ssyncadd.s32 $0xFFFFFFB0  }
0x143: {  	_ =	swait.ge [sflag:s0], $0x50  }
0x144: {  	[sflag:s0] =	ssyncset.done $0x0  }
0x145: {  	[sflag:s0] =	ssyncadd.s32 $0xFFFFFFB0  }
0x146: {  	_ =	swait.ge [sflag:s6], $0x50  }
0x147: {  	[sflag:s6] =	ssyncset.done $0x0  }
0x148: {  	[sflag:s6] =	ssyncadd.s32 $0xFFFFFFB0  }
0x149: {  	_ =	swait.ge [sflag:s7], $0x50  }
0x14a: {  	[sflag:s7] =	ssyncset.done $0x0  }
0x14b: {  	s18 =	stileid.u32;
	[sflag:s7] =	ssyncadd.s32 $0xFFFFFFB0  }
0x14c: {  	s16 =	sshll.u32 s18, $0x6;
	[bflag:$0x0] =	sbarrier.arrive $0xFFFF  }
0x14d: {  	s19 =	sshrl.u32 s8, $0x3;
	s16 =	sor.u32 $0x1C06, s16;
	s18 =	rddreg [dreg:$0x8]  }
0x14e: {  	[hbm:s18@s13], [sflag:s16] =	dma.strided [spmem:s19@s14], $0x50, s30, $0x10   }
0x14f: {  	_ =	swait.ge [sflag:s21], $0x50  }
0x150: {  	[sflag:s21] =	ssyncset.done $0x0  }
0x151: {  	s18 =	sshrl.u32 s9, $0x3;
	s19 =	rddreg [dreg:$0x9];
	[sflag:s21] =	ssyncadd.s32 $0xFFFFFFB0  }
0x152: {  	[hbm:s19@s13], [sflag:s16] =	dma.strided [spmem:s18@s14], $0x50, s30, $0x10   }
0x153: {  	_ =	swait.ge [sflag:s21], $0x50  }
0x154: {  	[sflag:s21] =	ssyncset.done $0x0  }
0x155: {  	s18 =	sshrl.u32 s10, $0x3;
	s19 =	rddreg [dreg:$0xa];
	[sflag:s21] =	ssyncadd.s32 $0xFFFFFFB0  }
0x156: {  	[hbm:s19@s13], [sflag:s16] =	dma.strided [spmem:s18@s14], $0x50, s30, $0x10   }
0x157: {  	_ =	swait.ge [sflag:s21], $0x50  }
0x158: {  	[sflag:s21] =	ssyncset.done $0x0  }
0x159: {  	s18 =	sshrl.u32 s11, $0x3;
	s19 =	rddreg [dreg:$0xb];
	[sflag:s21] =	ssyncadd.s32 $0xFFFFFFB0  }
0x15a: {  	[hbm:s19@s13], [sflag:s16] =	dma.strided [spmem:s18@s14], $0x50, s30, $0x10   }
0x15b: {  	_ =	swait.ge [sflag:s21], $0x50  }
0x15c: {  	[sflag:s21] =	ssyncset.done $0x0  }
0x15d: {  	s18 =	sshrl.u32 s12, $0x3;
	s19 =	rddreg [dreg:$0xc];
	[sflag:s21] =	ssyncadd.s32 $0xFFFFFFB0  }
0x15e: {  	[hbm:s19@s13], [sflag:s16] =	dma.strided [spmem:s18@s14], $0x50, s30, $0x10   }
0x15f: {  	_ =	swait.ge [sflag:s21], $0x50  }
0x160: {  	s15 =	sadd.s32 $0x1, s15;
	s19 =	rddreg [dreg:$0xd]  }
0x161: {  	p0 =	sne.s32 s15, s19  }
.Ltmp1:
0x162: {  	_ = 	snop;
	(pc) =	sbr.rel @p0 .LBB2_1-.Ltmp1, $3  }
0x163: {  	_ =	sdelay $0x1  }
0x164: {  	[sflag:s21] =	ssyncset.done $0x0  }
0x165: {  	[sflag:s21] =	ssyncadd.s32 $0xFFFFFFB0  }
0x166: {  	_ =	sfence.sel $0x180000  }
0x167: {  	[bflag:$0x0] =	sbarrier.arrive $0xFFFF  }
0x168: {  	_ =	strace $0x90000047  }
0x169: {  	s0 =	stileid.u32;
	[bflag:$0x2] =	sbarrier.arrive $0xFFFF  }
0x16a: {  	p0 =	sne.s32 s0, $0x0;
	s0 =	rddreg [dreg:$0x6]  }
0x16b: {  	s0 =	sadd.s32 @!p0 $0x100000, s0  }
0x16c: {  	[sflag:s0] =	ssyncadd.tile.s32 @!p0 $0x1;
	_ =	shalt  }
.Lfunc_end2:
_tile_overlayer_lowered:
.L_overlay_start_2:
0x16d: {  	(tag) =	ssettag $0x2  }
0x16e: {  	s0 =	rddreg [dreg:$0x0];
	s2 =	stileid.u32  }
0x16f: {  	s1 =	rddreg [dreg:$0x1];
	p0 =	sne.s32 s2, $0x0  }
0x170: {  	s3 =	rddreg [dreg:$0x2];
	[bflag:$0x3] =	sbarrier.arrive $0xFFFF;
	s2 =	simm.s32 @!p0 $0x1C06  }
0x171: {  	[timem:s3], [sflag:s2] =	dma.local @!p0 [hbm:s0], s1  }
0x172: {  	s0 =	simm.s32 @!p0 $0x6  }
0x173: {  	_ =	swait.ge @!p0 [sflag:s0], s1  }
0x174: {  	s1 =	ssub.s32 @!p0 $0x0, s1;
	[sflag:s0] =	ssyncset.done @!p0 $0x0  }
0x175: {  	[sflag:s0] =	ssyncadd.s32 @!p0 s1  }
0x176: {  	[bflag:$0x3] =	sbarrier.arrive $0xFFFF  }
0x177: {  	_ =	shalt  }

// kernel: kernel.9.cloned.1.call-start
scs
__scs_entry_jumppad:
0x0: {  	(pc) =	sbr.rel $0x88, $3  }
0x1: {  	(tag) =	ssettag $0x0;
	lr =	simm.s32 $0x1  }
0x2: {  	[smem:$0x3F92] =	sst lr;
	_ =	strace $0xD0000000  }
0x3: {  	_ = 	snop  }
0x4: {  	_ = 	snop  }
0x5: {  	_ = 	snop  }
0x6: {  	_ = 	snop  }
0x7: {  	_ = 	snop  }
__scs_overlays_trampoline_lowered:
0x8: {  	[smem:$0x3FA1] =	sst s0  }
0x9: {  	[smem:$0x3FA2] =	sst s1  }
0xa: {  	[smem:$0x3FA3] =	sst s2  }
0xb: {  	[smem:$0x3FA4] =	sst s3  }
0xc: {  	[smem:$0x3FA5] =	sst s4  }
0xd: {  	[smem:$0x3FA6] =	sst s5  }
0xe: {  	[smem:$0x3FA7] =	sst s6  }
0xf: {  	[smem:$0x3FA8] =	sst s7  }
0x10: {  	[smem:$0x3FA9] =	sst s8  }
0x11: {  	[smem:$0x3FAA] =	sst s9;
	s0 =	simm.s32 @!p0 $0x0  }
0x12: {  	s1 =	sld [smem:$0x3F90];
	s0 =	simm.s32 @p0 $0x1  }
0x13: {  	[smem:$0x3FAB] =	sst s0;
	s0 =	simm.s32 @!p1 $0x0  }
0x14: {  	s2 =	sld [smem:$0x3F8F];
	s0 =	simm.s32 @p1 $0x1  }
0x15: {  	[smem:$0x3FAC] =	sst s0;
	s0 =	simm.s32 @!p2 $0x0  }
0x16: {  	s3 =	sld [smem:$0x3FDB];
	s0 =	simm.s32 @p2 $0x1  }
0x17: {  	s4 =	simm.s32 $0x1BF5;
	[smem:$0x3FAE] =	sst s0  }
0x18: {  	s0 =	sld [smem:$0x3F91];
	_ =	swait.ge [sflag:s4], $0x0  }
0x19: {  	s7 =	sld [smem:$0x3F92]  }
0x1a: {  	s8 =	sadd.s32 $0xFFFFE003, lr  }
0x1b: {  	s9 =	sadd.s32 $0xFFFFFEF7, lr;
	s5 =	simm.s32 $0xFFFFFFFF;
	p2 =	slt.u32 s8, $0xFFFFF086  }
0x1c: {  	p1 =	slt.u32 s9, $0xF7A;
	s5 =	simm.s32 @!p2 $0x0  }
0x1d: {  	s5 =	simm.s32 @p1 $0x1;
	p0 =	seq.s32 s7, s2  }
0x1e: {  	s7 =	smul.u32 @!p0 $0xF7A, s2;
	p2 =	seq.s32 @!p0 s5, $0x0  }
0x1f: {  	s9 =	smul.u32 $0xF7A, s1;
	s8 =	simm.s32 @!p0 $0x1BF5;
	p2 =	por !p2, p0  }
0x20: {  	[sflag:s8] =	ssyncset.s32 @!p0 $0xFFFFF086;
	s6 =	sadd.s32 @!p0 s3, s7;
	s7 =	simm.s32 @!p0 $0x108  }
0x21: {  	s3 =	sadd.s32 s3, s9;
	s6 =	sadd.s32 @!p0 $0x88, s6;
	s7 =	simm.s32 @p2 $0x1082  }
0x22: {  	[simem:s7], [sflag:s8] =	dma.local @!p0 [hbm:s6], $0xF7A  }
0x23: {  	s9 =	sor.u32 $0xD0000000, s2;
	s6 =	simm.s32 $0x108;
	_ =	swait.ge @!p0 [sflag:s8], $0x0  }
0x24: {  	s3 =	sadd.s32 $0x88, s3;
	s6 =	simm.s32 @!p1 $0x1082;
	[sflag:s4] =	ssyncset.s32 $0xFFFFF086  }
0x25: {  	[simem:s6], [sflag:s4] =	dma.local [hbm:s3], $0xF7A  }
0x26: {  	[smem:$0x3F92] =	sst s1;
	(tag) =	ssettag s2;
	_ =	strace s9  }
0x27: {  	s1 =	sld [smem:$0x3FA2]  }
0x28: {  	s2 =	sld [smem:$0x3FA3]  }
0x29: {  	s4 =	sld [smem:$0x3FA5]  }
0x2a: {  	p0 =	seq.s32 s5, $0x0;
	s5 =	sld [smem:$0x3FA6]  }
0x2b: {  	s6 =	sld [smem:$0x3FA7]  }
0x2c: {  	s7 =	sld [smem:$0x3FA8]  }
0x2d: {  	s3 =	simm.s32 $0x108;
	s8 =	sld [smem:$0x3FA9]  }
0x2e: {  	s3 =	simm.s32 @!p0 $0x1082;
	s9 =	sld [smem:$0x3FAA]  }
0x2f: {  	lr =	sadd.s32 s0, s3;
	s0 =	sld [smem:$0x3FA1]  }
0x30: {  	s3 =	sld [smem:$0x3FA4]  }
0x31: {  	[smem:$0x3FAD] =	sst s10  }
0x32: {  	s10 =	sld [smem:$0x3FAB];
	_ =	sdelay $0x3  }
0x33: {  	p0 =	seq.s32 s10, $0x1;
	s10 =	sld [smem:$0x3FAD];
	_ =	sdelay $0x3  }
0x34: {  	[smem:$0x3FAD] =	sst s10  }
0x35: {  	s10 =	sld [smem:$0x3FAC];
	_ =	sdelay $0x3  }
0x36: {  	p1 =	seq.s32 s10, $0x1;
	s10 =	sld [smem:$0x3FAD];
	_ =	sdelay $0x3  }
0x37: {  	[smem:$0x3FAD] =	sst s10  }
0x38: {  	s10 =	sld [smem:$0x3FAE]  }
0x39: {  	_ = 	snop;
	(pc) =	sbr.ind lr, $3  }
0x3a: {  	_ = 	snop  }
0x3b: {  	_ = 	snop  }
0x3c: {  	p2 =	seq.s32 s10, $0x1;
	s10 =	sld [smem:$0x3FAD]  }
0x3d: {  	_ =	shalt  }
0x3e: {  	_ =	shalt  }
0x3f: {  	_ =	shalt  }
0x40: {  	_ =	shalt  }
0x41: {  	_ =	shalt  }
0x42: {  	_ =	shalt  }
0x43: {  	_ =	shalt  }
0x44: {  	_ =	shalt  }
0x45: {  	_ =	shalt  }
0x46: {  	_ =	shalt  }
0x47: {  	_ =	shalt  }
0x48: {  	_ =	shalt  }
0x49: {  	_ =	shalt  }
0x4a: {  	_ =	shalt  }
0x4b: {  	_ =	shalt  }
0x4c: {  	_ =	shalt  }
0x4d: {  	_ =	shalt  }
0x4e: {  	_ =	shalt  }
0x4f: {  	_ =	shalt  }
0x50: {  	_ =	shalt  }
0x51: {  	_ =	shalt  }
0x52: {  	_ =	shalt  }
0x53: {  	_ =	shalt  }
0x54: {  	_ =	shalt  }
0x55: {  	_ =	shalt  }
0x56: {  	_ =	shalt  }
0x57: {  	_ =	shalt  }
0x58: {  	_ =	shalt  }
0x59: {  	_ =	shalt  }
0x5a: {  	_ =	shalt  }
0x5b: {  	_ =	shalt  }
0x5c: {  	_ =	shalt  }
0x5d: {  	_ =	shalt  }
0x5e: {  	_ =	shalt  }
0x5f: {  	_ =	shalt  }
0x60: {  	_ =	shalt  }
0x61: {  	_ =	shalt  }
0x62: {  	_ =	shalt  }
0x63: {  	_ =	shalt  }
0x64: {  	_ =	shalt  }
0x65: {  	_ =	shalt  }
0x66: {  	_ =	shalt  }
0x67: {  	_ =	shalt  }
0x68: {  	_ =	shalt  }
0x69: {  	_ =	shalt  }
0x6a: {  	_ =	shalt  }
0x6b: {  	_ =	shalt  }
0x6c: {  	_ =	shalt  }
0x6d: {  	_ =	shalt  }
0x6e: {  	_ =	shalt  }
0x6f: {  	_ =	shalt  }
0x70: {  	_ =	shalt  }
0x71: {  	_ =	shalt  }
0x72: {  	_ =	shalt  }
0x73: {  	_ =	shalt  }
0x74: {  	_ =	shalt  }
0x75: {  	_ =	shalt  }
0x76: {  	_ =	shalt  }
0x77: {  	_ =	shalt  }
0x78: {  	_ =	shalt  }
0x79: {  	_ =	shalt  }
0x7a: {  	_ =	shalt  }
0x7b: {  	_ =	shalt  }
0x7c: {  	_ =	shalt  }
0x7d: {  	_ =	shalt  }
0x7e: {  	_ =	shalt  }
0x7f: {  	_ =	shalt  }
0x80: {  	_ =	shalt  }
0x81: {  	_ =	shalt  }
0x82: {  	_ =	shalt  }
0x83: {  	_ =	shalt  }
0x84: {  	_ =	shalt  }
0x85: {  	_ =	shalt  }
0x86: {  	_ =	shalt  }
0x87: {  	_ =	shalt  }
.Lfunc_end0:
.L_simem_size_0:
called_computation.1_lowered:
.L_overlay_start_0:
0x88: {  	s2 =	sld [smem:$0x3FD9]  }
0x89: {  	s3 =	sld [smem:$0x3FFE];
	_ =	sdelay $0x1  }
0x8a: {  	s1 =	srdreg.scid  }
0x8b: {  	s0 =	sand.u32 $0x1, s1  }
0x8c: {  	s16 =	sshll.u32 s0, $0xA;
	s2 =	sadd.s32 s3, s2  }
0x8d: {  	s2 =	sadd.s32 s2, s16  }
0x8e: {  	[smem:$0x3FB9] =	sst s2  }
0x8f: {  	_ = 	snop  }
0x90: {  	(tm) =	ssettm $0x1  }
0x91: {  	s17 =	sld [smem:$0x3FFB];
	_ =	sdelay $0x3  }
0x92: {  	_ =	strace s17  }
0x93: {  	s2 =	sld [smem:$0x3FFC];
	_ =	sdelay $0x3  }
0x94: {  	_ =	strace s2  }
0x95: {  	s2 =	sld [smem:$0x3FFD];
	_ =	sdelay $0x3  }
0x96: {  	_ =	strace s2  }
0x97: {  	_ =	strace $0x8FFFFFFF  }
0x98: {  	s18 =	sld [smem:$0x3FDB];
	_ =	sdelay $0x1  }
0x99: {  	s19 =	simm.s32 $_scs_section_size  }
0x9a: {  	s4 =	simm.s32 $_size__tile_overlayer_lowered;
	s5 =	simm.s32 $_tile_overlayer_lowered  }
0x9b: {  	s22 =	simm.s32 $0x1BFF;
	s21 =	sshll.u32 s5, $0x1;
	s2 =	sadd.s32 s19, s18  }
0x9c: {  	s6 =	simm.s32 $0x0;
	s20 =	sshll.u32 s4, $0x1;
	s4 =	sadd.s32 s21, s2  }
0x9d: {  	[timem:s6], [sflag:s22] =	dma.local [hbm:s4], s20  }
0x9e: {  	_ =	swait.ge [sflag:s22], s20  }
0x9f: {  	s3 =	ssub.s32 $0x0, s20;
	[sflag:s22] =	ssyncset.done $0x0  }
0xa0: {  	[sflag:s22] =	ssyncadd.s32 s3;
	_ =	sdelay $0x1  }
0xa1: {  	s23 =	simm.s32 $0x1B8B  }
0xa2: {  	_ =	swait.ge [sflag:s23], $0x1  }
0xa3: {  	[sflag:s23] =	ssyncset.done $0x0  }
0xa4: {  	s25 =	simm.s32 $0x1B8E;
	s24 =	sld [smem:$0x3FFE];
	[sflag:s23] =	ssyncadd.s32 $0xFFFFFFFF  }
0xa5: {  	s26 =	simm.s32 $execute0_lowered;
	[smem:$0x3FD2] =	sst s25  }
0xa6: {  	s4 =	sshll.u32 s26, $0x1;
	_ =	strace $0x80000049;
	[dreg:$0x1] =	wrdreg $0xFFFFFFFF  }
0xa7: {  	s28 =	simm.s32 $_size_execute0_lowered;
	s2 =	sadd.s32 s2, s4;
	[dreg:$0x0] =	wrdreg $0x0  }
0xa8: {  	s4 =	sshll.u32 s28, $0x1;
	[dreg:$0x2] =	wrdreg s2  }
0xa9: {  	[dreg:$0x3] =	wrdreg s4  }
0xaa: {  	[dreg:$0x4] =	wrdreg $0xC0  }
0xab: {  	_ =	task [dreg:s6], $0x5FFFF  }
0xac: {  	[dreg:$0x1] =	wrdreg $0xFFFFFFFF  }
0xad: {  	[dreg:$0x0] =	wrdreg $0x60  }
0xae: {  	[dreg:$0x2] =	wrdreg s24  }
0xaf: {  	[dreg:$0x3] =	wrdreg $0x74000  }
0xb0: {  	[dreg:$0x4] =	wrdreg $0x9  }
0xb1: {  	_ =	task.clear_ibuf [dreg:s6], $0x5FFFF;
	_ =	strace $0x90000049  }
0xb2: {  	s29 =	simm.s32 $0x9;
	_ =	strace $0x8000004B  }
0xb3: {  	_ =	swait.ge [sflag:s29], $0x1  }
0xb4: {  	[sflag:s29] =	ssyncadd.s32 $0xFFFFFFFF  }
0xb5: {  	_ =	strace $0x9000004B  }
0xb6: {  	_ =	sfence  }
0xb7: {  	s30 =	sld [smem:$0x0];
	_ =	sdelay $0x2  }
0xb8: {  	s31 =	sshll.u32 s1, $0xD;
	s1 =	sshrl.u32 s1, $0x2  }
0xb9: {  	s3 =	sand.u32 $0x4000, s31;
	s1 =	sadd.s32 s1, s30  }
0xba: {  	s0 =	sor.u32 s3, s0;
	s1 =	sshll.u32 s1, $0x11  }
0xbb: {  	s0 =	sor.u32 s1, s0  }
0xbc: {  	s0 =	sadd.s32 $0x8F2B, s0  }
0xbd: {  	[sflag:s0] =	ssyncadd.remote.s32 $0x1  }
0xbe: {  	_ =	sfence.sel $0xFFFF  }
0xbf: {  	[dreg:$0x0] =	wrdreg $0xFFFFFFFF;
	(pc) =	sbr.abs _section_cstart, $3  }
0xc0: {  	[dreg:$0x1] =	wrdreg $0xFFFFFFFF  }
0xc1: {  	_ =	task.clear_ibuf [dreg:s6], $0x2FFFF;
	_ =	strace $0x9FFFFFFF  }
0xc2: {  	(tm) =	ssettm $0x7FFFFFFF  }
0xc3: {  	_ =	shalt  }
tec
execute0_lowered:
.L_overlay_start_1:
0x0: {  	(tag) =	ssettag $0x1  }
0x1: {  	s0 =	rddreg [dreg:$0x0];
	s1 =	srdreg.scid  }
0x2: {  	s2 =	rddreg [dreg:$0x1];
	s9 =	stileid.u32  }
0x3: {  	s22 =	simm.s32 $0x0;
	s1 =	sand.u32 $0x1, s1;
	s6 =	smul.u32 $0x14000, s9  }
0x4: {  	[smem:$0x7FF] =	sst s22;
	s5 =	smul.u32 $0x140000, s1  }
0x5: {  	s4 =	sadd.s32 $0x37800, s0;
	s8 =	smul.u32 $0x50000, s9;
	s9 =	sshll.u32 s9, $0x10  }
0x6: {  	s10 =	sshll.u32 s1, $0xF;
	s1 =	ssub.s32 $0x2, s1;
	s7 =	sadd.s32 s6, s5  }
0x7: {  	s25 =	sshrl.u32 s1, $0x1;
	s5 =	sadd.s32 $0x17800, s0;
	s7 =	sshrl.u32 s7, $0x3  }
0x8: {  	s6 =	sadd.s32 $0x57800, s0;
	s0 =	sadd.s32 s7, s0;
	s7 =	sor.u32 s10, s9  }
0x9: {  	_ =	strace $0x8000004A;
	s1 =	ssub.s32 s1, s25;
	s25 =	sor.u32 $0x400, s7  }
0xa: {  	s10 =	sshrl.u32 s7, $0x3;
	s0 =	sadd.s32 $0x7EA00, s0;
	[dreg:$0x11] =	wrdreg s25  }
0xb: {  	s28 =	simm.s32 $0x6C00;
	s26 =	sadd.s32 s4, s10;
	[dreg:$0x12] =	wrdreg s0  }
0xc: {  	s30 =	sadd.s32 s5, s10;
	s3 =	sor.u32 $0x10, s10;
	[dreg:$0x3] =	wrdreg s26  }
0xd: {  	s29 =	simm.s32 $0x1F;
	[dreg:$0x4] =	wrdreg s30;
	s12 =	sadd.s32 s4, s3  }
0xe: {  	s11 =	sor.u32 $0x20, s10;
	s9 =	sadd.s32 s5, s3;
	[dreg:$0x5] =	wrdreg s12  }
0xf: {  	s31 =	simm.s32 $0x1B680;
	s13 =	sadd.s32 s4, s11;
	[dreg:$0x6] =	wrdreg s9  }
0x10: {  	s15 =	sor.u32 $0x30, s10;
	s14 =	sadd.s32 s5, s11;
	[dreg:$0x7] =	wrdreg s13  }
0x11: {  	s16 =	sor.u32 $0x40, s10;
	s17 =	sadd.s32 s4, s15;
	[dreg:$0x8] =	wrdreg s14  }
0x12: {  	s8 =	sshrl.u32 s8, $0x2;
	s18 =	sadd.s32 s4, s16;
	[dreg:$0x9] =	wrdreg s17  }
0x13: {  	s20 =	sor.u32 $0x50, s10;
	s19 =	sadd.s32 s5, s16;
	[dreg:$0xb] =	wrdreg s18  }
0x14: {  	s10 =	sor.u32 $0x60, s10;
	s21 =	sadd.s32 s4, s20;
	[dreg:$0xc] =	wrdreg s19  }
0x15: {  	s8 =	sadd.s32 s8, s2;
	s23 =	sadd.s32 s4, s10;
	[dreg:$0xd] =	wrdreg s21  }
0x16: {  	s0 =	simm.s32 $0x1C00;
	s24 =	sadd.s32 s5, s10;
	[dreg:$0xf] =	wrdreg s23  }
0x17: {  	s25 =	simm.s32 $0x16;
	s26 =	smax.u32 s1, $0x1;
	[dreg:$0x10] =	wrdreg s24  }
.Ltmp0:
0x18: {  	s30 =	sor.u32 $0x800, s7;
	[dreg:$0x13] =	wrdreg s26;
	(pc) =	sbr.rel .LBB2_1-.Ltmp0, $4  }
0x19: {  	s3 =	simm.s32 $0x0;
	s9 =	sadd.s32 s5, s15;
	[dreg:$0x14] =	wrdreg s30  }
0x1a: {  	s24 =	simm.s32 $0x280;
	s15 =	simm.s32 $0x300;
	s12 =	simm.s32 $0x800  }
0x1b: {  	s26 =	simm.s32 $0x1B880;
	[dreg:$0xa] =	wrdreg s9;
	s9 =	sadd.s32 s5, s20  }
0x1c: {  	v0 =	vimm.f32 $0.0e+00;
	s19 =	simm.s32 $0x400;
	s20 =	simm.s32 $0x28;
	[dreg:$0xe] =	wrdreg s9  }
.LBB2_8:
0x1d: {  	s1 =	simm.s32 $0x19  }
0x1e: {  	_ =	swait.ge [sflag:s1], $0x1400  }
0x1f: {  	[sflag:s1] =	ssyncset.done $0x0  }
0x20: {  	s17 =	simm.s32 $0x1B880;
	s18 =	simm.s32 $0x1A;
	[sflag:s1] =	ssyncadd.s32 $0xFFFFEC00  }
0x21: {  	[spmem:s2] =	stream.indirect.scatter.add.f32 [tilespmem:s26], [sflag:$0x1E], $0x80, s17, s20, $0xb8;
	[tilespmem:$0x1B900] =	vst v63  }
0x22: {  	_ =	swait.ge [sflag:s18], $0x1400  }
0x23: {  	[sflag:s18] =	ssyncset.done $0x0  }
0x24: {  	s21 =	simm.s32 $0x1B;
	[sflag:s18] =	ssyncadd.s32 $0xFFFFEC00  }
0x25: {  	_ =	swait.ge [sflag:s21], $0x1400  }
0x26: {  	[sflag:s21] =	ssyncset.done $0x0  }
0x27: {  	s22 =	simm.s32 $0x1C;
	[sflag:s21] =	ssyncadd.s32 $0xFFFFEC00  }
0x28: {  	_ =	swait.ge [sflag:s22], $0x1400  }
0x29: {  	[sflag:s22] =	ssyncset.done $0x0  }
0x2a: {  	s23 =	simm.s32 $0x1D;
	[sflag:s22] =	ssyncadd.s32 $0xFFFFEC00  }
0x2b: {  	_ =	swait.ge [sflag:s23], $0x1400  }
0x2c: {  	[sflag:s23] =	ssyncset.done $0x0  }
0x2d: {  	s24 =	simm.s32 $0x1E;
	[sflag:s23] =	ssyncadd.s32 $0xFFFFEC00  }
0x2e: {  	_ =	swait.ge [sflag:s24], $0x1400  }
0x2f: {  	[sflag:s24] =	ssyncset.done $0x0  }
0x30: {  	s26 =	stileid.u32;
	[sflag:s24] =	ssyncadd.s32 $0xFFFFEC00  }
0x31: {  	s1 =	sshll.u32 s26, $0x6;
	[bflag:$0x0] =	sbarrier.arrive $0xFFFF  }
0x32: {  	s9 =	sshrl.u32 s8, $0x3;
	s1 =	sor.u32 $0x1C1F, s1;
	s15 =	rddreg [dreg:$0x12]  }
0x33: {  	[hbm:s15], [sflag:s1] =	dma.local [spmem:s9], $0x2800  }
0x34: {  	_ =	swait.ge [sflag:s29], $0x2800  }
0x35: {  	s3 =	rddreg [dreg:$0x15]  }
0x36: {  	s30 =	rddreg [dreg:$0x13];
	s3 =	sadd.s32 $0x1, s3  }
0x37: {  	p0 =	sne.s32 s3, s30  }
.Ltmp1:
0x38: {  	_ = 	snop;
	(pc) =	sbr.rel @!p0 .LBB2_9-.Ltmp1, $4  }
0x39: {  	_ = 	snop  }
0x3a: {  	s31 =	simm.s32 $0x1B680  }
0x3b: {  	s26 =	simm.s32 $0x1B880;
	s22 =	simm.s32 $0x0;
	[sflag:s29] =	ssyncset.done $0x0  }
0x3c: {  	s24 =	simm.s32 $0x280;
	s15 =	simm.s32 $0x300;
	[sflag:s29] =	ssyncadd.s32 $0xFFFFD800  }
.LBB2_1:
0x3d: {  	s1 =	simm.s32 $0x0;
	s9 =	simm.s32 $0x200  }
.LBB2_2:
0x3e: {  	p0 =	sne.s32 s9, $0x1E00;
	[tilespmem:s1+$0x6C70] =	vst v0  }
0x3f: {  	[tilespmem:s1+$0x6C00] =	vst v0  }
0x40: {  	[tilespmem:s1+$0x6C10] =	vst v0  }
.Ltmp2:
0x41: {  	[tilespmem:s1+$0x6C20] =	vst v0;
	(pc) =	sbr.rel @p0 .LBB2_2-.Ltmp2, $4  }
0x42: {  	[tilespmem:s1+$0x6C30] =	vst v0  }
0x43: {  	[tilespmem:s1+$0x6C40] =	vst v0  }
0x44: {  	[tilespmem:s1+$0x6C50] =	vst v0  }
0x45: {  	[tilespmem:s1+$0x6C60] =	vst v0;
	s1 =	sshra.s32 s9, $0x2;
	s9 =	sadd.s32 $0x200, s9  }
0x46: {  	[tilespmem:s1+$0x6C70] =	vst v0  }
0x47: {  	[tilespmem:s1+$0x6C00] =	vst v0  }
0x48: {  	[tilespmem:s1+$0x6C10] =	vst v0  }
0x49: {  	[tilespmem:s1+$0x6C20] =	vst v0  }
0x4a: {  	[tilespmem:s1+$0x6C30] =	vst v0  }
0x4b: {  	[tilespmem:s1+$0x6C40] =	vst v0  }
0x4c: {  	[tilespmem:s1+$0x6C50] =	vst v0  }
0x4d: {  	[dreg:$0x15] =	wrdreg s3;
	[tilespmem:s1+$0x6C60] =	vst v0;
	s30 =	sadd.s32 $0x0, s8  }
0x4e: {  	[spmem:s30] =	stream.linear.scatter [tilespmem:s28], [sflag:$0x1F], $0x800, $0x38;
	[tilespmem:$0x1B900] =	vst v63  }
0x4f: {  	s1 =	simm.s32 $0x2000;
	_ =	swait.ge [sflag:s29], $0x800  }
.LBB2_4:
0x50: {  	s9 =	sshra.s32 s1, $0x2;
	[sflag:s29] =	ssyncset.done $0x0;
	p0 =	sne.s32 s1, $0x4E000  }
.Ltmp3:
0x51: {  	s9 =	sadd.s32 s9, s8;
	[sflag:s29] =	ssyncadd.s32 $0xFFFFF800;
	(pc) =	sbr.rel @p0 .LBB2_4-.Ltmp3, $3  }
0x52: {  	[spmem:s9] =	stream.linear.scatter [tilespmem:s28], [sflag:$0x1F], $0x800, $0x38;
	[tilespmem:$0x1B900] =	vst v63  }
0x53: {  	s1 =	sadd.s32 $0x2000, s1;
	_ =	sdelay $0x1  }
0x54: {  	_ =	swait.ge [sflag:s29], $0x800  }
0x55: {  	[sflag:s29] =	ssyncset.done $0x0  }
0x56: {  	[sflag:s29] =	ssyncadd.s32 $0xFFFFF800  }
0x57: {  	[bflag:$0x0] =	sbarrier.arrive $0xFFFF  }
0x58: {  	s3 =	simm.s32 $0x0;
	s1 =	rddreg [dreg:$0x3]  }
0x59: {  	[tilespmem:s3], [sflag:$0x1] =	stream.linear.gather [hbm4b:s1+s3], $0x80, $0x38;
	[tilespmem:$0x1B900] =	vst v63  }
0x5a: {  	s9 =	simm.s32 $0x1B400;
	s14 =	rddreg [dreg:$0x4]  }
0x5b: {  	[tilespmem:s9], [sflag:$0xB] =	stream.linear.gather [hbm4b:s14+s3], $0x80, $0x38;
	[tilespmem:$0x1B900] =	vst v63  }
0x5c: {  	s16 =	rddreg [dreg:$0x5];
	s9 =	simm.s32 $0x80  }
0x5d: {  	[tilespmem:s9], [sflag:$0x2] =	stream.linear.gather [hbm4b:s16+s3], $0x80, $0x38;
	[tilespmem:$0x1B900] =	vst v63  }
0x5e: {  	s17 =	rddreg [dreg:$0x6];
	s16 =	simm.s32 $0x1B480  }
0x5f: {  	[tilespmem:s16], [sflag:$0xC] =	stream.linear.gather [hbm4b:s17+s3], $0x80, $0x38;
	[tilespmem:$0x1B900] =	vst v63  }
0x60: {  	s18 =	rddreg [dreg:$0x7];
	s16 =	simm.s32 $0x100  }
0x61: {  	[tilespmem:s16], [sflag:$0x3] =	stream.linear.gather [hbm4b:s18+s3], $0x80, $0x38;
	[tilespmem:$0x1B900] =	vst v63  }
0x62: {  	s21 =	rddreg [dreg:$0x8];
	s17 =	simm.s32 $0x1B500  }
0x63: {  	[tilespmem:s17], [sflag:$0xD] =	stream.linear.gather [hbm4b:s21+s3], $0x80, $0x38;
	[tilespmem:$0x1B900] =	vst v63  }
0x64: {  	s23 =	rddreg [dreg:$0x9];
	s17 =	simm.s32 $0x180  }
0x65: {  	[tilespmem:s17], [sflag:$0x4] =	stream.linear.gather [hbm4b:s23+s3], $0x80, $0x38;
	[tilespmem:$0x1B900] =	vst v63  }
0x66: {  	s30 =	rddreg [dreg:$0xa];
	s18 =	simm.s32 $0x1B580  }
0x67: {  	[tilespmem:s18], [sflag:$0xE] =	stream.linear.gather [hbm4b:s30+s3], $0x80, $0x38;
	[tilespmem:$0x1B900] =	vst v63  }
0x68: {  	s11 =	simm.s32 $0x200;
	s10 =	rddreg [dreg:$0xb]  }
0x69: {  	[tilespmem:s11], [sflag:$0x5] =	stream.linear.gather [hbm4b:s10+s3], $0x80, $0x38;
	[tilespmem:$0x1B900] =	vst v63  }
0x6a: {  	s13 =	rddreg [dreg:$0xc];
	s14 =	simm.s32 $0x1B600  }
0x6b: {  	[tilespmem:s14], [sflag:$0xF] =	stream.linear.gather [hbm4b:s13+s3], $0x80, $0x38;
	[tilespmem:$0x1B900] =	vst v63  }
0x6c: {  	s18 =	rddreg [dreg:$0xd]  }
0x6d: {  	[tilespmem:s24], [sflag:$0x6] =	stream.linear.gather [hbm4b:s18+s3], $0x80, $0x38;
	[tilespmem:$0x1B900] =	vst v63  }
0x6e: {  	s21 =	rddreg [dreg:$0xe]  }
0x6f: {  	[tilespmem:s31], [sflag:$0x10] =	stream.linear.gather [hbm4b:s21+s3], $0x80, $0x38;
	[tilespmem:$0x1B900] =	vst v63  }
0x70: {  	s23 =	rddreg [dreg:$0xf]  }
0x71: {  	[tilespmem:s15], [sflag:$0x7] =	stream.linear.gather [hbm4b:s23+s3], $0x80, $0x38;
	[tilespmem:$0x1B900] =	vst v63  }
0x72: {  	s30 =	rddreg [dreg:$0x10];
	s10 =	simm.s32 $0x1B700  }
0x73: {  	[tilespmem:s10], [sflag:$0x11] =	stream.linear.gather [hbm4b:s30+s3], $0x80, $0x38;
	[tilespmem:$0x1B900] =	vst v63  }
0x74: {  	s10 =	simm.s32 $0x1  }
0x75: {  	_ =	swait.ge [sflag:s10], $0x80  }
0x76: {  	[sflag:s10] =	ssyncset.done $0x0  }
0x77: {  	s11 =	simm.s32 $0xB;
	[sflag:s10] =	ssyncadd.s32 $0xFFFFFF80  }
0x78: {  	_ =	swait.ge [sflag:s11], $0x80  }
0x79: {  	[sflag:s11] =	ssyncset.done $0x0  }
0x7a: {  	s13 =	simm.s32 $0x2;
	[sflag:s11] =	ssyncadd.s32 $0xFFFFFF80  }
0x7b: {  	[tilespmem:s12], [sflag:$0x15] =	stream.indirect.gather [hbm4b:s6+s20], $0x80, s3, s20, $0xb8;
	[tilespmem:$0x1B900] =	vst v63  }
0x7c: {  	_ =	swait.ge [sflag:s13], $0x80  }
0x7d: {  	[sflag:s13] =	ssyncset.done $0x0  }
0x7e: {  	s14 =	simm.s32 $0xC;
	[sflag:s13] =	ssyncadd.s32 $0xFFFFFF80  }
0x7f: {  	_ =	swait.ge [sflag:s14], $0x80  }
0x80: {  	[sflag:s14] =	ssyncset.done $0x0  }
0x81: {  	s18 =	simm.s32 $0x3;
	[sflag:s14] =	ssyncadd.s32 $0xFFFFFF80  }
0x82: {  	[tilespmem:s0], [sflag:$0x16] =	stream.indirect.gather [hbm4b:s6+s20], $0x80, s9, s20, $0xb8;
	[tilespmem:$0x1B900] =	vst v63  }
0x83: {  	_ =	swait.ge [sflag:s18], $0x80  }
0x84: {  	[sflag:s18] =	ssyncset.done $0x0  }
0x85: {  	s21 =	simm.s32 $0xD;
	[sflag:s18] =	ssyncadd.s32 $0xFFFFFF80  }
0x86: {  	_ =	swait.ge [sflag:s21], $0x80  }
0x87: {  	[sflag:s21] =	ssyncset.done $0x0  }
0x88: {  	s23 =	simm.s32 $0x4;
	s0 =	simm.s32 $0x3000;
	[sflag:s21] =	ssyncadd.s32 $0xFFFFFF80  }
0x89: {  	[tilespmem:s0], [sflag:$0x17] =	stream.indirect.gather [hbm4b:s6+s20], $0x80, s16, s20, $0xb8;
	[tilespmem:$0x1B900] =	vst v63  }
0x8a: {  	_ =	swait.ge [sflag:s23], $0x80  }
0x8b: {  	[sflag:s23] =	ssyncset.done $0x0  }
0x8c: {  	s30 =	simm.s32 $0xE;
	[sflag:s23] =	ssyncadd.s32 $0xFFFFFF80  }
0x8d: {  	_ =	swait.ge [sflag:s30], $0x80  }
0x8e: {  	[sflag:s30] =	ssyncset.done $0x0  }
0x8f: {  	s18 =	simm.s32 $0x4400;
	[sflag:s30] =	ssyncadd.s32 $0xFFFFFF80  }
0x90: {  	[tilespmem:s18], [sflag:$0x18] =	stream.indirect.gather [hbm4b:s6+s20], $0x80, s17, s20, $0xb8;
	[tilespmem:$0x1B900] =	vst v63  }
0x91: {  	s12 =	simm.s32 $0x5800;
	s16 =	simm.s32 $0x780;
	s17 =	simm.s32 $0x1B700  }
.LBB2_6:
0x92: {  	s13 =	simm.s32 $0x15  }
0x93: {  	s1 =	simm.s32 $0x1B400;
	_ =	swait.ge [sflag:s13], $0x1400  }
0x94: {  	s14 =	simm.s32 $0x800;
	s11 =	sadd.s32 $0xFFFFFC00, s16;
	[sflag:s13] =	ssyncset.done $0x0  }
0x95: {  	p0 =	seq.s32 s16, $0x780;
	s9 =	sand.u32 $0x1FC00, s11;
	[sflag:s13] =	ssyncadd.s32 $0xFFFFEC00  }
0x96: {  	[spmem:s2] =	stream.indirect.scatter.add.f32 [tilespmem:s14], [sflag:$0x1A], $0x80, s1, s20, $0xb8;
	[tilespmem:$0x1B900] =	vst v63  }
0x97: {  	s21 =	simm.s32 @!p0 $0x1E;
	s9 =	sadd.s32 s7, s9;
	s1 =	sand.u32 $0x380, s11  }
0x98: {  	_ =	swait.ge @!p0 [sflag:s21], $0x1400;
	s1 =	sor.u32 s1, s9  }
0x99: {  	[sflag:s21] =	ssyncset.done @!p0 $0x0;
	s1 =	sshrl.u32 s1, $0x3  }
0x9a: {  	s10 =	simm.s32 $0x380;
	[sflag:s21] =	ssyncadd.s32 @!p0 $0xFFFFEC00;
	s21 =	sadd.s32 s4, s1  }
0x9b: {  	[tilespmem:s10], [sflag:$0x8] =	stream.linear.gather [hbm4b:s21+s22], $0x80, $0x38;
	[tilespmem:$0x1B900] =	vst v63  }
0x9c: {  	s23 =	simm.s32 $0x1B780;
	s9 =	simm.s32 $0x5;
	s1 =	sadd.s32 s5, s1  }
0x9d: {  	[tilespmem:s23], [sflag:$0x12] =	stream.linear.gather [hbm4b:s1+s22], $0x80, $0x38;
	[tilespmem:$0x1B900] =	vst v63  }
0x9e: {  	_ =	swait.ge [sflag:s9], $0x80  }
0x9f: {  	[sflag:s9] =	ssyncset.done $0x0  }
0xa0: {  	s11 =	simm.s32 $0xF;
	[sflag:s9] =	ssyncadd.s32 $0xFFFFFF80  }
0xa1: {  	_ =	swait.ge [sflag:s11], $0x80  }
0xa2: {  	[sflag:s11] =	ssyncset.done $0x0  }
0xa3: {  	s21 =	simm.s32 $0x200;
	[sflag:s11] =	ssyncadd.s32 $0xFFFFFF80  }
0xa4: {  	[tilespmem:s12], [sflag:$0x19] =	stream.indirect.gather [hbm4b:s6+s20], $0x80, s21, s20, $0xb8;
	[tilespmem:$0x1B900] =	vst v63  }
0xa5: {  	s30 =	simm.s32 $0x1C00;
	s23 =	sadd.s32 $0xFFFFF880, s16;
	_ =	swait.ge [sflag:s25], $0x1400  }
0xa6: {  	s1 =	sand.u32 $0x300, s3;
	s23 =	sand.u32 $0xFC00, s23;
	[sflag:s25] =	ssyncset.done $0x0  }
0xa7: {  	s11 =	simm.s32 $0x1B480;
	s12 =	rddreg [dreg:$0x11];
	[sflag:s25] =	ssyncadd.s32 $0xFFFFEC00  }
0xa8: {  	[spmem:s2] =	stream.indirect.scatter.add.f32 [tilespmem:s30], [sflag:$0x1B], $0x80, s11, s20, $0xb8;
	[tilespmem:$0x1B900] =	vst v63  }
0xa9: {  	s21 =	sadd.s32 s23, s12;
	s11 =	smov.u32 s3;
	s3 =	simm.s32 $0x1A  }
0xaa: {  	s9 =	sor.u32 s1, s21;
	_ =	swait.ge [sflag:s3], $0x1400  }
0xab: {  	s9 =	sshrl.u32 s9, $0x3;
	[sflag:s3] =	ssyncset.done $0x0  }
0xac: {  	s12 =	sadd.s32 s4, s9;
	[sflag:s3] =	ssyncadd.s32 $0xFFFFEC00  }
0xad: {  	[tilespmem:s19], [sflag:$0x9] =	stream.linear.gather [hbm4b:s12+s22], $0x80, $0x38;
	[tilespmem:$0x1B900] =	vst v63  }
0xae: {  	s21 =	simm.s32 $0x1B800;
	s9 =	sadd.s32 s5, s9;
	s12 =	simm.s32 $0x6  }
0xaf: {  	[tilespmem:s21], [sflag:$0x13] =	stream.linear.gather [hbm4b:s9+s22], $0x80, $0x38;
	[tilespmem:$0x1B900] =	vst v63  }
0xb0: {  	_ =	swait.ge [sflag:s12], $0x80  }
0xb1: {  	[sflag:s12] =	ssyncset.done $0x0  }
0xb2: {  	s21 =	simm.s32 $0x10;
	[sflag:s12] =	ssyncadd.s32 $0xFFFFFF80  }
0xb3: {  	_ =	swait.ge [sflag:s21], $0x80  }
0xb4: {  	[sflag:s21] =	ssyncset.done $0x0  }
0xb5: {  	[sflag:s21] =	ssyncadd.s32 $0xFFFFFF80  }
0xb6: {  	[tilespmem:s14], [sflag:$0x15] =	stream.indirect.gather [hbm4b:s6+s20], $0x80, s24, s20, $0xb8;
	[tilespmem:$0x1B900] =	vst v63  }
0xb7: {  	s24 =	simm.s32 $0x17  }
0xb8: {  	_ =	swait.ge [sflag:s24], $0x1400  }
0xb9: {  	s12 =	sadd.s32 $0xFFFFFD00, s16;
	[sflag:s24] =	ssyncset.done $0x0  }
0xba: {  	s3 =	simm.s32 $0x1B500;
	[sflag:s24] =	ssyncadd.s32 $0xFFFFEC00;
	s24 =	sand.u32 $0x1FC00, s12  }
0xbb: {  	[spmem:s2] =	stream.indirect.scatter.add.f32 [tilespmem:s0], [sflag:$0x1C], $0x80, s3, s20, $0xb8;
	[tilespmem:$0x1B900] =	vst v63  }
0xbc: {  	s9 =	sand.u32 $0x380, s12;
	s21 =	sadd.s32 s7, s24;
	s3 =	simm.s32 $0x1B  }
0xbd: {  	_ =	swait.ge [sflag:s3], $0x1400;
	s9 =	sor.u32 s9, s21  }
0xbe: {  	[sflag:s3] =	ssyncset.done $0x0;
	s9 =	sshrl.u32 s9, $0x3  }
0xbf: {  	[sflag:s3] =	ssyncadd.s32 $0xFFFFEC00;
	s24 =	sadd.s32 s4, s9;
	s3 =	simm.s32 $0x480  }
0xc0: {  	[tilespmem:s3], [sflag:$0xA] =	stream.linear.gather [hbm4b:s24+s22], $0x80, $0x38;
	[tilespmem:$0x1B900] =	vst v63  }
0xc1: {  	s9 =	sadd.s32 s5, s9  }
0xc2: {  	[tilespmem:s26], [sflag:$0x14] =	stream.linear.gather [hbm4b:s9+s22], $0x80, $0x38;
	[tilespmem:$0x1B900] =	vst v63  }
0xc3: {  	s26 =	simm.s32 $0x7  }
0xc4: {  	_ =	swait.ge [sflag:s26], $0x80  }
0xc5: {  	[sflag:s26] =	ssyncset.done $0x0  }
0xc6: {  	s12 =	simm.s32 $0x11;
	[sflag:s26] =	ssyncadd.s32 $0xFFFFFF80  }
0xc7: {  	_ =	swait.ge [sflag:s12], $0x80  }
0xc8: {  	[sflag:s12] =	ssyncset.done $0x0  }
0xc9: {  	s22 =	simm.s32 $0x18;
	[sflag:s12] =	ssyncadd.s32 $0xFFFFFF80  }
0xca: {  	[tilespmem:s30], [sflag:$0x16] =	stream.indirect.gather [hbm4b:s6+s20], $0x80, s15, s20, $0xb8;
	[tilespmem:$0x1B900] =	vst v63  }
0xcb: {  	p0 =	seq.s32 s16, $0x7F80;
	_ =	swait.ge [sflag:s22], $0x1400  }
0xcc: {  	s9 =	sadd.s32 @!p0 $0xFFFFFD80, s16;
	[sflag:s22] =	ssyncset.done $0x0  }
0xcd: {  	s21 =	sand.u32 @!p0 $0x1FC00, s9;
	s15 =	simm.s32 $0x1B580;
	[sflag:s22] =	ssyncadd.s32 $0xFFFFEC00  }
0xce: {  	[spmem:s2] =	stream.indirect.scatter.add.f32 [tilespmem:s18], [sflag:$0x1D], $0x80, s15, s20, $0xb8;
	[tilespmem:$0x1B900] =	vst v63  }
0xcf: {  	s9 =	sand.u32 @!p0 $0x300, s9;
	s21 =	sadd.s32 @!p0 s7, s21;
	s18 =	simm.s32 $0x1C  }
0xd0: {  	s9 =	sor.u32 @!p0 s9, s21;
	_ =	swait.ge [sflag:s18], $0x1400  }
0xd1: {  	s9 =	sshrl.u32 @!p0 s9, $0x3;
	[sflag:s18] =	ssyncset.done $0x0  }
0xd2: {  	s21 =	simm.s32 @!p0 $0x0;
	[sflag:s18] =	ssyncadd.s32 $0xFFFFEC00;
	s18 =	sadd.s32 @!p0 s4, s9  }
0xd3: {  	[tilespmem:s21], [sflag:$0x1] =	stream.linear.gather @!p0 [hbm4b:s18+s21], $0x80, $0x38;
	[tilespmem:$0x1B900] =	vst v63  }
0xd4: {  	s24 =	simm.s32 $0x8;
	s9 =	sadd.s32 @!p0 s5, s9;
	s18 =	simm.s32 @!p0 $0x1B400  }
0xd5: {  	[tilespmem:s18], [sflag:$0xB] =	stream.linear.gather @!p0 [hbm4b:s9+s21], $0x80, $0x38;
	[tilespmem:$0x1B900] =	vst v63  }
0xd6: {  	_ =	swait.ge [sflag:s24], $0x80  }
0xd7: {  	[sflag:s24] =	ssyncset.done $0x0  }
0xd8: {  	s18 =	simm.s32 $0x12;
	[sflag:s24] =	ssyncadd.s32 $0xFFFFFF80  }
0xd9: {  	_ =	swait.ge [sflag:s18], $0x80  }
0xda: {  	[sflag:s18] =	ssyncset.done $0x0  }
0xdb: {  	s9 =	sadd.s32 @!p0 $0xFFFFFE00, s16;
	s24 =	simm.s32 $0x19;
	[sflag:s18] =	ssyncadd.s32 $0xFFFFFF80  }
0xdc: {  	[tilespmem:s0], [sflag:$0x17] =	stream.indirect.gather [hbm4b:s6+s20], $0x80, s10, s20, $0xb8;
	[tilespmem:$0x1B900] =	vst v63  }
0xdd: {  	s26 =	simm.s32 $0x5800;
	s18 =	sand.u32 @!p0 $0x1FC00, s9;
	_ =	swait.ge [sflag:s24], $0x1400  }
0xde: {  	s9 =	sand.u32 @!p0 $0x380, s9;
	s0 =	simm.s32 $0x1B600;
	[sflag:s24] =	ssyncset.done $0x0  }
0xdf: {  	s18 =	sadd.s32 @!p0 s7, s18;
	s10 =	simm.s32 $0x1D;
	[sflag:s24] =	ssyncadd.s32 $0xFFFFEC00  }
0xe0: {  	[spmem:s2] =	stream.indirect.scatter.add.f32 [tilespmem:s26], [sflag:$0x1E], $0x80, s0, s20, $0xb8;
	[tilespmem:$0x1B900] =	vst v63  }
0xe1: {  	s9 =	sor.u32 @!p0 s9, s18;
	_ =	swait.ge [sflag:s10], $0x1400  }
0xe2: {  	s18 =	sshrl.u32 @!p0 s9, $0x3;
	[sflag:s10] =	ssyncset.done $0x0  }
0xe3: {  	s9 =	simm.s32 @!p0 $0x80;
	s24 =	sadd.s32 @!p0 s4, s18;
	[sflag:s10] =	ssyncadd.s32 $0xFFFFEC00  }
0xe4: {  	[tilespmem:s9], [sflag:$0x2] =	stream.linear.gather @!p0 [hbm4b:s24+s21], $0x80, $0x38;
	[tilespmem:$0x1B900] =	vst v63  }
0xe5: {  	s18 =	sadd.s32 @!p0 s5, s18;
	s24 =	simm.s32 @!p0 $0x1B480  }
0xe6: {  	[tilespmem:s24], [sflag:$0xC] =	stream.linear.gather @!p0 [hbm4b:s18+s21], $0x80, $0x38;
	[tilespmem:$0x1B900] =	vst v63  }
0xe7: {  	s18 =	simm.s32 $0x9  }
0xe8: {  	_ =	swait.ge [sflag:s18], $0x80  }
0xe9: {  	[sflag:s18] =	ssyncset.done $0x0  }
0xea: {  	s24 =	simm.s32 $0x13;
	[sflag:s18] =	ssyncadd.s32 $0xFFFFFF80  }
0xeb: {  	_ =	swait.ge [sflag:s24], $0x80  }
0xec: {  	[sflag:s24] =	ssyncset.done $0x0  }
0xed: {  	s12 =	simm.s32 $0x4400;
	[sflag:s24] =	ssyncadd.s32 $0xFFFFFF80  }
0xee: {  	[tilespmem:s12], [sflag:$0x18] =	stream.indirect.gather [hbm4b:s6+s20], $0x80, s19, s20, $0xb8;
	[tilespmem:$0x1B900] =	vst v63  }
0xef: {  	_ =	swait.ge [sflag:s13], $0x1400  }
0xf0: {  	s18 =	sadd.s32 @!p0 $0xFFFFFE80, s16;
	[sflag:s13] =	ssyncset.done $0x0  }
0xf1: {  	s24 =	sand.u32 @!p0 $0x1FC00, s18;
	[sflag:s13] =	ssyncadd.s32 $0xFFFFEC00  }
0xf2: {  	[spmem:s2] =	stream.indirect.scatter.add.f32 [tilespmem:s14], [sflag:$0x1A], $0x80, s31, s20, $0xb8;
	[tilespmem:$0x1B900] =	vst v63  }
0xf3: {  	s18 =	sand.u32 @!p0 $0x300, s18;
	s24 =	sadd.s32 @!p0 s7, s24;
	s14 =	simm.s32 $0x1E  }
0xf4: {  	s18 =	sor.u32 @!p0 s18, s24;
	_ =	swait.ge [sflag:s14], $0x1400  }
0xf5: {  	s18 =	sshrl.u32 @!p0 s18, $0x3;
	[sflag:s14] =	ssyncset.done $0x0  }
0xf6: {  	s24 =	sadd.s32 @!p0 s4, s18;
	s31 =	simm.s32 @!p0 $0x100;
	[sflag:s14] =	ssyncadd.s32 $0xFFFFEC00  }
0xf7: {  	[tilespmem:s31], [sflag:$0x3] =	stream.linear.gather @!p0 [hbm4b:s24+s21], $0x80, $0x38;
	[tilespmem:$0x1B900] =	vst v63  }
0xf8: {  	s18 =	sadd.s32 @!p0 s5, s18;
	s24 =	simm.s32 @!p0 $0x1B500  }
0xf9: {  	[tilespmem:s24], [sflag:$0xD] =	stream.linear.gather @!p0 [hbm4b:s18+s21], $0x80, $0x38;
	[tilespmem:$0x1B900] =	vst v63  }
0xfa: {  	s18 =	simm.s32 $0xA  }
0xfb: {  	_ =	swait.ge [sflag:s18], $0x80  }
0xfc: {  	[sflag:s18] =	ssyncset.done $0x0  }
0xfd: {  	s24 =	simm.s32 $0x14;
	[sflag:s18] =	ssyncadd.s32 $0xFFFFFF80  }
0xfe: {  	_ =	swait.ge [sflag:s24], $0x80  }
0xff: {  	[sflag:s24] =	ssyncset.done $0x0  }
0x100: {  	[sflag:s24] =	ssyncadd.s32 $0xFFFFFF80  }
0x101: {  	[tilespmem:s26], [sflag:$0x19] =	stream.indirect.gather [hbm4b:s6+s20], $0x80, s3, s20, $0xb8;
	[tilespmem:$0x1B900] =	vst v63  }
0x102: {  	_ =	swait.ge [sflag:s25], $0x1400  }
0x103: {  	[sflag:s25] =	ssyncset.done $0x0  }
0x104: {  	s18 =	simm.s32 @p0 $0x17;
	[sflag:s25] =	ssyncadd.s32 $0xFFFFEC00  }
0x105: {  	[spmem:s2] =	stream.indirect.scatter.add.f32 [tilespmem:s30], [sflag:$0x1B], $0x80, s17, s20, $0xb8;
	[tilespmem:$0x1B900] =	vst v63  }
0x106: {  	_ =	swait.ge @p0 [sflag:s18], $0x1400  }
0x107: {  	s31 =	simm.s32 @p0 $0x3000;
	[sflag:s18] =	ssyncset.done @p0 $0x0  }
0x108: {  	s24 =	simm.s32 @p0 $0x1B780;
	[sflag:s18] =	ssyncadd.s32 @p0 $0xFFFFEC00;
	s18 =	simm.s32 @p0 $0x28  }
0x109: {  	[spmem:s2] =	stream.indirect.scatter.add.f32 @p0 [tilespmem:s31], [sflag:$0x1C], $0x80, s24, s18, $0xb8;
	[tilespmem:$0x1B900] =	vst v63  }
0x10a: {  	s18 =	sadd.s32 @!p0 $0xFFFFFF00, s16  }
0x10b: {  	s24 =	sand.u32 @!p0 $0x1FC00, s18  }
0x10c: {  	s31 =	simm.s32 @!p0 $0x1A;
	s18 =	sand.u32 @!p0 $0x380, s18;
	s24 =	sadd.s32 @!p0 s7, s24  }
0x10d: {  	_ =	swait.ge @!p0 [sflag:s31], $0x1400;
	s18 =	sor.u32 @!p0 s18, s24  }
0x10e: {  	[sflag:s31] =	ssyncset.done @!p0 $0x0;
	s18 =	sshrl.u32 @!p0 s18, $0x3  }
0x10f: {  	[sflag:s31] =	ssyncadd.s32 @!p0 $0xFFFFEC00;
	s31 =	simm.s32 @!p0 $0x180;
	s24 =	sadd.s32 @!p0 s4, s18  }
0x110: {  	[tilespmem:s31], [sflag:$0x4] =	stream.linear.gather @!p0 [hbm4b:s24+s21], $0x80, $0x38;
	[tilespmem:$0x1B900] =	vst v63  }
0x111: {  	s18 =	sadd.s32 @!p0 s5, s18;
	s24 =	simm.s32 @!p0 $0x1B580  }
0x112: {  	[tilespmem:s24], [sflag:$0xE] =	stream.linear.gather @!p0 [hbm4b:s18+s21], $0x80, $0x38;
	[tilespmem:$0x1B900] =	vst v63  }
0x113: {  	s18 =	simm.s32 @!p0 $0x1  }
0x114: {  	_ =	swait.ge @!p0 [sflag:s18], $0x80  }
0x115: {  	[sflag:s18] =	ssyncset.done @!p0 $0x0  }
0x116: {  	[sflag:s18] =	ssyncadd.s32 @!p0 $0xFFFFFF80;
	s18 =	simm.s32 @!p0 $0xB  }
0x117: {  	_ =	swait.ge @!p0 [sflag:s18], $0x80  }
0x118: {  	[sflag:s18] =	ssyncset.done @!p0 $0x0  }
0x119: {  	s24 =	simm.s32 @!p0 $0x800;
	[sflag:s18] =	ssyncadd.s32 @!p0 $0xFFFFFF80;
	s18 =	simm.s32 @!p0 $0x28  }
0x11a: {  	[tilespmem:s24], [sflag:$0x15] =	stream.indirect.gather @!p0 [hbm4b:s6+s18], $0x80, s21, s18, $0xb8;
	[tilespmem:$0x1B900] =	vst v63  }
0x11b: {  	s24 =	simm.s32 @!p0 $0x17  }
0x11c: {  	_ =	swait.ge @!p0 [sflag:s24], $0x1400  }
0x11d: {  	[sflag:s24] =	ssyncset.done @!p0 $0x0  }
0x11e: {  	s31 =	simm.s32 @!p0 $0x3000;
	[sflag:s24] =	ssyncadd.s32 @!p0 $0xFFFFEC00;
	s24 =	simm.s32 @!p0 $0x1B780  }
0x11f: {  	[spmem:s2] =	stream.indirect.scatter.add.f32 @!p0 [tilespmem:s31], [sflag:$0x1C], $0x80, s24, s18, $0xb8;
	[tilespmem:$0x1B900] =	vst v63  }
0x120: {  	s24 =	sadd.s32 @!p0 $0xFFFFFF80, s16  }
0x121: {  	s31 =	sand.u32 @!p0 $0x1FC00, s24  }
0x122: {  	s17 =	simm.s32 @!p0 $0x1B;
	s24 =	sand.u32 @!p0 $0x300, s24;
	s31 =	sadd.s32 @!p0 s7, s31  }
0x123: {  	_ =	swait.ge @!p0 [sflag:s17], $0x1400;
	s24 =	sor.u32 @!p0 s24, s31  }
0x124: {  	[sflag:s17] =	ssyncset.done @!p0 $0x0;
	s24 =	sshrl.u32 @!p0 s24, $0x3  }
0x125: {  	[sflag:s17] =	ssyncadd.s32 @!p0 $0xFFFFEC00;
	s31 =	simm.s32 @!p0 $0x200;
	s17 =	sadd.s32 @!p0 s4, s24  }
0x126: {  	[tilespmem:s31], [sflag:$0x5] =	stream.linear.gather @!p0 [hbm4b:s17+s21], $0x80, $0x38;
	[tilespmem:$0x1B900] =	vst v63  }
0x127: {  	s17 =	sadd.s32 @!p0 s5, s24;
	s24 =	simm.s32 @!p0 $0x1B600  }
0x128: {  	[tilespmem:s24], [sflag:$0xF] =	stream.linear.gather @!p0 [hbm4b:s17+s21], $0x80, $0x38;
	[tilespmem:$0x1B900] =	vst v63  }
0x129: {  	s17 =	simm.s32 @!p0 $0x2  }
0x12a: {  	_ =	swait.ge @!p0 [sflag:s17], $0x80  }
0x12b: {  	[sflag:s17] =	ssyncset.done @!p0 $0x0  }
0x12c: {  	[sflag:s17] =	ssyncadd.s32 @!p0 $0xFFFFFF80;
	s17 =	simm.s32 @!p0 $0xC  }
0x12d: {  	_ =	swait.ge @!p0 [sflag:s17], $0x80  }
0x12e: {  	[sflag:s17] =	ssyncset.done @!p0 $0x0  }
0x12f: {  	s15 =	simm.s32 $0x0;
	[sflag:s17] =	ssyncadd.s32 @!p0 $0xFFFFFF80;
	s17 =	simm.s32 @!p0 $0x1C00  }
0x130: {  	[tilespmem:s17], [sflag:$0x16] =	stream.indirect.gather @!p0 [hbm4b:s6+s18], $0x80, s9, s18, $0xb8;
	[tilespmem:$0x1B900] =	vst v63  }
.Ltmp4:
0x131: {  	s0 =	simm.s32 $0x1C00;
	s10 =	simm.s32 $0x280;
	(pc) =	sbr.rel @p0 .LBB2_8-.Ltmp4, $4  }
0x132: {  	s12 =	simm.s32 $0x800;
	s13 =	simm.s32 $0x3000;
	_ =	swait.ge [sflag:s22], $0x1400  }
0x133: {  	s14 =	simm.s32 $0x1B680;
	s30 =	simm.s32 $0x1B700;
	[sflag:s22] =	ssyncset.done $0x0  }
0x134: {  	s31 =	simm.s32 $0x1B800;
	s18 =	simm.s32 $0x4400;
	[sflag:s22] =	ssyncadd.s32 $0xFFFFEC00  }
0x135: {  	[spmem:s2] =	stream.indirect.scatter.add.f32 [tilespmem:s18], [sflag:$0x1D], $0x80, s31, s20, $0xb8;
	[tilespmem:$0x1B900] =	vst v63  }
0x136: {  	s9 =	sand.u32 $0x1FC00, s16  }
0x137: {  	s17 =	sand.u32 $0x380, s16;
	s0 =	simm.s32 $0x1C;
	s9 =	sadd.s32 s7, s9  }
0x138: {  	_ =	swait.ge [sflag:s0], $0x1400;
	s9 =	sor.u32 s17, s9  }
0x139: {  	[sflag:s0] =	ssyncset.done $0x0;
	s9 =	sshrl.u32 s9, $0x3  }
0x13a: {  	[sflag:s0] =	ssyncadd.s32 $0xFFFFEC00;
	s3 =	sadd.s32 s4, s9  }
0x13b: {  	[tilespmem:s10], [sflag:$0x6] =	stream.linear.gather [hbm4b:s3+s15], $0x80, $0x38;
	[tilespmem:$0x1B900] =	vst v63  }
0x13c: {  	s9 =	sadd.s32 s5, s9  }
0x13d: {  	[tilespmem:s14], [sflag:$0x10] =	stream.linear.gather [hbm4b:s9+s15], $0x80, $0x38;
	[tilespmem:$0x1B900] =	vst v63  }
0x13e: {  	s9 =	simm.s32 $0x3  }
0x13f: {  	_ =	swait.ge [sflag:s9], $0x80  }
0x140: {  	[sflag:s9] =	ssyncset.done $0x0  }
0x141: {  	s10 =	simm.s32 $0xD;
	[sflag:s9] =	ssyncadd.s32 $0xFFFFFF80  }
0x142: {  	_ =	swait.ge [sflag:s10], $0x80  }
0x143: {  	[sflag:s10] =	ssyncset.done $0x0  }
0x144: {  	s12 =	simm.s32 $0x100;
	[sflag:s10] =	ssyncadd.s32 $0xFFFFFF80  }
0x145: {  	[tilespmem:s13], [sflag:$0x17] =	stream.indirect.gather [hbm4b:s6+s20], $0x80, s12, s20, $0xb8;
	[tilespmem:$0x1B900] =	vst v63  }
0x146: {  	s13 =	simm.s32 $0x19  }
0x147: {  	_ =	swait.ge [sflag:s13], $0x1400  }
0x148: {  	s21 =	simm.s32 $0x1D;
	[sflag:s13] =	ssyncset.done $0x0;
	s17 =	rddreg [dreg:$0x14]  }
0x149: {  	s14 =	simm.s32 $0x1B880;
	[sflag:s13] =	ssyncadd.s32 $0xFFFFEC00;
	s9 =	sadd.s32 s23, s17  }
0x14a: {  	[spmem:s2] =	stream.indirect.scatter.add.f32 [tilespmem:s26], [sflag:$0x1E], $0x80, s14, s20, $0xb8;
	[tilespmem:$0x1B900] =	vst v63  }
0x14b: {  	s1 =	sor.u32 s1, s9;
	_ =	swait.ge [sflag:s21], $0x1400  }
0x14c: {  	s1 =	sshrl.u32 s1, $0x3;
	[sflag:s21] =	ssyncset.done $0x0  }
0x14d: {  	s23 =	simm.s32 $0x300;
	s22 =	sadd.s32 s4, s1;
	[sflag:s21] =	ssyncadd.s32 $0xFFFFEC00  }
0x14e: {  	[tilespmem:s23], [sflag:$0x7] =	stream.linear.gather [hbm4b:s22+s15], $0x80, $0x38;
	[tilespmem:$0x1B900] =	vst v63  }
0x14f: {  	s24 =	simm.s32 $0x4;
	s16 =	sadd.s32 $0x500, s16;
	s1 =	sadd.s32 s5, s1  }
0x150: {  	[tilespmem:s30], [sflag:$0x11] =	stream.linear.gather [hbm4b:s1+s15], $0x80, $0x38;
	[tilespmem:$0x1B900] =	vst v63  }
0x151: {  	s31 =	simm.s32 $0x1B680;
	s0 =	simm.s32 $0x3000;
	_ =	swait.ge [sflag:s24], $0x80  }
0x152: {  	s3 =	sadd.s32 $0x100, s11;
	s12 =	simm.s32 $0x5800;
	[sflag:s24] =	ssyncset.done $0x0  }
.Ltmp5:
0x153: {  	s26 =	simm.s32 $0xE;
	[sflag:s24] =	ssyncadd.s32 $0xFFFFFF80;
	(pc) =	sbr.rel .LBB2_6-.Ltmp5, $4  }
0x154: {  	s17 =	simm.s32 $0x1B700;
	s22 =	simm.s32 $0x0;
	_ =	swait.ge [sflag:s26], $0x80  }
0x155: {  	s30 =	simm.s32 $0x180;
	s15 =	simm.s32 $0x300;
	[sflag:s26] =	ssyncset.done $0x0  }
0x156: {  	s24 =	simm.s32 $0x280;
	[sflag:s26] =	ssyncadd.s32 $0xFFFFFF80;
	s26 =	simm.s32 $0x1B880  }
0x157: {  	[tilespmem:s18], [sflag:$0x18] =	stream.indirect.gather [hbm4b:s6+s20], $0x80, s30, s20, $0xb8;
	[tilespmem:$0x1B900] =	vst v63  }
.LBB2_9:
0x158: {  	_ =	sfence.sel $0x180000  }
0x159: {  	[bflag:$0x0] =	sbarrier.arrive $0xFFFF  }
0x15a: {  	_ =	strace $0x9000004A  }
0x15b: {  	s0 =	stileid.u32;
	[bflag:$0x2] =	sbarrier.arrive $0xFFFF  }
0x15c: {  	p0 =	sne.s32 s0, $0x0;
	s0 =	rddreg [dreg:$0x2]  }
0x15d: {  	s0 =	sadd.s32 @!p0 $0x100000, s0  }
0x15e: {  	[sflag:s0] =	ssyncadd.tile.s32 @!p0 $0x1;
	_ =	shalt  }
.Lfunc_end2:
_tile_overlayer_lowered:
.L_overlay_start_2:
0x15f: {  	(tag) =	ssettag $0x2  }
0x160: {  	s0 =	rddreg [dreg:$0x0];
	s2 =	stileid.u32  }
0x161: {  	s1 =	rddreg [dreg:$0x1];
	p0 =	sne.s32 s2, $0x0  }
0x162: {  	s3 =	rddreg [dreg:$0x2];
	[bflag:$0x3] =	sbarrier.arrive $0xFFFF;
	s2 =	simm.s32 @!p0 $0x1C1F  }
0x163: {  	[timem:s3], [sflag:s2] =	dma.local @!p0 [hbm:s0], s1  }
0x164: {  	s0 =	simm.s32 @!p0 $0x1F  }
0x165: {  	_ =	swait.ge @!p0 [sflag:s0], s1  }
0x166: {  	s1 =	ssub.s32 @!p0 $0x0, s1;
	[sflag:s0] =	ssyncset.done @!p0 $0x0  }
0x167: {  	[sflag:s0] =	ssyncadd.s32 @!p0 s1  }
0x168: {  	[bflag:$0x3] =	sbarrier.arrive $0xFFFF  }
0x169: {  	_ =	shalt  }

</sc_bundles>
